<compile_context>
chip_gen: v7x
topology: tpu7x:2x2x1
jax: 0.10.2.dev20260603
libtpu: 0.0.44.dev20260713+nightly
codegen_flags: <defaults>
</compile_context>

<pallas_src>
import functools

import jax
import jax.numpy as jnp
from jax import lax
from jax.experimental import pallas as pl
from jax.experimental.pallas import tpu as pltpu
from jax.experimental.pallas import tpu_sc as plsc

B = 4096
H = 200
CA = 104
CB = H - CA
D = 32
C = 64
NBUF = 4

_info = plsc.get_sparse_core_info()
NC, NS = _info.num_cores, _info.num_subcores
NW = NC * NS
BPW = B // NW

_mesh = plsc.VectorSubcoreMesh(core_axis_name="c", subcore_axis_name="s")


@functools.partial(
    pl.kernel,
    mesh=_mesh,
    compiler_params=pltpu.CompilerParams(use_tc_tiling_on_sc=False),
    out_type=jax.ShapeDtypeStruct((B, D), jnp.float32),
    scratch_types=(
        [
            pltpu.VMEM((BPW, CA), jnp.int32),
            pltpu.VMEM((BPW, CB), jnp.int32),
            pltpu.VMEM((BPW, D), jnp.float32),
        ]
        + [pltpu.VMEM((CA, D), jnp.float32), pltpu.VMEM((CB, D), jnp.float32)]
        * (NBUF // 2)
        + [pltpu.SemaphoreType.DMA for _ in range(NBUF)]
    ),
)
def _sc_gather_sum(xa_hbm, xb_hbm, table_hbm, sums_hbm,
                   idxa_v, idxb_v, acc_v, b0, b1, b2, b3, s0, s1, s2, s3):
    bufs = (b0, b1, b2, b3)
    sems = (s0, s1, s2, s3)
    idxs = (idxa_v, idxb_v)
    nrows = (CA, CB)
    wid = lax.axis_index("s") * NC + lax.axis_index("c")

    pltpu.sync_copy(xa_hbm.at[pl.ds(wid * BPW, BPW)], idxa_v)
    pltpu.sync_copy(xb_hbm.at[pl.ds(wid * BPW, BPW)], idxb_v)

    for k in range(NBUF):
        pltpu.async_copy(
            table_hbm.at[idxs[k % 2].at[k // 2]], bufs[k], sems[k]
        )

    def accum_chunk(slot, b, acc0, acc1):
        half = slot % 2
        pltpu.make_async_copy(
            table_hbm.at[idxs[half].at[b]], bufs[slot], sems[slot]
        ).wait()
        for r in range(nrows[half]):
            acc0 = acc0 + bufs[slot][r, pl.ds(0, 16)]
            acc1 = acc1 + bufs[slot][r, pl.ds(16, 16)]

        @pl.when(b + 2 < BPW)
        def _():
            pltpu.async_copy(
                table_hbm.at[idxs[half].at[b + 2]], bufs[slot], sems[slot]
            )

        return acc0, acc1

    def step(o, carry):
        for p in range(2):
            b = 2 * o + p
            zero = jnp.zeros((16,), jnp.float32)
            acc0, acc1 = zero, zero
            for half in range(2):
                slot = 2 * p + half
                acc0, acc1 = accum_chunk(slot, b, acc0, acc1)
            acc_v[b, pl.ds(0, 16)] = acc0
            acc_v[b, pl.ds(16, 16)] = acc1
        return carry

    lax.fori_loop(0, BPW // 2, step, 0)

    pltpu.sync_copy(acc_v, sums_hbm.at[pl.ds(wid * BPW, BPW)])


_TCB = 512


def _tc_head(x_ref, sums_ref, w_ref, b_ref, out_ref):
    cnt = jnp.sum((x_ref[...] != 0).astype(jnp.float32), axis=1, keepdims=True)
    avg = sums_ref[...] / jnp.maximum(cnt, 1.0)
    out_ref[...] = (
        jnp.dot(avg, w_ref[...], preferred_element_type=jnp.float32) + b_ref[...]
    )


def kernel(x, emb_table, fc_w, fc_b):
    x = x.astype(jnp.int32)
    sums = _sc_gather_sum(x[:, :CA], x[:, CA:], emb_table)
    return pl.pallas_call(
        _tc_head,
        grid=(B // _TCB,),
        in_specs=[
            pl.BlockSpec((_TCB, H), lambda i: (i, 0)),
            pl.BlockSpec((_TCB, D), lambda i: (i, 0)),
            pl.BlockSpec((D, C), lambda i: (0, 0)),
            pl.BlockSpec((1, C), lambda i: (0, 0)),
        ],
        out_specs=pl.BlockSpec((_TCB, C), lambda i: (i, 0)),
        out_shape=jax.ShapeDtypeStruct((B, C), jnp.float32),
    )(x, sums, fc_w, fc_b.reshape(1, C))

# --- scband reference (transcript-rebuilt; emitter-appended) ---
"""Pipeline reference for scband-avg-emb-classifier-88648124990824 (READ-ONLY COPY).

The authoritative reference and input builder live on the scoring server;
editing this copy changes nothing except your own understanding.
"""

import jax, jax.numpy as jnp
import numpy as np

VOCAB = 1000000
EMBED_DIM = 32
NUM_CLASSES = 64
BATCH = 4096
HIST = 200

def setup_inputs(seed: int = 0) -> dict:
    key = jax.random.key(seed)
    k1, k2, k3, k4 = jax.random.split(key, 4)
    x = jax.random.randint(k1, (BATCH, HIST), 0, VOCAB, dtype=jnp.int64 if jax.config.jax_enable_x64 else jnp.int32)
    emb_table = jax.random.normal(k2, (VOCAB, EMBED_DIM), dtype=jnp.float32)
    # padding_idx=0: zero out row 0 as torch does at init
    emb_table = emb_table.at[0].set(0.0)
    fc_w = jax.random.normal(k3, (EMBED_DIM, NUM_CLASSES), dtype=jnp.float32) * (1.0 / np.sqrt(EMBED_DIM))
    fc_b = jax.random.normal(k4, (NUM_CLASSES,), dtype=jnp.float32) * 0.01
    return {"x": x, "emb_table": emb_table, "fc_w": fc_w, "fc_b": fc_b}

def reference(x, emb_table, fc_w, fc_b):
    # mask = (x != 0).unsqueeze(-1)
    mask = (x != 0)[..., None].astype(jnp.float32)  # [B, L, 1]
    # embedding gather
    embedded = jnp.take(emb_table, x, axis=0)  # [B, L, D]
    summed = (embedded * mask).sum(axis=1)  # [B, D]
    lens = jnp.clip(mask.sum(axis=1), 1.0, None)  # [B, 1]
    avg = summed / lens
    return avg @ fc_w + fc_b

if __name__ == "__main__":
    import jax
    _d = setup_inputs()
    print(jax.jit(kernel)(*tuple(_d.values())))

</pallas_src>

<mosaic_0001>
#map = affine_map<(d0, d1) -> (0, 0)>
module attributes {stable_mosaic.version = 14 : i64} {
  func.func @_sc_gather_sum(%arg0: i32, %arg1: i32, %arg2: memref<4096x104xi32, #tpu.memory_space<hbm>>, %arg3: memref<4096x96xi32, #tpu.memory_space<hbm>>, %arg4: memref<1000000x32xf32, #tpu.memory_space<hbm>>, %arg5: memref<4096x32xf32, #tpu.memory_space<hbm>>, %arg6: memref<128x104xi32, #tpu.memory_space<vmem>>, %arg7: memref<128x96xi32, #tpu.memory_space<vmem>>, %arg8: memref<128x32xf32, #tpu.memory_space<vmem>>, %arg9: memref<104x32xf32, #tpu.memory_space<vmem>>, %arg10: memref<96x32xf32, #tpu.memory_space<vmem>>, %arg11: memref<104x32xf32, #tpu.memory_space<vmem>>, %arg12: memref<96x32xf32, #tpu.memory_space<vmem>>, %arg13: memref<!tpu.dma_semaphore, #tpu.memory_space<semaphore_mem>>, %arg14: memref<!tpu.dma_semaphore, #tpu.memory_space<semaphore_mem>>, %arg15: memref<!tpu.dma_semaphore, #tpu.memory_space<semaphore_mem>>, %arg16: memref<!tpu.dma_semaphore, #tpu.memory_space<semaphore_mem>>) attributes {dimension_semantics = [#tpu.dimension_semantics<core_parallel>, #tpu.dimension_semantics<subcore_parallel>], iteration_bounds = array<i64: 2, 16>, scalar_prefetch = 0 : i64, scratch_operands = 11 : i64, tpu.core_type = #tpu.core_type<sc_vector_subcore>, window_params = [{transform_indices = #map}, {transform_indices = #map}, {transform_indices = #map}, {transform_indices = #map}]} {
    %mul3A = arith.constant 2 : i32
    %mul3A_0 = arith.muli %arg1, %mul3A : i32
    %add3A = arith.addi %mul3A_0, %arg0 : i32
    %mul3A_1 = arith.constant 128 : i32
    %mul3A_2 = arith.muli %add3A, %mul3A_1 : i32
    "tpu.region"() ({
      %run_scoped3A = tpu.sem_alloc : memref<!tpu.dma_semaphore, #tpu.memory_space<semaphore_mem>>
      %dma_start3A_39 = arith.constant 0 : i32
      %dma_start3A_40 = tpu.memref_slice %arg2[%mul3A_2, %dma_start3A_39] : memref<4096x104xi32, #tpu.memory_space<hbm>> -> memref<128x104xi32, #tpu.memory_space<hbm>>
      %dma_start3A_41 = arith.constant 0 : i32
      %dma_start3A_42 = tpu.memref_slice %arg2[%mul3A_2, %dma_start3A_41] : memref<4096x104xi32, #tpu.memory_space<hbm>> -> memref<128x104xi32, #tpu.memory_space<hbm>>
      tpu.enqueue_dma source(%dma_start3A_42 : memref<128x104xi32, #tpu.memory_space<hbm>>) target(%arg6 : memref<128x104xi32, #tpu.memory_space<vmem>>) target_semaphore(%run_scoped3A : memref<!tpu.dma_semaphore, #tpu.memory_space<semaphore_mem>>)
      %dma_wait3A = arith.constant 0 : i32
      %dma_wait3A_43 = tpu.memref_slice %arg2[%mul3A_2, %dma_wait3A] : memref<4096x104xi32, #tpu.memory_space<hbm>> -> memref<128x104xi32, #tpu.memory_space<hbm>>
      %dma_wait3A_44 = arith.constant 0 : i32
      %dma_wait3A_45 = tpu.memref_slice %arg2[%mul3A_2, %dma_wait3A_44] : memref<4096x104xi32, #tpu.memory_space<hbm>> -> memref<128x104xi32, #tpu.memory_space<hbm>>
      tpu.wait_dma2 semaphore(%run_scoped3A : memref<!tpu.dma_semaphore, #tpu.memory_space<semaphore_mem>>) src(%dma_wait3A_45 : memref<128x104xi32, #tpu.memory_space<hbm>>) dst(%arg6 : memref<128x104xi32, #tpu.memory_space<vmem>>)
      tpu.yield
    }) : () -> ()
    %mul3A_3 = arith.constant 128 : i32
    %mul3A_4 = arith.muli %add3A, %mul3A_3 : i32
    "tpu.region"() ({
      %run_scoped3A = tpu.sem_alloc : memref<!tpu.dma_semaphore, #tpu.memory_space<semaphore_mem>>
      %dma_start3A_39 = arith.constant 0 : i32
      %dma_start3A_40 = tpu.memref_slice %arg3[%mul3A_4, %dma_start3A_39] : memref<4096x96xi32, #tpu.memory_space<hbm>> -> memref<128x96xi32, #tpu.memory_space<hbm>>
      %dma_start3A_41 = arith.constant 0 : i32
      %dma_start3A_42 = tpu.memref_slice %arg3[%mul3A_4, %dma_start3A_41] : memref<4096x96xi32, #tpu.memory_space<hbm>> -> memref<128x96xi32, #tpu.memory_space<hbm>>
      tpu.enqueue_dma source(%dma_start3A_42 : memref<128x96xi32, #tpu.memory_space<hbm>>) target(%arg7 : memref<128x96xi32, #tpu.memory_space<vmem>>) target_semaphore(%run_scoped3A : memref<!tpu.dma_semaphore, #tpu.memory_space<semaphore_mem>>)
      %dma_wait3A = arith.constant 0 : i32
      %dma_wait3A_43 = tpu.memref_slice %arg3[%mul3A_4, %dma_wait3A] : memref<4096x96xi32, #tpu.memory_space<hbm>> -> memref<128x96xi32, #tpu.memory_space<hbm>>
      %dma_wait3A_44 = arith.constant 0 : i32
      %dma_wait3A_45 = tpu.memref_slice %arg3[%mul3A_4, %dma_wait3A_44] : memref<4096x96xi32, #tpu.memory_space<hbm>> -> memref<128x96xi32, #tpu.memory_space<hbm>>
      tpu.wait_dma2 semaphore(%run_scoped3A : memref<!tpu.dma_semaphore, #tpu.memory_space<semaphore_mem>>) src(%dma_wait3A_45 : memref<128x96xi32, #tpu.memory_space<hbm>>) dst(%arg7 : memref<128x96xi32, #tpu.memory_space<vmem>>)
      tpu.yield
    }) : () -> ()
    %dma_start3A = arith.constant 0 : i32
    %dma_start3A_5 = arith.constant 0 : i32
    %dma_start3A_6 = tpu.memref_slice %arg6[%dma_start3A, %dma_start3A_5] : memref<128x104xi32, #tpu.memory_space<vmem>> -> memref<1x104xi32, #tpu.memory_space<vmem>>
    %dma_start3A_7 = tpu.memref_squeeze %dma_start3A_6 : memref<1x104xi32, #tpu.memory_space<vmem>> -> memref<104xi32, #tpu.memory_space<vmem>>
    %dma_start3A_8 = arith.constant 0 : i32
    %dma_start3A_9 = arith.constant 0 : i32
    %dma_start3A_10 = tpu.memref_slice %arg4[%dma_start3A_8, %dma_start3A_9] : memref<1000000x32xf32, #tpu.memory_space<hbm>> -> memref<1000000x32xf32, #tpu.memory_space<hbm>>
    tpu.enqueue_indirect_dma source(%dma_start3A_10 : memref<1000000x32xf32, #tpu.memory_space<hbm>>) target(%arg9 : memref<104x32xf32, #tpu.memory_space<vmem>>) offsets(%dma_start3A_7 : memref<104xi32, #tpu.memory_space<vmem>>) semaphore(%arg13 : memref<!tpu.dma_semaphore, #tpu.memory_space<semaphore_mem>>)
    %dma_start3A_11 = arith.constant 0 : i32
    %dma_start3A_12 = arith.constant 0 : i32
    %dma_start3A_13 = tpu.memref_slice %arg7[%dma_start3A_11, %dma_start3A_12] : memref<128x96xi32, #tpu.memory_space<vmem>> -> memref<1x96xi32, #tpu.memory_space<vmem>>
    %dma_start3A_14 = tpu.memref_squeeze %dma_start3A_13 : memref<1x96xi32, #tpu.memory_space<vmem>> -> memref<96xi32, #tpu.memory_space<vmem>>
    %dma_start3A_15 = arith.constant 0 : i32
    %dma_start3A_16 = arith.constant 0 : i32
    %dma_start3A_17 = tpu.memref_slice %arg4[%dma_start3A_15, %dma_start3A_16] : memref<1000000x32xf32, #tpu.memory_space<hbm>> -> memref<1000000x32xf32, #tpu.memory_space<hbm>>
    tpu.enqueue_indirect_dma source(%dma_start3A_17 : memref<1000000x32xf32, #tpu.memory_space<hbm>>) target(%arg10 : memref<96x32xf32, #tpu.memory_space<vmem>>) offsets(%dma_start3A_14 : memref<96xi32, #tpu.memory_space<vmem>>) semaphore(%arg14 : memref<!tpu.dma_semaphore, #tpu.memory_space<semaphore_mem>>)
    %dma_start3A_18 = arith.constant 1 : i32
    %dma_start3A_19 = arith.constant 0 : i32
    %dma_start3A_20 = tpu.memref_slice %arg6[%dma_start3A_18, %dma_start3A_19] : memref<128x104xi32, #tpu.memory_space<vmem>> -> memref<1x104xi32, #tpu.memory_space<vmem>>
    %dma_start3A_21 = tpu.memref_squeeze %dma_start3A_20 : memref<1x104xi32, #tpu.memory_space<vmem>> -> memref<104xi32, #tpu.memory_space<vmem>>
    %dma_start3A_22 = arith.constant 0 : i32
    %dma_start3A_23 = arith.constant 0 : i32
    %dma_start3A_24 = tpu.memref_slice %arg4[%dma_start3A_22, %dma_start3A_23] : memref<1000000x32xf32, #tpu.memory_space<hbm>> -> memref<1000000x32xf32, #tpu.memory_space<hbm>>
    tpu.enqueue_indirect_dma source(%dma_start3A_24 : memref<1000000x32xf32, #tpu.memory_space<hbm>>) target(%arg11 : memref<104x32xf32, #tpu.memory_space<vmem>>) offsets(%dma_start3A_21 : memref<104xi32, #tpu.memory_space<vmem>>) semaphore(%arg15 : memref<!tpu.dma_semaphore, #tpu.memory_space<semaphore_mem>>)
    %dma_start3A_25 = arith.constant 1 : i32
    %dma_start3A_26 = arith.constant 0 : i32
    %dma_start3A_27 = tpu.memref_slice %arg7[%dma_start3A_25, %dma_start3A_26] : memref<128x96xi32, #tpu.memory_space<vmem>> -> memref<1x96xi32, #tpu.memory_space<vmem>>
    %dma_start3A_28 = tpu.memref_squeeze %dma_start3A_27 : memref<1x96xi32, #tpu.memory_space<vmem>> -> memref<96xi32, #tpu.memory_space<vmem>>
    %dma_start3A_29 = arith.constant 0 : i32
    %dma_start3A_30 = arith.constant 0 : i32
    %dma_start3A_31 = tpu.memref_slice %arg4[%dma_start3A_29, %dma_start3A_30] : memref<1000000x32xf32, #tpu.memory_space<hbm>> -> memref<1000000x32xf32, #tpu.memory_space<hbm>>
    tpu.enqueue_indirect_dma source(%dma_start3A_31 : memref<1000000x32xf32, #tpu.memory_space<hbm>>) target(%arg12 : memref<96x32xf32, #tpu.memory_space<vmem>>) offsets(%dma_start3A_28 : memref<96xi32, #tpu.memory_space<vmem>>) semaphore(%arg16 : memref<!tpu.dma_semaphore, #tpu.memory_space<semaphore_mem>>)
    %scan3A = arith.constant 0 : i32
    %scan3A_32 = arith.constant 0 : i32
    %scan3A_33 = arith.constant 64 : i32
    %scan3A_34 = arith.addi %scan3A_32, %scan3A_33 : i32
    %scan3A_35 = arith.constant 1 : i32
    scf.for %scan3A_39 = %scan3A_32 to %scan3A_34 step %scan3A_35  : i32 {
      %mul3A_40 = arith.constant 2 : i32
      %mul3A_41 = arith.muli %mul3A_40, %scan3A_39 : i32
      %add3A_42 = arith.constant 0 : i32
      %add3A_43 = arith.addi %mul3A_41, %add3A_42 : i32
      %broadcast_in_dim3A = arith.constant 0.000000e+00 : f32
      %broadcast_in_dim3A_44 = vector.broadcast %broadcast_in_dim3A : f32 to vector<16xf32>
      %dma_wait3A = arith.constant 0 : i32
      %dma_wait3A_45 = tpu.memref_slice %arg6[%add3A_43, %dma_wait3A] : memref<128x104xi32, #tpu.memory_space<vmem>> -> memref<1x104xi32, #tpu.memory_space<vmem>>
      %dma_wait3A_46 = tpu.memref_squeeze %dma_wait3A_45 : memref<1x104xi32, #tpu.memory_space<vmem>> -> memref<104xi32, #tpu.memory_space<vmem>>
      %dma_wait3A_47 = arith.constant 0 : i32
      %dma_wait3A_48 = arith.constant 0 : i32
      %dma_wait3A_49 = tpu.memref_slice %arg4[%dma_wait3A_47, %dma_wait3A_48] : memref<1000000x32xf32, #tpu.memory_space<hbm>> -> memref<1000000x32xf32, #tpu.memory_space<hbm>>
      tpu.wait_indirect_dma semaphore(%arg13 : memref<!tpu.dma_semaphore, #tpu.memory_space<semaphore_mem>>) src(%dma_wait3A_49 : memref<1000000x32xf32, #tpu.memory_space<hbm>>) dst(%arg9 : memref<104x32xf32, #tpu.memory_space<vmem>>)
      %get3A = arith.constant 0 : i32
      %get3A_50 = arith.index_cast %get3A : i32 to index
      %get3A_51 = arith.constant 0 : index
      %get3A_52 = tpu.vector_load %arg9[%get3A_50, %get3A_51] {strides = array<i32>} : memref<104x32xf32, #tpu.memory_space<vmem>>, vector<1x16xf32>,
      %get3A_53 = vector.shape_cast %get3A_52 : vector<1x16xf32> to vector<16xf32>
      %add3A_54 = arith.addf %broadcast_in_dim3A_44, %get3A_53 : vector<16xf32>
      %get3A_55 = arith.constant 0 : i32
      %get3A_56 = arith.index_cast %get3A_55 : i32 to index
      %get3A_57 = arith.constant 16 : index
      %get3A_58 = tpu.vector_load %arg9[%get3A_56, %get3A_57] {strides = array<i32>} : memref<104x32xf32, #tpu.memory_space<vmem>>, vector<1x16xf32>,
      %get3A_59 = vector.shape_cast %get3A_58 : vector<1x16xf32> to vector<16xf32>
      %add3A_60 = arith.addf %broadcast_in_dim3A_44, %get3A_59 : vector<16xf32>
      %get3A_61 = arith.constant 1 : i32
      %get3A_62 = arith.index_cast %get3A_61 : i32 to index
      %get3A_63 = arith.constant 0 : index
      %get3A_64 = tpu.vector_load %arg9[%get3A_62, %get3A_63] {strides = array<i32>} : memref<104x32xf32, #tpu.memory_space<vmem>>, vector<1x16xf32>,
      %get3A_65 = vector.shape_cast %get3A_64 : vector<1x16xf32> to vector<16xf32>
      %add3A_66 = arith.addf %add3A_54, %get3A_65 : vector<16xf32>
      %get3A_67 = arith.constant 1 : i32
      %get3A_68 = arith.index_cast %get3A_67 : i32 to index
      %get3A_69 = arith.constant 16 : index
      %get3A_70 = tpu.vector_load %arg9[%get3A_68, %get3A_69] {strides = array<i32>} : memref<104x32xf32, #tpu.memory_space<vmem>>, vector<1x16xf32>,
      %get3A_71 = vector.shape_cast %get3A_70 : vector<1x16xf32> to vector<16xf32>
      %add3A_72 = arith.addf %add3A_60, %get3A_71 : vector<16xf32>
      %get3A_73 = arith.constant 2 : i32
      %get3A_74 = arith.index_cast %get3A_73 : i32 to index
      %get3A_75 = arith.constant 0 : index
      %get3A_76 = tpu.vector_load %arg9[%get3A_74, %get3A_75] {strides = array<i32>} : memref<104x32xf32, #tpu.memory_space<vmem>>, vector<1x16xf32>,
      %get3A_77 = vector.shape_cast %get3A_76 : vector<1x16xf32> to vector<16xf32>
      %add3A_78 = arith.addf %add3A_66, %get3A_77 : vector<16xf32>
      %get3A_79 = arith.constant 2 : i32
      %get3A_80 = arith.index_cast %get3A_79 : i32 to index
      %get3A_81 = arith.constant 16 : index
      %get3A_82 = tpu.vector_load %arg9[%get3A_80, %get3A_81] {strides = array<i32>} : memref<104x32xf32, #tpu.memory_space<vmem>>, vector<1x16xf32>,
      %get3A_83 = vector.shape_cast %get3A_82 : vector<1x16xf32> to vector<16xf32>
      %add3A_84 = arith.addf %add3A_72, %get3A_83 : vector<16xf32>
      %get3A_85 = arith.constant 3 : i32
      %get3A_86 = arith.index_cast %get3A_85 : i32 to index
      %get3A_87 = arith.constant 0 : index
      %get3A_88 = tpu.vector_load %arg9[%get3A_86, %get3A_87] {strides = array<i32>} : memref<104x32xf32, #tpu.memory_space<vmem>>, vector<1x16xf32>,
      %get3A_89 = vector.shape_cast %get3A_88 : vector<1x16xf32> to vector<16xf32>
      %add3A_90 = arith.addf %add3A_78, %get3A_89 : vector<16xf32>
      %get3A_91 = arith.constant 3 : i32
      %get3A_92 = arith.index_cast %get3A_91 : i32 to index
      %get3A_93 = arith.constant 16 : index
      %get3A_94 = tpu.vector_load %arg9[%get3A_92, %get3A_93] {strides = array<i32>} : memref<104x32xf32, #tpu.memory_space<vmem>>, vector<1x16xf32>,
      %get3A_95 = vector.shape_cast %get3A_94 : vector<1x16xf32> to vector<16xf32>
      %add3A_96 = arith.addf %add3A_84, %get3A_95 : vector<16xf32>
      %get3A_97 = arith.constant 4 : i32
      %get3A_98 = arith.index_cast %get3A_97 : i32 to index
      %get3A_99 = arith.constant 0 : index
      %get3A_100 = tpu.vector_load %arg9[%get3A_98, %get3A_99] {strides = array<i32>} : memref<104x32xf32, #tpu.memory_space<vmem>>, vector<1x16xf32>,
      %get3A_101 = vector.shape_cast %get3A_100 : vector<1x16xf32> to vector<16xf32>
      %add3A_102 = arith.addf %add3A_90, %get3A_101 : vector<16xf32>
      %get3A_103 = arith.constant 4 : i32
      %get3A_104 = arith.index_cast %get3A_103 : i32 to index
      %get3A_105 = arith.constant 16 : index
      %get3A_106 = tpu.vector_load %arg9[%get3A_104, %get3A_105] {strides = array<i32>} : memref<104x32xf32, #tpu.memory_space<vmem>>, vector<1x16xf32>,
      %get3A_107 = vector.shape_cast %get3A_106 : vector<1x16xf32> to vector<16xf32>
      %add3A_108 = arith.addf %add3A_96, %get3A_107 : vector<16xf32>
      %get3A_109 = arith.constant 5 : i32
      %get3A_110 = arith.index_cast %get3A_109 : i32 to index
      %get3A_111 = arith.constant 0 : index
      %get3A_112 = tpu.vector_load %arg9[%get3A_110, %get3A_111] {strides = array<i32>} : memref<104x32xf32, #tpu.memory_space<vmem>>, vector<1x16xf32>,
      %get3A_113 = vector.shape_cast %get3A_112 : vector<1x16xf32> to vector<16xf32>
      %add3A_114 = arith.addf %add3A_102, %get3A_113 : vector<16xf32>
      %get3A_115 = arith.constant 5 : i32
      %get3A_116 = arith.index_cast %get3A_115 : i32 to index
      %get3A_117 = arith.constant 16 : index
      %get3A_118 = tpu.vector_load %arg9[%get3A_116, %get3A_117] {strides = array<i32>} : memref<104x32xf32, #tpu.memory_space<vmem>>, vector<1x16xf32>,
      %get3A_119 = vector.shape_cast %get3A_118 : vector<1x16xf32> to vector<16xf32>
      %add3A_120 = arith.addf %add3A_108, %get3A_119 : vector<16xf32>
      %get3A_121 = arith.constant 6 : i32
      %get3A_122 = arith.index_cast %get3A_121 : i32 to index
      %get3A_123 = arith.constant 0 : index
      %get3A_124 = tpu.vector_load %arg9[%get3A_122, %get3A_123] {strides = array<i32>} : memref<104x32xf32, #tpu.memory_space<vmem>>, vector<1x16xf32>,
      %get3A_125 = vector.shape_cast %get3A_124 : vector<1x16xf32> to vector<16xf32>
      %add3A_126 = arith.addf %add3A_114, %get3A_125 : vector<16xf32>
      %get3A_127 = arith.constant 6 : i32
      %get3A_128 = arith.index_cast %get3A_127 : i32 to index
      %get3A_129 = arith.constant 16 : index
      %get3A_130 = tpu.vector_load %arg9[%get3A_128, %get3A_129] {strides = array<i32>} : memref<104x32xf32, #tpu.memory_space<vmem>>, vector<1x16xf32>,
      %get3A_131 = vector.shape_cast %get3A_130 : vector<1x16xf32> to vector<16xf32>
      %add3A_132 = arith.addf %add3A_120, %get3A_131 : vector<16xf32>
      %get3A_133 = arith.constant 7 : i32
      %get3A_134 = arith.index_cast %get3A_133 : i32 to index
      %get3A_135 = arith.constant 0 : index
      %get3A_136 = tpu.vector_load %arg9[%get3A_134, %get3A_135] {strides = array<i32>} : memref<104x32xf32, #tpu.memory_space<vmem>>, vector<1x16xf32>,
      %get3A_137 = vector.shape_cast %get3A_136 : vector<1x16xf32> to vector<16xf32>
      %add3A_138 = arith.addf %add3A_126, %get3A_137 : vector<16xf32>
      %get3A_139 = arith.constant 7 : i32
      %get3A_140 = arith.index_cast %get3A_139 : i32 to index
      %get3A_141 = arith.constant 16 : index
      %get3A_142 = tpu.vector_load %arg9[%get3A_140, %get3A_141] {strides = array<i32>} : memref<104x32xf32, #tpu.memory_space<vmem>>, vector<1x16xf32>,
      %get3A_143 = vector.shape_cast %get3A_142 : vector<1x16xf32> to vector<16xf32>
      %add3A_144 = arith.addf %add3A_132, %get3A_143 : vector<16xf32>
      %get3A_145 = arith.constant 8 : i32
      %get3A_146 = arith.index_cast %get3A_145 : i32 to index
      %get3A_147 = arith.constant 0 : index
      %get3A_148 = tpu.vector_load %arg9[%get3A_146, %get3A_147] {strides = array<i32>} : memref<104x32xf32, #tpu.memory_space<vmem>>, vector<1x16xf32>,
      %get3A_149 = vector.shape_cast %get3A_148 : vector<1x16xf32> to vector<16xf32>
      %add3A_150 = arith.addf %add3A_138, %get3A_149 : vector<16xf32>
      %get3A_151 = arith.constant 8 : i32
      %get3A_152 = arith.index_cast %get3A_151 : i32 to index
      %get3A_153 = arith.constant 16 : index
      %get3A_154 = tpu.vector_load %arg9[%get3A_152, %get3A_153] {strides = array<i32>} : memref<104x32xf32, #tpu.memory_space<vmem>>, vector<1x16xf32>,
      %get3A_155 = vector.shape_cast %get3A_154 : vector<1x16xf32> to vector<16xf32>
      %add3A_156 = arith.addf %add3A_144, %get3A_155 : vector<16xf32>
      %get3A_157 = arith.constant 9 : i32
      %get3A_158 = arith.index_cast %get3A_157 : i32 to index
      %get3A_159 = arith.constant 0 : index
      %get3A_160 = tpu.vector_load %arg9[%get3A_158, %get3A_159] {strides = array<i32>} : memref<104x32xf32, #tpu.memory_space<vmem>>, vector<1x16xf32>,
      %get3A_161 = vector.shape_cast %get3A_160 : vector<1x16xf32> to vector<16xf32>
      %add3A_162 = arith.addf %add3A_150, %get3A_161 : vector<16xf32>
      %get3A_163 = arith.constant 9 : i32
      %get3A_164 = arith.index_cast %get3A_163 : i32 to index
      %get3A_165 = arith.constant 16 : index
      %get3A_166 = tpu.vector_load %arg9[%get3A_164, %get3A_165] {strides = array<i32>} : memref<104x32xf32, #tpu.memory_space<vmem>>, vector<1x16xf32>,
      %get3A_167 = vector.shape_cast %get3A_166 : vector<1x16xf32> to vector<16xf32>
      %add3A_168 = arith.addf %add3A_156, %get3A_167 : vector<16xf32>
      %get3A_169 = arith.constant 10 : i32
      %get3A_170 = arith.index_cast %get3A_169 : i32 to index
      %get3A_171 = arith.constant 0 : index
      %get3A_172 = tpu.vector_load %arg9[%get3A_170, %get3A_171] {strides = array<i32>} : memref<104x32xf32, #tpu.memory_space<vmem>>, vector<1x16xf32>,
      %get3A_173 = vector.shape_cast %get3A_172 : vector<1x16xf32> to vector<16xf32>
      %add3A_174 = arith.addf %add3A_162, %get3A_173 : vector<16xf32>
      %get3A_175 = arith.constant 10 : i32
      %get3A_176 = arith.index_cast %get3A_175 : i32 to index
      %get3A_177 = arith.constant 16 : index
      %get3A_178 = tpu.vector_load %arg9[%get3A_176, %get3A_177] {strides = array<i32>} : memref<104x32xf32, #tpu.memory_space<vmem>>, vector<1x16xf32>,
      %get3A_179 = vector.shape_cast %get3A_178 : vector<1x16xf32> to vector<16xf32>
      %add3A_180 = arith.addf %add3A_168, %get3A_179 : vector<16xf32>
      %get3A_181 = arith.constant 11 : i32
      %get3A_182 = arith.index_cast %get3A_181 : i32 to index
      %get3A_183 = arith.constant 0 : index
      %get3A_184 = tpu.vector_load %arg9[%get3A_182, %get3A_183] {strides = array<i32>} : memref<104x32xf32, #tpu.memory_space<vmem>>, vector<1x16xf32>,
      %get3A_185 = vector.shape_cast %get3A_184 : vector<1x16xf32> to vector<16xf32>
      %add3A_186 = arith.addf %add3A_174, %get3A_185 : vector<16xf32>
      %get3A_187 = arith.constant 11 : i32
      %get3A_188 = arith.index_cast %get3A_187 : i32 to index
      %get3A_189 = arith.constant 16 : index
      %get3A_190 = tpu.vector_load %arg9[%get3A_188, %get3A_189] {strides = array<i32>} : memref<104x32xf32, #tpu.memory_space<vmem>>, vector<1x16xf32>,
      %get3A_191 = vector.shape_cast %get3A_190 : vector<1x16xf32> to vector<16xf32>
      %add3A_192 = arith.addf %add3A_180, %get3A_191 : vector<16xf32>
      %get3A_193 = arith.constant 12 : i32
      %get3A_194 = arith.index_cast %get3A_193 : i32 to index
      %get3A_195 = arith.constant 0 : index
      %get3A_196 = tpu.vector_load %arg9[%get3A_194, %get3A_195] {strides = array<i32>} : memref<104x32xf32, #tpu.memory_space<vmem>>, vector<1x16xf32>,
      %get3A_197 = vector.shape_cast %get3A_196 : vector<1x16xf32> to vector<16xf32>
      %add3A_198 = arith.addf %add3A_186, %get3A_197 : vector<16xf32>
      %get3A_199 = arith.constant 12 : i32
      %get3A_200 = arith.index_cast %get3A_199 : i32 to index
      %get3A_201 = arith.constant 16 : index
      %get3A_202 = tpu.vector_load %arg9[%get3A_200, %get3A_201] {strides = array<i32>} : memref<104x32xf32, #tpu.memory_space<vmem>>, vector<1x16xf32>,
      %get3A_203 = vector.shape_cast %get3A_202 : vector<1x16xf32> to vector<16xf32>
      %add3A_204 = arith.addf %add3A_192, %get3A_203 : vector<16xf32>
      %get3A_205 = arith.constant 13 : i32
      %get3A_206 = arith.index_cast %get3A_205 : i32 to index
      %get3A_207 = arith.constant 0 : index
      %get3A_208 = tpu.vector_load %arg9[%get3A_206, %get3A_207] {strides = array<i32>} : memref<104x32xf32, #tpu.memory_space<vmem>>, vector<1x16xf32>,
      %get3A_209 = vector.shape_cast %get3A_208 : vector<1x16xf32> to vector<16xf32>
      %add3A_210 = arith.addf %add3A_198, %get3A_209 : vector<16xf32>
      %get3A_211 = arith.constant 13 : i32
      %get3A_212 = arith.index_cast %get3A_211 : i32 to index
      %get3A_213 = arith.constant 16 : index
      %get3A_214 = tpu.vector_load %arg9[%get3A_212, %get3A_213] {strides = array<i32>} : memref<104x32xf32, #tpu.memory_space<vmem>>, vector<1x16xf32>,
      %get3A_215 = vector.shape_cast %get3A_214 : vector<1x16xf32> to vector<16xf32>
      %add3A_216 = arith.addf %add3A_204, %get3A_215 : vector<16xf32>
      %get3A_217 = arith.constant 14 : i32
      %get3A_218 = arith.index_cast %get3A_217 : i32 to index
      %get3A_219 = arith.constant 0 : index
      %get3A_220 = tpu.vector_load %arg9[%get3A_218, %get3A_219] {strides = array<i32>} : memref<104x32xf32, #tpu.memory_space<vmem>>, vector<1x16xf32>,
      %get3A_221 = vector.shape_cast %get3A_220 : vector<1x16xf32> to vector<16xf32>
      %add3A_222 = arith.addf %add3A_210, %get3A_221 : vector<16xf32>
      %get3A_223 = arith.constant 14 : i32
      %get3A_224 = arith.index_cast %get3A_223 : i32 to index
      %get3A_225 = arith.constant 16 : index
      %get3A_226 = tpu.vector_load %arg9[%get3A_224, %get3A_225] {strides = array<i32>} : memref<104x32xf32, #tpu.memory_space<vmem>>, vector<1x16xf32>,
      %get3A_227 = vector.shape_cast %get3A_226 : vector<1x16xf32> to vector<16xf32>
      %add3A_228 = arith.addf %add3A_216, %get3A_227 : vector<16xf32>
      %get3A_229 = arith.constant 15 : i32
      %get3A_230 = arith.index_cast %get3A_229 : i32 to index
      %get3A_231 = arith.constant 0 : index
      %get3A_232 = tpu.vector_load %arg9[%get3A_230, %get3A_231] {strides = array<i32>} : memref<104x32xf32, #tpu.memory_space<vmem>>, vector<1x16xf32>,
      %get3A_233 = vector.shape_cast %get3A_232 : vector<1x16xf32> to vector<16xf32>
      %add3A_234 = arith.addf %add3A_222, %get3A_233 : vector<16xf32>
      %get3A_235 = arith.constant 15 : i32
      %get3A_236 = arith.index_cast %get3A_235 : i32 to index
      %get3A_237 = arith.constant 16 : index
      %get3A_238 = tpu.vector_load %arg9[%get3A_236, %get3A_237] {strides = array<i32>} : memref<104x32xf32, #tpu.memory_space<vmem>>, vector<1x16xf32>,
      %get3A_239 = vector.shape_cast %get3A_238 : vector<1x16xf32> to vector<16xf32>
      %add3A_240 = arith.addf %add3A_228, %get3A_239 : vector<16xf32>
      %get3A_241 = arith.constant 16 : i32
      %get3A_242 = arith.index_cast %get3A_241 : i32 to index
      %get3A_243 = arith.constant 0 : index
      %get3A_244 = tpu.vector_load %arg9[%get3A_242, %get3A_243] {strides = array<i32>} : memref<104x32xf32, #tpu.memory_space<vmem>>, vector<1x16xf32>,
      %get3A_245 = vector.shape_cast %get3A_244 : vector<1x16xf32> to vector<16xf32>
      %add3A_246 = arith.addf %add3A_234, %get3A_245 : vector<16xf32>
      %get3A_247 = arith.constant 16 : i32
      %get3A_248 = arith.index_cast %get3A_247 : i32 to index
      %get3A_249 = arith.constant 16 : index
      %get3A_250 = tpu.vector_load %arg9[%get3A_248, %get3A_249] {strides = array<i32>} : memref<104x32xf32, #tpu.memory_space<vmem>>, vector<1x16xf32>,
      %get3A_251 = vector.shape_cast %get3A_250 : vector<1x16xf32> to vector<16xf32>
      %add3A_252 = arith.addf %add3A_240, %get3A_251 : vector<16xf32>
      %get3A_253 = arith.constant 17 : i32
      %get3A_254 = arith.index_cast %get3A_253 : i32 to index
      %get3A_255 = arith.constant 0 : index
      %get3A_256 = tpu.vector_load %arg9[%get3A_254, %get3A_255] {strides = array<i32>} : memref<104x32xf32, #tpu.memory_space<vmem>>, vector<1x16xf32>,
      %get3A_257 = vector.shape_cast %get3A_256 : vector<1x16xf32> to vector<16xf32>
      %add3A_258 = arith.addf %add3A_246, %get3A_257 : vector<16xf32>
      %get3A_259 = arith.constant 17 : i32
      %get3A_260 = arith.index_cast %get3A_259 : i32 to index
      %get3A_261 = arith.constant 16 : index
      %get3A_262 = tpu.vector_load %arg9[%get3A_260, %get3A_261] {strides = array<i32>} : memref<104x32xf32, #tpu.memory_space<vmem>>, vector<1x16xf32>,
      %get3A_263 = vector.shape_cast %get3A_262 : vector<1x16xf32> to vector<16xf32>
      %add3A_264 = arith.addf %add3A_252, %get3A_263 : vector<16xf32>
      %get3A_265 = arith.constant 18 : i32
      %get3A_266 = arith.index_cast %get3A_265 : i32 to index
      %get3A_267 = arith.constant 0 : index
      %get3A_268 = tpu.vector_load %arg9[%get3A_266, %get3A_267] {strides = array<i32>} : memref<104x32xf32, #tpu.memory_space<vmem>>, vector<1x16xf32>,
      %get3A_269 = vector.shape_cast %get3A_268 : vector<1x16xf32> to vector<16xf32>
      %add3A_270 = arith.addf %add3A_258, %get3A_269 : vector<16xf32>
      %get3A_271 = arith.constant 18 : i32
      %get3A_272 = arith.index_cast %get3A_271 : i32 to index
      %get3A_273 = arith.constant 16 : index
      %get3A_274 = tpu.vector_load %arg9[%get3A_272, %get3A_273] {strides = array<i32>} : memref<104x32xf32, #tpu.memory_space<vmem>>, vector<1x16xf32>,
      %get3A_275 = vector.shape_cast %get3A_274 : vector<1x16xf32> to vector<16xf32>
      %add3A_276 = arith.addf %add3A_264, %get3A_275 : vector<16xf32>
      %get3A_277 = arith.constant 19 : i32
      %get3A_278 = arith.index_cast %get3A_277 : i32 to index
      %get3A_279 = arith.constant 0 : index
      %get3A_280 = tpu.vector_load %arg9[%get3A_278, %get3A_279] {strides = array<i32>} : memref<104x32xf32, #tpu.memory_space<vmem>>, vector<1x16xf32>,
      %get3A_281 = vector.shape_cast %get3A_280 : vector<1x16xf32> to vector<16xf32>
      %add3A_282 = arith.addf %add3A_270, %get3A_281 : vector<16xf32>
      %get3A_283 = arith.constant 19 : i32
      %get3A_284 = arith.index_cast %get3A_283 : i32 to index
      %get3A_285 = arith.constant 16 : index
      %get3A_286 = tpu.vector_load %arg9[%get3A_284, %get3A_285] {strides = array<i32>} : memref<104x32xf32, #tpu.memory_space<vmem>>, vector<1x16xf32>,
      %get3A_287 = vector.shape_cast %get3A_286 : vector<1x16xf32> to vector<16xf32>
      %add3A_288 = arith.addf %add3A_276, %get3A_287 : vector<16xf32>
      %get3A_289 = arith.constant 20 : i32
      %get3A_290 = arith.index_cast %get3A_289 : i32 to index
      %get3A_291 = arith.constant 0 : index
      %get3A_292 = tpu.vector_load %arg9[%get3A_290, %get3A_291] {strides = array<i32>} : memref<104x32xf32, #tpu.memory_space<vmem>>, vector<1x16xf32>,
      %get3A_293 = vector.shape_cast %get3A_292 : vector<1x16xf32> to vector<16xf32>
      %add3A_294 = arith.addf %add3A_282, %get3A_293 : vector<16xf32>
      %get3A_295 = arith.constant 20 : i32
      %get3A_296 = arith.index_cast %get3A_295 : i32 to index
      %get3A_297 = arith.constant 16 : index
      %get3A_298 = tpu.vector_load %arg9[%get3A_296, %get3A_297] {strides = array<i32>} : memref<104x32xf32, #tpu.memory_space<vmem>>, vector<1x16xf32>,
      %get3A_299 = vector.shape_cast %get3A_298 : vector<1x16xf32> to vector<16xf32>
      %add3A_300 = arith.addf %add3A_288, %get3A_299 : vector<16xf32>
      %get3A_301 = arith.constant 21 : i32
      %get3A_302 = arith.index_cast %get3A_301 : i32 to index
      %get3A_303 = arith.constant 0 : index
      %get3A_304 = tpu.vector_load %arg9[%get3A_302, %get3A_303] {strides = array<i32>} : memref<104x32xf32, #tpu.memory_space<vmem>>, vector<1x16xf32>,
      %get3A_305 = vector.shape_cast %get3A_304 : vector<1x16xf32> to vector<16xf32>
      %add3A_306 = arith.addf %add3A_294, %get3A_305 : vector<16xf32>
      %get3A_307 = arith.constant 21 : i32
      %get3A_308 = arith.index_cast %get3A_307 : i32 to index
      %get3A_309 = arith.constant 16 : index
      %get3A_310 = tpu.vector_load %arg9[%get3A_308, %get3A_309] {strides = array<i32>} : memref<104x32xf32, #tpu.memory_space<vmem>>, vector<1x16xf32>,
      %get3A_311 = vector.shape_cast %get3A_310 : vector<1x16xf32> to vector<16xf32>
      %add3A_312 = arith.addf %add3A_300, %get3A_311 : vector<16xf32>
      %get3A_313 = arith.constant 22 : i32
      %get3A_314 = arith.index_cast %get3A_313 : i32 to index
      %get3A_315 = arith.constant 0 : index
      %get3A_316 = tpu.vector_load %arg9[%get3A_314, %get3A_315] {strides = array<i32>} : memref<104x32xf32, #tpu.memory_space<vmem>>, vector<1x16xf32>,
      %get3A_317 = vector.shape_cast %get3A_316 : vector<1x16xf32> to vector<16xf32>
      %add3A_318 = arith.addf %add3A_306, %get3A_317 : vector<16xf32>
      %get3A_319 = arith.constant 22 : i32
      %get3A_320 = arith.index_cast %get3A_319 : i32 to index
      %get3A_321 = arith.constant 16 : index
      %get3A_322 = tpu.vector_load %arg9[%get3A_320, %get3A_321] {strides = array<i32>} : memref<104x32xf32, #tpu.memory_space<vmem>>, vector<1x16xf32>,
      %get3A_323 = vector.shape_cast %get3A_322 : vector<1x16xf32> to vector<16xf32>
      %add3A_324 = arith.addf %add3A_312, %get3A_323 : vector<16xf32>
      %get3A_325 = arith.constant 23 : i32
      %get3A_326 = arith.index_cast %get3A_325 : i32 to index
      %get3A_327 = arith.constant 0 : index
      %get3A_328 = tpu.vector_load %arg9[%get3A_326, %get3A_327] {strides = array<i32>} : memref<104x32xf32, #tpu.memory_space<vmem>>, vector<1x16xf32>,
      %get3A_329 = vector.shape_cast %get3A_328 : vector<1x16xf32> to vector<16xf32>
      %add3A_330 = arith.addf %add3A_318, %get3A_329 : vector<16xf32>
      %get3A_331 = arith.constant 23 : i32
      %get3A_332 = arith.index_cast %get3A_331 : i32 to index
      %get3A_333 = arith.constant 16 : index
      %get3A_334 = tpu.vector_load %arg9[%get3A_332, %get3A_333] {strides = array<i32>} : memref<104x32xf32, #tpu.memory_space<vmem>>, vector<1x16xf32>,
      %get3A_335 = vector.shape_cast %get3A_334 : vector<1x16xf32> to vector<16xf32>
      %add3A_336 = arith.addf %add3A_324, %get3A_335 : vector<16xf32>
      %get3A_337 = arith.constant 24 : i32
      %get3A_338 = arith.index_cast %get3A_337 : i32 to index
      %get3A_339 = arith.constant 0 : index
      %get3A_340 = tpu.vector_load %arg9[%get3A_338, %get3A_339] {strides = array<i32>} : memref<104x32xf32, #tpu.memory_space<vmem>>, vector<1x16xf32>,
      %get3A_341 = vector.shape_cast %get3A_340 : vector<1x16xf32> to vector<16xf32>
      %add3A_342 = arith.addf %add3A_330, %get3A_341 : vector<16xf32>
      %get3A_343 = arith.constant 24 : i32
      %get3A_344 = arith.index_cast %get3A_343 : i32 to index
      %get3A_345 = arith.constant 16 : index
      %get3A_346 = tpu.vector_load %arg9[%get3A_344, %get3A_345] {strides = array<i32>} : memref<104x32xf32, #tpu.memory_space<vmem>>, vector<1x16xf32>,
      %get3A_347 = vector.shape_cast %get3A_346 : vector<1x16xf32> to vector<16xf32>
      %add3A_348 = arith.addf %add3A_336, %get3A_347 : vector<16xf32>
      %get3A_349 = arith.constant 25 : i32
      %get3A_350 = arith.index_cast %get3A_349 : i32 to index
      %get3A_351 = arith.constant 0 : index
      %get3A_352 = tpu.vector_load %arg9[%get3A_350, %get3A_351] {strides = array<i32>} : memref<104x32xf32, #tpu.memory_space<vmem>>, vector<1x16xf32>,
      %get3A_353 = vector.shape_cast %get3A_352 : vector<1x16xf32> to vector<16xf32>
      %add3A_354 = arith.addf %add3A_342, %get3A_353 : vector<16xf32>
      %get3A_355 = arith.constant 25 : i32
      %get3A_356 = arith.index_cast %get3A_355 : i32 to index
      %get3A_357 = arith.constant 16 : index
      %get3A_358 = tpu.vector_load %arg9[%get3A_356, %get3A_357] {strides = array<i32>} : memref<104x32xf32, #tpu.memory_space<vmem>>, vector<1x16xf32>,
      %get3A_359 = vector.shape_cast %get3A_358 : vector<1x16xf32> to vector<16xf32>
      %add3A_360 = arith.addf %add3A_348, %get3A_359 : vector<16xf32>
      %get3A_361 = arith.constant 26 : i32
      %get3A_362 = arith.index_cast %get3A_361 : i32 to index
      %get3A_363 = arith.constant 0 : index
      %get3A_364 = tpu.vector_load %arg9[%get3A_362, %get3A_363] {strides = array<i32>} : memref<104x32xf32, #tpu.memory_space<vmem>>, vector<1x16xf32>,
      %get3A_365 = vector.shape_cast %get3A_364 : vector<1x16xf32> to vector<16xf32>
      %add3A_366 = arith.addf %add3A_354, %get3A_365 : vector<16xf32>
      %get3A_367 = arith.constant 26 : i32
      %get3A_368 = arith.index_cast %get3A_367 : i32 to index
      %get3A_369 = arith.constant 16 : index
      %get3A_370 = tpu.vector_load %arg9[%get3A_368, %get3A_369] {strides = array<i32>} : memref<104x32xf32, #tpu.memory_space<vmem>>, vector<1x16xf32>,
      %get3A_371 = vector.shape_cast %get3A_370 : vector<1x16xf32> to vector<16xf32>
      %add3A_372 = arith.addf %add3A_360, %get3A_371 : vector<16xf32>
      %get3A_373 = arith.constant 27 : i32
      %get3A_374 = arith.index_cast %get3A_373 : i32 to index
      %get3A_375 = arith.constant 0 : index
      %get3A_376 = tpu.vector_load %arg9[%get3A_374, %get3A_375] {strides = array<i32>} : memref<104x32xf32, #tpu.memory_space<vmem>>, vector<1x16xf32>,
      %get3A_377 = vector.shape_cast %get3A_376 : vector<1x16xf32> to vector<16xf32>
      %add3A_378 = arith.addf %add3A_366, %get3A_377 : vector<16xf32>
      %get3A_379 = arith.constant 27 : i32
      %get3A_380 = arith.index_cast %get3A_379 : i32 to index
      %get3A_381 = arith.constant 16 : index
      %get3A_382 = tpu.vector_load %arg9[%get3A_380, %get3A_381] {strides = array<i32>} : memref<104x32xf32, #tpu.memory_space<vmem>>, vector<1x16xf32>,
      %get3A_383 = vector.shape_cast %get3A_382 : vector<1x16xf32> to vector<16xf32>
      %add3A_384 = arith.addf %add3A_372, %get3A_383 : vector<16xf32>
      %get3A_385 = arith.constant 28 : i32
      %get3A_386 = arith.index_cast %get3A_385 : i32 to index
      %get3A_387 = arith.constant 0 : index
      %get3A_388 = tpu.vector_load %arg9[%get3A_386, %get3A_387] {strides = array<i32>} : memref<104x32xf32, #tpu.memory_space<vmem>>, vector<1x16xf32>,
      %get3A_389 = vector.shape_cast %get3A_388 : vector<1x16xf32> to vector<16xf32>
      %add3A_390 = arith.addf %add3A_378, %get3A_389 : vector<16xf32>
      %get3A_391 = arith.constant 28 : i32
      %get3A_392 = arith.index_cast %get3A_391 : i32 to index
      %get3A_393 = arith.constant 16 : index
      %get3A_394 = tpu.vector_load %arg9[%get3A_392, %get3A_393] {strides = array<i32>} : memref<104x32xf32, #tpu.memory_space<vmem>>, vector<1x16xf32>,
      %get3A_395 = vector.shape_cast %get3A_394 : vector<1x16xf32> to vector<16xf32>
      %add3A_396 = arith.addf %add3A_384, %get3A_395 : vector<16xf32>
      %get3A_397 = arith.constant 29 : i32
      %get3A_398 = arith.index_cast %get3A_397 : i32 to index
      %get3A_399 = arith.constant 0 : index
      %get3A_400 = tpu.vector_load %arg9[%get3A_398, %get3A_399] {strides = array<i32>} : memref<104x32xf32, #tpu.memory_space<vmem>>, vector<1x16xf32>,
      %get3A_401 = vector.shape_cast %get3A_400 : vector<1x16xf32> to vector<16xf32>
      %add3A_402 = arith.addf %add3A_390, %get3A_401 : vector<16xf32>
      %get3A_403 = arith.constant 29 : i32
      %get3A_404 = arith.index_cast %get3A_403 : i32 to index
      %get3A_405 = arith.constant 16 : index
      %get3A_406 = tpu.vector_load %arg9[%get3A_404, %get3A_405] {strides = array<i32>} : memref<104x32xf32, #tpu.memory_space<vmem>>, vector<1x16xf32>,
      %get3A_407 = vector.shape_cast %get3A_406 : vector<1x16xf32> to vector<16xf32>
      %add3A_408 = arith.addf %add3A_396, %get3A_407 : vector<16xf32>
      %get3A_409 = arith.constant 30 : i32
      %get3A_410 = arith.index_cast %get3A_409 : i32 to index
      %get3A_411 = arith.constant 0 : index
      %get3A_412 = tpu.vector_load %arg9[%get3A_410, %get3A_411] {strides = array<i32>} : memref<104x32xf32, #tpu.memory_space<vmem>>, vector<1x16xf32>,
      %get3A_413 = vector.shape_cast %get3A_412 : vector<1x16xf32> to vector<16xf32>
      %add3A_414 = arith.addf %add3A_402, %get3A_413 : vector<16xf32>
      %get3A_415 = arith.constant 30 : i32
      %get3A_416 = arith.index_cast %get3A_415 : i32 to index
      %get3A_417 = arith.constant 16 : index
      %get3A_418 = tpu.vector_load %arg9[%get3A_416, %get3A_417] {strides = array<i32>} : memref<104x32xf32, #tpu.memory_space<vmem>>, vector<1x16xf32>,
      %get3A_419 = vector.shape_cast %get3A_418 : vector<1x16xf32> to vector<16xf32>
      %add3A_420 = arith.addf %add3A_408, %get3A_419 : vector<16xf32>
      %get3A_421 = arith.constant 31 : i32
      %get3A_422 = arith.index_cast %get3A_421 : i32 to index
      %get3A_423 = arith.constant 0 : index
      %get3A_424 = tpu.vector_load %arg9[%get3A_422, %get3A_423] {strides = array<i32>} : memref<104x32xf32, #tpu.memory_space<vmem>>, vector<1x16xf32>,
      %get3A_425 = vector.shape_cast %get3A_424 : vector<1x16xf32> to vector<16xf32>
      %add3A_426 = arith.addf %add3A_414, %get3A_425 : vector<16xf32>
      %get3A_427 = arith.constant 31 : i32
      %get3A_428 = arith.index_cast %get3A_427 : i32 to index
      %get3A_429 = arith.constant 16 : index
      %get3A_430 = tpu.vector_load %arg9[%get3A_428, %get3A_429] {strides = array<i32>} : memref<104x32xf32, #tpu.memory_space<vmem>>, vector<1x16xf32>,
      %get3A_431 = vector.shape_cast %get3A_430 : vector<1x16xf32> to vector<16xf32>
      %add3A_432 = arith.addf %add3A_420, %get3A_431 : vector<16xf32>
      %get3A_433 = arith.constant 32 : i32
      %get3A_434 = arith.index_cast %get3A_433 : i32 to index
      %get3A_435 = arith.constant 0 : index
      %get3A_436 = tpu.vector_load %arg9[%get3A_434, %get3A_435] {strides = array<i32>} : memref<104x32xf32, #tpu.memory_space<vmem>>, vector<1x16xf32>,
      %get3A_437 = vector.shape_cast %get3A_436 : vector<1x16xf32> to vector<16xf32>
      %add3A_438 = arith.addf %add3A_426, %get3A_437 : vector<16xf32>
      %get3A_439 = arith.constant 32 : i32
      %get3A_440 = arith.index_cast %get3A_439 : i32 to index
      %get3A_441 = arith.constant 16 : index
      %get3A_442 = tpu.vector_load %arg9[%get3A_440, %get3A_441] {strides = array<i32>} : memref<104x32xf32, #tpu.memory_space<vmem>>, vector<1x16xf32>,
      %get3A_443 = vector.shape_cast %get3A_442 : vector<1x16xf32> to vector<16xf32>
      %add3A_444 = arith.addf %add3A_432, %get3A_443 : vector<16xf32>
      %get3A_445 = arith.constant 33 : i32
      %get3A_446 = arith.index_cast %get3A_445 : i32 to index
      %get3A_447 = arith.constant 0 : index
      %get3A_448 = tpu.vector_load %arg9[%get3A_446, %get3A_447] {strides = array<i32>} : memref<104x32xf32, #tpu.memory_space<vmem>>, vector<1x16xf32>,
      %get3A_449 = vector.shape_cast %get3A_448 : vector<1x16xf32> to vector<16xf32>
      %add3A_450 = arith.addf %add3A_438, %get3A_449 : vector<16xf32>
      %get3A_451 = arith.constant 33 : i32
      %get3A_452 = arith.index_cast %get3A_451 : i32 to index
      %get3A_453 = arith.constant 16 : index
      %get3A_454 = tpu.vector_load %arg9[%get3A_452, %get3A_453] {strides = array<i32>} : memref<104x32xf32, #tpu.memory_space<vmem>>, vector<1x16xf32>,
      %get3A_455 = vector.shape_cast %get3A_454 : vector<1x16xf32> to vector<16xf32>
      %add3A_456 = arith.addf %add3A_444, %get3A_455 : vector<16xf32>
      %get3A_457 = arith.constant 34 : i32
      %get3A_458 = arith.index_cast %get3A_457 : i32 to index
      %get3A_459 = arith.constant 0 : index
      %get3A_460 = tpu.vector_load %arg9[%get3A_458, %get3A_459] {strides = array<i32>} : memref<104x32xf32, #tpu.memory_space<vmem>>, vector<1x16xf32>,
      %get3A_461 = vector.shape_cast %get3A_460 : vector<1x16xf32> to vector<16xf32>
      %add3A_462 = arith.addf %add3A_450, %get3A_461 : vector<16xf32>
      %get3A_463 = arith.constant 34 : i32
      %get3A_464 = arith.index_cast %get3A_463 : i32 to index
      %get3A_465 = arith.constant 16 : index
      %get3A_466 = tpu.vector_load %arg9[%get3A_464, %get3A_465] {strides = array<i32>} : memref<104x32xf32, #tpu.memory_space<vmem>>, vector<1x16xf32>,
      %get3A_467 = vector.shape_cast %get3A_466 : vector<1x16xf32> to vector<16xf32>
      %add3A_468 = arith.addf %add3A_456, %get3A_467 : vector<16xf32>
      %get3A_469 = arith.constant 35 : i32
      %get3A_470 = arith.index_cast %get3A_469 : i32 to index
      %get3A_471 = arith.constant 0 : index
      %get3A_472 = tpu.vector_load %arg9[%get3A_470, %get3A_471] {strides = array<i32>} : memref<104x32xf32, #tpu.memory_space<vmem>>, vector<1x16xf32>,
      %get3A_473 = vector.shape_cast %get3A_472 : vector<1x16xf32> to vector<16xf32>
      %add3A_474 = arith.addf %add3A_462, %get3A_473 : vector<16xf32>
      %get3A_475 = arith.constant 35 : i32
      %get3A_476 = arith.index_cast %get3A_475 : i32 to index
      %get3A_477 = arith.constant 16 : index
      %get3A_478 = tpu.vector_load %arg9[%get3A_476, %get3A_477] {strides = array<i32>} : memref<104x32xf32, #tpu.memory_space<vmem>>, vector<1x16xf32>,
      %get3A_479 = vector.shape_cast %get3A_478 : vector<1x16xf32> to vector<16xf32>
      %add3A_480 = arith.addf %add3A_468, %get3A_479 : vector<16xf32>
      %get3A_481 = arith.constant 36 : i32
      %get3A_482 = arith.index_cast %get3A_481 : i32 to index
      %get3A_483 = arith.constant 0 : index
      %get3A_484 = tpu.vector_load %arg9[%get3A_482, %get3A_483] {strides = array<i32>} : memref<104x32xf32, #tpu.memory_space<vmem>>, vector<1x16xf32>,
      %get3A_485 = vector.shape_cast %get3A_484 : vector<1x16xf32> to vector<16xf32>
      %add3A_486 = arith.addf %add3A_474, %get3A_485 : vector<16xf32>
      %get3A_487 = arith.constant 36 : i32
      %get3A_488 = arith.index_cast %get3A_487 : i32 to index
      %get3A_489 = arith.constant 16 : index
      %get3A_490 = tpu.vector_load %arg9[%get3A_488, %get3A_489] {strides = array<i32>} : memref<104x32xf32, #tpu.memory_space<vmem>>, vector<1x16xf32>,
      %get3A_491 = vector.shape_cast %get3A_490 : vector<1x16xf32> to vector<16xf32>
      %add3A_492 = arith.addf %add3A_480, %get3A_491 : vector<16xf32>
      %get3A_493 = arith.constant 37 : i32
      %get3A_494 = arith.index_cast %get3A_493 : i32 to index
      %get3A_495 = arith.constant 0 : index
      %get3A_496 = tpu.vector_load %arg9[%get3A_494, %get3A_495] {strides = array<i32>} : memref<104x32xf32, #tpu.memory_space<vmem>>, vector<1x16xf32>,
      %get3A_497 = vector.shape_cast %get3A_496 : vector<1x16xf32> to vector<16xf32>
      %add3A_498 = arith.addf %add3A_486, %get3A_497 : vector<16xf32>
      %get3A_499 = arith.constant 37 : i32
      %get3A_500 = arith.index_cast %get3A_499 : i32 to index
      %get3A_501 = arith.constant 16 : index
      %get3A_502 = tpu.vector_load %arg9[%get3A_500, %get3A_501] {strides = array<i32>} : memref<104x32xf32, #tpu.memory_space<vmem>>, vector<1x16xf32>,
      %get3A_503 = vector.shape_cast %get3A_502 : vector<1x16xf32> to vector<16xf32>
      %add3A_504 = arith.addf %add3A_492, %get3A_503 : vector<16xf32>
      %get3A_505 = arith.constant 38 : i32
      %get3A_506 = arith.index_cast %get3A_505 : i32 to index
      %get3A_507 = arith.constant 0 : index
      %get3A_508 = tpu.vector_load %arg9[%get3A_506, %get3A_507] {strides = array<i32>} : memref<104x32xf32, #tpu.memory_space<vmem>>, vector<1x16xf32>,
      %get3A_509 = vector.shape_cast %get3A_508 : vector<1x16xf32> to vector<16xf32>
      %add3A_510 = arith.addf %add3A_498, %get3A_509 : vector<16xf32>
      %get3A_511 = arith.constant 38 : i32
      %get3A_512 = arith.index_cast %get3A_511 : i32 to index
      %get3A_513 = arith.constant 16 : index
      %get3A_514 = tpu.vector_load %arg9[%get3A_512, %get3A_513] {strides = array<i32>} : memref<104x32xf32, #tpu.memory_space<vmem>>, vector<1x16xf32>,
      %get3A_515 = vector.shape_cast %get3A_514 : vector<1x16xf32> to vector<16xf32>
      %add3A_516 = arith.addf %add3A_504, %get3A_515 : vector<16xf32>
      %get3A_517 = arith.constant 39 : i32
      %get3A_518 = arith.index_cast %get3A_517 : i32 to index
      %get3A_519 = arith.constant 0 : index
      %get3A_520 = tpu.vector_load %arg9[%get3A_518, %get3A_519] {strides = array<i32>} : memref<104x32xf32, #tpu.memory_space<vmem>>, vector<1x16xf32>,
      %get3A_521 = vector.shape_cast %get3A_520 : vector<1x16xf32> to vector<16xf32>
      %add3A_522 = arith.addf %add3A_510, %get3A_521 : vector<16xf32>
      %get3A_523 = arith.constant 39 : i32
      %get3A_524 = arith.index_cast %get3A_523 : i32 to index
      %get3A_525 = arith.constant 16 : index
      %get3A_526 = tpu.vector_load %arg9[%get3A_524, %get3A_525] {strides = array<i32>} : memref<104x32xf32, #tpu.memory_space<vmem>>, vector<1x16xf32>,
      %get3A_527 = vector.shape_cast %get3A_526 : vector<1x16xf32> to vector<16xf32>
      %add3A_528 = arith.addf %add3A_516, %get3A_527 : vector<16xf32>
      %get3A_529 = arith.constant 40 : i32
      %get3A_530 = arith.index_cast %get3A_529 : i32 to index
      %get3A_531 = arith.constant 0 : index
      %get3A_532 = tpu.vector_load %arg9[%get3A_530, %get3A_531] {strides = array<i32>} : memref<104x32xf32, #tpu.memory_space<vmem>>, vector<1x16xf32>,
      %get3A_533 = vector.shape_cast %get3A_532 : vector<1x16xf32> to vector<16xf32>
      %add3A_534 = arith.addf %add3A_522, %get3A_533 : vector<16xf32>
      %get3A_535 = arith.constant 40 : i32
      %get3A_536 = arith.index_cast %get3A_535 : i32 to index
      %get3A_537 = arith.constant 16 : index
      %get3A_538 = tpu.vector_load %arg9[%get3A_536, %get3A_537] {strides = array<i32>} : memref<104x32xf32, #tpu.memory_space<vmem>>, vector<1x16xf32>,
      %get3A_539 = vector.shape_cast %get3A_538 : vector<1x16xf32> to vector<16xf32>
      %add3A_540 = arith.addf %add3A_528, %get3A_539 : vector<16xf32>
      %get3A_541 = arith.constant 41 : i32
      %get3A_542 = arith.index_cast %get3A_541 : i32 to index
      %get3A_543 = arith.constant 0 : index
      %get3A_544 = tpu.vector_load %arg9[%get3A_542, %get3A_543] {strides = array<i32>} : memref<104x32xf32, #tpu.memory_space<vmem>>, vector<1x16xf32>,
      %get3A_545 = vector.shape_cast %get3A_544 : vector<1x16xf32> to vector<16xf32>
      %add3A_546 = arith.addf %add3A_534, %get3A_545 : vector<16xf32>
      %get3A_547 = arith.constant 41 : i32
      %get3A_548 = arith.index_cast %get3A_547 : i32 to index
      %get3A_549 = arith.constant 16 : index
      %get3A_550 = tpu.vector_load %arg9[%get3A_548, %get3A_549] {strides = array<i32>} : memref<104x32xf32, #tpu.memory_space<vmem>>, vector<1x16xf32>,
      %get3A_551 = vector.shape_cast %get3A_550 : vector<1x16xf32> to vector<16xf32>
      %add3A_552 = arith.addf %add3A_540, %get3A_551 : vector<16xf32>
      %get3A_553 = arith.constant 42 : i32
      %get3A_554 = arith.index_cast %get3A_553 : i32 to index
      %get3A_555 = arith.constant 0 : index
      %get3A_556 = tpu.vector_load %arg9[%get3A_554, %get3A_555] {strides = array<i32>} : memref<104x32xf32, #tpu.memory_space<vmem>>, vector<1x16xf32>,
      %get3A_557 = vector.shape_cast %get3A_556 : vector<1x16xf32> to vector<16xf32>
      %add3A_558 = arith.addf %add3A_546, %get3A_557 : vector<16xf32>
      %get3A_559 = arith.constant 42 : i32
      %get3A_560 = arith.index_cast %get3A_559 : i32 to index
      %get3A_561 = arith.constant 16 : index
      %get3A_562 = tpu.vector_load %arg9[%get3A_560, %get3A_561] {strides = array<i32>} : memref<104x32xf32, #tpu.memory_space<vmem>>, vector<1x16xf32>,
      %get3A_563 = vector.shape_cast %get3A_562 : vector<1x16xf32> to vector<16xf32>
      %add3A_564 = arith.addf %add3A_552, %get3A_563 : vector<16xf32>
      %get3A_565 = arith.constant 43 : i32
      %get3A_566 = arith.index_cast %get3A_565 : i32 to index
      %get3A_567 = arith.constant 0 : index
      %get3A_568 = tpu.vector_load %arg9[%get3A_566, %get3A_567] {strides = array<i32>} : memref<104x32xf32, #tpu.memory_space<vmem>>, vector<1x16xf32>,
      %get3A_569 = vector.shape_cast %get3A_568 : vector<1x16xf32> to vector<16xf32>
      %add3A_570 = arith.addf %add3A_558, %get3A_569 : vector<16xf32>
      %get3A_571 = arith.constant 43 : i32
      %get3A_572 = arith.index_cast %get3A_571 : i32 to index
      %get3A_573 = arith.constant 16 : index
      %get3A_574 = tpu.vector_load %arg9[%get3A_572, %get3A_573] {strides = array<i32>} : memref<104x32xf32, #tpu.memory_space<vmem>>, vector<1x16xf32>,
      %get3A_575 = vector.shape_cast %get3A_574 : vector<1x16xf32> to vector<16xf32>
      %add3A_576 = arith.addf %add3A_564, %get3A_575 : vector<16xf32>
      %get3A_577 = arith.constant 44 : i32
      %get3A_578 = arith.index_cast %get3A_577 : i32 to index
      %get3A_579 = arith.constant 0 : index
      %get3A_580 = tpu.vector_load %arg9[%get3A_578, %get3A_579] {strides = array<i32>} : memref<104x32xf32, #tpu.memory_space<vmem>>, vector<1x16xf32>,
      %get3A_581 = vector.shape_cast %get3A_580 : vector<1x16xf32> to vector<16xf32>
      %add3A_582 = arith.addf %add3A_570, %get3A_581 : vector<16xf32>
      %get3A_583 = arith.constant 44 : i32
      %get3A_584 = arith.index_cast %get3A_583 : i32 to index
      %get3A_585 = arith.constant 16 : index
      %get3A_586 = tpu.vector_load %arg9[%get3A_584, %get3A_585] {strides = array<i32>} : memref<104x32xf32, #tpu.memory_space<vmem>>, vector<1x16xf32>,
      %get3A_587 = vector.shape_cast %get3A_586 : vector<1x16xf32> to vector<16xf32>
      %add3A_588 = arith.addf %add3A_576, %get3A_587 : vector<16xf32>
      %get3A_589 = arith.constant 45 : i32
      %get3A_590 = arith.index_cast %get3A_589 : i32 to index
      %get3A_591 = arith.constant 0 : index
      %get3A_592 = tpu.vector_load %arg9[%get3A_590, %get3A_591] {strides = array<i32>} : memref<104x32xf32, #tpu.memory_space<vmem>>, vector<1x16xf32>,
      %get3A_593 = vector.shape_cast %get3A_592 : vector<1x16xf32> to vector<16xf32>
      %add3A_594 = arith.addf %add3A_582, %get3A_593 : vector<16xf32>
      %get3A_595 = arith.constant 45 : i32
      %get3A_596 = arith.index_cast %get3A_595 : i32 to index
      %get3A_597 = arith.constant 16 : index
      %get3A_598 = tpu.vector_load %arg9[%get3A_596, %get3A_597] {strides = array<i32>} : memref<104x32xf32, #tpu.memory_space<vmem>>, vector<1x16xf32>,
      %get3A_599 = vector.shape_cast %get3A_598 : vector<1x16xf32> to vector<16xf32>
      %add3A_600 = arith.addf %add3A_588, %get3A_599 : vector<16xf32>
      %get3A_601 = arith.constant 46 : i32
      %get3A_602 = arith.index_cast %get3A_601 : i32 to index
      %get3A_603 = arith.constant 0 : index
      %get3A_604 = tpu.vector_load %arg9[%get3A_602, %get3A_603] {strides = array<i32>} : memref<104x32xf32, #tpu.memory_space<vmem>>, vector<1x16xf32>,
      %get3A_605 = vector.shape_cast %get3A_604 : vector<1x16xf32> to vector<16xf32>
      %add3A_606 = arith.addf %add3A_594, %get3A_605 : vector<16xf32>
      %get3A_607 = arith.constant 46 : i32
      %get3A_608 = arith.index_cast %get3A_607 : i32 to index
      %get3A_609 = arith.constant 16 : index
      %get3A_610 = tpu.vector_load %arg9[%get3A_608, %get3A_609] {strides = array<i32>} : memref<104x32xf32, #tpu.memory_space<vmem>>, vector<1x16xf32>,
      %get3A_611 = vector.shape_cast %get3A_610 : vector<1x16xf32> to vector<16xf32>
      %add3A_612 = arith.addf %add3A_600, %get3A_611 : vector<16xf32>
      %get3A_613 = arith.constant 47 : i32
      %get3A_614 = arith.index_cast %get3A_613 : i32 to index
      %get3A_615 = arith.constant 0 : index
      %get3A_616 = tpu.vector_load %arg9[%get3A_614, %get3A_615] {strides = array<i32>} : memref<104x32xf32, #tpu.memory_space<vmem>>, vector<1x16xf32>,
      %get3A_617 = vector.shape_cast %get3A_616 : vector<1x16xf32> to vector<16xf32>
      %add3A_618 = arith.addf %add3A_606, %get3A_617 : vector<16xf32>
      %get3A_619 = arith.constant 47 : i32
      %get3A_620 = arith.index_cast %get3A_619 : i32 to index
      %get3A_621 = arith.constant 16 : index
      %get3A_622 = tpu.vector_load %arg9[%get3A_620, %get3A_621] {strides = array<i32>} : memref<104x32xf32, #tpu.memory_space<vmem>>, vector<1x16xf32>,
      %get3A_623 = vector.shape_cast %get3A_622 : vector<1x16xf32> to vector<16xf32>
      %add3A_624 = arith.addf %add3A_612, %get3A_623 : vector<16xf32>
      %get3A_625 = arith.constant 48 : i32
      %get3A_626 = arith.index_cast %get3A_625 : i32 to index
      %get3A_627 = arith.constant 0 : index
      %get3A_628 = tpu.vector_load %arg9[%get3A_626, %get3A_627] {strides = array<i32>} : memref<104x32xf32, #tpu.memory_space<vmem>>, vector<1x16xf32>,
      %get3A_629 = vector.shape_cast %get3A_628 : vector<1x16xf32> to vector<16xf32>
      %add3A_630 = arith.addf %add3A_618, %get3A_629 : vector<16xf32>
      %get3A_631 = arith.constant 48 : i32
      %get3A_632 = arith.index_cast %get3A_631 : i32 to index
      %get3A_633 = arith.constant 16 : index
      %get3A_634 = tpu.vector_load %arg9[%get3A_632, %get3A_633] {strides = array<i32>} : memref<104x32xf32, #tpu.memory_space<vmem>>, vector<1x16xf32>,
      %get3A_635 = vector.shape_cast %get3A_634 : vector<1x16xf32> to vector<16xf32>
      %add3A_636 = arith.addf %add3A_624, %get3A_635 : vector<16xf32>
      %get3A_637 = arith.constant 49 : i32
      %get3A_638 = arith.index_cast %get3A_637 : i32 to index
      %get3A_639 = arith.constant 0 : index
      %get3A_640 = tpu.vector_load %arg9[%get3A_638, %get3A_639] {strides = array<i32>} : memref<104x32xf32, #tpu.memory_space<vmem>>, vector<1x16xf32>,
      %get3A_641 = vector.shape_cast %get3A_640 : vector<1x16xf32> to vector<16xf32>
      %add3A_642 = arith.addf %add3A_630, %get3A_641 : vector<16xf32>
      %get3A_643 = arith.constant 49 : i32
      %get3A_644 = arith.index_cast %get3A_643 : i32 to index
      %get3A_645 = arith.constant 16 : index
      %get3A_646 = tpu.vector_load %arg9[%get3A_644, %get3A_645] {strides = array<i32>} : memref<104x32xf32, #tpu.memory_space<vmem>>, vector<1x16xf32>,
      %get3A_647 = vector.shape_cast %get3A_646 : vector<1x16xf32> to vector<16xf32>
      %add3A_648 = arith.addf %add3A_636, %get3A_647 : vector<16xf32>
      %get3A_649 = arith.constant 50 : i32
      %get3A_650 = arith.index_cast %get3A_649 : i32 to index
      %get3A_651 = arith.constant 0 : index
      %get3A_652 = tpu.vector_load %arg9[%get3A_650, %get3A_651] {strides = array<i32>} : memref<104x32xf32, #tpu.memory_space<vmem>>, vector<1x16xf32>,
      %get3A_653 = vector.shape_cast %get3A_652 : vector<1x16xf32> to vector<16xf32>
      %add3A_654 = arith.addf %add3A_642, %get3A_653 : vector<16xf32>
      %get3A_655 = arith.constant 50 : i32
      %get3A_656 = arith.index_cast %get3A_655 : i32 to index
      %get3A_657 = arith.constant 16 : index
      %get3A_658 = tpu.vector_load %arg9[%get3A_656, %get3A_657] {strides = array<i32>} : memref<104x32xf32, #tpu.memory_space<vmem>>, vector<1x16xf32>,
      %get3A_659 = vector.shape_cast %get3A_658 : vector<1x16xf32> to vector<16xf32>
      %add3A_660 = arith.addf %add3A_648, %get3A_659 : vector<16xf32>
      %get3A_661 = arith.constant 51 : i32
      %get3A_662 = arith.index_cast %get3A_661 : i32 to index
      %get3A_663 = arith.constant 0 : index
      %get3A_664 = tpu.vector_load %arg9[%get3A_662, %get3A_663] {strides = array<i32>} : memref<104x32xf32, #tpu.memory_space<vmem>>, vector<1x16xf32>,
      %get3A_665 = vector.shape_cast %get3A_664 : vector<1x16xf32> to vector<16xf32>
      %add3A_666 = arith.addf %add3A_654, %get3A_665 : vector<16xf32>
      %get3A_667 = arith.constant 51 : i32
      %get3A_668 = arith.index_cast %get3A_667 : i32 to index
      %get3A_669 = arith.constant 16 : index
      %get3A_670 = tpu.vector_load %arg9[%get3A_668, %get3A_669] {strides = array<i32>} : memref<104x32xf32, #tpu.memory_space<vmem>>, vector<1x16xf32>,
      %get3A_671 = vector.shape_cast %get3A_670 : vector<1x16xf32> to vector<16xf32>
      %add3A_672 = arith.addf %add3A_660, %get3A_671 : vector<16xf32>
      %get3A_673 = arith.constant 52 : i32
      %get3A_674 = arith.index_cast %get3A_673 : i32 to index
      %get3A_675 = arith.constant 0 : index
      %get3A_676 = tpu.vector_load %arg9[%get3A_674, %get3A_675] {strides = array<i32>} : memref<104x32xf32, #tpu.memory_space<vmem>>, vector<1x16xf32>,
      %get3A_677 = vector.shape_cast %get3A_676 : vector<1x16xf32> to vector<16xf32>
      %add3A_678 = arith.addf %add3A_666, %get3A_677 : vector<16xf32>
      %get3A_679 = arith.constant 52 : i32
      %get3A_680 = arith.index_cast %get3A_679 : i32 to index
      %get3A_681 = arith.constant 16 : index
      %get3A_682 = tpu.vector_load %arg9[%get3A_680, %get3A_681] {strides = array<i32>} : memref<104x32xf32, #tpu.memory_space<vmem>>, vector<1x16xf32>,
      %get3A_683 = vector.shape_cast %get3A_682 : vector<1x16xf32> to vector<16xf32>
      %add3A_684 = arith.addf %add3A_672, %get3A_683 : vector<16xf32>
      %get3A_685 = arith.constant 53 : i32
      %get3A_686 = arith.index_cast %get3A_685 : i32 to index
      %get3A_687 = arith.constant 0 : index
      %get3A_688 = tpu.vector_load %arg9[%get3A_686, %get3A_687] {strides = array<i32>} : memref<104x32xf32, #tpu.memory_space<vmem>>, vector<1x16xf32>,
      %get3A_689 = vector.shape_cast %get3A_688 : vector<1x16xf32> to vector<16xf32>
      %add3A_690 = arith.addf %add3A_678, %get3A_689 : vector<16xf32>
      %get3A_691 = arith.constant 53 : i32
      %get3A_692 = arith.index_cast %get3A_691 : i32 to index
      %get3A_693 = arith.constant 16 : index
      %get3A_694 = tpu.vector_load %arg9[%get3A_692, %get3A_693] {strides = array<i32>} : memref<104x32xf32, #tpu.memory_space<vmem>>, vector<1x16xf32>,
      %get3A_695 = vector.shape_cast %get3A_694 : vector<1x16xf32> to vector<16xf32>
      %add3A_696 = arith.addf %add3A_684, %get3A_695 : vector<16xf32>
      %get3A_697 = arith.constant 54 : i32
      %get3A_698 = arith.index_cast %get3A_697 : i32 to index
      %get3A_699 = arith.constant 0 : index
      %get3A_700 = tpu.vector_load %arg9[%get3A_698, %get3A_699] {strides = array<i32>} : memref<104x32xf32, #tpu.memory_space<vmem>>, vector<1x16xf32>,
      %get3A_701 = vector.shape_cast %get3A_700 : vector<1x16xf32> to vector<16xf32>
      %add3A_702 = arith.addf %add3A_690, %get3A_701 : vector<16xf32>
      %get3A_703 = arith.constant 54 : i32
      %get3A_704 = arith.index_cast %get3A_703 : i32 to index
      %get3A_705 = arith.constant 16 : index
      %get3A_706 = tpu.vector_load %arg9[%get3A_704, %get3A_705] {strides = array<i32>} : memref<104x32xf32, #tpu.memory_space<vmem>>, vector<1x16xf32>,
      %get3A_707 = vector.shape_cast %get3A_706 : vector<1x16xf32> to vector<16xf32>
      %add3A_708 = arith.addf %add3A_696, %get3A_707 : vector<16xf32>
      %get3A_709 = arith.constant 55 : i32
      %get3A_710 = arith.index_cast %get3A_709 : i32 to index
      %get3A_711 = arith.constant 0 : index
      %get3A_712 = tpu.vector_load %arg9[%get3A_710, %get3A_711] {strides = array<i32>} : memref<104x32xf32, #tpu.memory_space<vmem>>, vector<1x16xf32>,
      %get3A_713 = vector.shape_cast %get3A_712 : vector<1x16xf32> to vector<16xf32>
      %add3A_714 = arith.addf %add3A_702, %get3A_713 : vector<16xf32>
      %get3A_715 = arith.constant 55 : i32
      %get3A_716 = arith.index_cast %get3A_715 : i32 to index
      %get3A_717 = arith.constant 16 : index
      %get3A_718 = tpu.vector_load %arg9[%get3A_716, %get3A_717] {strides = array<i32>} : memref<104x32xf32, #tpu.memory_space<vmem>>, vector<1x16xf32>,
      %get3A_719 = vector.shape_cast %get3A_718 : vector<1x16xf32> to vector<16xf32>
      %add3A_720 = arith.addf %add3A_708, %get3A_719 : vector<16xf32>
      %get3A_721 = arith.constant 56 : i32
      %get3A_722 = arith.index_cast %get3A_721 : i32 to index
      %get3A_723 = arith.constant 0 : index
      %get3A_724 = tpu.vector_load %arg9[%get3A_722, %get3A_723] {strides = array<i32>} : memref<104x32xf32, #tpu.memory_space<vmem>>, vector<1x16xf32>,
      %get3A_725 = vector.shape_cast %get3A_724 : vector<1x16xf32> to vector<16xf32>
      %add3A_726 = arith.addf %add3A_714, %get3A_725 : vector<16xf32>
      %get3A_727 = arith.constant 56 : i32
      %get3A_728 = arith.index_cast %get3A_727 : i32 to index
      %get3A_729 = arith.constant 16 : index
      %get3A_730 = tpu.vector_load %arg9[%get3A_728, %get3A_729] {strides = array<i32>} : memref<104x32xf32, #tpu.memory_space<vmem>>, vector<1x16xf32>,
      %get3A_731 = vector.shape_cast %get3A_730 : vector<1x16xf32> to vector<16xf32>
      %add3A_732 = arith.addf %add3A_720, %get3A_731 : vector<16xf32>
      %get3A_733 = arith.constant 57 : i32
      %get3A_734 = arith.index_cast %get3A_733 : i32 to index
      %get3A_735 = arith.constant 0 : index
      %get3A_736 = tpu.vector_load %arg9[%get3A_734, %get3A_735] {strides = array<i32>} : memref<104x32xf32, #tpu.memory_space<vmem>>, vector<1x16xf32>,
      %get3A_737 = vector.shape_cast %get3A_736 : vector<1x16xf32> to vector<16xf32>
      %add3A_738 = arith.addf %add3A_726, %get3A_737 : vector<16xf32>
      %get3A_739 = arith.constant 57 : i32
      %get3A_740 = arith.index_cast %get3A_739 : i32 to index
      %get3A_741 = arith.constant 16 : index
      %get3A_742 = tpu.vector_load %arg9[%get3A_740, %get3A_741] {strides = array<i32>} : memref<104x32xf32, #tpu.memory_space<vmem>>, vector<1x16xf32>,
      %get3A_743 = vector.shape_cast %get3A_742 : vector<1x16xf32> to vector<16xf32>
      %add3A_744 = arith.addf %add3A_732, %get3A_743 : vector<16xf32>
      %get3A_745 = arith.constant 58 : i32
      %get3A_746 = arith.index_cast %get3A_745 : i32 to index
      %get3A_747 = arith.constant 0 : index
      %get3A_748 = tpu.vector_load %arg9[%get3A_746, %get3A_747] {strides = array<i32>} : memref<104x32xf32, #tpu.memory_space<vmem>>, vector<1x16xf32>,
      %get3A_749 = vector.shape_cast %get3A_748 : vector<1x16xf32> to vector<16xf32>
      %add3A_750 = arith.addf %add3A_738, %get3A_749 : vector<16xf32>
      %get3A_751 = arith.constant 58 : i32
      %get3A_752 = arith.index_cast %get3A_751 : i32 to index
      %get3A_753 = arith.constant 16 : index
      %get3A_754 = tpu.vector_load %arg9[%get3A_752, %get3A_753] {strides = array<i32>} : memref<104x32xf32, #tpu.memory_space<vmem>>, vector<1x16xf32>,
      %get3A_755 = vector.shape_cast %get3A_754 : vector<1x16xf32> to vector<16xf32>
      %add3A_756 = arith.addf %add3A_744, %get3A_755 : vector<16xf32>
      %get3A_757 = arith.constant 59 : i32
      %get3A_758 = arith.index_cast %get3A_757 : i32 to index
      %get3A_759 = arith.constant 0 : index
      %get3A_760 = tpu.vector_load %arg9[%get3A_758, %get3A_759] {strides = array<i32>} : memref<104x32xf32, #tpu.memory_space<vmem>>, vector<1x16xf32>,
      %get3A_761 = vector.shape_cast %get3A_760 : vector<1x16xf32> to vector<16xf32>
      %add3A_762 = arith.addf %add3A_750, %get3A_761 : vector<16xf32>
      %get3A_763 = arith.constant 59 : i32
      %get3A_764 = arith.index_cast %get3A_763 : i32 to index
      %get3A_765 = arith.constant 16 : index
      %get3A_766 = tpu.vector_load %arg9[%get3A_764, %get3A_765] {strides = array<i32>} : memref<104x32xf32, #tpu.memory_space<vmem>>, vector<1x16xf32>,
      %get3A_767 = vector.shape_cast %get3A_766 : vector<1x16xf32> to vector<16xf32>
      %add3A_768 = arith.addf %add3A_756, %get3A_767 : vector<16xf32>
      %get3A_769 = arith.constant 60 : i32
      %get3A_770 = arith.index_cast %get3A_769 : i32 to index
      %get3A_771 = arith.constant 0 : index
      %get3A_772 = tpu.vector_load %arg9[%get3A_770, %get3A_771] {strides = array<i32>} : memref<104x32xf32, #tpu.memory_space<vmem>>, vector<1x16xf32>,
      %get3A_773 = vector.shape_cast %get3A_772 : vector<1x16xf32> to vector<16xf32>
      %add3A_774 = arith.addf %add3A_762, %get3A_773 : vector<16xf32>
      %get3A_775 = arith.constant 60 : i32
      %get3A_776 = arith.index_cast %get3A_775 : i32 to index
      %get3A_777 = arith.constant 16 : index
      %get3A_778 = tpu.vector_load %arg9[%get3A_776, %get3A_777] {strides = array<i32>} : memref<104x32xf32, #tpu.memory_space<vmem>>, vector<1x16xf32>,
      %get3A_779 = vector.shape_cast %get3A_778 : vector<1x16xf32> to vector<16xf32>
      %add3A_780 = arith.addf %add3A_768, %get3A_779 : vector<16xf32>
      %get3A_781 = arith.constant 61 : i32
      %get3A_782 = arith.index_cast %get3A_781 : i32 to index
      %get3A_783 = arith.constant 0 : index
      %get3A_784 = tpu.vector_load %arg9[%get3A_782, %get3A_783] {strides = array<i32>} : memref<104x32xf32, #tpu.memory_space<vmem>>, vector<1x16xf32>,
      %get3A_785 = vector.shape_cast %get3A_784 : vector<1x16xf32> to vector<16xf32>
      %add3A_786 = arith.addf %add3A_774, %get3A_785 : vector<16xf32>
      %get3A_787 = arith.constant 61 : i32
      %get3A_788 = arith.index_cast %get3A_787 : i32 to index
      %get3A_789 = arith.constant 16 : index
      %get3A_790 = tpu.vector_load %arg9[%get3A_788, %get3A_789] {strides = array<i32>} : memref<104x32xf32, #tpu.memory_space<vmem>>, vector<1x16xf32>,
      %get3A_791 = vector.shape_cast %get3A_790 : vector<1x16xf32> to vector<16xf32>
      %add3A_792 = arith.addf %add3A_780, %get3A_791 : vector<16xf32>
      %get3A_793 = arith.constant 62 : i32
      %get3A_794 = arith.index_cast %get3A_793 : i32 to index
      %get3A_795 = arith.constant 0 : index
      %get3A_796 = tpu.vector_load %arg9[%get3A_794, %get3A_795] {strides = array<i32>} : memref<104x32xf32, #tpu.memory_space<vmem>>, vector<1x16xf32>,
      %get3A_797 = vector.shape_cast %get3A_796 : vector<1x16xf32> to vector<16xf32>
      %add3A_798 = arith.addf %add3A_786, %get3A_797 : vector<16xf32>
      %get3A_799 = arith.constant 62 : i32
      %get3A_800 = arith.index_cast %get3A_799 : i32 to index
      %get3A_801 = arith.constant 16 : index
      %get3A_802 = tpu.vector_load %arg9[%get3A_800, %get3A_801] {strides = array<i32>} : memref<104x32xf32, #tpu.memory_space<vmem>>, vector<1x16xf32>,
      %get3A_803 = vector.shape_cast %get3A_802 : vector<1x16xf32> to vector<16xf32>
      %add3A_804 = arith.addf %add3A_792, %get3A_803 : vector<16xf32>
      %get3A_805 = arith.constant 63 : i32
      %get3A_806 = arith.index_cast %get3A_805 : i32 to index
      %get3A_807 = arith.constant 0 : index
      %get3A_808 = tpu.vector_load %arg9[%get3A_806, %get3A_807] {strides = array<i32>} : memref<104x32xf32, #tpu.memory_space<vmem>>, vector<1x16xf32>,
      %get3A_809 = vector.shape_cast %get3A_808 : vector<1x16xf32> to vector<16xf32>
      %add3A_810 = arith.addf %add3A_798, %get3A_809 : vector<16xf32>
      %get3A_811 = arith.constant 63 : i32
      %get3A_812 = arith.index_cast %get3A_811 : i32 to index
      %get3A_813 = arith.constant 16 : index
      %get3A_814 = tpu.vector_load %arg9[%get3A_812, %get3A_813] {strides = array<i32>} : memref<104x32xf32, #tpu.memory_space<vmem>>, vector<1x16xf32>,
      %get3A_815 = vector.shape_cast %get3A_814 : vector<1x16xf32> to vector<16xf32>
      %add3A_816 = arith.addf %add3A_804, %get3A_815 : vector<16xf32>
      %get3A_817 = arith.constant 64 : i32
      %get3A_818 = arith.index_cast %get3A_817 : i32 to index
      %get3A_819 = arith.constant 0 : index
      %get3A_820 = tpu.vector_load %arg9[%get3A_818, %get3A_819] {strides = array<i32>} : memref<104x32xf32, #tpu.memory_space<vmem>>, vector<1x16xf32>,
      %get3A_821 = vector.shape_cast %get3A_820 : vector<1x16xf32> to vector<16xf32>
      %add3A_822 = arith.addf %add3A_810, %get3A_821 : vector<16xf32>
      %get3A_823 = arith.constant 64 : i32
      %get3A_824 = arith.index_cast %get3A_823 : i32 to index
      %get3A_825 = arith.constant 16 : index
      %get3A_826 = tpu.vector_load %arg9[%get3A_824, %get3A_825] {strides = array<i32>} : memref<104x32xf32, #tpu.memory_space<vmem>>, vector<1x16xf32>,
      %get3A_827 = vector.shape_cast %get3A_826 : vector<1x16xf32> to vector<16xf32>
      %add3A_828 = arith.addf %add3A_816, %get3A_827 : vector<16xf32>
      %get3A_829 = arith.constant 65 : i32
      %get3A_830 = arith.index_cast %get3A_829 : i32 to index
      %get3A_831 = arith.constant 0 : index
      %get3A_832 = tpu.vector_load %arg9[%get3A_830, %get3A_831] {strides = array<i32>} : memref<104x32xf32, #tpu.memory_space<vmem>>, vector<1x16xf32>,
      %get3A_833 = vector.shape_cast %get3A_832 : vector<1x16xf32> to vector<16xf32>
      %add3A_834 = arith.addf %add3A_822, %get3A_833 : vector<16xf32>
      %get3A_835 = arith.constant 65 : i32
      %get3A_836 = arith.index_cast %get3A_835 : i32 to index
      %get3A_837 = arith.constant 16 : index
      %get3A_838 = tpu.vector_load %arg9[%get3A_836, %get3A_837] {strides = array<i32>} : memref<104x32xf32, #tpu.memory_space<vmem>>, vector<1x16xf32>,
      %get3A_839 = vector.shape_cast %get3A_838 : vector<1x16xf32> to vector<16xf32>
      %add3A_840 = arith.addf %add3A_828, %get3A_839 : vector<16xf32>
      %get3A_841 = arith.constant 66 : i32
      %get3A_842 = arith.index_cast %get3A_841 : i32 to index
      %get3A_843 = arith.constant 0 : index
      %get3A_844 = tpu.vector_load %arg9[%get3A_842, %get3A_843] {strides = array<i32>} : memref<104x32xf32, #tpu.memory_space<vmem>>, vector<1x16xf32>,
      %get3A_845 = vector.shape_cast %get3A_844 : vector<1x16xf32> to vector<16xf32>
      %add3A_846 = arith.addf %add3A_834, %get3A_845 : vector<16xf32>
      %get3A_847 = arith.constant 66 : i32
      %get3A_848 = arith.index_cast %get3A_847 : i32 to index
      %get3A_849 = arith.constant 16 : index
      %get3A_850 = tpu.vector_load %arg9[%get3A_848, %get3A_849] {strides = array<i32>} : memref<104x32xf32, #tpu.memory_space<vmem>>, vector<1x16xf32>,
      %get3A_851 = vector.shape_cast %get3A_850 : vector<1x16xf32> to vector<16xf32>
      %add3A_852 = arith.addf %add3A_840, %get3A_851 : vector<16xf32>
      %get3A_853 = arith.constant 67 : i32
      %get3A_854 = arith.index_cast %get3A_853 : i32 to index
      %get3A_855 = arith.constant 0 : index
      %get3A_856 = tpu.vector_load %arg9[%get3A_854, %get3A_855] {strides = array<i32>} : memref<104x32xf32, #tpu.memory_space<vmem>>, vector<1x16xf32>,
      %get3A_857 = vector.shape_cast %get3A_856 : vector<1x16xf32> to vector<16xf32>
      %add3A_858 = arith.addf %add3A_846, %get3A_857 : vector<16xf32>
      %get3A_859 = arith.constant 67 : i32
      %get3A_860 = arith.index_cast %get3A_859 : i32 to index
      %get3A_861 = arith.constant 16 : index
      %get3A_862 = tpu.vector_load %arg9[%get3A_860, %get3A_861] {strides = array<i32>} : memref<104x32xf32, #tpu.memory_space<vmem>>, vector<1x16xf32>,
      %get3A_863 = vector.shape_cast %get3A_862 : vector<1x16xf32> to vector<16xf32>
      %add3A_864 = arith.addf %add3A_852, %get3A_863 : vector<16xf32>
      %get3A_865 = arith.constant 68 : i32
      %get3A_866 = arith.index_cast %get3A_865 : i32 to index
      %get3A_867 = arith.constant 0 : index
      %get3A_868 = tpu.vector_load %arg9[%get3A_866, %get3A_867] {strides = array<i32>} : memref<104x32xf32, #tpu.memory_space<vmem>>, vector<1x16xf32>,
      %get3A_869 = vector.shape_cast %get3A_868 : vector<1x16xf32> to vector<16xf32>
      %add3A_870 = arith.addf %add3A_858, %get3A_869 : vector<16xf32>
      %get3A_871 = arith.constant 68 : i32
      %get3A_872 = arith.index_cast %get3A_871 : i32 to index
      %get3A_873 = arith.constant 16 : index
      %get3A_874 = tpu.vector_load %arg9[%get3A_872, %get3A_873] {strides = array<i32>} : memref<104x32xf32, #tpu.memory_space<vmem>>, vector<1x16xf32>,
      %get3A_875 = vector.shape_cast %get3A_874 : vector<1x16xf32> to vector<16xf32>
      %add3A_876 = arith.addf %add3A_864, %get3A_875 : vector<16xf32>
      %get3A_877 = arith.constant 69 : i32
      %get3A_878 = arith.index_cast %get3A_877 : i32 to index
      %get3A_879 = arith.constant 0 : index
      %get3A_880 = tpu.vector_load %arg9[%get3A_878, %get3A_879] {strides = array<i32>} : memref<104x32xf32, #tpu.memory_space<vmem>>, vector<1x16xf32>,
      %get3A_881 = vector.shape_cast %get3A_880 : vector<1x16xf32> to vector<16xf32>
      %add3A_882 = arith.addf %add3A_870, %get3A_881 : vector<16xf32>
      %get3A_883 = arith.constant 69 : i32
      %get3A_884 = arith.index_cast %get3A_883 : i32 to index
      %get3A_885 = arith.constant 16 : index
      %get3A_886 = tpu.vector_load %arg9[%get3A_884, %get3A_885] {strides = array<i32>} : memref<104x32xf32, #tpu.memory_space<vmem>>, vector<1x16xf32>,
      %get3A_887 = vector.shape_cast %get3A_886 : vector<1x16xf32> to vector<16xf32>
      %add3A_888 = arith.addf %add3A_876, %get3A_887 : vector<16xf32>
      %get3A_889 = arith.constant 70 : i32
      %get3A_890 = arith.index_cast %get3A_889 : i32 to index
      %get3A_891 = arith.constant 0 : index
      %get3A_892 = tpu.vector_load %arg9[%get3A_890, %get3A_891] {strides = array<i32>} : memref<104x32xf32, #tpu.memory_space<vmem>>, vector<1x16xf32>,
      %get3A_893 = vector.shape_cast %get3A_892 : vector<1x16xf32> to vector<16xf32>
      %add3A_894 = arith.addf %add3A_882, %get3A_893 : vector<16xf32>
      %get3A_895 = arith.constant 70 : i32
      %get3A_896 = arith.index_cast %get3A_895 : i32 to index
      %get3A_897 = arith.constant 16 : index
      %get3A_898 = tpu.vector_load %arg9[%get3A_896, %get3A_897] {strides = array<i32>} : memref<104x32xf32, #tpu.memory_space<vmem>>, vector<1x16xf32>,
      %get3A_899 = vector.shape_cast %get3A_898 : vector<1x16xf32> to vector<16xf32>
      %add3A_900 = arith.addf %add3A_888, %get3A_899 : vector<16xf32>
      %get3A_901 = arith.constant 71 : i32
      %get3A_902 = arith.index_cast %get3A_901 : i32 to index
      %get3A_903 = arith.constant 0 : index
      %get3A_904 = tpu.vector_load %arg9[%get3A_902, %get3A_903] {strides = array<i32>} : memref<104x32xf32, #tpu.memory_space<vmem>>, vector<1x16xf32>,
      %get3A_905 = vector.shape_cast %get3A_904 : vector<1x16xf32> to vector<16xf32>
      %add3A_906 = arith.addf %add3A_894, %get3A_905 : vector<16xf32>
      %get3A_907 = arith.constant 71 : i32
      %get3A_908 = arith.index_cast %get3A_907 : i32 to index
      %get3A_909 = arith.constant 16 : index
      %get3A_910 = tpu.vector_load %arg9[%get3A_908, %get3A_909] {strides = array<i32>} : memref<104x32xf32, #tpu.memory_space<vmem>>, vector<1x16xf32>,
      %get3A_911 = vector.shape_cast %get3A_910 : vector<1x16xf32> to vector<16xf32>
      %add3A_912 = arith.addf %add3A_900, %get3A_911 : vector<16xf32>
      %get3A_913 = arith.constant 72 : i32
      %get3A_914 = arith.index_cast %get3A_913 : i32 to index
      %get3A_915 = arith.constant 0 : index
      %get3A_916 = tpu.vector_load %arg9[%get3A_914, %get3A_915] {strides = array<i32>} : memref<104x32xf32, #tpu.memory_space<vmem>>, vector<1x16xf32>,
      %get3A_917 = vector.shape_cast %get3A_916 : vector<1x16xf32> to vector<16xf32>
      %add3A_918 = arith.addf %add3A_906, %get3A_917 : vector<16xf32>
      %get3A_919 = arith.constant 72 : i32
      %get3A_920 = arith.index_cast %get3A_919 : i32 to index
      %get3A_921 = arith.constant 16 : index
      %get3A_922 = tpu.vector_load %arg9[%get3A_920, %get3A_921] {strides = array<i32>} : memref<104x32xf32, #tpu.memory_space<vmem>>, vector<1x16xf32>,
      %get3A_923 = vector.shape_cast %get3A_922 : vector<1x16xf32> to vector<16xf32>
      %add3A_924 = arith.addf %add3A_912, %get3A_923 : vector<16xf32>
      %get3A_925 = arith.constant 73 : i32
      %get3A_926 = arith.index_cast %get3A_925 : i32 to index
      %get3A_927 = arith.constant 0 : index
      %get3A_928 = tpu.vector_load %arg9[%get3A_926, %get3A_927] {strides = array<i32>} : memref<104x32xf32, #tpu.memory_space<vmem>>, vector<1x16xf32>,
      %get3A_929 = vector.shape_cast %get3A_928 : vector<1x16xf32> to vector<16xf32>
      %add3A_930 = arith.addf %add3A_918, %get3A_929 : vector<16xf32>
      %get3A_931 = arith.constant 73 : i32
      %get3A_932 = arith.index_cast %get3A_931 : i32 to index
      %get3A_933 = arith.constant 16 : index
      %get3A_934 = tpu.vector_load %arg9[%get3A_932, %get3A_933] {strides = array<i32>} : memref<104x32xf32, #tpu.memory_space<vmem>>, vector<1x16xf32>,
      %get3A_935 = vector.shape_cast %get3A_934 : vector<1x16xf32> to vector<16xf32>
      %add3A_936 = arith.addf %add3A_924, %get3A_935 : vector<16xf32>
      %get3A_937 = arith.constant 74 : i32
      %get3A_938 = arith.index_cast %get3A_937 : i32 to index
      %get3A_939 = arith.constant 0 : index
      %get3A_940 = tpu.vector_load %arg9[%get3A_938, %get3A_939] {strides = array<i32>} : memref<104x32xf32, #tpu.memory_space<vmem>>, vector<1x16xf32>,
      %get3A_941 = vector.shape_cast %get3A_940 : vector<1x16xf32> to vector<16xf32>
      %add3A_942 = arith.addf %add3A_930, %get3A_941 : vector<16xf32>
      %get3A_943 = arith.constant 74 : i32
      %get3A_944 = arith.index_cast %get3A_943 : i32 to index
      %get3A_945 = arith.constant 16 : index
      %get3A_946 = tpu.vector_load %arg9[%get3A_944, %get3A_945] {strides = array<i32>} : memref<104x32xf32, #tpu.memory_space<vmem>>, vector<1x16xf32>,
      %get3A_947 = vector.shape_cast %get3A_946 : vector<1x16xf32> to vector<16xf32>
      %add3A_948 = arith.addf %add3A_936, %get3A_947 : vector<16xf32>
      %get3A_949 = arith.constant 75 : i32
      %get3A_950 = arith.index_cast %get3A_949 : i32 to index
      %get3A_951 = arith.constant 0 : index
      %get3A_952 = tpu.vector_load %arg9[%get3A_950, %get3A_951] {strides = array<i32>} : memref<104x32xf32, #tpu.memory_space<vmem>>, vector<1x16xf32>,
      %get3A_953 = vector.shape_cast %get3A_952 : vector<1x16xf32> to vector<16xf32>
      %add3A_954 = arith.addf %add3A_942, %get3A_953 : vector<16xf32>
      %get3A_955 = arith.constant 75 : i32
      %get3A_956 = arith.index_cast %get3A_955 : i32 to index
      %get3A_957 = arith.constant 16 : index
      %get3A_958 = tpu.vector_load %arg9[%get3A_956, %get3A_957] {strides = array<i32>} : memref<104x32xf32, #tpu.memory_space<vmem>>, vector<1x16xf32>,
      %get3A_959 = vector.shape_cast %get3A_958 : vector<1x16xf32> to vector<16xf32>
      %add3A_960 = arith.addf %add3A_948, %get3A_959 : vector<16xf32>
      %get3A_961 = arith.constant 76 : i32
      %get3A_962 = arith.index_cast %get3A_961 : i32 to index
      %get3A_963 = arith.constant 0 : index
      %get3A_964 = tpu.vector_load %arg9[%get3A_962, %get3A_963] {strides = array<i32>} : memref<104x32xf32, #tpu.memory_space<vmem>>, vector<1x16xf32>,
      %get3A_965 = vector.shape_cast %get3A_964 : vector<1x16xf32> to vector<16xf32>
      %add3A_966 = arith.addf %add3A_954, %get3A_965 : vector<16xf32>
      %get3A_967 = arith.constant 76 : i32
      %get3A_968 = arith.index_cast %get3A_967 : i32 to index
      %get3A_969 = arith.constant 16 : index
      %get3A_970 = tpu.vector_load %arg9[%get3A_968, %get3A_969] {strides = array<i32>} : memref<104x32xf32, #tpu.memory_space<vmem>>, vector<1x16xf32>,
      %get3A_971 = vector.shape_cast %get3A_970 : vector<1x16xf32> to vector<16xf32>
      %add3A_972 = arith.addf %add3A_960, %get3A_971 : vector<16xf32>
      %get3A_973 = arith.constant 77 : i32
      %get3A_974 = arith.index_cast %get3A_973 : i32 to index
      %get3A_975 = arith.constant 0 : index
      %get3A_976 = tpu.vector_load %arg9[%get3A_974, %get3A_975] {strides = array<i32>} : memref<104x32xf32, #tpu.memory_space<vmem>>, vector<1x16xf32>,
      %get3A_977 = vector.shape_cast %get3A_976 : vector<1x16xf32> to vector<16xf32>
      %add3A_978 = arith.addf %add3A_966, %get3A_977 : vector<16xf32>
      %get3A_979 = arith.constant 77 : i32
      %get3A_980 = arith.index_cast %get3A_979 : i32 to index
      %get3A_981 = arith.constant 16 : index
      %get3A_982 = tpu.vector_load %arg9[%get3A_980, %get3A_981] {strides = array<i32>} : memref<104x32xf32, #tpu.memory_space<vmem>>, vector<1x16xf32>,
      %get3A_983 = vector.shape_cast %get3A_982 : vector<1x16xf32> to vector<16xf32>
      %add3A_984 = arith.addf %add3A_972, %get3A_983 : vector<16xf32>
      %get3A_985 = arith.constant 78 : i32
      %get3A_986 = arith.index_cast %get3A_985 : i32 to index
      %get3A_987 = arith.constant 0 : index
      %get3A_988 = tpu.vector_load %arg9[%get3A_986, %get3A_987] {strides = array<i32>} : memref<104x32xf32, #tpu.memory_space<vmem>>, vector<1x16xf32>,
      %get3A_989 = vector.shape_cast %get3A_988 : vector<1x16xf32> to vector<16xf32>
      %add3A_990 = arith.addf %add3A_978, %get3A_989 : vector<16xf32>
      %get3A_991 = arith.constant 78 : i32
      %get3A_992 = arith.index_cast %get3A_991 : i32 to index
      %get3A_993 = arith.constant 16 : index
      %get3A_994 = tpu.vector_load %arg9[%get3A_992, %get3A_993] {strides = array<i32>} : memref<104x32xf32, #tpu.memory_space<vmem>>, vector<1x16xf32>,
      %get3A_995 = vector.shape_cast %get3A_994 : vector<1x16xf32> to vector<16xf32>
      %add3A_996 = arith.addf %add3A_984, %get3A_995 : vector<16xf32>
      %get3A_997 = arith.constant 79 : i32
      %get3A_998 = arith.index_cast %get3A_997 : i32 to index
      %get3A_999 = arith.constant 0 : index
      %get3A_1000 = tpu.vector_load %arg9[%get3A_998, %get3A_999] {strides = array<i32>} : memref<104x32xf32, #tpu.memory_space<vmem>>, vector<1x16xf32>,
      %get3A_1001 = vector.shape_cast %get3A_1000 : vector<1x16xf32> to vector<16xf32>
      %add3A_1002 = arith.addf %add3A_990, %get3A_1001 : vector<16xf32>
      %get3A_1003 = arith.constant 79 : i32
      %get3A_1004 = arith.index_cast %get3A_1003 : i32 to index
      %get3A_1005 = arith.constant 16 : index
      %get3A_1006 = tpu.vector_load %arg9[%get3A_1004, %get3A_1005] {strides = array<i32>} : memref<104x32xf32, #tpu.memory_space<vmem>>, vector<1x16xf32>,
      %get3A_1007 = vector.shape_cast %get3A_1006 : vector<1x16xf32> to vector<16xf32>
      %add3A_1008 = arith.addf %add3A_996, %get3A_1007 : vector<16xf32>
      %get3A_1009 = arith.constant 80 : i32
      %get3A_1010 = arith.index_cast %get3A_1009 : i32 to index
      %get3A_1011 = arith.constant 0 : index
      %get3A_1012 = tpu.vector_load %arg9[%get3A_1010, %get3A_1011] {strides = array<i32>} : memref<104x32xf32, #tpu.memory_space<vmem>>, vector<1x16xf32>,
      %get3A_1013 = vector.shape_cast %get3A_1012 : vector<1x16xf32> to vector<16xf32>
      %add3A_1014 = arith.addf %add3A_1002, %get3A_1013 : vector<16xf32>
      %get3A_1015 = arith.constant 80 : i32
      %get3A_1016 = arith.index_cast %get3A_1015 : i32 to index
      %get3A_1017 = arith.constant 16 : index
      %get3A_1018 = tpu.vector_load %arg9[%get3A_1016, %get3A_1017] {strides = array<i32>} : memref<104x32xf32, #tpu.memory_space<vmem>>, vector<1x16xf32>,
      %get3A_1019 = vector.shape_cast %get3A_1018 : vector<1x16xf32> to vector<16xf32>
      %add3A_1020 = arith.addf %add3A_1008, %get3A_1019 : vector<16xf32>
      %get3A_1021 = arith.constant 81 : i32
      %get3A_1022 = arith.index_cast %get3A_1021 : i32 to index
      %get3A_1023 = arith.constant 0 : index
      %get3A_1024 = tpu.vector_load %arg9[%get3A_1022, %get3A_1023] {strides = array<i32>} : memref<104x32xf32, #tpu.memory_space<vmem>>, vector<1x16xf32>,
      %get3A_1025 = vector.shape_cast %get3A_1024 : vector<1x16xf32> to vector<16xf32>
      %add3A_1026 = arith.addf %add3A_1014, %get3A_1025 : vector<16xf32>
      %get3A_1027 = arith.constant 81 : i32
      %get3A_1028 = arith.index_cast %get3A_1027 : i32 to index
      %get3A_1029 = arith.constant 16 : index
      %get3A_1030 = tpu.vector_load %arg9[%get3A_1028, %get3A_1029] {strides = array<i32>} : memref<104x32xf32, #tpu.memory_space<vmem>>, vector<1x16xf32>,
      %get3A_1031 = vector.shape_cast %get3A_1030 : vector<1x16xf32> to vector<16xf32>
      %add3A_1032 = arith.addf %add3A_1020, %get3A_1031 : vector<16xf32>
      %get3A_1033 = arith.constant 82 : i32
      %get3A_1034 = arith.index_cast %get3A_1033 : i32 to index
      %get3A_1035 = arith.constant 0 : index
      %get3A_1036 = tpu.vector_load %arg9[%get3A_1034, %get3A_1035] {strides = array<i32>} : memref<104x32xf32, #tpu.memory_space<vmem>>, vector<1x16xf32>,
      %get3A_1037 = vector.shape_cast %get3A_1036 : vector<1x16xf32> to vector<16xf32>
      %add3A_1038 = arith.addf %add3A_1026, %get3A_1037 : vector<16xf32>
      %get3A_1039 = arith.constant 82 : i32
      %get3A_1040 = arith.index_cast %get3A_1039 : i32 to index
      %get3A_1041 = arith.constant 16 : index
      %get3A_1042 = tpu.vector_load %arg9[%get3A_1040, %get3A_1041] {strides = array<i32>} : memref<104x32xf32, #tpu.memory_space<vmem>>, vector<1x16xf32>,
      %get3A_1043 = vector.shape_cast %get3A_1042 : vector<1x16xf32> to vector<16xf32>
      %add3A_1044 = arith.addf %add3A_1032, %get3A_1043 : vector<16xf32>
      %get3A_1045 = arith.constant 83 : i32
      %get3A_1046 = arith.index_cast %get3A_1045 : i32 to index
      %get3A_1047 = arith.constant 0 : index
      %get3A_1048 = tpu.vector_load %arg9[%get3A_1046, %get3A_1047] {strides = array<i32>} : memref<104x32xf32, #tpu.memory_space<vmem>>, vector<1x16xf32>,
      %get3A_1049 = vector.shape_cast %get3A_1048 : vector<1x16xf32> to vector<16xf32>
      %add3A_1050 = arith.addf %add3A_1038, %get3A_1049 : vector<16xf32>
      %get3A_1051 = arith.constant 83 : i32
      %get3A_1052 = arith.index_cast %get3A_1051 : i32 to index
      %get3A_1053 = arith.constant 16 : index
      %get3A_1054 = tpu.vector_load %arg9[%get3A_1052, %get3A_1053] {strides = array<i32>} : memref<104x32xf32, #tpu.memory_space<vmem>>, vector<1x16xf32>,
      %get3A_1055 = vector.shape_cast %get3A_1054 : vector<1x16xf32> to vector<16xf32>
      %add3A_1056 = arith.addf %add3A_1044, %get3A_1055 : vector<16xf32>
      %get3A_1057 = arith.constant 84 : i32
      %get3A_1058 = arith.index_cast %get3A_1057 : i32 to index
      %get3A_1059 = arith.constant 0 : index
      %get3A_1060 = tpu.vector_load %arg9[%get3A_1058, %get3A_1059] {strides = array<i32>} : memref<104x32xf32, #tpu.memory_space<vmem>>, vector<1x16xf32>,
      %get3A_1061 = vector.shape_cast %get3A_1060 : vector<1x16xf32> to vector<16xf32>
      %add3A_1062 = arith.addf %add3A_1050, %get3A_1061 : vector<16xf32>
      %get3A_1063 = arith.constant 84 : i32
      %get3A_1064 = arith.index_cast %get3A_1063 : i32 to index
      %get3A_1065 = arith.constant 16 : index
      %get3A_1066 = tpu.vector_load %arg9[%get3A_1064, %get3A_1065] {strides = array<i32>} : memref<104x32xf32, #tpu.memory_space<vmem>>, vector<1x16xf32>,
      %get3A_1067 = vector.shape_cast %get3A_1066 : vector<1x16xf32> to vector<16xf32>
      %add3A_1068 = arith.addf %add3A_1056, %get3A_1067 : vector<16xf32>
      %get3A_1069 = arith.constant 85 : i32
      %get3A_1070 = arith.index_cast %get3A_1069 : i32 to index
      %get3A_1071 = arith.constant 0 : index
      %get3A_1072 = tpu.vector_load %arg9[%get3A_1070, %get3A_1071] {strides = array<i32>} : memref<104x32xf32, #tpu.memory_space<vmem>>, vector<1x16xf32>,
      %get3A_1073 = vector.shape_cast %get3A_1072 : vector<1x16xf32> to vector<16xf32>
      %add3A_1074 = arith.addf %add3A_1062, %get3A_1073 : vector<16xf32>
      %get3A_1075 = arith.constant 85 : i32
      %get3A_1076 = arith.index_cast %get3A_1075 : i32 to index
      %get3A_1077 = arith.constant 16 : index
      %get3A_1078 = tpu.vector_load %arg9[%get3A_1076, %get3A_1077] {strides = array<i32>} : memref<104x32xf32, #tpu.memory_space<vmem>>, vector<1x16xf32>,
      %get3A_1079 = vector.shape_cast %get3A_1078 : vector<1x16xf32> to vector<16xf32>
      %add3A_1080 = arith.addf %add3A_1068, %get3A_1079 : vector<16xf32>
      %get3A_1081 = arith.constant 86 : i32
      %get3A_1082 = arith.index_cast %get3A_1081 : i32 to index
      %get3A_1083 = arith.constant 0 : index
      %get3A_1084 = tpu.vector_load %arg9[%get3A_1082, %get3A_1083] {strides = array<i32>} : memref<104x32xf32, #tpu.memory_space<vmem>>, vector<1x16xf32>,
      %get3A_1085 = vector.shape_cast %get3A_1084 : vector<1x16xf32> to vector<16xf32>
      %add3A_1086 = arith.addf %add3A_1074, %get3A_1085 : vector<16xf32>
      %get3A_1087 = arith.constant 86 : i32
      %get3A_1088 = arith.index_cast %get3A_1087 : i32 to index
      %get3A_1089 = arith.constant 16 : index
      %get3A_1090 = tpu.vector_load %arg9[%get3A_1088, %get3A_1089] {strides = array<i32>} : memref<104x32xf32, #tpu.memory_space<vmem>>, vector<1x16xf32>,
      %get3A_1091 = vector.shape_cast %get3A_1090 : vector<1x16xf32> to vector<16xf32>
      %add3A_1092 = arith.addf %add3A_1080, %get3A_1091 : vector<16xf32>
      %get3A_1093 = arith.constant 87 : i32
      %get3A_1094 = arith.index_cast %get3A_1093 : i32 to index
      %get3A_1095 = arith.constant 0 : index
      %get3A_1096 = tpu.vector_load %arg9[%get3A_1094, %get3A_1095] {strides = array<i32>} : memref<104x32xf32, #tpu.memory_space<vmem>>, vector<1x16xf32>,
      %get3A_1097 = vector.shape_cast %get3A_1096 : vector<1x16xf32> to vector<16xf32>
      %add3A_1098 = arith.addf %add3A_1086, %get3A_1097 : vector<16xf32>
      %get3A_1099 = arith.constant 87 : i32
      %get3A_1100 = arith.index_cast %get3A_1099 : i32 to index
      %get3A_1101 = arith.constant 16 : index
      %get3A_1102 = tpu.vector_load %arg9[%get3A_1100, %get3A_1101] {strides = array<i32>} : memref<104x32xf32, #tpu.memory_space<vmem>>, vector<1x16xf32>,
      %get3A_1103 = vector.shape_cast %get3A_1102 : vector<1x16xf32> to vector<16xf32>
      %add3A_1104 = arith.addf %add3A_1092, %get3A_1103 : vector<16xf32>
      %get3A_1105 = arith.constant 88 : i32
      %get3A_1106 = arith.index_cast %get3A_1105 : i32 to index
      %get3A_1107 = arith.constant 0 : index
      %get3A_1108 = tpu.vector_load %arg9[%get3A_1106, %get3A_1107] {strides = array<i32>} : memref<104x32xf32, #tpu.memory_space<vmem>>, vector<1x16xf32>,
      %get3A_1109 = vector.shape_cast %get3A_1108 : vector<1x16xf32> to vector<16xf32>
      %add3A_1110 = arith.addf %add3A_1098, %get3A_1109 : vector<16xf32>
      %get3A_1111 = arith.constant 88 : i32
      %get3A_1112 = arith.index_cast %get3A_1111 : i32 to index
      %get3A_1113 = arith.constant 16 : index
      %get3A_1114 = tpu.vector_load %arg9[%get3A_1112, %get3A_1113] {strides = array<i32>} : memref<104x32xf32, #tpu.memory_space<vmem>>, vector<1x16xf32>,
      %get3A_1115 = vector.shape_cast %get3A_1114 : vector<1x16xf32> to vector<16xf32>
      %add3A_1116 = arith.addf %add3A_1104, %get3A_1115 : vector<16xf32>
      %get3A_1117 = arith.constant 89 : i32
      %get3A_1118 = arith.index_cast %get3A_1117 : i32 to index
      %get3A_1119 = arith.constant 0 : index
      %get3A_1120 = tpu.vector_load %arg9[%get3A_1118, %get3A_1119] {strides = array<i32>} : memref<104x32xf32, #tpu.memory_space<vmem>>, vector<1x16xf32>,
      %get3A_1121 = vector.shape_cast %get3A_1120 : vector<1x16xf32> to vector<16xf32>
      %add3A_1122 = arith.addf %add3A_1110, %get3A_1121 : vector<16xf32>
      %get3A_1123 = arith.constant 89 : i32
      %get3A_1124 = arith.index_cast %get3A_1123 : i32 to index
      %get3A_1125 = arith.constant 16 : index
      %get3A_1126 = tpu.vector_load %arg9[%get3A_1124, %get3A_1125] {strides = array<i32>} : memref<104x32xf32, #tpu.memory_space<vmem>>, vector<1x16xf32>,
      %get3A_1127 = vector.shape_cast %get3A_1126 : vector<1x16xf32> to vector<16xf32>
      %add3A_1128 = arith.addf %add3A_1116, %get3A_1127 : vector<16xf32>
      %get3A_1129 = arith.constant 90 : i32
      %get3A_1130 = arith.index_cast %get3A_1129 : i32 to index
      %get3A_1131 = arith.constant 0 : index
      %get3A_1132 = tpu.vector_load %arg9[%get3A_1130, %get3A_1131] {strides = array<i32>} : memref<104x32xf32, #tpu.memory_space<vmem>>, vector<1x16xf32>,
      %get3A_1133 = vector.shape_cast %get3A_1132 : vector<1x16xf32> to vector<16xf32>
      %add3A_1134 = arith.addf %add3A_1122, %get3A_1133 : vector<16xf32>
      %get3A_1135 = arith.constant 90 : i32
      %get3A_1136 = arith.index_cast %get3A_1135 : i32 to index
      %get3A_1137 = arith.constant 16 : index
      %get3A_1138 = tpu.vector_load %arg9[%get3A_1136, %get3A_1137] {strides = array<i32>} : memref<104x32xf32, #tpu.memory_space<vmem>>, vector<1x16xf32>,
      %get3A_1139 = vector.shape_cast %get3A_1138 : vector<1x16xf32> to vector<16xf32>
      %add3A_1140 = arith.addf %add3A_1128, %get3A_1139 : vector<16xf32>
      %get3A_1141 = arith.constant 91 : i32
      %get3A_1142 = arith.index_cast %get3A_1141 : i32 to index
      %get3A_1143 = arith.constant 0 : index
      %get3A_1144 = tpu.vector_load %arg9[%get3A_1142, %get3A_1143] {strides = array<i32>} : memref<104x32xf32, #tpu.memory_space<vmem>>, vector<1x16xf32>,
      %get3A_1145 = vector.shape_cast %get3A_1144 : vector<1x16xf32> to vector<16xf32>
      %add3A_1146 = arith.addf %add3A_1134, %get3A_1145 : vector<16xf32>
      %get3A_1147 = arith.constant 91 : i32
      %get3A_1148 = arith.index_cast %get3A_1147 : i32 to index
      %get3A_1149 = arith.constant 16 : index
      %get3A_1150 = tpu.vector_load %arg9[%get3A_1148, %get3A_1149] {strides = array<i32>} : memref<104x32xf32, #tpu.memory_space<vmem>>, vector<1x16xf32>,
      %get3A_1151 = vector.shape_cast %get3A_1150 : vector<1x16xf32> to vector<16xf32>
      %add3A_1152 = arith.addf %add3A_1140, %get3A_1151 : vector<16xf32>
      %get3A_1153 = arith.constant 92 : i32
      %get3A_1154 = arith.index_cast %get3A_1153 : i32 to index
      %get3A_1155 = arith.constant 0 : index
      %get3A_1156 = tpu.vector_load %arg9[%get3A_1154, %get3A_1155] {strides = array<i32>} : memref<104x32xf32, #tpu.memory_space<vmem>>, vector<1x16xf32>,
      %get3A_1157 = vector.shape_cast %get3A_1156 : vector<1x16xf32> to vector<16xf32>
      %add3A_1158 = arith.addf %add3A_1146, %get3A_1157 : vector<16xf32>
      %get3A_1159 = arith.constant 92 : i32
      %get3A_1160 = arith.index_cast %get3A_1159 : i32 to index
      %get3A_1161 = arith.constant 16 : index
      %get3A_1162 = tpu.vector_load %arg9[%get3A_1160, %get3A_1161] {strides = array<i32>} : memref<104x32xf32, #tpu.memory_space<vmem>>, vector<1x16xf32>,
      %get3A_1163 = vector.shape_cast %get3A_1162 : vector<1x16xf32> to vector<16xf32>
      %add3A_1164 = arith.addf %add3A_1152, %get3A_1163 : vector<16xf32>
      %get3A_1165 = arith.constant 93 : i32
      %get3A_1166 = arith.index_cast %get3A_1165 : i32 to index
      %get3A_1167 = arith.constant 0 : index
      %get3A_1168 = tpu.vector_load %arg9[%get3A_1166, %get3A_1167] {strides = array<i32>} : memref<104x32xf32, #tpu.memory_space<vmem>>, vector<1x16xf32>,
      %get3A_1169 = vector.shape_cast %get3A_1168 : vector<1x16xf32> to vector<16xf32>
      %add3A_1170 = arith.addf %add3A_1158, %get3A_1169 : vector<16xf32>
      %get3A_1171 = arith.constant 93 : i32
      %get3A_1172 = arith.index_cast %get3A_1171 : i32 to index
      %get3A_1173 = arith.constant 16 : index
      %get3A_1174 = tpu.vector_load %arg9[%get3A_1172, %get3A_1173] {strides = array<i32>} : memref<104x32xf32, #tpu.memory_space<vmem>>, vector<1x16xf32>,
      %get3A_1175 = vector.shape_cast %get3A_1174 : vector<1x16xf32> to vector<16xf32>
      %add3A_1176 = arith.addf %add3A_1164, %get3A_1175 : vector<16xf32>
      %get3A_1177 = arith.constant 94 : i32
      %get3A_1178 = arith.index_cast %get3A_1177 : i32 to index
      %get3A_1179 = arith.constant 0 : index
      %get3A_1180 = tpu.vector_load %arg9[%get3A_1178, %get3A_1179] {strides = array<i32>} : memref<104x32xf32, #tpu.memory_space<vmem>>, vector<1x16xf32>,
      %get3A_1181 = vector.shape_cast %get3A_1180 : vector<1x16xf32> to vector<16xf32>
      %add3A_1182 = arith.addf %add3A_1170, %get3A_1181 : vector<16xf32>
      %get3A_1183 = arith.constant 94 : i32
      %get3A_1184 = arith.index_cast %get3A_1183 : i32 to index
      %get3A_1185 = arith.constant 16 : index
      %get3A_1186 = tpu.vector_load %arg9[%get3A_1184, %get3A_1185] {strides = array<i32>} : memref<104x32xf32, #tpu.memory_space<vmem>>, vector<1x16xf32>,
      %get3A_1187 = vector.shape_cast %get3A_1186 : vector<1x16xf32> to vector<16xf32>
      %add3A_1188 = arith.addf %add3A_1176, %get3A_1187 : vector<16xf32>
      %get3A_1189 = arith.constant 95 : i32
      %get3A_1190 = arith.index_cast %get3A_1189 : i32 to index
      %get3A_1191 = arith.constant 0 : index
      %get3A_1192 = tpu.vector_load %arg9[%get3A_1190, %get3A_1191] {strides = array<i32>} : memref<104x32xf32, #tpu.memory_space<vmem>>, vector<1x16xf32>,
      %get3A_1193 = vector.shape_cast %get3A_1192 : vector<1x16xf32> to vector<16xf32>
      %add3A_1194 = arith.addf %add3A_1182, %get3A_1193 : vector<16xf32>
      %get3A_1195 = arith.constant 95 : i32
      %get3A_1196 = arith.index_cast %get3A_1195 : i32 to index
      %get3A_1197 = arith.constant 16 : index
      %get3A_1198 = tpu.vector_load %arg9[%get3A_1196, %get3A_1197] {strides = array<i32>} : memref<104x32xf32, #tpu.memory_space<vmem>>, vector<1x16xf32>,
      %get3A_1199 = vector.shape_cast %get3A_1198 : vector<1x16xf32> to vector<16xf32>
      %add3A_1200 = arith.addf %add3A_1188, %get3A_1199 : vector<16xf32>
      %get3A_1201 = arith.constant 96 : i32
      %get3A_1202 = arith.index_cast %get3A_1201 : i32 to index
      %get3A_1203 = arith.constant 0 : index
      %get3A_1204 = tpu.vector_load %arg9[%get3A_1202, %get3A_1203] {strides = array<i32>} : memref<104x32xf32, #tpu.memory_space<vmem>>, vector<1x16xf32>,
      %get3A_1205 = vector.shape_cast %get3A_1204 : vector<1x16xf32> to vector<16xf32>
      %add3A_1206 = arith.addf %add3A_1194, %get3A_1205 : vector<16xf32>
      %get3A_1207 = arith.constant 96 : i32
      %get3A_1208 = arith.index_cast %get3A_1207 : i32 to index
      %get3A_1209 = arith.constant 16 : index
      %get3A_1210 = tpu.vector_load %arg9[%get3A_1208, %get3A_1209] {strides = array<i32>} : memref<104x32xf32, #tpu.memory_space<vmem>>, vector<1x16xf32>,
      %get3A_1211 = vector.shape_cast %get3A_1210 : vector<1x16xf32> to vector<16xf32>
      %add3A_1212 = arith.addf %add3A_1200, %get3A_1211 : vector<16xf32>
      %get3A_1213 = arith.constant 97 : i32
      %get3A_1214 = arith.index_cast %get3A_1213 : i32 to index
      %get3A_1215 = arith.constant 0 : index
      %get3A_1216 = tpu.vector_load %arg9[%get3A_1214, %get3A_1215] {strides = array<i32>} : memref<104x32xf32, #tpu.memory_space<vmem>>, vector<1x16xf32>,
      %get3A_1217 = vector.shape_cast %get3A_1216 : vector<1x16xf32> to vector<16xf32>
      %add3A_1218 = arith.addf %add3A_1206, %get3A_1217 : vector<16xf32>
      %get3A_1219 = arith.constant 97 : i32
      %get3A_1220 = arith.index_cast %get3A_1219 : i32 to index
      %get3A_1221 = arith.constant 16 : index
      %get3A_1222 = tpu.vector_load %arg9[%get3A_1220, %get3A_1221] {strides = array<i32>} : memref<104x32xf32, #tpu.memory_space<vmem>>, vector<1x16xf32>,
      %get3A_1223 = vector.shape_cast %get3A_1222 : vector<1x16xf32> to vector<16xf32>
      %add3A_1224 = arith.addf %add3A_1212, %get3A_1223 : vector<16xf32>
      %get3A_1225 = arith.constant 98 : i32
      %get3A_1226 = arith.index_cast %get3A_1225 : i32 to index
      %get3A_1227 = arith.constant 0 : index
      %get3A_1228 = tpu.vector_load %arg9[%get3A_1226, %get3A_1227] {strides = array<i32>} : memref<104x32xf32, #tpu.memory_space<vmem>>, vector<1x16xf32>,
      %get3A_1229 = vector.shape_cast %get3A_1228 : vector<1x16xf32> to vector<16xf32>
      %add3A_1230 = arith.addf %add3A_1218, %get3A_1229 : vector<16xf32>
      %get3A_1231 = arith.constant 98 : i32
      %get3A_1232 = arith.index_cast %get3A_1231 : i32 to index
      %get3A_1233 = arith.constant 16 : index
      %get3A_1234 = tpu.vector_load %arg9[%get3A_1232, %get3A_1233] {strides = array<i32>} : memref<104x32xf32, #tpu.memory_space<vmem>>, vector<1x16xf32>,
      %get3A_1235 = vector.shape_cast %get3A_1234 : vector<1x16xf32> to vector<16xf32>
      %add3A_1236 = arith.addf %add3A_1224, %get3A_1235 : vector<16xf32>
      %get3A_1237 = arith.constant 99 : i32
      %get3A_1238 = arith.index_cast %get3A_1237 : i32 to index
      %get3A_1239 = arith.constant 0 : index
      %get3A_1240 = tpu.vector_load %arg9[%get3A_1238, %get3A_1239] {strides = array<i32>} : memref<104x32xf32, #tpu.memory_space<vmem>>, vector<1x16xf32>,
      %get3A_1241 = vector.shape_cast %get3A_1240 : vector<1x16xf32> to vector<16xf32>
      %add3A_1242 = arith.addf %add3A_1230, %get3A_1241 : vector<16xf32>
      %get3A_1243 = arith.constant 99 : i32
      %get3A_1244 = arith.index_cast %get3A_1243 : i32 to index
      %get3A_1245 = arith.constant 16 : index
      %get3A_1246 = tpu.vector_load %arg9[%get3A_1244, %get3A_1245] {strides = array<i32>} : memref<104x32xf32, #tpu.memory_space<vmem>>, vector<1x16xf32>,
      %get3A_1247 = vector.shape_cast %get3A_1246 : vector<1x16xf32> to vector<16xf32>
      %add3A_1248 = arith.addf %add3A_1236, %get3A_1247 : vector<16xf32>
      %get3A_1249 = arith.constant 100 : i32
      %get3A_1250 = arith.index_cast %get3A_1249 : i32 to index
      %get3A_1251 = arith.constant 0 : index
      %get3A_1252 = tpu.vector_load %arg9[%get3A_1250, %get3A_1251] {strides = array<i32>} : memref<104x32xf32, #tpu.memory_space<vmem>>, vector<1x16xf32>,
      %get3A_1253 = vector.shape_cast %get3A_1252 : vector<1x16xf32> to vector<16xf32>
      %add3A_1254 = arith.addf %add3A_1242, %get3A_1253 : vector<16xf32>
      %get3A_1255 = arith.constant 100 : i32
      %get3A_1256 = arith.index_cast %get3A_1255 : i32 to index
      %get3A_1257 = arith.constant 16 : index
      %get3A_1258 = tpu.vector_load %arg9[%get3A_1256, %get3A_1257] {strides = array<i32>} : memref<104x32xf32, #tpu.memory_space<vmem>>, vector<1x16xf32>,
      %get3A_1259 = vector.shape_cast %get3A_1258 : vector<1x16xf32> to vector<16xf32>
      %add3A_1260 = arith.addf %add3A_1248, %get3A_1259 : vector<16xf32>
      %get3A_1261 = arith.constant 101 : i32
      %get3A_1262 = arith.index_cast %get3A_1261 : i32 to index
      %get3A_1263 = arith.constant 0 : index
      %get3A_1264 = tpu.vector_load %arg9[%get3A_1262, %get3A_1263] {strides = array<i32>} : memref<104x32xf32, #tpu.memory_space<vmem>>, vector<1x16xf32>,
      %get3A_1265 = vector.shape_cast %get3A_1264 : vector<1x16xf32> to vector<16xf32>
      %add3A_1266 = arith.addf %add3A_1254, %get3A_1265 : vector<16xf32>
      %get3A_1267 = arith.constant 101 : i32
      %get3A_1268 = arith.index_cast %get3A_1267 : i32 to index
      %get3A_1269 = arith.constant 16 : index
      %get3A_1270 = tpu.vector_load %arg9[%get3A_1268, %get3A_1269] {strides = array<i32>} : memref<104x32xf32, #tpu.memory_space<vmem>>, vector<1x16xf32>,
      %get3A_1271 = vector.shape_cast %get3A_1270 : vector<1x16xf32> to vector<16xf32>
      %add3A_1272 = arith.addf %add3A_1260, %get3A_1271 : vector<16xf32>
      %get3A_1273 = arith.constant 102 : i32
      %get3A_1274 = arith.index_cast %get3A_1273 : i32 to index
      %get3A_1275 = arith.constant 0 : index
      %get3A_1276 = tpu.vector_load %arg9[%get3A_1274, %get3A_1275] {strides = array<i32>} : memref<104x32xf32, #tpu.memory_space<vmem>>, vector<1x16xf32>,
      %get3A_1277 = vector.shape_cast %get3A_1276 : vector<1x16xf32> to vector<16xf32>
      %add3A_1278 = arith.addf %add3A_1266, %get3A_1277 : vector<16xf32>
      %get3A_1279 = arith.constant 102 : i32
      %get3A_1280 = arith.index_cast %get3A_1279 : i32 to index
      %get3A_1281 = arith.constant 16 : index
      %get3A_1282 = tpu.vector_load %arg9[%get3A_1280, %get3A_1281] {strides = array<i32>} : memref<104x32xf32, #tpu.memory_space<vmem>>, vector<1x16xf32>,
      %get3A_1283 = vector.shape_cast %get3A_1282 : vector<1x16xf32> to vector<16xf32>
      %add3A_1284 = arith.addf %add3A_1272, %get3A_1283 : vector<16xf32>
      %get3A_1285 = arith.constant 103 : i32
      %get3A_1286 = arith.index_cast %get3A_1285 : i32 to index
      %get3A_1287 = arith.constant 0 : index
      %get3A_1288 = tpu.vector_load %arg9[%get3A_1286, %get3A_1287] {strides = array<i32>} : memref<104x32xf32, #tpu.memory_space<vmem>>, vector<1x16xf32>,
      %get3A_1289 = vector.shape_cast %get3A_1288 : vector<1x16xf32> to vector<16xf32>
      %add3A_1290 = arith.addf %add3A_1278, %get3A_1289 : vector<16xf32>
      %get3A_1291 = arith.constant 103 : i32
      %get3A_1292 = arith.index_cast %get3A_1291 : i32 to index
      %get3A_1293 = arith.constant 16 : index
      %get3A_1294 = tpu.vector_load %arg9[%get3A_1292, %get3A_1293] {strides = array<i32>} : memref<104x32xf32, #tpu.memory_space<vmem>>, vector<1x16xf32>,
      %get3A_1295 = vector.shape_cast %get3A_1294 : vector<1x16xf32> to vector<16xf32>
      %add3A_1296 = arith.addf %add3A_1284, %get3A_1295 : vector<16xf32>
      %add3A_1297 = arith.constant 2 : i32
      %add3A_1298 = arith.addi %add3A_43, %add3A_1297 : i32
      %lt3A = arith.constant 128 : i32
      %lt3A_1299 = arith.cmpi slt, %add3A_1298, %lt3A : i32
      %convert_element_type3A = arith.extui %lt3A_1299 : i1 to i32
      %cond3A = arith.constant 0 : i32
      %cond3A_1300 = arith.cmpi ne, %convert_element_type3A, %cond3A : i32
      scf.if %cond3A_1300 {
        %add3A_4917 = arith.constant 2 : i32
        %add3A_4918 = arith.addi %add3A_43, %add3A_4917 : i32
        %dma_start3A_4919 = arith.constant 0 : i32
        %dma_start3A_4920 = tpu.memref_slice %arg6[%add3A_4918, %dma_start3A_4919] : memref<128x104xi32, #tpu.memory_space<vmem>> -> memref<1x104xi32, #tpu.memory_space<vmem>>
        %dma_start3A_4921 = tpu.memref_squeeze %dma_start3A_4920 : memref<1x104xi32, #tpu.memory_space<vmem>> -> memref<104xi32, #tpu.memory_space<vmem>>
        %dma_start3A_4922 = arith.constant 0 : i32
        %dma_start3A_4923 = arith.constant 0 : i32
        %dma_start3A_4924 = tpu.memref_slice %arg4[%dma_start3A_4922, %dma_start3A_4923] : memref<1000000x32xf32, #tpu.memory_space<hbm>> -> memref<1000000x32xf32, #tpu.memory_space<hbm>>
        tpu.enqueue_indirect_dma source(%dma_start3A_4924 : memref<1000000x32xf32, #tpu.memory_space<hbm>>) target(%arg9 : memref<104x32xf32, #tpu.memory_space<vmem>>) offsets(%dma_start3A_4921 : memref<104xi32, #tpu.memory_space<vmem>>) semaphore(%arg13 : memref<!tpu.dma_semaphore, #tpu.memory_space<semaphore_mem>>)
      } else {
      }
      %dma_wait3A_1301 = arith.constant 0 : i32
      %dma_wait3A_1302 = tpu.memref_slice %arg7[%add3A_43, %dma_wait3A_1301] : memref<128x96xi32, #tpu.memory_space<vmem>> -> memref<1x96xi32, #tpu.memory_space<vmem>>
      %dma_wait3A_1303 = tpu.memref_squeeze %dma_wait3A_1302 : memref<1x96xi32, #tpu.memory_space<vmem>> -> memref<96xi32, #tpu.memory_space<vmem>>
      %dma_wait3A_1304 = arith.constant 0 : i32
      %dma_wait3A_1305 = arith.constant 0 : i32
      %dma_wait3A_1306 = tpu.memref_slice %arg4[%dma_wait3A_1304, %dma_wait3A_1305] : memref<1000000x32xf32, #tpu.memory_space<hbm>> -> memref<1000000x32xf32, #tpu.memory_space<hbm>>
      tpu.wait_indirect_dma semaphore(%arg14 : memref<!tpu.dma_semaphore, #tpu.memory_space<semaphore_mem>>) src(%dma_wait3A_1306 : memref<1000000x32xf32, #tpu.memory_space<hbm>>) dst(%arg10 : memref<96x32xf32, #tpu.memory_space<vmem>>)
      %get3A_1307 = arith.constant 0 : i32
      %get3A_1308 = arith.index_cast %get3A_1307 : i32 to index
      %get3A_1309 = arith.constant 0 : index
      %get3A_1310 = tpu.vector_load %arg10[%get3A_1308, %get3A_1309] {strides = array<i32>} : memref<96x32xf32, #tpu.memory_space<vmem>>, vector<1x16xf32>,
      %get3A_1311 = vector.shape_cast %get3A_1310 : vector<1x16xf32> to vector<16xf32>
      %add3A_1312 = arith.addf %add3A_1290, %get3A_1311 : vector<16xf32>
      %get3A_1313 = arith.constant 0 : i32
      %get3A_1314 = arith.index_cast %get3A_1313 : i32 to index
      %get3A_1315 = arith.constant 16 : index
      %get3A_1316 = tpu.vector_load %arg10[%get3A_1314, %get3A_1315] {strides = array<i32>} : memref<96x32xf32, #tpu.memory_space<vmem>>, vector<1x16xf32>,
      %get3A_1317 = vector.shape_cast %get3A_1316 : vector<1x16xf32> to vector<16xf32>
      %add3A_1318 = arith.addf %add3A_1296, %get3A_1317 : vector<16xf32>
      %get3A_1319 = arith.constant 1 : i32
      %get3A_1320 = arith.index_cast %get3A_1319 : i32 to index
      %get3A_1321 = arith.constant 0 : index
      %get3A_1322 = tpu.vector_load %arg10[%get3A_1320, %get3A_1321] {strides = array<i32>} : memref<96x32xf32, #tpu.memory_space<vmem>>, vector<1x16xf32>,
      %get3A_1323 = vector.shape_cast %get3A_1322 : vector<1x16xf32> to vector<16xf32>
      %add3A_1324 = arith.addf %add3A_1312, %get3A_1323 : vector<16xf32>
      %get3A_1325 = arith.constant 1 : i32
      %get3A_1326 = arith.index_cast %get3A_1325 : i32 to index
      %get3A_1327 = arith.constant 16 : index
      %get3A_1328 = tpu.vector_load %arg10[%get3A_1326, %get3A_1327] {strides = array<i32>} : memref<96x32xf32, #tpu.memory_space<vmem>>, vector<1x16xf32>,
      %get3A_1329 = vector.shape_cast %get3A_1328 : vector<1x16xf32> to vector<16xf32>
      %add3A_1330 = arith.addf %add3A_1318, %get3A_1329 : vector<16xf32>
      %get3A_1331 = arith.constant 2 : i32
      %get3A_1332 = arith.index_cast %get3A_1331 : i32 to index
      %get3A_1333 = arith.constant 0 : index
      %get3A_1334 = tpu.vector_load %arg10[%get3A_1332, %get3A_1333] {strides = array<i32>} : memref<96x32xf32, #tpu.memory_space<vmem>>, vector<1x16xf32>,
      %get3A_1335 = vector.shape_cast %get3A_1334 : vector<1x16xf32> to vector<16xf32>
      %add3A_1336 = arith.addf %add3A_1324, %get3A_1335 : vector<16xf32>
      %get3A_1337 = arith.constant 2 : i32
      %get3A_1338 = arith.index_cast %get3A_1337 : i32 to index
      %get3A_1339 = arith.constant 16 : index
      %get3A_1340 = tpu.vector_load %arg10[%get3A_1338, %get3A_1339] {strides = array<i32>} : memref<96x32xf32, #tpu.memory_space<vmem>>, vector<1x16xf32>,
      %get3A_1341 = vector.shape_cast %get3A_1340 : vector<1x16xf32> to vector<16xf32>
      %add3A_1342 = arith.addf %add3A_1330, %get3A_1341 : vector<16xf32>
      %get3A_1343 = arith.constant 3 : i32
      %get3A_1344 = arith.index_cast %get3A_1343 : i32 to index
      %get3A_1345 = arith.constant 0 : index
      %get3A_1346 = tpu.vector_load %arg10[%get3A_1344, %get3A_1345] {strides = array<i32>} : memref<96x32xf32, #tpu.memory_space<vmem>>, vector<1x16xf32>,
      %get3A_1347 = vector.shape_cast %get3A_1346 : vector<1x16xf32> to vector<16xf32>
      %add3A_1348 = arith.addf %add3A_1336, %get3A_1347 : vector<16xf32>
      %get3A_1349 = arith.constant 3 : i32
      %get3A_1350 = arith.index_cast %get3A_1349 : i32 to index
      %get3A_1351 = arith.constant 16 : index
      %get3A_1352 = tpu.vector_load %arg10[%get3A_1350, %get3A_1351] {strides = array<i32>} : memref<96x32xf32, #tpu.memory_space<vmem>>, vector<1x16xf32>,
      %get3A_1353 = vector.shape_cast %get3A_1352 : vector<1x16xf32> to vector<16xf32>
      %add3A_1354 = arith.addf %add3A_1342, %get3A_1353 : vector<16xf32>
      %get3A_1355 = arith.constant 4 : i32
      %get3A_1356 = arith.index_cast %get3A_1355 : i32 to index
      %get3A_1357 = arith.constant 0 : index
      %get3A_1358 = tpu.vector_load %arg10[%get3A_1356, %get3A_1357] {strides = array<i32>} : memref<96x32xf32, #tpu.memory_space<vmem>>, vector<1x16xf32>,
      %get3A_1359 = vector.shape_cast %get3A_1358 : vector<1x16xf32> to vector<16xf32>
      %add3A_1360 = arith.addf %add3A_1348, %get3A_1359 : vector<16xf32>
      %get3A_1361 = arith.constant 4 : i32
      %get3A_1362 = arith.index_cast %get3A_1361 : i32 to index
      %get3A_1363 = arith.constant 16 : index
      %get3A_1364 = tpu.vector_load %arg10[%get3A_1362, %get3A_1363] {strides = array<i32>} : memref<96x32xf32, #tpu.memory_space<vmem>>, vector<1x16xf32>,
      %get3A_1365 = vector.shape_cast %get3A_1364 : vector<1x16xf32> to vector<16xf32>
      %add3A_1366 = arith.addf %add3A_1354, %get3A_1365 : vector<16xf32>
      %get3A_1367 = arith.constant 5 : i32
      %get3A_1368 = arith.index_cast %get3A_1367 : i32 to index
      %get3A_1369 = arith.constant 0 : index
      %get3A_1370 = tpu.vector_load %arg10[%get3A_1368, %get3A_1369] {strides = array<i32>} : memref<96x32xf32, #tpu.memory_space<vmem>>, vector<1x16xf32>,
      %get3A_1371 = vector.shape_cast %get3A_1370 : vector<1x16xf32> to vector<16xf32>
      %add3A_1372 = arith.addf %add3A_1360, %get3A_1371 : vector<16xf32>
      %get3A_1373 = arith.constant 5 : i32
      %get3A_1374 = arith.index_cast %get3A_1373 : i32 to index
      %get3A_1375 = arith.constant 16 : index
      %get3A_1376 = tpu.vector_load %arg10[%get3A_1374, %get3A_1375] {strides = array<i32>} : memref<96x32xf32, #tpu.memory_space<vmem>>, vector<1x16xf32>,
      %get3A_1377 = vector.shape_cast %get3A_1376 : vector<1x16xf32> to vector<16xf32>
      %add3A_1378 = arith.addf %add3A_1366, %get3A_1377 : vector<16xf32>
      %get3A_1379 = arith.constant 6 : i32
      %get3A_1380 = arith.index_cast %get3A_1379 : i32 to index
      %get3A_1381 = arith.constant 0 : index
      %get3A_1382 = tpu.vector_load %arg10[%get3A_1380, %get3A_1381] {strides = array<i32>} : memref<96x32xf32, #tpu.memory_space<vmem>>, vector<1x16xf32>,
      %get3A_1383 = vector.shape_cast %get3A_1382 : vector<1x16xf32> to vector<16xf32>
      %add3A_1384 = arith.addf %add3A_1372, %get3A_1383 : vector<16xf32>
      %get3A_1385 = arith.constant 6 : i32
      %get3A_1386 = arith.index_cast %get3A_1385 : i32 to index
      %get3A_1387 = arith.constant 16 : index
      %get3A_1388 = tpu.vector_load %arg10[%get3A_1386, %get3A_1387] {strides = array<i32>} : memref<96x32xf32, #tpu.memory_space<vmem>>, vector<1x16xf32>,
      %get3A_1389 = vector.shape_cast %get3A_1388 : vector<1x16xf32> to vector<16xf32>
      %add3A_1390 = arith.addf %add3A_1378, %get3A_1389 : vector<16xf32>
      %get3A_1391 = arith.constant 7 : i32
      %get3A_1392 = arith.index_cast %get3A_1391 : i32 to index
      %get3A_1393 = arith.constant 0 : index
      %get3A_1394 = tpu.vector_load %arg10[%get3A_1392, %get3A_1393] {strides = array<i32>} : memref<96x32xf32, #tpu.memory_space<vmem>>, vector<1x16xf32>,
      %get3A_1395 = vector.shape_cast %get3A_1394 : vector<1x16xf32> to vector<16xf32>
      %add3A_1396 = arith.addf %add3A_1384, %get3A_1395 : vector<16xf32>
      %get3A_1397 = arith.constant 7 : i32
      %get3A_1398 = arith.index_cast %get3A_1397 : i32 to index
      %get3A_1399 = arith.constant 16 : index
      %get3A_1400 = tpu.vector_load %arg10[%get3A_1398, %get3A_1399] {strides = array<i32>} : memref<96x32xf32, #tpu.memory_space<vmem>>, vector<1x16xf32>,
      %get3A_1401 = vector.shape_cast %get3A_1400 : vector<1x16xf32> to vector<16xf32>
      %add3A_1402 = arith.addf %add3A_1390, %get3A_1401 : vector<16xf32>
      %get3A_1403 = arith.constant 8 : i32
      %get3A_1404 = arith.index_cast %get3A_1403 : i32 to index
      %get3A_1405 = arith.constant 0 : index
      %get3A_1406 = tpu.vector_load %arg10[%get3A_1404, %get3A_1405] {strides = array<i32>} : memref<96x32xf32, #tpu.memory_space<vmem>>, vector<1x16xf32>,
      %get3A_1407 = vector.shape_cast %get3A_1406 : vector<1x16xf32> to vector<16xf32>
      %add3A_1408 = arith.addf %add3A_1396, %get3A_1407 : vector<16xf32>
      %get3A_1409 = arith.constant 8 : i32
      %get3A_1410 = arith.index_cast %get3A_1409 : i32 to index
      %get3A_1411 = arith.constant 16 : index
      %get3A_1412 = tpu.vector_load %arg10[%get3A_1410, %get3A_1411] {strides = array<i32>} : memref<96x32xf32, #tpu.memory_space<vmem>>, vector<1x16xf32>,
      %get3A_1413 = vector.shape_cast %get3A_1412 : vector<1x16xf32> to vector<16xf32>
      %add3A_1414 = arith.addf %add3A_1402, %get3A_1413 : vector<16xf32>
      %get3A_1415 = arith.constant 9 : i32
      %get3A_1416 = arith.index_cast %get3A_1415 : i32 to index
      %get3A_1417 = arith.constant 0 : index
      %get3A_1418 = tpu.vector_load %arg10[%get3A_1416, %get3A_1417] {strides = array<i32>} : memref<96x32xf32, #tpu.memory_space<vmem>>, vector<1x16xf32>,
      %get3A_1419 = vector.shape_cast %get3A_1418 : vector<1x16xf32> to vector<16xf32>
      %add3A_1420 = arith.addf %add3A_1408, %get3A_1419 : vector<16xf32>
      %get3A_1421 = arith.constant 9 : i32
      %get3A_1422 = arith.index_cast %get3A_1421 : i32 to index
      %get3A_1423 = arith.constant 16 : index
      %get3A_1424 = tpu.vector_load %arg10[%get3A_1422, %get3A_1423] {strides = array<i32>} : memref<96x32xf32, #tpu.memory_space<vmem>>, vector<1x16xf32>,
      %get3A_1425 = vector.shape_cast %get3A_1424 : vector<1x16xf32> to vector<16xf32>
      %add3A_1426 = arith.addf %add3A_1414, %get3A_1425 : vector<16xf32>
      %get3A_1427 = arith.constant 10 : i32
      %get3A_1428 = arith.index_cast %get3A_1427 : i32 to index
      %get3A_1429 = arith.constant 0 : index
      %get3A_1430 = tpu.vector_load %arg10[%get3A_1428, %get3A_1429] {strides = array<i32>} : memref<96x32xf32, #tpu.memory_space<vmem>>, vector<1x16xf32>,
      %get3A_1431 = vector.shape_cast %get3A_1430 : vector<1x16xf32> to vector<16xf32>
      %add3A_1432 = arith.addf %add3A_1420, %get3A_1431 : vector<16xf32>
      %get3A_1433 = arith.constant 10 : i32
      %get3A_1434 = arith.index_cast %get3A_1433 : i32 to index
      %get3A_1435 = arith.constant 16 : index
      %get3A_1436 = tpu.vector_load %arg10[%get3A_1434, %get3A_1435] {strides = array<i32>} : memref<96x32xf32, #tpu.memory_space<vmem>>, vector<1x16xf32>,
      %get3A_1437 = vector.shape_cast %get3A_1436 : vector<1x16xf32> to vector<16xf32>
      %add3A_1438 = arith.addf %add3A_1426, %get3A_1437 : vector<16xf32>
      %get3A_1439 = arith.constant 11 : i32
      %get3A_1440 = arith.index_cast %get3A_1439 : i32 to index
      %get3A_1441 = arith.constant 0 : index
      %get3A_1442 = tpu.vector_load %arg10[%get3A_1440, %get3A_1441] {strides = array<i32>} : memref<96x32xf32, #tpu.memory_space<vmem>>, vector<1x16xf32>,
      %get3A_1443 = vector.shape_cast %get3A_1442 : vector<1x16xf32> to vector<16xf32>
      %add3A_1444 = arith.addf %add3A_1432, %get3A_1443 : vector<16xf32>
      %get3A_1445 = arith.constant 11 : i32
      %get3A_1446 = arith.index_cast %get3A_1445 : i32 to index
      %get3A_1447 = arith.constant 16 : index
      %get3A_1448 = tpu.vector_load %arg10[%get3A_1446, %get3A_1447] {strides = array<i32>} : memref<96x32xf32, #tpu.memory_space<vmem>>, vector<1x16xf32>,
      %get3A_1449 = vector.shape_cast %get3A_1448 : vector<1x16xf32> to vector<16xf32>
      %add3A_1450 = arith.addf %add3A_1438, %get3A_1449 : vector<16xf32>
      %get3A_1451 = arith.constant 12 : i32
      %get3A_1452 = arith.index_cast %get3A_1451 : i32 to index
      %get3A_1453 = arith.constant 0 : index
      %get3A_1454 = tpu.vector_load %arg10[%get3A_1452, %get3A_1453] {strides = array<i32>} : memref<96x32xf32, #tpu.memory_space<vmem>>, vector<1x16xf32>,
      %get3A_1455 = vector.shape_cast %get3A_1454 : vector<1x16xf32> to vector<16xf32>
      %add3A_1456 = arith.addf %add3A_1444, %get3A_1455 : vector<16xf32>
      %get3A_1457 = arith.constant 12 : i32
      %get3A_1458 = arith.index_cast %get3A_1457 : i32 to index
      %get3A_1459 = arith.constant 16 : index
      %get3A_1460 = tpu.vector_load %arg10[%get3A_1458, %get3A_1459] {strides = array<i32>} : memref<96x32xf32, #tpu.memory_space<vmem>>, vector<1x16xf32>,
      %get3A_1461 = vector.shape_cast %get3A_1460 : vector<1x16xf32> to vector<16xf32>
      %add3A_1462 = arith.addf %add3A_1450, %get3A_1461 : vector<16xf32>
      %get3A_1463 = arith.constant 13 : i32
      %get3A_1464 = arith.index_cast %get3A_1463 : i32 to index
      %get3A_1465 = arith.constant 0 : index
      %get3A_1466 = tpu.vector_load %arg10[%get3A_1464, %get3A_1465] {strides = array<i32>} : memref<96x32xf32, #tpu.memory_space<vmem>>, vector<1x16xf32>,
      %get3A_1467 = vector.shape_cast %get3A_1466 : vector<1x16xf32> to vector<16xf32>
      %add3A_1468 = arith.addf %add3A_1456, %get3A_1467 : vector<16xf32>
      %get3A_1469 = arith.constant 13 : i32
      %get3A_1470 = arith.index_cast %get3A_1469 : i32 to index
      %get3A_1471 = arith.constant 16 : index
      %get3A_1472 = tpu.vector_load %arg10[%get3A_1470, %get3A_1471] {strides = array<i32>} : memref<96x32xf32, #tpu.memory_space<vmem>>, vector<1x16xf32>,
      %get3A_1473 = vector.shape_cast %get3A_1472 : vector<1x16xf32> to vector<16xf32>
      %add3A_1474 = arith.addf %add3A_1462, %get3A_1473 : vector<16xf32>
      %get3A_1475 = arith.constant 14 : i32
      %get3A_1476 = arith.index_cast %get3A_1475 : i32 to index
      %get3A_1477 = arith.constant 0 : index
      %get3A_1478 = tpu.vector_load %arg10[%get3A_1476, %get3A_1477] {strides = array<i32>} : memref<96x32xf32, #tpu.memory_space<vmem>>, vector<1x16xf32>,
      %get3A_1479 = vector.shape_cast %get3A_1478 : vector<1x16xf32> to vector<16xf32>
      %add3A_1480 = arith.addf %add3A_1468, %get3A_1479 : vector<16xf32>
      %get3A_1481 = arith.constant 14 : i32
      %get3A_1482 = arith.index_cast %get3A_1481 : i32 to index
      %get3A_1483 = arith.constant 16 : index
      %get3A_1484 = tpu.vector_load %arg10[%get3A_1482, %get3A_1483] {strides = array<i32>} : memref<96x32xf32, #tpu.memory_space<vmem>>, vector<1x16xf32>,
      %get3A_1485 = vector.shape_cast %get3A_1484 : vector<1x16xf32> to vector<16xf32>
      %add3A_1486 = arith.addf %add3A_1474, %get3A_1485 : vector<16xf32>
      %get3A_1487 = arith.constant 15 : i32
      %get3A_1488 = arith.index_cast %get3A_1487 : i32 to index
      %get3A_1489 = arith.constant 0 : index
      %get3A_1490 = tpu.vector_load %arg10[%get3A_1488, %get3A_1489] {strides = array<i32>} : memref<96x32xf32, #tpu.memory_space<vmem>>, vector<1x16xf32>,
      %get3A_1491 = vector.shape_cast %get3A_1490 : vector<1x16xf32> to vector<16xf32>
      %add3A_1492 = arith.addf %add3A_1480, %get3A_1491 : vector<16xf32>
      %get3A_1493 = arith.constant 15 : i32
      %get3A_1494 = arith.index_cast %get3A_1493 : i32 to index
      %get3A_1495 = arith.constant 16 : index
      %get3A_1496 = tpu.vector_load %arg10[%get3A_1494, %get3A_1495] {strides = array<i32>} : memref<96x32xf32, #tpu.memory_space<vmem>>, vector<1x16xf32>,
      %get3A_1497 = vector.shape_cast %get3A_1496 : vector<1x16xf32> to vector<16xf32>
      %add3A_1498 = arith.addf %add3A_1486, %get3A_1497 : vector<16xf32>
      %get3A_1499 = arith.constant 16 : i32
      %get3A_1500 = arith.index_cast %get3A_1499 : i32 to index
      %get3A_1501 = arith.constant 0 : index
      %get3A_1502 = tpu.vector_load %arg10[%get3A_1500, %get3A_1501] {strides = array<i32>} : memref<96x32xf32, #tpu.memory_space<vmem>>, vector<1x16xf32>,
      %get3A_1503 = vector.shape_cast %get3A_1502 : vector<1x16xf32> to vector<16xf32>
      %add3A_1504 = arith.addf %add3A_1492, %get3A_1503 : vector<16xf32>
      %get3A_1505 = arith.constant 16 : i32
      %get3A_1506 = arith.index_cast %get3A_1505 : i32 to index
      %get3A_1507 = arith.constant 16 : index
      %get3A_1508 = tpu.vector_load %arg10[%get3A_1506, %get3A_1507] {strides = array<i32>} : memref<96x32xf32, #tpu.memory_space<vmem>>, vector<1x16xf32>,
      %get3A_1509 = vector.shape_cast %get3A_1508 : vector<1x16xf32> to vector<16xf32>
      %add3A_1510 = arith.addf %add3A_1498, %get3A_1509 : vector<16xf32>
      %get3A_1511 = arith.constant 17 : i32
      %get3A_1512 = arith.index_cast %get3A_1511 : i32 to index
      %get3A_1513 = arith.constant 0 : index
      %get3A_1514 = tpu.vector_load %arg10[%get3A_1512, %get3A_1513] {strides = array<i32>} : memref<96x32xf32, #tpu.memory_space<vmem>>, vector<1x16xf32>,
      %get3A_1515 = vector.shape_cast %get3A_1514 : vector<1x16xf32> to vector<16xf32>
      %add3A_1516 = arith.addf %add3A_1504, %get3A_1515 : vector<16xf32>
      %get3A_1517 = arith.constant 17 : i32
      %get3A_1518 = arith.index_cast %get3A_1517 : i32 to index
      %get3A_1519 = arith.constant 16 : index
      %get3A_1520 = tpu.vector_load %arg10[%get3A_1518, %get3A_1519] {strides = array<i32>} : memref<96x32xf32, #tpu.memory_space<vmem>>, vector<1x16xf32>,
      %get3A_1521 = vector.shape_cast %get3A_1520 : vector<1x16xf32> to vector<16xf32>
      %add3A_1522 = arith.addf %add3A_1510, %get3A_1521 : vector<16xf32>
      %get3A_1523 = arith.constant 18 : i32
      %get3A_1524 = arith.index_cast %get3A_1523 : i32 to index
      %get3A_1525 = arith.constant 0 : index
      %get3A_1526 = tpu.vector_load %arg10[%get3A_1524, %get3A_1525] {strides = array<i32>} : memref<96x32xf32, #tpu.memory_space<vmem>>, vector<1x16xf32>,
      %get3A_1527 = vector.shape_cast %get3A_1526 : vector<1x16xf32> to vector<16xf32>
      %add3A_1528 = arith.addf %add3A_1516, %get3A_1527 : vector<16xf32>
      %get3A_1529 = arith.constant 18 : i32
      %get3A_1530 = arith.index_cast %get3A_1529 : i32 to index
      %get3A_1531 = arith.constant 16 : index
      %get3A_1532 = tpu.vector_load %arg10[%get3A_1530, %get3A_1531] {strides = array<i32>} : memref<96x32xf32, #tpu.memory_space<vmem>>, vector<1x16xf32>,
      %get3A_1533 = vector.shape_cast %get3A_1532 : vector<1x16xf32> to vector<16xf32>
      %add3A_1534 = arith.addf %add3A_1522, %get3A_1533 : vector<16xf32>
      %get3A_1535 = arith.constant 19 : i32
      %get3A_1536 = arith.index_cast %get3A_1535 : i32 to index
      %get3A_1537 = arith.constant 0 : index
      %get3A_1538 = tpu.vector_load %arg10[%get3A_1536, %get3A_1537] {strides = array<i32>} : memref<96x32xf32, #tpu.memory_space<vmem>>, vector<1x16xf32>,
      %get3A_1539 = vector.shape_cast %get3A_1538 : vector<1x16xf32> to vector<16xf32>
      %add3A_1540 = arith.addf %add3A_1528, %get3A_1539 : vector<16xf32>
      %get3A_1541 = arith.constant 19 : i32
      %get3A_1542 = arith.index_cast %get3A_1541 : i32 to index
      %get3A_1543 = arith.constant 16 : index
      %get3A_1544 = tpu.vector_load %arg10[%get3A_1542, %get3A_1543] {strides = array<i32>} : memref<96x32xf32, #tpu.memory_space<vmem>>, vector<1x16xf32>,
      %get3A_1545 = vector.shape_cast %get3A_1544 : vector<1x16xf32> to vector<16xf32>
      %add3A_1546 = arith.addf %add3A_1534, %get3A_1545 : vector<16xf32>
      %get3A_1547 = arith.constant 20 : i32
      %get3A_1548 = arith.index_cast %get3A_1547 : i32 to index
      %get3A_1549 = arith.constant 0 : index
      %get3A_1550 = tpu.vector_load %arg10[%get3A_1548, %get3A_1549] {strides = array<i32>} : memref<96x32xf32, #tpu.memory_space<vmem>>, vector<1x16xf32>,
      %get3A_1551 = vector.shape_cast %get3A_1550 : vector<1x16xf32> to vector<16xf32>
      %add3A_1552 = arith.addf %add3A_1540, %get3A_1551 : vector<16xf32>
      %get3A_1553 = arith.constant 20 : i32
      %get3A_1554 = arith.index_cast %get3A_1553 : i32 to index
      %get3A_1555 = arith.constant 16 : index
      %get3A_1556 = tpu.vector_load %arg10[%get3A_1554, %get3A_1555] {strides = array<i32>} : memref<96x32xf32, #tpu.memory_space<vmem>>, vector<1x16xf32>,
      %get3A_1557 = vector.shape_cast %get3A_1556 : vector<1x16xf32> to vector<16xf32>
      %add3A_1558 = arith.addf %add3A_1546, %get3A_1557 : vector<16xf32>
      %get3A_1559 = arith.constant 21 : i32
      %get3A_1560 = arith.index_cast %get3A_1559 : i32 to index
      %get3A_1561 = arith.constant 0 : index
      %get3A_1562 = tpu.vector_load %arg10[%get3A_1560, %get3A_1561] {strides = array<i32>} : memref<96x32xf32, #tpu.memory_space<vmem>>, vector<1x16xf32>,
      %get3A_1563 = vector.shape_cast %get3A_1562 : vector<1x16xf32> to vector<16xf32>
      %add3A_1564 = arith.addf %add3A_1552, %get3A_1563 : vector<16xf32>
      %get3A_1565 = arith.constant 21 : i32
      %get3A_1566 = arith.index_cast %get3A_1565 : i32 to index
      %get3A_1567 = arith.constant 16 : index
      %get3A_1568 = tpu.vector_load %arg10[%get3A_1566, %get3A_1567] {strides = array<i32>} : memref<96x32xf32, #tpu.memory_space<vmem>>, vector<1x16xf32>,
      %get3A_1569 = vector.shape_cast %get3A_1568 : vector<1x16xf32> to vector<16xf32>
      %add3A_1570 = arith.addf %add3A_1558, %get3A_1569 : vector<16xf32>
      %get3A_1571 = arith.constant 22 : i32
      %get3A_1572 = arith.index_cast %get3A_1571 : i32 to index
      %get3A_1573 = arith.constant 0 : index
      %get3A_1574 = tpu.vector_load %arg10[%get3A_1572, %get3A_1573] {strides = array<i32>} : memref<96x32xf32, #tpu.memory_space<vmem>>, vector<1x16xf32>,
      %get3A_1575 = vector.shape_cast %get3A_1574 : vector<1x16xf32> to vector<16xf32>
      %add3A_1576 = arith.addf %add3A_1564, %get3A_1575 : vector<16xf32>
      %get3A_1577 = arith.constant 22 : i32
      %get3A_1578 = arith.index_cast %get3A_1577 : i32 to index
      %get3A_1579 = arith.constant 16 : index
      %get3A_1580 = tpu.vector_load %arg10[%get3A_1578, %get3A_1579] {strides = array<i32>} : memref<96x32xf32, #tpu.memory_space<vmem>>, vector<1x16xf32>,
      %get3A_1581 = vector.shape_cast %get3A_1580 : vector<1x16xf32> to vector<16xf32>
      %add3A_1582 = arith.addf %add3A_1570, %get3A_1581 : vector<16xf32>
      %get3A_1583 = arith.constant 23 : i32
      %get3A_1584 = arith.index_cast %get3A_1583 : i32 to index
      %get3A_1585 = arith.constant 0 : index
      %get3A_1586 = tpu.vector_load %arg10[%get3A_1584, %get3A_1585] {strides = array<i32>} : memref<96x32xf32, #tpu.memory_space<vmem>>, vector<1x16xf32>,
      %get3A_1587 = vector.shape_cast %get3A_1586 : vector<1x16xf32> to vector<16xf32>
      %add3A_1588 = arith.addf %add3A_1576, %get3A_1587 : vector<16xf32>
      %get3A_1589 = arith.constant 23 : i32
      %get3A_1590 = arith.index_cast %get3A_1589 : i32 to index
      %get3A_1591 = arith.constant 16 : index
      %get3A_1592 = tpu.vector_load %arg10[%get3A_1590, %get3A_1591] {strides = array<i32>} : memref<96x32xf32, #tpu.memory_space<vmem>>, vector<1x16xf32>,
      %get3A_1593 = vector.shape_cast %get3A_1592 : vector<1x16xf32> to vector<16xf32>
      %add3A_1594 = arith.addf %add3A_1582, %get3A_1593 : vector<16xf32>
      %get3A_1595 = arith.constant 24 : i32
      %get3A_1596 = arith.index_cast %get3A_1595 : i32 to index
      %get3A_1597 = arith.constant 0 : index
      %get3A_1598 = tpu.vector_load %arg10[%get3A_1596, %get3A_1597] {strides = array<i32>} : memref<96x32xf32, #tpu.memory_space<vmem>>, vector<1x16xf32>,
      %get3A_1599 = vector.shape_cast %get3A_1598 : vector<1x16xf32> to vector<16xf32>
      %add3A_1600 = arith.addf %add3A_1588, %get3A_1599 : vector<16xf32>
      %get3A_1601 = arith.constant 24 : i32
      %get3A_1602 = arith.index_cast %get3A_1601 : i32 to index
      %get3A_1603 = arith.constant 16 : index
      %get3A_1604 = tpu.vector_load %arg10[%get3A_1602, %get3A_1603] {strides = array<i32>} : memref<96x32xf32, #tpu.memory_space<vmem>>, vector<1x16xf32>,
      %get3A_1605 = vector.shape_cast %get3A_1604 : vector<1x16xf32> to vector<16xf32>
      %add3A_1606 = arith.addf %add3A_1594, %get3A_1605 : vector<16xf32>
      %get3A_1607 = arith.constant 25 : i32
      %get3A_1608 = arith.index_cast %get3A_1607 : i32 to index
      %get3A_1609 = arith.constant 0 : index
      %get3A_1610 = tpu.vector_load %arg10[%get3A_1608, %get3A_1609] {strides = array<i32>} : memref<96x32xf32, #tpu.memory_space<vmem>>, vector<1x16xf32>,
      %get3A_1611 = vector.shape_cast %get3A_1610 : vector<1x16xf32> to vector<16xf32>
      %add3A_1612 = arith.addf %add3A_1600, %get3A_1611 : vector<16xf32>
      %get3A_1613 = arith.constant 25 : i32
      %get3A_1614 = arith.index_cast %get3A_1613 : i32 to index
      %get3A_1615 = arith.constant 16 : index
      %get3A_1616 = tpu.vector_load %arg10[%get3A_1614, %get3A_1615] {strides = array<i32>} : memref<96x32xf32, #tpu.memory_space<vmem>>, vector<1x16xf32>,
      %get3A_1617 = vector.shape_cast %get3A_1616 : vector<1x16xf32> to vector<16xf32>
      %add3A_1618 = arith.addf %add3A_1606, %get3A_1617 : vector<16xf32>
      %get3A_1619 = arith.constant 26 : i32
      %get3A_1620 = arith.index_cast %get3A_1619 : i32 to index
      %get3A_1621 = arith.constant 0 : index
      %get3A_1622 = tpu.vector_load %arg10[%get3A_1620, %get3A_1621] {strides = array<i32>} : memref<96x32xf32, #tpu.memory_space<vmem>>, vector<1x16xf32>,
      %get3A_1623 = vector.shape_cast %get3A_1622 : vector<1x16xf32> to vector<16xf32>
      %add3A_1624 = arith.addf %add3A_1612, %get3A_1623 : vector<16xf32>
      %get3A_1625 = arith.constant 26 : i32
      %get3A_1626 = arith.index_cast %get3A_1625 : i32 to index
      %get3A_1627 = arith.constant 16 : index
      %get3A_1628 = tpu.vector_load %arg10[%get3A_1626, %get3A_1627] {strides = array<i32>} : memref<96x32xf32, #tpu.memory_space<vmem>>, vector<1x16xf32>,
      %get3A_1629 = vector.shape_cast %get3A_1628 : vector<1x16xf32> to vector<16xf32>
      %add3A_1630 = arith.addf %add3A_1618, %get3A_1629 : vector<16xf32>
      %get3A_1631 = arith.constant 27 : i32
      %get3A_1632 = arith.index_cast %get3A_1631 : i32 to index
      %get3A_1633 = arith.constant 0 : index
      %get3A_1634 = tpu.vector_load %arg10[%get3A_1632, %get3A_1633] {strides = array<i32>} : memref<96x32xf32, #tpu.memory_space<vmem>>, vector<1x16xf32>,
      %get3A_1635 = vector.shape_cast %get3A_1634 : vector<1x16xf32> to vector<16xf32>
      %add3A_1636 = arith.addf %add3A_1624, %get3A_1635 : vector<16xf32>
      %get3A_1637 = arith.constant 27 : i32
      %get3A_1638 = arith.index_cast %get3A_1637 : i32 to index
      %get3A_1639 = arith.constant 16 : index
      %get3A_1640 = tpu.vector_load %arg10[%get3A_1638, %get3A_1639] {strides = array<i32>} : memref<96x32xf32, #tpu.memory_space<vmem>>, vector<1x16xf32>,
      %get3A_1641 = vector.shape_cast %get3A_1640 : vector<1x16xf32> to vector<16xf32>
      %add3A_1642 = arith.addf %add3A_1630, %get3A_1641 : vector<16xf32>
      %get3A_1643 = arith.constant 28 : i32
      %get3A_1644 = arith.index_cast %get3A_1643 : i32 to index
      %get3A_1645 = arith.constant 0 : index
      %get3A_1646 = tpu.vector_load %arg10[%get3A_1644, %get3A_1645] {strides = array<i32>} : memref<96x32xf32, #tpu.memory_space<vmem>>, vector<1x16xf32>,
      %get3A_1647 = vector.shape_cast %get3A_1646 : vector<1x16xf32> to vector<16xf32>
      %add3A_1648 = arith.addf %add3A_1636, %get3A_1647 : vector<16xf32>
      %get3A_1649 = arith.constant 28 : i32
      %get3A_1650 = arith.index_cast %get3A_1649 : i32 to index
      %get3A_1651 = arith.constant 16 : index
      %get3A_1652 = tpu.vector_load %arg10[%get3A_1650, %get3A_1651] {strides = array<i32>} : memref<96x32xf32, #tpu.memory_space<vmem>>, vector<1x16xf32>,
      %get3A_1653 = vector.shape_cast %get3A_1652 : vector<1x16xf32> to vector<16xf32>
      %add3A_1654 = arith.addf %add3A_1642, %get3A_1653 : vector<16xf32>
      %get3A_1655 = arith.constant 29 : i32
      %get3A_1656 = arith.index_cast %get3A_1655 : i32 to index
      %get3A_1657 = arith.constant 0 : index
      %get3A_1658 = tpu.vector_load %arg10[%get3A_1656, %get3A_1657] {strides = array<i32>} : memref<96x32xf32, #tpu.memory_space<vmem>>, vector<1x16xf32>,
      %get3A_1659 = vector.shape_cast %get3A_1658 : vector<1x16xf32> to vector<16xf32>
      %add3A_1660 = arith.addf %add3A_1648, %get3A_1659 : vector<16xf32>
      %get3A_1661 = arith.constant 29 : i32
      %get3A_1662 = arith.index_cast %get3A_1661 : i32 to index
      %get3A_1663 = arith.constant 16 : index
      %get3A_1664 = tpu.vector_load %arg10[%get3A_1662, %get3A_1663] {strides = array<i32>} : memref<96x32xf32, #tpu.memory_space<vmem>>, vector<1x16xf32>,
      %get3A_1665 = vector.shape_cast %get3A_1664 : vector<1x16xf32> to vector<16xf32>
      %add3A_1666 = arith.addf %add3A_1654, %get3A_1665 : vector<16xf32>
      %get3A_1667 = arith.constant 30 : i32
      %get3A_1668 = arith.index_cast %get3A_1667 : i32 to index
      %get3A_1669 = arith.constant 0 : index
      %get3A_1670 = tpu.vector_load %arg10[%get3A_1668, %get3A_1669] {strides = array<i32>} : memref<96x32xf32, #tpu.memory_space<vmem>>, vector<1x16xf32>,
      %get3A_1671 = vector.shape_cast %get3A_1670 : vector<1x16xf32> to vector<16xf32>
      %add3A_1672 = arith.addf %add3A_1660, %get3A_1671 : vector<16xf32>
      %get3A_1673 = arith.constant 30 : i32
      %get3A_1674 = arith.index_cast %get3A_1673 : i32 to index
      %get3A_1675 = arith.constant 16 : index
      %get3A_1676 = tpu.vector_load %arg10[%get3A_1674, %get3A_1675] {strides = array<i32>} : memref<96x32xf32, #tpu.memory_space<vmem>>, vector<1x16xf32>,
      %get3A_1677 = vector.shape_cast %get3A_1676 : vector<1x16xf32> to vector<16xf32>
      %add3A_1678 = arith.addf %add3A_1666, %get3A_1677 : vector<16xf32>
      %get3A_1679 = arith.constant 31 : i32
      %get3A_1680 = arith.index_cast %get3A_1679 : i32 to index
      %get3A_1681 = arith.constant 0 : index
      %get3A_1682 = tpu.vector_load %arg10[%get3A_1680, %get3A_1681] {strides = array<i32>} : memref<96x32xf32, #tpu.memory_space<vmem>>, vector<1x16xf32>,
      %get3A_1683 = vector.shape_cast %get3A_1682 : vector<1x16xf32> to vector<16xf32>
      %add3A_1684 = arith.addf %add3A_1672, %get3A_1683 : vector<16xf32>
      %get3A_1685 = arith.constant 31 : i32
      %get3A_1686 = arith.index_cast %get3A_1685 : i32 to index
      %get3A_1687 = arith.constant 16 : index
      %get3A_1688 = tpu.vector_load %arg10[%get3A_1686, %get3A_1687] {strides = array<i32>} : memref<96x32xf32, #tpu.memory_space<vmem>>, vector<1x16xf32>,
      %get3A_1689 = vector.shape_cast %get3A_1688 : vector<1x16xf32> to vector<16xf32>
      %add3A_1690 = arith.addf %add3A_1678, %get3A_1689 : vector<16xf32>
      %get3A_1691 = arith.constant 32 : i32
      %get3A_1692 = arith.index_cast %get3A_1691 : i32 to index
      %get3A_1693 = arith.constant 0 : index
      %get3A_1694 = tpu.vector_load %arg10[%get3A_1692, %get3A_1693] {strides = array<i32>} : memref<96x32xf32, #tpu.memory_space<vmem>>, vector<1x16xf32>,
      %get3A_1695 = vector.shape_cast %get3A_1694 : vector<1x16xf32> to vector<16xf32>
      %add3A_1696 = arith.addf %add3A_1684, %get3A_1695 : vector<16xf32>
      %get3A_1697 = arith.constant 32 : i32
      %get3A_1698 = arith.index_cast %get3A_1697 : i32 to index
      %get3A_1699 = arith.constant 16 : index
      %get3A_1700 = tpu.vector_load %arg10[%get3A_1698, %get3A_1699] {strides = array<i32>} : memref<96x32xf32, #tpu.memory_space<vmem>>, vector<1x16xf32>,
      %get3A_1701 = vector.shape_cast %get3A_1700 : vector<1x16xf32> to vector<16xf32>
      %add3A_1702 = arith.addf %add3A_1690, %get3A_1701 : vector<16xf32>
      %get3A_1703 = arith.constant 33 : i32
      %get3A_1704 = arith.index_cast %get3A_1703 : i32 to index
      %get3A_1705 = arith.constant 0 : index
      %get3A_1706 = tpu.vector_load %arg10[%get3A_1704, %get3A_1705] {strides = array<i32>} : memref<96x32xf32, #tpu.memory_space<vmem>>, vector<1x16xf32>,
      %get3A_1707 = vector.shape_cast %get3A_1706 : vector<1x16xf32> to vector<16xf32>
      %add3A_1708 = arith.addf %add3A_1696, %get3A_1707 : vector<16xf32>
      %get3A_1709 = arith.constant 33 : i32
      %get3A_1710 = arith.index_cast %get3A_1709 : i32 to index
      %get3A_1711 = arith.constant 16 : index
      %get3A_1712 = tpu.vector_load %arg10[%get3A_1710, %get3A_1711] {strides = array<i32>} : memref<96x32xf32, #tpu.memory_space<vmem>>, vector<1x16xf32>,
      %get3A_1713 = vector.shape_cast %get3A_1712 : vector<1x16xf32> to vector<16xf32>
      %add3A_1714 = arith.addf %add3A_1702, %get3A_1713 : vector<16xf32>
      %get3A_1715 = arith.constant 34 : i32
      %get3A_1716 = arith.index_cast %get3A_1715 : i32 to index
      %get3A_1717 = arith.constant 0 : index
      %get3A_1718 = tpu.vector_load %arg10[%get3A_1716, %get3A_1717] {strides = array<i32>} : memref<96x32xf32, #tpu.memory_space<vmem>>, vector<1x16xf32>,
      %get3A_1719 = vector.shape_cast %get3A_1718 : vector<1x16xf32> to vector<16xf32>
      %add3A_1720 = arith.addf %add3A_1708, %get3A_1719 : vector<16xf32>
      %get3A_1721 = arith.constant 34 : i32
      %get3A_1722 = arith.index_cast %get3A_1721 : i32 to index
      %get3A_1723 = arith.constant 16 : index
      %get3A_1724 = tpu.vector_load %arg10[%get3A_1722, %get3A_1723] {strides = array<i32>} : memref<96x32xf32, #tpu.memory_space<vmem>>, vector<1x16xf32>,
      %get3A_1725 = vector.shape_cast %get3A_1724 : vector<1x16xf32> to vector<16xf32>
      %add3A_1726 = arith.addf %add3A_1714, %get3A_1725 : vector<16xf32>
      %get3A_1727 = arith.constant 35 : i32
      %get3A_1728 = arith.index_cast %get3A_1727 : i32 to index
      %get3A_1729 = arith.constant 0 : index
      %get3A_1730 = tpu.vector_load %arg10[%get3A_1728, %get3A_1729] {strides = array<i32>} : memref<96x32xf32, #tpu.memory_space<vmem>>, vector<1x16xf32>,
      %get3A_1731 = vector.shape_cast %get3A_1730 : vector<1x16xf32> to vector<16xf32>
      %add3A_1732 = arith.addf %add3A_1720, %get3A_1731 : vector<16xf32>
      %get3A_1733 = arith.constant 35 : i32
      %get3A_1734 = arith.index_cast %get3A_1733 : i32 to index
      %get3A_1735 = arith.constant 16 : index
      %get3A_1736 = tpu.vector_load %arg10[%get3A_1734, %get3A_1735] {strides = array<i32>} : memref<96x32xf32, #tpu.memory_space<vmem>>, vector<1x16xf32>,
      %get3A_1737 = vector.shape_cast %get3A_1736 : vector<1x16xf32> to vector<16xf32>
      %add3A_1738 = arith.addf %add3A_1726, %get3A_1737 : vector<16xf32>
      %get3A_1739 = arith.constant 36 : i32
      %get3A_1740 = arith.index_cast %get3A_1739 : i32 to index
      %get3A_1741 = arith.constant 0 : index
      %get3A_1742 = tpu.vector_load %arg10[%get3A_1740, %get3A_1741] {strides = array<i32>} : memref<96x32xf32, #tpu.memory_space<vmem>>, vector<1x16xf32>,
      %get3A_1743 = vector.shape_cast %get3A_1742 : vector<1x16xf32> to vector<16xf32>
      %add3A_1744 = arith.addf %add3A_1732, %get3A_1743 : vector<16xf32>
      %get3A_1745 = arith.constant 36 : i32
      %get3A_1746 = arith.index_cast %get3A_1745 : i32 to index
      %get3A_1747 = arith.constant 16 : index
      %get3A_1748 = tpu.vector_load %arg10[%get3A_1746, %get3A_1747] {strides = array<i32>} : memref<96x32xf32, #tpu.memory_space<vmem>>, vector<1x16xf32>,
      %get3A_1749 = vector.shape_cast %get3A_1748 : vector<1x16xf32> to vector<16xf32>
      %add3A_1750 = arith.addf %add3A_1738, %get3A_1749 : vector<16xf32>
      %get3A_1751 = arith.constant 37 : i32
      %get3A_1752 = arith.index_cast %get3A_1751 : i32 to index
      %get3A_1753 = arith.constant 0 : index
      %get3A_1754 = tpu.vector_load %arg10[%get3A_1752, %get3A_1753] {strides = array<i32>} : memref<96x32xf32, #tpu.memory_space<vmem>>, vector<1x16xf32>,
      %get3A_1755 = vector.shape_cast %get3A_1754 : vector<1x16xf32> to vector<16xf32>
      %add3A_1756 = arith.addf %add3A_1744, %get3A_1755 : vector<16xf32>
      %get3A_1757 = arith.constant 37 : i32
      %get3A_1758 = arith.index_cast %get3A_1757 : i32 to index
      %get3A_1759 = arith.constant 16 : index
      %get3A_1760 = tpu.vector_load %arg10[%get3A_1758, %get3A_1759] {strides = array<i32>} : memref<96x32xf32, #tpu.memory_space<vmem>>, vector<1x16xf32>,
      %get3A_1761 = vector.shape_cast %get3A_1760 : vector<1x16xf32> to vector<16xf32>
      %add3A_1762 = arith.addf %add3A_1750, %get3A_1761 : vector<16xf32>
      %get3A_1763 = arith.constant 38 : i32
      %get3A_1764 = arith.index_cast %get3A_1763 : i32 to index
      %get3A_1765 = arith.constant 0 : index
      %get3A_1766 = tpu.vector_load %arg10[%get3A_1764, %get3A_1765] {strides = array<i32>} : memref<96x32xf32, #tpu.memory_space<vmem>>, vector<1x16xf32>,
      %get3A_1767 = vector.shape_cast %get3A_1766 : vector<1x16xf32> to vector<16xf32>
      %add3A_1768 = arith.addf %add3A_1756, %get3A_1767 : vector<16xf32>
      %get3A_1769 = arith.constant 38 : i32
      %get3A_1770 = arith.index_cast %get3A_1769 : i32 to index
      %get3A_1771 = arith.constant 16 : index
      %get3A_1772 = tpu.vector_load %arg10[%get3A_1770, %get3A_1771] {strides = array<i32>} : memref<96x32xf32, #tpu.memory_space<vmem>>, vector<1x16xf32>,
      %get3A_1773 = vector.shape_cast %get3A_1772 : vector<1x16xf32> to vector<16xf32>
      %add3A_1774 = arith.addf %add3A_1762, %get3A_1773 : vector<16xf32>
      %get3A_1775 = arith.constant 39 : i32
      %get3A_1776 = arith.index_cast %get3A_1775 : i32 to index
      %get3A_1777 = arith.constant 0 : index
      %get3A_1778 = tpu.vector_load %arg10[%get3A_1776, %get3A_1777] {strides = array<i32>} : memref<96x32xf32, #tpu.memory_space<vmem>>, vector<1x16xf32>,
      %get3A_1779 = vector.shape_cast %get3A_1778 : vector<1x16xf32> to vector<16xf32>
      %add3A_1780 = arith.addf %add3A_1768, %get3A_1779 : vector<16xf32>
      %get3A_1781 = arith.constant 39 : i32
      %get3A_1782 = arith.index_cast %get3A_1781 : i32 to index
      %get3A_1783 = arith.constant 16 : index
      %get3A_1784 = tpu.vector_load %arg10[%get3A_1782, %get3A_1783] {strides = array<i32>} : memref<96x32xf32, #tpu.memory_space<vmem>>, vector<1x16xf32>,
      %get3A_1785 = vector.shape_cast %get3A_1784 : vector<1x16xf32> to vector<16xf32>
      %add3A_1786 = arith.addf %add3A_1774, %get3A_1785 : vector<16xf32>
      %get3A_1787 = arith.constant 40 : i32
      %get3A_1788 = arith.index_cast %get3A_1787 : i32 to index
      %get3A_1789 = arith.constant 0 : index
      %get3A_1790 = tpu.vector_load %arg10[%get3A_1788, %get3A_1789] {strides = array<i32>} : memref<96x32xf32, #tpu.memory_space<vmem>>, vector<1x16xf32>,
      %get3A_1791 = vector.shape_cast %get3A_1790 : vector<1x16xf32> to vector<16xf32>
      %add3A_1792 = arith.addf %add3A_1780, %get3A_1791 : vector<16xf32>
      %get3A_1793 = arith.constant 40 : i32
      %get3A_1794 = arith.index_cast %get3A_1793 : i32 to index
      %get3A_1795 = arith.constant 16 : index
      %get3A_1796 = tpu.vector_load %arg10[%get3A_1794, %get3A_1795] {strides = array<i32>} : memref<96x32xf32, #tpu.memory_space<vmem>>, vector<1x16xf32>,
      %get3A_1797 = vector.shape_cast %get3A_1796 : vector<1x16xf32> to vector<16xf32>
      %add3A_1798 = arith.addf %add3A_1786, %get3A_1797 : vector<16xf32>
      %get3A_1799 = arith.constant 41 : i32
      %get3A_1800 = arith.index_cast %get3A_1799 : i32 to index
      %get3A_1801 = arith.constant 0 : index
      %get3A_1802 = tpu.vector_load %arg10[%get3A_1800, %get3A_1801] {strides = array<i32>} : memref<96x32xf32, #tpu.memory_space<vmem>>, vector<1x16xf32>,
      %get3A_1803 = vector.shape_cast %get3A_1802 : vector<1x16xf32> to vector<16xf32>
      %add3A_1804 = arith.addf %add3A_1792, %get3A_1803 : vector<16xf32>
      %get3A_1805 = arith.constant 41 : i32
      %get3A_1806 = arith.index_cast %get3A_1805 : i32 to index
      %get3A_1807 = arith.constant 16 : index
      %get3A_1808 = tpu.vector_load %arg10[%get3A_1806, %get3A_1807] {strides = array<i32>} : memref<96x32xf32, #tpu.memory_space<vmem>>, vector<1x16xf32>,
      %get3A_1809 = vector.shape_cast %get3A_1808 : vector<1x16xf32> to vector<16xf32>
      %add3A_1810 = arith.addf %add3A_1798, %get3A_1809 : vector<16xf32>
      %get3A_1811 = arith.constant 42 : i32
      %get3A_1812 = arith.index_cast %get3A_1811 : i32 to index
      %get3A_1813 = arith.constant 0 : index
      %get3A_1814 = tpu.vector_load %arg10[%get3A_1812, %get3A_1813] {strides = array<i32>} : memref<96x32xf32, #tpu.memory_space<vmem>>, vector<1x16xf32>,
      %get3A_1815 = vector.shape_cast %get3A_1814 : vector<1x16xf32> to vector<16xf32>
      %add3A_1816 = arith.addf %add3A_1804, %get3A_1815 : vector<16xf32>
      %get3A_1817 = arith.constant 42 : i32
      %get3A_1818 = arith.index_cast %get3A_1817 : i32 to index
      %get3A_1819 = arith.constant 16 : index
      %get3A_1820 = tpu.vector_load %arg10[%get3A_1818, %get3A_1819] {strides = array<i32>} : memref<96x32xf32, #tpu.memory_space<vmem>>, vector<1x16xf32>,
      %get3A_1821 = vector.shape_cast %get3A_1820 : vector<1x16xf32> to vector<16xf32>
      %add3A_1822 = arith.addf %add3A_1810, %get3A_1821 : vector<16xf32>
      %get3A_1823 = arith.constant 43 : i32
      %get3A_1824 = arith.index_cast %get3A_1823 : i32 to index
      %get3A_1825 = arith.constant 0 : index
      %get3A_1826 = tpu.vector_load %arg10[%get3A_1824, %get3A_1825] {strides = array<i32>} : memref<96x32xf32, #tpu.memory_space<vmem>>, vector<1x16xf32>,
      %get3A_1827 = vector.shape_cast %get3A_1826 : vector<1x16xf32> to vector<16xf32>
      %add3A_1828 = arith.addf %add3A_1816, %get3A_1827 : vector<16xf32>
      %get3A_1829 = arith.constant 43 : i32
      %get3A_1830 = arith.index_cast %get3A_1829 : i32 to index
      %get3A_1831 = arith.constant 16 : index
      %get3A_1832 = tpu.vector_load %arg10[%get3A_1830, %get3A_1831] {strides = array<i32>} : memref<96x32xf32, #tpu.memory_space<vmem>>, vector<1x16xf32>,
      %get3A_1833 = vector.shape_cast %get3A_1832 : vector<1x16xf32> to vector<16xf32>
      %add3A_1834 = arith.addf %add3A_1822, %get3A_1833 : vector<16xf32>
      %get3A_1835 = arith.constant 44 : i32
      %get3A_1836 = arith.index_cast %get3A_1835 : i32 to index
      %get3A_1837 = arith.constant 0 : index
      %get3A_1838 = tpu.vector_load %arg10[%get3A_1836, %get3A_1837] {strides = array<i32>} : memref<96x32xf32, #tpu.memory_space<vmem>>, vector<1x16xf32>,
      %get3A_1839 = vector.shape_cast %get3A_1838 : vector<1x16xf32> to vector<16xf32>
      %add3A_1840 = arith.addf %add3A_1828, %get3A_1839 : vector<16xf32>
      %get3A_1841 = arith.constant 44 : i32
      %get3A_1842 = arith.index_cast %get3A_1841 : i32 to index
      %get3A_1843 = arith.constant 16 : index
      %get3A_1844 = tpu.vector_load %arg10[%get3A_1842, %get3A_1843] {strides = array<i32>} : memref<96x32xf32, #tpu.memory_space<vmem>>, vector<1x16xf32>,
      %get3A_1845 = vector.shape_cast %get3A_1844 : vector<1x16xf32> to vector<16xf32>
      %add3A_1846 = arith.addf %add3A_1834, %get3A_1845 : vector<16xf32>
      %get3A_1847 = arith.constant 45 : i32
      %get3A_1848 = arith.index_cast %get3A_1847 : i32 to index
      %get3A_1849 = arith.constant 0 : index
      %get3A_1850 = tpu.vector_load %arg10[%get3A_1848, %get3A_1849] {strides = array<i32>} : memref<96x32xf32, #tpu.memory_space<vmem>>, vector<1x16xf32>,
      %get3A_1851 = vector.shape_cast %get3A_1850 : vector<1x16xf32> to vector<16xf32>
      %add3A_1852 = arith.addf %add3A_1840, %get3A_1851 : vector<16xf32>
      %get3A_1853 = arith.constant 45 : i32
      %get3A_1854 = arith.index_cast %get3A_1853 : i32 to index
      %get3A_1855 = arith.constant 16 : index
      %get3A_1856 = tpu.vector_load %arg10[%get3A_1854, %get3A_1855] {strides = array<i32>} : memref<96x32xf32, #tpu.memory_space<vmem>>, vector<1x16xf32>,
      %get3A_1857 = vector.shape_cast %get3A_1856 : vector<1x16xf32> to vector<16xf32>
      %add3A_1858 = arith.addf %add3A_1846, %get3A_1857 : vector<16xf32>
      %get3A_1859 = arith.constant 46 : i32
      %get3A_1860 = arith.index_cast %get3A_1859 : i32 to index
      %get3A_1861 = arith.constant 0 : index
      %get3A_1862 = tpu.vector_load %arg10[%get3A_1860, %get3A_1861] {strides = array<i32>} : memref<96x32xf32, #tpu.memory_space<vmem>>, vector<1x16xf32>,
      %get3A_1863 = vector.shape_cast %get3A_1862 : vector<1x16xf32> to vector<16xf32>
      %add3A_1864 = arith.addf %add3A_1852, %get3A_1863 : vector<16xf32>
      %get3A_1865 = arith.constant 46 : i32
      %get3A_1866 = arith.index_cast %get3A_1865 : i32 to index
      %get3A_1867 = arith.constant 16 : index
      %get3A_1868 = tpu.vector_load %arg10[%get3A_1866, %get3A_1867] {strides = array<i32>} : memref<96x32xf32, #tpu.memory_space<vmem>>, vector<1x16xf32>,
      %get3A_1869 = vector.shape_cast %get3A_1868 : vector<1x16xf32> to vector<16xf32>
      %add3A_1870 = arith.addf %add3A_1858, %get3A_1869 : vector<16xf32>
      %get3A_1871 = arith.constant 47 : i32
      %get3A_1872 = arith.index_cast %get3A_1871 : i32 to index
      %get3A_1873 = arith.constant 0 : index
      %get3A_1874 = tpu.vector_load %arg10[%get3A_1872, %get3A_1873] {strides = array<i32>} : memref<96x32xf32, #tpu.memory_space<vmem>>, vector<1x16xf32>,
      %get3A_1875 = vector.shape_cast %get3A_1874 : vector<1x16xf32> to vector<16xf32>
      %add3A_1876 = arith.addf %add3A_1864, %get3A_1875 : vector<16xf32>
      %get3A_1877 = arith.constant 47 : i32
      %get3A_1878 = arith.index_cast %get3A_1877 : i32 to index
      %get3A_1879 = arith.constant 16 : index
      %get3A_1880 = tpu.vector_load %arg10[%get3A_1878, %get3A_1879] {strides = array<i32>} : memref<96x32xf32, #tpu.memory_space<vmem>>, vector<1x16xf32>,
      %get3A_1881 = vector.shape_cast %get3A_1880 : vector<1x16xf32> to vector<16xf32>
      %add3A_1882 = arith.addf %add3A_1870, %get3A_1881 : vector<16xf32>
      %get3A_1883 = arith.constant 48 : i32
      %get3A_1884 = arith.index_cast %get3A_1883 : i32 to index
      %get3A_1885 = arith.constant 0 : index
      %get3A_1886 = tpu.vector_load %arg10[%get3A_1884, %get3A_1885] {strides = array<i32>} : memref<96x32xf32, #tpu.memory_space<vmem>>, vector<1x16xf32>,
      %get3A_1887 = vector.shape_cast %get3A_1886 : vector<1x16xf32> to vector<16xf32>
      %add3A_1888 = arith.addf %add3A_1876, %get3A_1887 : vector<16xf32>
      %get3A_1889 = arith.constant 48 : i32
      %get3A_1890 = arith.index_cast %get3A_1889 : i32 to index
      %get3A_1891 = arith.constant 16 : index
      %get3A_1892 = tpu.vector_load %arg10[%get3A_1890, %get3A_1891] {strides = array<i32>} : memref<96x32xf32, #tpu.memory_space<vmem>>, vector<1x16xf32>,
      %get3A_1893 = vector.shape_cast %get3A_1892 : vector<1x16xf32> to vector<16xf32>
      %add3A_1894 = arith.addf %add3A_1882, %get3A_1893 : vector<16xf32>
      %get3A_1895 = arith.constant 49 : i32
      %get3A_1896 = arith.index_cast %get3A_1895 : i32 to index
      %get3A_1897 = arith.constant 0 : index
      %get3A_1898 = tpu.vector_load %arg10[%get3A_1896, %get3A_1897] {strides = array<i32>} : memref<96x32xf32, #tpu.memory_space<vmem>>, vector<1x16xf32>,
      %get3A_1899 = vector.shape_cast %get3A_1898 : vector<1x16xf32> to vector<16xf32>
      %add3A_1900 = arith.addf %add3A_1888, %get3A_1899 : vector<16xf32>
      %get3A_1901 = arith.constant 49 : i32
      %get3A_1902 = arith.index_cast %get3A_1901 : i32 to index
      %get3A_1903 = arith.constant 16 : index
      %get3A_1904 = tpu.vector_load %arg10[%get3A_1902, %get3A_1903] {strides = array<i32>} : memref<96x32xf32, #tpu.memory_space<vmem>>, vector<1x16xf32>,
      %get3A_1905 = vector.shape_cast %get3A_1904 : vector<1x16xf32> to vector<16xf32>
      %add3A_1906 = arith.addf %add3A_1894, %get3A_1905 : vector<16xf32>
      %get3A_1907 = arith.constant 50 : i32
      %get3A_1908 = arith.index_cast %get3A_1907 : i32 to index
      %get3A_1909 = arith.constant 0 : index
      %get3A_1910 = tpu.vector_load %arg10[%get3A_1908, %get3A_1909] {strides = array<i32>} : memref<96x32xf32, #tpu.memory_space<vmem>>, vector<1x16xf32>,
      %get3A_1911 = vector.shape_cast %get3A_1910 : vector<1x16xf32> to vector<16xf32>
      %add3A_1912 = arith.addf %add3A_1900, %get3A_1911 : vector<16xf32>
      %get3A_1913 = arith.constant 50 : i32
      %get3A_1914 = arith.index_cast %get3A_1913 : i32 to index
      %get3A_1915 = arith.constant 16 : index
      %get3A_1916 = tpu.vector_load %arg10[%get3A_1914, %get3A_1915] {strides = array<i32>} : memref<96x32xf32, #tpu.memory_space<vmem>>, vector<1x16xf32>,
      %get3A_1917 = vector.shape_cast %get3A_1916 : vector<1x16xf32> to vector<16xf32>
      %add3A_1918 = arith.addf %add3A_1906, %get3A_1917 : vector<16xf32>
      %get3A_1919 = arith.constant 51 : i32
      %get3A_1920 = arith.index_cast %get3A_1919 : i32 to index
      %get3A_1921 = arith.constant 0 : index
      %get3A_1922 = tpu.vector_load %arg10[%get3A_1920, %get3A_1921] {strides = array<i32>} : memref<96x32xf32, #tpu.memory_space<vmem>>, vector<1x16xf32>,
      %get3A_1923 = vector.shape_cast %get3A_1922 : vector<1x16xf32> to vector<16xf32>
      %add3A_1924 = arith.addf %add3A_1912, %get3A_1923 : vector<16xf32>
      %get3A_1925 = arith.constant 51 : i32
      %get3A_1926 = arith.index_cast %get3A_1925 : i32 to index
      %get3A_1927 = arith.constant 16 : index
      %get3A_1928 = tpu.vector_load %arg10[%get3A_1926, %get3A_1927] {strides = array<i32>} : memref<96x32xf32, #tpu.memory_space<vmem>>, vector<1x16xf32>,
      %get3A_1929 = vector.shape_cast %get3A_1928 : vector<1x16xf32> to vector<16xf32>
      %add3A_1930 = arith.addf %add3A_1918, %get3A_1929 : vector<16xf32>
      %get3A_1931 = arith.constant 52 : i32
      %get3A_1932 = arith.index_cast %get3A_1931 : i32 to index
      %get3A_1933 = arith.constant 0 : index
      %get3A_1934 = tpu.vector_load %arg10[%get3A_1932, %get3A_1933] {strides = array<i32>} : memref<96x32xf32, #tpu.memory_space<vmem>>, vector<1x16xf32>,
      %get3A_1935 = vector.shape_cast %get3A_1934 : vector<1x16xf32> to vector<16xf32>
      %add3A_1936 = arith.addf %add3A_1924, %get3A_1935 : vector<16xf32>
      %get3A_1937 = arith.constant 52 : i32
      %get3A_1938 = arith.index_cast %get3A_1937 : i32 to index
      %get3A_1939 = arith.constant 16 : index
      %get3A_1940 = tpu.vector_load %arg10[%get3A_1938, %get3A_1939] {strides = array<i32>} : memref<96x32xf32, #tpu.memory_space<vmem>>, vector<1x16xf32>,
      %get3A_1941 = vector.shape_cast %get3A_1940 : vector<1x16xf32> to vector<16xf32>
      %add3A_1942 = arith.addf %add3A_1930, %get3A_1941 : vector<16xf32>
      %get3A_1943 = arith.constant 53 : i32
      %get3A_1944 = arith.index_cast %get3A_1943 : i32 to index
      %get3A_1945 = arith.constant 0 : index
      %get3A_1946 = tpu.vector_load %arg10[%get3A_1944, %get3A_1945] {strides = array<i32>} : memref<96x32xf32, #tpu.memory_space<vmem>>, vector<1x16xf32>,
      %get3A_1947 = vector.shape_cast %get3A_1946 : vector<1x16xf32> to vector<16xf32>
      %add3A_1948 = arith.addf %add3A_1936, %get3A_1947 : vector<16xf32>
      %get3A_1949 = arith.constant 53 : i32
      %get3A_1950 = arith.index_cast %get3A_1949 : i32 to index
      %get3A_1951 = arith.constant 16 : index
      %get3A_1952 = tpu.vector_load %arg10[%get3A_1950, %get3A_1951] {strides = array<i32>} : memref<96x32xf32, #tpu.memory_space<vmem>>, vector<1x16xf32>,
      %get3A_1953 = vector.shape_cast %get3A_1952 : vector<1x16xf32> to vector<16xf32>
      %add3A_1954 = arith.addf %add3A_1942, %get3A_1953 : vector<16xf32>
      %get3A_1955 = arith.constant 54 : i32
      %get3A_1956 = arith.index_cast %get3A_1955 : i32 to index
      %get3A_1957 = arith.constant 0 : index
      %get3A_1958 = tpu.vector_load %arg10[%get3A_1956, %get3A_1957] {strides = array<i32>} : memref<96x32xf32, #tpu.memory_space<vmem>>, vector<1x16xf32>,
      %get3A_1959 = vector.shape_cast %get3A_1958 : vector<1x16xf32> to vector<16xf32>
      %add3A_1960 = arith.addf %add3A_1948, %get3A_1959 : vector<16xf32>
      %get3A_1961 = arith.constant 54 : i32
      %get3A_1962 = arith.index_cast %get3A_1961 : i32 to index
      %get3A_1963 = arith.constant 16 : index
      %get3A_1964 = tpu.vector_load %arg10[%get3A_1962, %get3A_1963] {strides = array<i32>} : memref<96x32xf32, #tpu.memory_space<vmem>>, vector<1x16xf32>,
      %get3A_1965 = vector.shape_cast %get3A_1964 : vector<1x16xf32> to vector<16xf32>
      %add3A_1966 = arith.addf %add3A_1954, %get3A_1965 : vector<16xf32>
      %get3A_1967 = arith.constant 55 : i32
      %get3A_1968 = arith.index_cast %get3A_1967 : i32 to index
      %get3A_1969 = arith.constant 0 : index
      %get3A_1970 = tpu.vector_load %arg10[%get3A_1968, %get3A_1969] {strides = array<i32>} : memref<96x32xf32, #tpu.memory_space<vmem>>, vector<1x16xf32>,
      %get3A_1971 = vector.shape_cast %get3A_1970 : vector<1x16xf32> to vector<16xf32>
      %add3A_1972 = arith.addf %add3A_1960, %get3A_1971 : vector<16xf32>
      %get3A_1973 = arith.constant 55 : i32
      %get3A_1974 = arith.index_cast %get3A_1973 : i32 to index
      %get3A_1975 = arith.constant 16 : index
      %get3A_1976 = tpu.vector_load %arg10[%get3A_1974, %get3A_1975] {strides = array<i32>} : memref<96x32xf32, #tpu.memory_space<vmem>>, vector<1x16xf32>,
      %get3A_1977 = vector.shape_cast %get3A_1976 : vector<1x16xf32> to vector<16xf32>
      %add3A_1978 = arith.addf %add3A_1966, %get3A_1977 : vector<16xf32>
      %get3A_1979 = arith.constant 56 : i32
      %get3A_1980 = arith.index_cast %get3A_1979 : i32 to index
      %get3A_1981 = arith.constant 0 : index
      %get3A_1982 = tpu.vector_load %arg10[%get3A_1980, %get3A_1981] {strides = array<i32>} : memref<96x32xf32, #tpu.memory_space<vmem>>, vector<1x16xf32>,
      %get3A_1983 = vector.shape_cast %get3A_1982 : vector<1x16xf32> to vector<16xf32>
      %add3A_1984 = arith.addf %add3A_1972, %get3A_1983 : vector<16xf32>
      %get3A_1985 = arith.constant 56 : i32
      %get3A_1986 = arith.index_cast %get3A_1985 : i32 to index
      %get3A_1987 = arith.constant 16 : index
      %get3A_1988 = tpu.vector_load %arg10[%get3A_1986, %get3A_1987] {strides = array<i32>} : memref<96x32xf32, #tpu.memory_space<vmem>>, vector<1x16xf32>,
      %get3A_1989 = vector.shape_cast %get3A_1988 : vector<1x16xf32> to vector<16xf32>
      %add3A_1990 = arith.addf %add3A_1978, %get3A_1989 : vector<16xf32>
      %get3A_1991 = arith.constant 57 : i32
      %get3A_1992 = arith.index_cast %get3A_1991 : i32 to index
      %get3A_1993 = arith.constant 0 : index
      %get3A_1994 = tpu.vector_load %arg10[%get3A_1992, %get3A_1993] {strides = array<i32>} : memref<96x32xf32, #tpu.memory_space<vmem>>, vector<1x16xf32>,
      %get3A_1995 = vector.shape_cast %get3A_1994 : vector<1x16xf32> to vector<16xf32>
      %add3A_1996 = arith.addf %add3A_1984, %get3A_1995 : vector<16xf32>
      %get3A_1997 = arith.constant 57 : i32
      %get3A_1998 = arith.index_cast %get3A_1997 : i32 to index
      %get3A_1999 = arith.constant 16 : index
      %get3A_2000 = tpu.vector_load %arg10[%get3A_1998, %get3A_1999] {strides = array<i32>} : memref<96x32xf32, #tpu.memory_space<vmem>>, vector<1x16xf32>,
      %get3A_2001 = vector.shape_cast %get3A_2000 : vector<1x16xf32> to vector<16xf32>
      %add3A_2002 = arith.addf %add3A_1990, %get3A_2001 : vector<16xf32>
      %get3A_2003 = arith.constant 58 : i32
      %get3A_2004 = arith.index_cast %get3A_2003 : i32 to index
      %get3A_2005 = arith.constant 0 : index
      %get3A_2006 = tpu.vector_load %arg10[%get3A_2004, %get3A_2005] {strides = array<i32>} : memref<96x32xf32, #tpu.memory_space<vmem>>, vector<1x16xf32>,
      %get3A_2007 = vector.shape_cast %get3A_2006 : vector<1x16xf32> to vector<16xf32>
      %add3A_2008 = arith.addf %add3A_1996, %get3A_2007 : vector<16xf32>
      %get3A_2009 = arith.constant 58 : i32
      %get3A_2010 = arith.index_cast %get3A_2009 : i32 to index
      %get3A_2011 = arith.constant 16 : index
      %get3A_2012 = tpu.vector_load %arg10[%get3A_2010, %get3A_2011] {strides = array<i32>} : memref<96x32xf32, #tpu.memory_space<vmem>>, vector<1x16xf32>,
      %get3A_2013 = vector.shape_cast %get3A_2012 : vector<1x16xf32> to vector<16xf32>
      %add3A_2014 = arith.addf %add3A_2002, %get3A_2013 : vector<16xf32>
      %get3A_2015 = arith.constant 59 : i32
      %get3A_2016 = arith.index_cast %get3A_2015 : i32 to index
      %get3A_2017 = arith.constant 0 : index
      %get3A_2018 = tpu.vector_load %arg10[%get3A_2016, %get3A_2017] {strides = array<i32>} : memref<96x32xf32, #tpu.memory_space<vmem>>, vector<1x16xf32>,
      %get3A_2019 = vector.shape_cast %get3A_2018 : vector<1x16xf32> to vector<16xf32>
      %add3A_2020 = arith.addf %add3A_2008, %get3A_2019 : vector<16xf32>
      %get3A_2021 = arith.constant 59 : i32
      %get3A_2022 = arith.index_cast %get3A_2021 : i32 to index
      %get3A_2023 = arith.constant 16 : index
      %get3A_2024 = tpu.vector_load %arg10[%get3A_2022, %get3A_2023] {strides = array<i32>} : memref<96x32xf32, #tpu.memory_space<vmem>>, vector<1x16xf32>,
      %get3A_2025 = vector.shape_cast %get3A_2024 : vector<1x16xf32> to vector<16xf32>
      %add3A_2026 = arith.addf %add3A_2014, %get3A_2025 : vector<16xf32>
      %get3A_2027 = arith.constant 60 : i32
      %get3A_2028 = arith.index_cast %get3A_2027 : i32 to index
      %get3A_2029 = arith.constant 0 : index
      %get3A_2030 = tpu.vector_load %arg10[%get3A_2028, %get3A_2029] {strides = array<i32>} : memref<96x32xf32, #tpu.memory_space<vmem>>, vector<1x16xf32>,
      %get3A_2031 = vector.shape_cast %get3A_2030 : vector<1x16xf32> to vector<16xf32>
      %add3A_2032 = arith.addf %add3A_2020, %get3A_2031 : vector<16xf32>
      %get3A_2033 = arith.constant 60 : i32
      %get3A_2034 = arith.index_cast %get3A_2033 : i32 to index
      %get3A_2035 = arith.constant 16 : index
      %get3A_2036 = tpu.vector_load %arg10[%get3A_2034, %get3A_2035] {strides = array<i32>} : memref<96x32xf32, #tpu.memory_space<vmem>>, vector<1x16xf32>,
      %get3A_2037 = vector.shape_cast %get3A_2036 : vector<1x16xf32> to vector<16xf32>
      %add3A_2038 = arith.addf %add3A_2026, %get3A_2037 : vector<16xf32>
      %get3A_2039 = arith.constant 61 : i32
      %get3A_2040 = arith.index_cast %get3A_2039 : i32 to index
      %get3A_2041 = arith.constant 0 : index
      %get3A_2042 = tpu.vector_load %arg10[%get3A_2040, %get3A_2041] {strides = array<i32>} : memref<96x32xf32, #tpu.memory_space<vmem>>, vector<1x16xf32>,
      %get3A_2043 = vector.shape_cast %get3A_2042 : vector<1x16xf32> to vector<16xf32>
      %add3A_2044 = arith.addf %add3A_2032, %get3A_2043 : vector<16xf32>
      %get3A_2045 = arith.constant 61 : i32
      %get3A_2046 = arith.index_cast %get3A_2045 : i32 to index
      %get3A_2047 = arith.constant 16 : index
      %get3A_2048 = tpu.vector_load %arg10[%get3A_2046, %get3A_2047] {strides = array<i32>} : memref<96x32xf32, #tpu.memory_space<vmem>>, vector<1x16xf32>,
      %get3A_2049 = vector.shape_cast %get3A_2048 : vector<1x16xf32> to vector<16xf32>
      %add3A_2050 = arith.addf %add3A_2038, %get3A_2049 : vector<16xf32>
      %get3A_2051 = arith.constant 62 : i32
      %get3A_2052 = arith.index_cast %get3A_2051 : i32 to index
      %get3A_2053 = arith.constant 0 : index
      %get3A_2054 = tpu.vector_load %arg10[%get3A_2052, %get3A_2053] {strides = array<i32>} : memref<96x32xf32, #tpu.memory_space<vmem>>, vector<1x16xf32>,
      %get3A_2055 = vector.shape_cast %get3A_2054 : vector<1x16xf32> to vector<16xf32>
      %add3A_2056 = arith.addf %add3A_2044, %get3A_2055 : vector<16xf32>
      %get3A_2057 = arith.constant 62 : i32
      %get3A_2058 = arith.index_cast %get3A_2057 : i32 to index
      %get3A_2059 = arith.constant 16 : index
      %get3A_2060 = tpu.vector_load %arg10[%get3A_2058, %get3A_2059] {strides = array<i32>} : memref<96x32xf32, #tpu.memory_space<vmem>>, vector<1x16xf32>,
      %get3A_2061 = vector.shape_cast %get3A_2060 : vector<1x16xf32> to vector<16xf32>
      %add3A_2062 = arith.addf %add3A_2050, %get3A_2061 : vector<16xf32>
      %get3A_2063 = arith.constant 63 : i32
      %get3A_2064 = arith.index_cast %get3A_2063 : i32 to index
      %get3A_2065 = arith.constant 0 : index
      %get3A_2066 = tpu.vector_load %arg10[%get3A_2064, %get3A_2065] {strides = array<i32>} : memref<96x32xf32, #tpu.memory_space<vmem>>, vector<1x16xf32>,
      %get3A_2067 = vector.shape_cast %get3A_2066 : vector<1x16xf32> to vector<16xf32>
      %add3A_2068 = arith.addf %add3A_2056, %get3A_2067 : vector<16xf32>
      %get3A_2069 = arith.constant 63 : i32
      %get3A_2070 = arith.index_cast %get3A_2069 : i32 to index
      %get3A_2071 = arith.constant 16 : index
      %get3A_2072 = tpu.vector_load %arg10[%get3A_2070, %get3A_2071] {strides = array<i32>} : memref<96x32xf32, #tpu.memory_space<vmem>>, vector<1x16xf32>,
      %get3A_2073 = vector.shape_cast %get3A_2072 : vector<1x16xf32> to vector<16xf32>
      %add3A_2074 = arith.addf %add3A_2062, %get3A_2073 : vector<16xf32>
      %get3A_2075 = arith.constant 64 : i32
      %get3A_2076 = arith.index_cast %get3A_2075 : i32 to index
      %get3A_2077 = arith.constant 0 : index
      %get3A_2078 = tpu.vector_load %arg10[%get3A_2076, %get3A_2077] {strides = array<i32>} : memref<96x32xf32, #tpu.memory_space<vmem>>, vector<1x16xf32>,
      %get3A_2079 = vector.shape_cast %get3A_2078 : vector<1x16xf32> to vector<16xf32>
      %add3A_2080 = arith.addf %add3A_2068, %get3A_2079 : vector<16xf32>
      %get3A_2081 = arith.constant 64 : i32
      %get3A_2082 = arith.index_cast %get3A_2081 : i32 to index
      %get3A_2083 = arith.constant 16 : index
      %get3A_2084 = tpu.vector_load %arg10[%get3A_2082, %get3A_2083] {strides = array<i32>} : memref<96x32xf32, #tpu.memory_space<vmem>>, vector<1x16xf32>,
      %get3A_2085 = vector.shape_cast %get3A_2084 : vector<1x16xf32> to vector<16xf32>
      %add3A_2086 = arith.addf %add3A_2074, %get3A_2085 : vector<16xf32>
      %get3A_2087 = arith.constant 65 : i32
      %get3A_2088 = arith.index_cast %get3A_2087 : i32 to index
      %get3A_2089 = arith.constant 0 : index
      %get3A_2090 = tpu.vector_load %arg10[%get3A_2088, %get3A_2089] {strides = array<i32>} : memref<96x32xf32, #tpu.memory_space<vmem>>, vector<1x16xf32>,
      %get3A_2091 = vector.shape_cast %get3A_2090 : vector<1x16xf32> to vector<16xf32>
      %add3A_2092 = arith.addf %add3A_2080, %get3A_2091 : vector<16xf32>
      %get3A_2093 = arith.constant 65 : i32
      %get3A_2094 = arith.index_cast %get3A_2093 : i32 to index
      %get3A_2095 = arith.constant 16 : index
      %get3A_2096 = tpu.vector_load %arg10[%get3A_2094, %get3A_2095] {strides = array<i32>} : memref<96x32xf32, #tpu.memory_space<vmem>>, vector<1x16xf32>,
      %get3A_2097 = vector.shape_cast %get3A_2096 : vector<1x16xf32> to vector<16xf32>
      %add3A_2098 = arith.addf %add3A_2086, %get3A_2097 : vector<16xf32>
      %get3A_2099 = arith.constant 66 : i32
      %get3A_2100 = arith.index_cast %get3A_2099 : i32 to index
      %get3A_2101 = arith.constant 0 : index
      %get3A_2102 = tpu.vector_load %arg10[%get3A_2100, %get3A_2101] {strides = array<i32>} : memref<96x32xf32, #tpu.memory_space<vmem>>, vector<1x16xf32>,
      %get3A_2103 = vector.shape_cast %get3A_2102 : vector<1x16xf32> to vector<16xf32>
      %add3A_2104 = arith.addf %add3A_2092, %get3A_2103 : vector<16xf32>
      %get3A_2105 = arith.constant 66 : i32
      %get3A_2106 = arith.index_cast %get3A_2105 : i32 to index
      %get3A_2107 = arith.constant 16 : index
      %get3A_2108 = tpu.vector_load %arg10[%get3A_2106, %get3A_2107] {strides = array<i32>} : memref<96x32xf32, #tpu.memory_space<vmem>>, vector<1x16xf32>,
      %get3A_2109 = vector.shape_cast %get3A_2108 : vector<1x16xf32> to vector<16xf32>
      %add3A_2110 = arith.addf %add3A_2098, %get3A_2109 : vector<16xf32>
      %get3A_2111 = arith.constant 67 : i32
      %get3A_2112 = arith.index_cast %get3A_2111 : i32 to index
      %get3A_2113 = arith.constant 0 : index
      %get3A_2114 = tpu.vector_load %arg10[%get3A_2112, %get3A_2113] {strides = array<i32>} : memref<96x32xf32, #tpu.memory_space<vmem>>, vector<1x16xf32>,
      %get3A_2115 = vector.shape_cast %get3A_2114 : vector<1x16xf32> to vector<16xf32>
      %add3A_2116 = arith.addf %add3A_2104, %get3A_2115 : vector<16xf32>
      %get3A_2117 = arith.constant 67 : i32
      %get3A_2118 = arith.index_cast %get3A_2117 : i32 to index
      %get3A_2119 = arith.constant 16 : index
      %get3A_2120 = tpu.vector_load %arg10[%get3A_2118, %get3A_2119] {strides = array<i32>} : memref<96x32xf32, #tpu.memory_space<vmem>>, vector<1x16xf32>,
      %get3A_2121 = vector.shape_cast %get3A_2120 : vector<1x16xf32> to vector<16xf32>
      %add3A_2122 = arith.addf %add3A_2110, %get3A_2121 : vector<16xf32>
      %get3A_2123 = arith.constant 68 : i32
      %get3A_2124 = arith.index_cast %get3A_2123 : i32 to index
      %get3A_2125 = arith.constant 0 : index
      %get3A_2126 = tpu.vector_load %arg10[%get3A_2124, %get3A_2125] {strides = array<i32>} : memref<96x32xf32, #tpu.memory_space<vmem>>, vector<1x16xf32>,
      %get3A_2127 = vector.shape_cast %get3A_2126 : vector<1x16xf32> to vector<16xf32>
      %add3A_2128 = arith.addf %add3A_2116, %get3A_2127 : vector<16xf32>
      %get3A_2129 = arith.constant 68 : i32
      %get3A_2130 = arith.index_cast %get3A_2129 : i32 to index
      %get3A_2131 = arith.constant 16 : index
      %get3A_2132 = tpu.vector_load %arg10[%get3A_2130, %get3A_2131] {strides = array<i32>} : memref<96x32xf32, #tpu.memory_space<vmem>>, vector<1x16xf32>,
      %get3A_2133 = vector.shape_cast %get3A_2132 : vector<1x16xf32> to vector<16xf32>
      %add3A_2134 = arith.addf %add3A_2122, %get3A_2133 : vector<16xf32>
      %get3A_2135 = arith.constant 69 : i32
      %get3A_2136 = arith.index_cast %get3A_2135 : i32 to index
      %get3A_2137 = arith.constant 0 : index
      %get3A_2138 = tpu.vector_load %arg10[%get3A_2136, %get3A_2137] {strides = array<i32>} : memref<96x32xf32, #tpu.memory_space<vmem>>, vector<1x16xf32>,
      %get3A_2139 = vector.shape_cast %get3A_2138 : vector<1x16xf32> to vector<16xf32>
      %add3A_2140 = arith.addf %add3A_2128, %get3A_2139 : vector<16xf32>
      %get3A_2141 = arith.constant 69 : i32
      %get3A_2142 = arith.index_cast %get3A_2141 : i32 to index
      %get3A_2143 = arith.constant 16 : index
      %get3A_2144 = tpu.vector_load %arg10[%get3A_2142, %get3A_2143] {strides = array<i32>} : memref<96x32xf32, #tpu.memory_space<vmem>>, vector<1x16xf32>,
      %get3A_2145 = vector.shape_cast %get3A_2144 : vector<1x16xf32> to vector<16xf32>
      %add3A_2146 = arith.addf %add3A_2134, %get3A_2145 : vector<16xf32>
      %get3A_2147 = arith.constant 70 : i32
      %get3A_2148 = arith.index_cast %get3A_2147 : i32 to index
      %get3A_2149 = arith.constant 0 : index
      %get3A_2150 = tpu.vector_load %arg10[%get3A_2148, %get3A_2149] {strides = array<i32>} : memref<96x32xf32, #tpu.memory_space<vmem>>, vector<1x16xf32>,
      %get3A_2151 = vector.shape_cast %get3A_2150 : vector<1x16xf32> to vector<16xf32>
      %add3A_2152 = arith.addf %add3A_2140, %get3A_2151 : vector<16xf32>
      %get3A_2153 = arith.constant 70 : i32
      %get3A_2154 = arith.index_cast %get3A_2153 : i32 to index
      %get3A_2155 = arith.constant 16 : index
      %get3A_2156 = tpu.vector_load %arg10[%get3A_2154, %get3A_2155] {strides = array<i32>} : memref<96x32xf32, #tpu.memory_space<vmem>>, vector<1x16xf32>,
      %get3A_2157 = vector.shape_cast %get3A_2156 : vector<1x16xf32> to vector<16xf32>
      %add3A_2158 = arith.addf %add3A_2146, %get3A_2157 : vector<16xf32>
      %get3A_2159 = arith.constant 71 : i32
      %get3A_2160 = arith.index_cast %get3A_2159 : i32 to index
      %get3A_2161 = arith.constant 0 : index
      %get3A_2162 = tpu.vector_load %arg10[%get3A_2160, %get3A_2161] {strides = array<i32>} : memref<96x32xf32, #tpu.memory_space<vmem>>, vector<1x16xf32>,
      %get3A_2163 = vector.shape_cast %get3A_2162 : vector<1x16xf32> to vector<16xf32>
      %add3A_2164 = arith.addf %add3A_2152, %get3A_2163 : vector<16xf32>
      %get3A_2165 = arith.constant 71 : i32
      %get3A_2166 = arith.index_cast %get3A_2165 : i32 to index
      %get3A_2167 = arith.constant 16 : index
      %get3A_2168 = tpu.vector_load %arg10[%get3A_2166, %get3A_2167] {strides = array<i32>} : memref<96x32xf32, #tpu.memory_space<vmem>>, vector<1x16xf32>,
      %get3A_2169 = vector.shape_cast %get3A_2168 : vector<1x16xf32> to vector<16xf32>
      %add3A_2170 = arith.addf %add3A_2158, %get3A_2169 : vector<16xf32>
      %get3A_2171 = arith.constant 72 : i32
      %get3A_2172 = arith.index_cast %get3A_2171 : i32 to index
      %get3A_2173 = arith.constant 0 : index
      %get3A_2174 = tpu.vector_load %arg10[%get3A_2172, %get3A_2173] {strides = array<i32>} : memref<96x32xf32, #tpu.memory_space<vmem>>, vector<1x16xf32>,
      %get3A_2175 = vector.shape_cast %get3A_2174 : vector<1x16xf32> to vector<16xf32>
      %add3A_2176 = arith.addf %add3A_2164, %get3A_2175 : vector<16xf32>
      %get3A_2177 = arith.constant 72 : i32
      %get3A_2178 = arith.index_cast %get3A_2177 : i32 to index
      %get3A_2179 = arith.constant 16 : index
      %get3A_2180 = tpu.vector_load %arg10[%get3A_2178, %get3A_2179] {strides = array<i32>} : memref<96x32xf32, #tpu.memory_space<vmem>>, vector<1x16xf32>,
      %get3A_2181 = vector.shape_cast %get3A_2180 : vector<1x16xf32> to vector<16xf32>
      %add3A_2182 = arith.addf %add3A_2170, %get3A_2181 : vector<16xf32>
      %get3A_2183 = arith.constant 73 : i32
      %get3A_2184 = arith.index_cast %get3A_2183 : i32 to index
      %get3A_2185 = arith.constant 0 : index
      %get3A_2186 = tpu.vector_load %arg10[%get3A_2184, %get3A_2185] {strides = array<i32>} : memref<96x32xf32, #tpu.memory_space<vmem>>, vector<1x16xf32>,
      %get3A_2187 = vector.shape_cast %get3A_2186 : vector<1x16xf32> to vector<16xf32>
      %add3A_2188 = arith.addf %add3A_2176, %get3A_2187 : vector<16xf32>
      %get3A_2189 = arith.constant 73 : i32
      %get3A_2190 = arith.index_cast %get3A_2189 : i32 to index
      %get3A_2191 = arith.constant 16 : index
      %get3A_2192 = tpu.vector_load %arg10[%get3A_2190, %get3A_2191] {strides = array<i32>} : memref<96x32xf32, #tpu.memory_space<vmem>>, vector<1x16xf32>,
      %get3A_2193 = vector.shape_cast %get3A_2192 : vector<1x16xf32> to vector<16xf32>
      %add3A_2194 = arith.addf %add3A_2182, %get3A_2193 : vector<16xf32>
      %get3A_2195 = arith.constant 74 : i32
      %get3A_2196 = arith.index_cast %get3A_2195 : i32 to index
      %get3A_2197 = arith.constant 0 : index
      %get3A_2198 = tpu.vector_load %arg10[%get3A_2196, %get3A_2197] {strides = array<i32>} : memref<96x32xf32, #tpu.memory_space<vmem>>, vector<1x16xf32>,
      %get3A_2199 = vector.shape_cast %get3A_2198 : vector<1x16xf32> to vector<16xf32>
      %add3A_2200 = arith.addf %add3A_2188, %get3A_2199 : vector<16xf32>
      %get3A_2201 = arith.constant 74 : i32
      %get3A_2202 = arith.index_cast %get3A_2201 : i32 to index
      %get3A_2203 = arith.constant 16 : index
      %get3A_2204 = tpu.vector_load %arg10[%get3A_2202, %get3A_2203] {strides = array<i32>} : memref<96x32xf32, #tpu.memory_space<vmem>>, vector<1x16xf32>,
      %get3A_2205 = vector.shape_cast %get3A_2204 : vector<1x16xf32> to vector<16xf32>
      %add3A_2206 = arith.addf %add3A_2194, %get3A_2205 : vector<16xf32>
      %get3A_2207 = arith.constant 75 : i32
      %get3A_2208 = arith.index_cast %get3A_2207 : i32 to index
      %get3A_2209 = arith.constant 0 : index
      %get3A_2210 = tpu.vector_load %arg10[%get3A_2208, %get3A_2209] {strides = array<i32>} : memref<96x32xf32, #tpu.memory_space<vmem>>, vector<1x16xf32>,
      %get3A_2211 = vector.shape_cast %get3A_2210 : vector<1x16xf32> to vector<16xf32>
      %add3A_2212 = arith.addf %add3A_2200, %get3A_2211 : vector<16xf32>
      %get3A_2213 = arith.constant 75 : i32
      %get3A_2214 = arith.index_cast %get3A_2213 : i32 to index
      %get3A_2215 = arith.constant 16 : index
      %get3A_2216 = tpu.vector_load %arg10[%get3A_2214, %get3A_2215] {strides = array<i32>} : memref<96x32xf32, #tpu.memory_space<vmem>>, vector<1x16xf32>,
      %get3A_2217 = vector.shape_cast %get3A_2216 : vector<1x16xf32> to vector<16xf32>
      %add3A_2218 = arith.addf %add3A_2206, %get3A_2217 : vector<16xf32>
      %get3A_2219 = arith.constant 76 : i32
      %get3A_2220 = arith.index_cast %get3A_2219 : i32 to index
      %get3A_2221 = arith.constant 0 : index
      %get3A_2222 = tpu.vector_load %arg10[%get3A_2220, %get3A_2221] {strides = array<i32>} : memref<96x32xf32, #tpu.memory_space<vmem>>, vector<1x16xf32>,
      %get3A_2223 = vector.shape_cast %get3A_2222 : vector<1x16xf32> to vector<16xf32>
      %add3A_2224 = arith.addf %add3A_2212, %get3A_2223 : vector<16xf32>
      %get3A_2225 = arith.constant 76 : i32
      %get3A_2226 = arith.index_cast %get3A_2225 : i32 to index
      %get3A_2227 = arith.constant 16 : index
      %get3A_2228 = tpu.vector_load %arg10[%get3A_2226, %get3A_2227] {strides = array<i32>} : memref<96x32xf32, #tpu.memory_space<vmem>>, vector<1x16xf32>,
      %get3A_2229 = vector.shape_cast %get3A_2228 : vector<1x16xf32> to vector<16xf32>
      %add3A_2230 = arith.addf %add3A_2218, %get3A_2229 : vector<16xf32>
      %get3A_2231 = arith.constant 77 : i32
      %get3A_2232 = arith.index_cast %get3A_2231 : i32 to index
      %get3A_2233 = arith.constant 0 : index
      %get3A_2234 = tpu.vector_load %arg10[%get3A_2232, %get3A_2233] {strides = array<i32>} : memref<96x32xf32, #tpu.memory_space<vmem>>, vector<1x16xf32>,
      %get3A_2235 = vector.shape_cast %get3A_2234 : vector<1x16xf32> to vector<16xf32>
      %add3A_2236 = arith.addf %add3A_2224, %get3A_2235 : vector<16xf32>
      %get3A_2237 = arith.constant 77 : i32
      %get3A_2238 = arith.index_cast %get3A_2237 : i32 to index
      %get3A_2239 = arith.constant 16 : index
      %get3A_2240 = tpu.vector_load %arg10[%get3A_2238, %get3A_2239] {strides = array<i32>} : memref<96x32xf32, #tpu.memory_space<vmem>>, vector<1x16xf32>,
      %get3A_2241 = vector.shape_cast %get3A_2240 : vector<1x16xf32> to vector<16xf32>
      %add3A_2242 = arith.addf %add3A_2230, %get3A_2241 : vector<16xf32>
      %get3A_2243 = arith.constant 78 : i32
      %get3A_2244 = arith.index_cast %get3A_2243 : i32 to index
      %get3A_2245 = arith.constant 0 : index
      %get3A_2246 = tpu.vector_load %arg10[%get3A_2244, %get3A_2245] {strides = array<i32>} : memref<96x32xf32, #tpu.memory_space<vmem>>, vector<1x16xf32>,
      %get3A_2247 = vector.shape_cast %get3A_2246 : vector<1x16xf32> to vector<16xf32>
      %add3A_2248 = arith.addf %add3A_2236, %get3A_2247 : vector<16xf32>
      %get3A_2249 = arith.constant 78 : i32
      %get3A_2250 = arith.index_cast %get3A_2249 : i32 to index
      %get3A_2251 = arith.constant 16 : index
      %get3A_2252 = tpu.vector_load %arg10[%get3A_2250, %get3A_2251] {strides = array<i32>} : memref<96x32xf32, #tpu.memory_space<vmem>>, vector<1x16xf32>,
      %get3A_2253 = vector.shape_cast %get3A_2252 : vector<1x16xf32> to vector<16xf32>
      %add3A_2254 = arith.addf %add3A_2242, %get3A_2253 : vector<16xf32>
      %get3A_2255 = arith.constant 79 : i32
      %get3A_2256 = arith.index_cast %get3A_2255 : i32 to index
      %get3A_2257 = arith.constant 0 : index
      %get3A_2258 = tpu.vector_load %arg10[%get3A_2256, %get3A_2257] {strides = array<i32>} : memref<96x32xf32, #tpu.memory_space<vmem>>, vector<1x16xf32>,
      %get3A_2259 = vector.shape_cast %get3A_2258 : vector<1x16xf32> to vector<16xf32>
      %add3A_2260 = arith.addf %add3A_2248, %get3A_2259 : vector<16xf32>
      %get3A_2261 = arith.constant 79 : i32
      %get3A_2262 = arith.index_cast %get3A_2261 : i32 to index
      %get3A_2263 = arith.constant 16 : index
      %get3A_2264 = tpu.vector_load %arg10[%get3A_2262, %get3A_2263] {strides = array<i32>} : memref<96x32xf32, #tpu.memory_space<vmem>>, vector<1x16xf32>,
      %get3A_2265 = vector.shape_cast %get3A_2264 : vector<1x16xf32> to vector<16xf32>
      %add3A_2266 = arith.addf %add3A_2254, %get3A_2265 : vector<16xf32>
      %get3A_2267 = arith.constant 80 : i32
      %get3A_2268 = arith.index_cast %get3A_2267 : i32 to index
      %get3A_2269 = arith.constant 0 : index
      %get3A_2270 = tpu.vector_load %arg10[%get3A_2268, %get3A_2269] {strides = array<i32>} : memref<96x32xf32, #tpu.memory_space<vmem>>, vector<1x16xf32>,
      %get3A_2271 = vector.shape_cast %get3A_2270 : vector<1x16xf32> to vector<16xf32>
      %add3A_2272 = arith.addf %add3A_2260, %get3A_2271 : vector<16xf32>
      %get3A_2273 = arith.constant 80 : i32
      %get3A_2274 = arith.index_cast %get3A_2273 : i32 to index
      %get3A_2275 = arith.constant 16 : index
      %get3A_2276 = tpu.vector_load %arg10[%get3A_2274, %get3A_2275] {strides = array<i32>} : memref<96x32xf32, #tpu.memory_space<vmem>>, vector<1x16xf32>,
      %get3A_2277 = vector.shape_cast %get3A_2276 : vector<1x16xf32> to vector<16xf32>
      %add3A_2278 = arith.addf %add3A_2266, %get3A_2277 : vector<16xf32>
      %get3A_2279 = arith.constant 81 : i32
      %get3A_2280 = arith.index_cast %get3A_2279 : i32 to index
      %get3A_2281 = arith.constant 0 : index
      %get3A_2282 = tpu.vector_load %arg10[%get3A_2280, %get3A_2281] {strides = array<i32>} : memref<96x32xf32, #tpu.memory_space<vmem>>, vector<1x16xf32>,
      %get3A_2283 = vector.shape_cast %get3A_2282 : vector<1x16xf32> to vector<16xf32>
      %add3A_2284 = arith.addf %add3A_2272, %get3A_2283 : vector<16xf32>
      %get3A_2285 = arith.constant 81 : i32
      %get3A_2286 = arith.index_cast %get3A_2285 : i32 to index
      %get3A_2287 = arith.constant 16 : index
      %get3A_2288 = tpu.vector_load %arg10[%get3A_2286, %get3A_2287] {strides = array<i32>} : memref<96x32xf32, #tpu.memory_space<vmem>>, vector<1x16xf32>,
      %get3A_2289 = vector.shape_cast %get3A_2288 : vector<1x16xf32> to vector<16xf32>
      %add3A_2290 = arith.addf %add3A_2278, %get3A_2289 : vector<16xf32>
      %get3A_2291 = arith.constant 82 : i32
      %get3A_2292 = arith.index_cast %get3A_2291 : i32 to index
      %get3A_2293 = arith.constant 0 : index
      %get3A_2294 = tpu.vector_load %arg10[%get3A_2292, %get3A_2293] {strides = array<i32>} : memref<96x32xf32, #tpu.memory_space<vmem>>, vector<1x16xf32>,
      %get3A_2295 = vector.shape_cast %get3A_2294 : vector<1x16xf32> to vector<16xf32>
      %add3A_2296 = arith.addf %add3A_2284, %get3A_2295 : vector<16xf32>
      %get3A_2297 = arith.constant 82 : i32
      %get3A_2298 = arith.index_cast %get3A_2297 : i32 to index
      %get3A_2299 = arith.constant 16 : index
      %get3A_2300 = tpu.vector_load %arg10[%get3A_2298, %get3A_2299] {strides = array<i32>} : memref<96x32xf32, #tpu.memory_space<vmem>>, vector<1x16xf32>,
      %get3A_2301 = vector.shape_cast %get3A_2300 : vector<1x16xf32> to vector<16xf32>
      %add3A_2302 = arith.addf %add3A_2290, %get3A_2301 : vector<16xf32>
      %get3A_2303 = arith.constant 83 : i32
      %get3A_2304 = arith.index_cast %get3A_2303 : i32 to index
      %get3A_2305 = arith.constant 0 : index
      %get3A_2306 = tpu.vector_load %arg10[%get3A_2304, %get3A_2305] {strides = array<i32>} : memref<96x32xf32, #tpu.memory_space<vmem>>, vector<1x16xf32>,
      %get3A_2307 = vector.shape_cast %get3A_2306 : vector<1x16xf32> to vector<16xf32>
      %add3A_2308 = arith.addf %add3A_2296, %get3A_2307 : vector<16xf32>
      %get3A_2309 = arith.constant 83 : i32
      %get3A_2310 = arith.index_cast %get3A_2309 : i32 to index
      %get3A_2311 = arith.constant 16 : index
      %get3A_2312 = tpu.vector_load %arg10[%get3A_2310, %get3A_2311] {strides = array<i32>} : memref<96x32xf32, #tpu.memory_space<vmem>>, vector<1x16xf32>,
      %get3A_2313 = vector.shape_cast %get3A_2312 : vector<1x16xf32> to vector<16xf32>
      %add3A_2314 = arith.addf %add3A_2302, %get3A_2313 : vector<16xf32>
      %get3A_2315 = arith.constant 84 : i32
      %get3A_2316 = arith.index_cast %get3A_2315 : i32 to index
      %get3A_2317 = arith.constant 0 : index
      %get3A_2318 = tpu.vector_load %arg10[%get3A_2316, %get3A_2317] {strides = array<i32>} : memref<96x32xf32, #tpu.memory_space<vmem>>, vector<1x16xf32>,
      %get3A_2319 = vector.shape_cast %get3A_2318 : vector<1x16xf32> to vector<16xf32>
      %add3A_2320 = arith.addf %add3A_2308, %get3A_2319 : vector<16xf32>
      %get3A_2321 = arith.constant 84 : i32
      %get3A_2322 = arith.index_cast %get3A_2321 : i32 to index
      %get3A_2323 = arith.constant 16 : index
      %get3A_2324 = tpu.vector_load %arg10[%get3A_2322, %get3A_2323] {strides = array<i32>} : memref<96x32xf32, #tpu.memory_space<vmem>>, vector<1x16xf32>,
      %get3A_2325 = vector.shape_cast %get3A_2324 : vector<1x16xf32> to vector<16xf32>
      %add3A_2326 = arith.addf %add3A_2314, %get3A_2325 : vector<16xf32>
      %get3A_2327 = arith.constant 85 : i32
      %get3A_2328 = arith.index_cast %get3A_2327 : i32 to index
      %get3A_2329 = arith.constant 0 : index
      %get3A_2330 = tpu.vector_load %arg10[%get3A_2328, %get3A_2329] {strides = array<i32>} : memref<96x32xf32, #tpu.memory_space<vmem>>, vector<1x16xf32>,
      %get3A_2331 = vector.shape_cast %get3A_2330 : vector<1x16xf32> to vector<16xf32>
      %add3A_2332 = arith.addf %add3A_2320, %get3A_2331 : vector<16xf32>
      %get3A_2333 = arith.constant 85 : i32
      %get3A_2334 = arith.index_cast %get3A_2333 : i32 to index
      %get3A_2335 = arith.constant 16 : index
      %get3A_2336 = tpu.vector_load %arg10[%get3A_2334, %get3A_2335] {strides = array<i32>} : memref<96x32xf32, #tpu.memory_space<vmem>>, vector<1x16xf32>,
      %get3A_2337 = vector.shape_cast %get3A_2336 : vector<1x16xf32> to vector<16xf32>
      %add3A_2338 = arith.addf %add3A_2326, %get3A_2337 : vector<16xf32>
      %get3A_2339 = arith.constant 86 : i32
      %get3A_2340 = arith.index_cast %get3A_2339 : i32 to index
      %get3A_2341 = arith.constant 0 : index
      %get3A_2342 = tpu.vector_load %arg10[%get3A_2340, %get3A_2341] {strides = array<i32>} : memref<96x32xf32, #tpu.memory_space<vmem>>, vector<1x16xf32>,
      %get3A_2343 = vector.shape_cast %get3A_2342 : vector<1x16xf32> to vector<16xf32>
      %add3A_2344 = arith.addf %add3A_2332, %get3A_2343 : vector<16xf32>
      %get3A_2345 = arith.constant 86 : i32
      %get3A_2346 = arith.index_cast %get3A_2345 : i32 to index
      %get3A_2347 = arith.constant 16 : index
      %get3A_2348 = tpu.vector_load %arg10[%get3A_2346, %get3A_2347] {strides = array<i32>} : memref<96x32xf32, #tpu.memory_space<vmem>>, vector<1x16xf32>,
      %get3A_2349 = vector.shape_cast %get3A_2348 : vector<1x16xf32> to vector<16xf32>
      %add3A_2350 = arith.addf %add3A_2338, %get3A_2349 : vector<16xf32>
      %get3A_2351 = arith.constant 87 : i32
      %get3A_2352 = arith.index_cast %get3A_2351 : i32 to index
      %get3A_2353 = arith.constant 0 : index
      %get3A_2354 = tpu.vector_load %arg10[%get3A_2352, %get3A_2353] {strides = array<i32>} : memref<96x32xf32, #tpu.memory_space<vmem>>, vector<1x16xf32>,
      %get3A_2355 = vector.shape_cast %get3A_2354 : vector<1x16xf32> to vector<16xf32>
      %add3A_2356 = arith.addf %add3A_2344, %get3A_2355 : vector<16xf32>
      %get3A_2357 = arith.constant 87 : i32
      %get3A_2358 = arith.index_cast %get3A_2357 : i32 to index
      %get3A_2359 = arith.constant 16 : index
      %get3A_2360 = tpu.vector_load %arg10[%get3A_2358, %get3A_2359] {strides = array<i32>} : memref<96x32xf32, #tpu.memory_space<vmem>>, vector<1x16xf32>,
      %get3A_2361 = vector.shape_cast %get3A_2360 : vector<1x16xf32> to vector<16xf32>
      %add3A_2362 = arith.addf %add3A_2350, %get3A_2361 : vector<16xf32>
      %get3A_2363 = arith.constant 88 : i32
      %get3A_2364 = arith.index_cast %get3A_2363 : i32 to index
      %get3A_2365 = arith.constant 0 : index
      %get3A_2366 = tpu.vector_load %arg10[%get3A_2364, %get3A_2365] {strides = array<i32>} : memref<96x32xf32, #tpu.memory_space<vmem>>, vector<1x16xf32>,
      %get3A_2367 = vector.shape_cast %get3A_2366 : vector<1x16xf32> to vector<16xf32>
      %add3A_2368 = arith.addf %add3A_2356, %get3A_2367 : vector<16xf32>
      %get3A_2369 = arith.constant 88 : i32
      %get3A_2370 = arith.index_cast %get3A_2369 : i32 to index
      %get3A_2371 = arith.constant 16 : index
      %get3A_2372 = tpu.vector_load %arg10[%get3A_2370, %get3A_2371] {strides = array<i32>} : memref<96x32xf32, #tpu.memory_space<vmem>>, vector<1x16xf32>,
      %get3A_2373 = vector.shape_cast %get3A_2372 : vector<1x16xf32> to vector<16xf32>
      %add3A_2374 = arith.addf %add3A_2362, %get3A_2373 : vector<16xf32>
      %get3A_2375 = arith.constant 89 : i32
      %get3A_2376 = arith.index_cast %get3A_2375 : i32 to index
      %get3A_2377 = arith.constant 0 : index
      %get3A_2378 = tpu.vector_load %arg10[%get3A_2376, %get3A_2377] {strides = array<i32>} : memref<96x32xf32, #tpu.memory_space<vmem>>, vector<1x16xf32>,
      %get3A_2379 = vector.shape_cast %get3A_2378 : vector<1x16xf32> to vector<16xf32>
      %add3A_2380 = arith.addf %add3A_2368, %get3A_2379 : vector<16xf32>
      %get3A_2381 = arith.constant 89 : i32
      %get3A_2382 = arith.index_cast %get3A_2381 : i32 to index
      %get3A_2383 = arith.constant 16 : index
      %get3A_2384 = tpu.vector_load %arg10[%get3A_2382, %get3A_2383] {strides = array<i32>} : memref<96x32xf32, #tpu.memory_space<vmem>>, vector<1x16xf32>,
      %get3A_2385 = vector.shape_cast %get3A_2384 : vector<1x16xf32> to vector<16xf32>
      %add3A_2386 = arith.addf %add3A_2374, %get3A_2385 : vector<16xf32>
      %get3A_2387 = arith.constant 90 : i32
      %get3A_2388 = arith.index_cast %get3A_2387 : i32 to index
      %get3A_2389 = arith.constant 0 : index
      %get3A_2390 = tpu.vector_load %arg10[%get3A_2388, %get3A_2389] {strides = array<i32>} : memref<96x32xf32, #tpu.memory_space<vmem>>, vector<1x16xf32>,
      %get3A_2391 = vector.shape_cast %get3A_2390 : vector<1x16xf32> to vector<16xf32>
      %add3A_2392 = arith.addf %add3A_2380, %get3A_2391 : vector<16xf32>
      %get3A_2393 = arith.constant 90 : i32
      %get3A_2394 = arith.index_cast %get3A_2393 : i32 to index
      %get3A_2395 = arith.constant 16 : index
      %get3A_2396 = tpu.vector_load %arg10[%get3A_2394, %get3A_2395] {strides = array<i32>} : memref<96x32xf32, #tpu.memory_space<vmem>>, vector<1x16xf32>,
      %get3A_2397 = vector.shape_cast %get3A_2396 : vector<1x16xf32> to vector<16xf32>
      %add3A_2398 = arith.addf %add3A_2386, %get3A_2397 : vector<16xf32>
      %get3A_2399 = arith.constant 91 : i32
      %get3A_2400 = arith.index_cast %get3A_2399 : i32 to index
      %get3A_2401 = arith.constant 0 : index
      %get3A_2402 = tpu.vector_load %arg10[%get3A_2400, %get3A_2401] {strides = array<i32>} : memref<96x32xf32, #tpu.memory_space<vmem>>, vector<1x16xf32>,
      %get3A_2403 = vector.shape_cast %get3A_2402 : vector<1x16xf32> to vector<16xf32>
      %add3A_2404 = arith.addf %add3A_2392, %get3A_2403 : vector<16xf32>
      %get3A_2405 = arith.constant 91 : i32
      %get3A_2406 = arith.index_cast %get3A_2405 : i32 to index
      %get3A_2407 = arith.constant 16 : index
      %get3A_2408 = tpu.vector_load %arg10[%get3A_2406, %get3A_2407] {strides = array<i32>} : memref<96x32xf32, #tpu.memory_space<vmem>>, vector<1x16xf32>,
      %get3A_2409 = vector.shape_cast %get3A_2408 : vector<1x16xf32> to vector<16xf32>
      %add3A_2410 = arith.addf %add3A_2398, %get3A_2409 : vector<16xf32>
      %get3A_2411 = arith.constant 92 : i32
      %get3A_2412 = arith.index_cast %get3A_2411 : i32 to index
      %get3A_2413 = arith.constant 0 : index
      %get3A_2414 = tpu.vector_load %arg10[%get3A_2412, %get3A_2413] {strides = array<i32>} : memref<96x32xf32, #tpu.memory_space<vmem>>, vector<1x16xf32>,
      %get3A_2415 = vector.shape_cast %get3A_2414 : vector<1x16xf32> to vector<16xf32>
      %add3A_2416 = arith.addf %add3A_2404, %get3A_2415 : vector<16xf32>
      %get3A_2417 = arith.constant 92 : i32
      %get3A_2418 = arith.index_cast %get3A_2417 : i32 to index
      %get3A_2419 = arith.constant 16 : index
      %get3A_2420 = tpu.vector_load %arg10[%get3A_2418, %get3A_2419] {strides = array<i32>} : memref<96x32xf32, #tpu.memory_space<vmem>>, vector<1x16xf32>,
      %get3A_2421 = vector.shape_cast %get3A_2420 : vector<1x16xf32> to vector<16xf32>
      %add3A_2422 = arith.addf %add3A_2410, %get3A_2421 : vector<16xf32>
      %get3A_2423 = arith.constant 93 : i32
      %get3A_2424 = arith.index_cast %get3A_2423 : i32 to index
      %get3A_2425 = arith.constant 0 : index
      %get3A_2426 = tpu.vector_load %arg10[%get3A_2424, %get3A_2425] {strides = array<i32>} : memref<96x32xf32, #tpu.memory_space<vmem>>, vector<1x16xf32>,
      %get3A_2427 = vector.shape_cast %get3A_2426 : vector<1x16xf32> to vector<16xf32>
      %add3A_2428 = arith.addf %add3A_2416, %get3A_2427 : vector<16xf32>
      %get3A_2429 = arith.constant 93 : i32
      %get3A_2430 = arith.index_cast %get3A_2429 : i32 to index
      %get3A_2431 = arith.constant 16 : index
      %get3A_2432 = tpu.vector_load %arg10[%get3A_2430, %get3A_2431] {strides = array<i32>} : memref<96x32xf32, #tpu.memory_space<vmem>>, vector<1x16xf32>,
      %get3A_2433 = vector.shape_cast %get3A_2432 : vector<1x16xf32> to vector<16xf32>
      %add3A_2434 = arith.addf %add3A_2422, %get3A_2433 : vector<16xf32>
      %get3A_2435 = arith.constant 94 : i32
      %get3A_2436 = arith.index_cast %get3A_2435 : i32 to index
      %get3A_2437 = arith.constant 0 : index
      %get3A_2438 = tpu.vector_load %arg10[%get3A_2436, %get3A_2437] {strides = array<i32>} : memref<96x32xf32, #tpu.memory_space<vmem>>, vector<1x16xf32>,
      %get3A_2439 = vector.shape_cast %get3A_2438 : vector<1x16xf32> to vector<16xf32>
      %add3A_2440 = arith.addf %add3A_2428, %get3A_2439 : vector<16xf32>
      %get3A_2441 = arith.constant 94 : i32
      %get3A_2442 = arith.index_cast %get3A_2441 : i32 to index
      %get3A_2443 = arith.constant 16 : index
      %get3A_2444 = tpu.vector_load %arg10[%get3A_2442, %get3A_2443] {strides = array<i32>} : memref<96x32xf32, #tpu.memory_space<vmem>>, vector<1x16xf32>,
      %get3A_2445 = vector.shape_cast %get3A_2444 : vector<1x16xf32> to vector<16xf32>
      %add3A_2446 = arith.addf %add3A_2434, %get3A_2445 : vector<16xf32>
      %get3A_2447 = arith.constant 95 : i32
      %get3A_2448 = arith.index_cast %get3A_2447 : i32 to index
      %get3A_2449 = arith.constant 0 : index
      %get3A_2450 = tpu.vector_load %arg10[%get3A_2448, %get3A_2449] {strides = array<i32>} : memref<96x32xf32, #tpu.memory_space<vmem>>, vector<1x16xf32>,
      %get3A_2451 = vector.shape_cast %get3A_2450 : vector<1x16xf32> to vector<16xf32>
      %add3A_2452 = arith.addf %add3A_2440, %get3A_2451 : vector<16xf32>
      %get3A_2453 = arith.constant 95 : i32
      %get3A_2454 = arith.index_cast %get3A_2453 : i32 to index
      %get3A_2455 = arith.constant 16 : index
      %get3A_2456 = tpu.vector_load %arg10[%get3A_2454, %get3A_2455] {strides = array<i32>} : memref<96x32xf32, #tpu.memory_space<vmem>>, vector<1x16xf32>,
      %get3A_2457 = vector.shape_cast %get3A_2456 : vector<1x16xf32> to vector<16xf32>
      %add3A_2458 = arith.addf %add3A_2446, %get3A_2457 : vector<16xf32>
      %add3A_2459 = arith.constant 2 : i32
      %add3A_2460 = arith.addi %add3A_43, %add3A_2459 : i32
      %lt3A_2461 = arith.constant 128 : i32
      %lt3A_2462 = arith.cmpi slt, %add3A_2460, %lt3A_2461 : i32
      %convert_element_type3A_2463 = arith.extui %lt3A_2462 : i1 to i32
      %cond3A_2464 = arith.constant 0 : i32
      %cond3A_2465 = arith.cmpi ne, %convert_element_type3A_2463, %cond3A_2464 : i32
      scf.if %cond3A_2465 {
        %add3A_4917 = arith.constant 2 : i32
        %add3A_4918 = arith.addi %add3A_43, %add3A_4917 : i32
        %dma_start3A_4919 = arith.constant 0 : i32
        %dma_start3A_4920 = tpu.memref_slice %arg7[%add3A_4918, %dma_start3A_4919] : memref<128x96xi32, #tpu.memory_space<vmem>> -> memref<1x96xi32, #tpu.memory_space<vmem>>
        %dma_start3A_4921 = tpu.memref_squeeze %dma_start3A_4920 : memref<1x96xi32, #tpu.memory_space<vmem>> -> memref<96xi32, #tpu.memory_space<vmem>>
        %dma_start3A_4922 = arith.constant 0 : i32
        %dma_start3A_4923 = arith.constant 0 : i32
        %dma_start3A_4924 = tpu.memref_slice %arg4[%dma_start3A_4922, %dma_start3A_4923] : memref<1000000x32xf32, #tpu.memory_space<hbm>> -> memref<1000000x32xf32, #tpu.memory_space<hbm>>
        tpu.enqueue_indirect_dma source(%dma_start3A_4924 : memref<1000000x32xf32, #tpu.memory_space<hbm>>) target(%arg10 : memref<96x32xf32, #tpu.memory_space<vmem>>) offsets(%dma_start3A_4921 : memref<96xi32, #tpu.memory_space<vmem>>) semaphore(%arg14 : memref<!tpu.dma_semaphore, #tpu.memory_space<semaphore_mem>>)
      } else {
      }
      %swap3A = arith.index_cast %add3A_43 : i32 to index
      %swap3A_2466 = arith.constant 0 : index
      %swap3A_2467 = tpu.vector_load %arg8[%swap3A, %swap3A_2466] {strides = array<i32>} : memref<128x32xf32, #tpu.memory_space<vmem>>, vector<1x16xf32>,
      %swap3A_2468 = vector.shape_cast %swap3A_2467 : vector<1x16xf32> to vector<16xf32>
      %swap3A_2469 = vector.shape_cast %add3A_2452 : vector<16xf32> to vector<1x16xf32>
      tpu.vector_store %arg8[%swap3A, %swap3A_2466], %swap3A_2469 {strides = array<i32>} : memref<128x32xf32, #tpu.memory_space<vmem>>, vector<1x16xf32>,
      %swap3A_2470 = arith.index_cast %add3A_43 : i32 to index
      %swap3A_2471 = arith.constant 16 : index
      %swap3A_2472 = tpu.vector_load %arg8[%swap3A_2470, %swap3A_2471] {strides = array<i32>} : memref<128x32xf32, #tpu.memory_space<vmem>>, vector<1x16xf32>,
      %swap3A_2473 = vector.shape_cast %swap3A_2472 : vector<1x16xf32> to vector<16xf32>
      %swap3A_2474 = vector.shape_cast %add3A_2458 : vector<16xf32> to vector<1x16xf32>
      tpu.vector_store %arg8[%swap3A_2470, %swap3A_2471], %swap3A_2474 {strides = array<i32>} : memref<128x32xf32, #tpu.memory_space<vmem>>, vector<1x16xf32>,
      %mul3A_2475 = arith.constant 2 : i32
      %mul3A_2476 = arith.muli %mul3A_2475, %scan3A_39 : i32
      %add3A_2477 = arith.constant 1 : i32
      %add3A_2478 = arith.addi %mul3A_2476, %add3A_2477 : i32
      %broadcast_in_dim3A_2479 = arith.constant 0.000000e+00 : f32
      %broadcast_in_dim3A_2480 = vector.broadcast %broadcast_in_dim3A_2479 : f32 to vector<16xf32>
      %dma_wait3A_2481 = arith.constant 0 : i32
      %dma_wait3A_2482 = tpu.memref_slice %arg6[%add3A_2478, %dma_wait3A_2481] : memref<128x104xi32, #tpu.memory_space<vmem>> -> memref<1x104xi32, #tpu.memory_space<vmem>>
      %dma_wait3A_2483 = tpu.memref_squeeze %dma_wait3A_2482 : memref<1x104xi32, #tpu.memory_space<vmem>> -> memref<104xi32, #tpu.memory_space<vmem>>
      %dma_wait3A_2484 = arith.constant 0 : i32
      %dma_wait3A_2485 = arith.constant 0 : i32
      %dma_wait3A_2486 = tpu.memref_slice %arg4[%dma_wait3A_2484, %dma_wait3A_2485] : memref<1000000x32xf32, #tpu.memory_space<hbm>> -> memref<1000000x32xf32, #tpu.memory_space<hbm>>
      tpu.wait_indirect_dma semaphore(%arg15 : memref<!tpu.dma_semaphore, #tpu.memory_space<semaphore_mem>>) src(%dma_wait3A_2486 : memref<1000000x32xf32, #tpu.memory_space<hbm>>) dst(%arg11 : memref<104x32xf32, #tpu.memory_space<vmem>>)
      %get3A_2487 = arith.constant 0 : i32
      %get3A_2488 = arith.index_cast %get3A_2487 : i32 to index
      %get3A_2489 = arith.constant 0 : index
      %get3A_2490 = tpu.vector_load %arg11[%get3A_2488, %get3A_2489] {strides = array<i32>} : memref<104x32xf32, #tpu.memory_space<vmem>>, vector<1x16xf32>,
      %get3A_2491 = vector.shape_cast %get3A_2490 : vector<1x16xf32> to vector<16xf32>
      %add3A_2492 = arith.addf %broadcast_in_dim3A_2480, %get3A_2491 : vector<16xf32>
      %get3A_2493 = arith.constant 0 : i32
      %get3A_2494 = arith.index_cast %get3A_2493 : i32 to index
      %get3A_2495 = arith.constant 16 : index
      %get3A_2496 = tpu.vector_load %arg11[%get3A_2494, %get3A_2495] {strides = array<i32>} : memref<104x32xf32, #tpu.memory_space<vmem>>, vector<1x16xf32>,
      %get3A_2497 = vector.shape_cast %get3A_2496 : vector<1x16xf32> to vector<16xf32>
      %add3A_2498 = arith.addf %broadcast_in_dim3A_2480, %get3A_2497 : vector<16xf32>
      %get3A_2499 = arith.constant 1 : i32
      %get3A_2500 = arith.index_cast %get3A_2499 : i32 to index
      %get3A_2501 = arith.constant 0 : index
      %get3A_2502 = tpu.vector_load %arg11[%get3A_2500, %get3A_2501] {strides = array<i32>} : memref<104x32xf32, #tpu.memory_space<vmem>>, vector<1x16xf32>,
      %get3A_2503 = vector.shape_cast %get3A_2502 : vector<1x16xf32> to vector<16xf32>
      %add3A_2504 = arith.addf %add3A_2492, %get3A_2503 : vector<16xf32>
      %get3A_2505 = arith.constant 1 : i32
      %get3A_2506 = arith.index_cast %get3A_2505 : i32 to index
      %get3A_2507 = arith.constant 16 : index
      %get3A_2508 = tpu.vector_load %arg11[%get3A_2506, %get3A_2507] {strides = array<i32>} : memref<104x32xf32, #tpu.memory_space<vmem>>, vector<1x16xf32>,
      %get3A_2509 = vector.shape_cast %get3A_2508 : vector<1x16xf32> to vector<16xf32>
      %add3A_2510 = arith.addf %add3A_2498, %get3A_2509 : vector<16xf32>
      %get3A_2511 = arith.constant 2 : i32
      %get3A_2512 = arith.index_cast %get3A_2511 : i32 to index
      %get3A_2513 = arith.constant 0 : index
      %get3A_2514 = tpu.vector_load %arg11[%get3A_2512, %get3A_2513] {strides = array<i32>} : memref<104x32xf32, #tpu.memory_space<vmem>>, vector<1x16xf32>,
      %get3A_2515 = vector.shape_cast %get3A_2514 : vector<1x16xf32> to vector<16xf32>
      %add3A_2516 = arith.addf %add3A_2504, %get3A_2515 : vector<16xf32>
      %get3A_2517 = arith.constant 2 : i32
      %get3A_2518 = arith.index_cast %get3A_2517 : i32 to index
      %get3A_2519 = arith.constant 16 : index
      %get3A_2520 = tpu.vector_load %arg11[%get3A_2518, %get3A_2519] {strides = array<i32>} : memref<104x32xf32, #tpu.memory_space<vmem>>, vector<1x16xf32>,
      %get3A_2521 = vector.shape_cast %get3A_2520 : vector<1x16xf32> to vector<16xf32>
      %add3A_2522 = arith.addf %add3A_2510, %get3A_2521 : vector<16xf32>
      %get3A_2523 = arith.constant 3 : i32
      %get3A_2524 = arith.index_cast %get3A_2523 : i32 to index
      %get3A_2525 = arith.constant 0 : index
      %get3A_2526 = tpu.vector_load %arg11[%get3A_2524, %get3A_2525] {strides = array<i32>} : memref<104x32xf32, #tpu.memory_space<vmem>>, vector<1x16xf32>,
      %get3A_2527 = vector.shape_cast %get3A_2526 : vector<1x16xf32> to vector<16xf32>
      %add3A_2528 = arith.addf %add3A_2516, %get3A_2527 : vector<16xf32>
      %get3A_2529 = arith.constant 3 : i32
      %get3A_2530 = arith.index_cast %get3A_2529 : i32 to index
      %get3A_2531 = arith.constant 16 : index
      %get3A_2532 = tpu.vector_load %arg11[%get3A_2530, %get3A_2531] {strides = array<i32>} : memref<104x32xf32, #tpu.memory_space<vmem>>, vector<1x16xf32>,
      %get3A_2533 = vector.shape_cast %get3A_2532 : vector<1x16xf32> to vector<16xf32>
      %add3A_2534 = arith.addf %add3A_2522, %get3A_2533 : vector<16xf32>
      %get3A_2535 = arith.constant 4 : i32
      %get3A_2536 = arith.index_cast %get3A_2535 : i32 to index
      %get3A_2537 = arith.constant 0 : index
      %get3A_2538 = tpu.vector_load %arg11[%get3A_2536, %get3A_2537] {strides = array<i32>} : memref<104x32xf32, #tpu.memory_space<vmem>>, vector<1x16xf32>,
      %get3A_2539 = vector.shape_cast %get3A_2538 : vector<1x16xf32> to vector<16xf32>
      %add3A_2540 = arith.addf %add3A_2528, %get3A_2539 : vector<16xf32>
      %get3A_2541 = arith.constant 4 : i32
      %get3A_2542 = arith.index_cast %get3A_2541 : i32 to index
      %get3A_2543 = arith.constant 16 : index
      %get3A_2544 = tpu.vector_load %arg11[%get3A_2542, %get3A_2543] {strides = array<i32>} : memref<104x32xf32, #tpu.memory_space<vmem>>, vector<1x16xf32>,
      %get3A_2545 = vector.shape_cast %get3A_2544 : vector<1x16xf32> to vector<16xf32>
      %add3A_2546 = arith.addf %add3A_2534, %get3A_2545 : vector<16xf32>
      %get3A_2547 = arith.constant 5 : i32
      %get3A_2548 = arith.index_cast %get3A_2547 : i32 to index
      %get3A_2549 = arith.constant 0 : index
      %get3A_2550 = tpu.vector_load %arg11[%get3A_2548, %get3A_2549] {strides = array<i32>} : memref<104x32xf32, #tpu.memory_space<vmem>>, vector<1x16xf32>,
      %get3A_2551 = vector.shape_cast %get3A_2550 : vector<1x16xf32> to vector<16xf32>
      %add3A_2552 = arith.addf %add3A_2540, %get3A_2551 : vector<16xf32>
      %get3A_2553 = arith.constant 5 : i32
      %get3A_2554 = arith.index_cast %get3A_2553 : i32 to index
      %get3A_2555 = arith.constant 16 : index
      %get3A_2556 = tpu.vector_load %arg11[%get3A_2554, %get3A_2555] {strides = array<i32>} : memref<104x32xf32, #tpu.memory_space<vmem>>, vector<1x16xf32>,
      %get3A_2557 = vector.shape_cast %get3A_2556 : vector<1x16xf32> to vector<16xf32>
      %add3A_2558 = arith.addf %add3A_2546, %get3A_2557 : vector<16xf32>
      %get3A_2559 = arith.constant 6 : i32
      %get3A_2560 = arith.index_cast %get3A_2559 : i32 to index
      %get3A_2561 = arith.constant 0 : index
      %get3A_2562 = tpu.vector_load %arg11[%get3A_2560, %get3A_2561] {strides = array<i32>} : memref<104x32xf32, #tpu.memory_space<vmem>>, vector<1x16xf32>,
      %get3A_2563 = vector.shape_cast %get3A_2562 : vector<1x16xf32> to vector<16xf32>
      %add3A_2564 = arith.addf %add3A_2552, %get3A_2563 : vector<16xf32>
      %get3A_2565 = arith.constant 6 : i32
      %get3A_2566 = arith.index_cast %get3A_2565 : i32 to index
      %get3A_2567 = arith.constant 16 : index
      %get3A_2568 = tpu.vector_load %arg11[%get3A_2566, %get3A_2567] {strides = array<i32>} : memref<104x32xf32, #tpu.memory_space<vmem>>, vector<1x16xf32>,
      %get3A_2569 = vector.shape_cast %get3A_2568 : vector<1x16xf32> to vector<16xf32>
      %add3A_2570 = arith.addf %add3A_2558, %get3A_2569 : vector<16xf32>
      %get3A_2571 = arith.constant 7 : i32
      %get3A_2572 = arith.index_cast %get3A_2571 : i32 to index
      %get3A_2573 = arith.constant 0 : index
      %get3A_2574 = tpu.vector_load %arg11[%get3A_2572, %get3A_2573] {strides = array<i32>} : memref<104x32xf32, #tpu.memory_space<vmem>>, vector<1x16xf32>,
      %get3A_2575 = vector.shape_cast %get3A_2574 : vector<1x16xf32> to vector<16xf32>
      %add3A_2576 = arith.addf %add3A_2564, %get3A_2575 : vector<16xf32>
      %get3A_2577 = arith.constant 7 : i32
      %get3A_2578 = arith.index_cast %get3A_2577 : i32 to index
      %get3A_2579 = arith.constant 16 : index
      %get3A_2580 = tpu.vector_load %arg11[%get3A_2578, %get3A_2579] {strides = array<i32>} : memref<104x32xf32, #tpu.memory_space<vmem>>, vector<1x16xf32>,
      %get3A_2581 = vector.shape_cast %get3A_2580 : vector<1x16xf32> to vector<16xf32>
      %add3A_2582 = arith.addf %add3A_2570, %get3A_2581 : vector<16xf32>
      %get3A_2583 = arith.constant 8 : i32
      %get3A_2584 = arith.index_cast %get3A_2583 : i32 to index
      %get3A_2585 = arith.constant 0 : index
      %get3A_2586 = tpu.vector_load %arg11[%get3A_2584, %get3A_2585] {strides = array<i32>} : memref<104x32xf32, #tpu.memory_space<vmem>>, vector<1x16xf32>,
      %get3A_2587 = vector.shape_cast %get3A_2586 : vector<1x16xf32> to vector<16xf32>
      %add3A_2588 = arith.addf %add3A_2576, %get3A_2587 : vector<16xf32>
      %get3A_2589 = arith.constant 8 : i32
      %get3A_2590 = arith.index_cast %get3A_2589 : i32 to index
      %get3A_2591 = arith.constant 16 : index
      %get3A_2592 = tpu.vector_load %arg11[%get3A_2590, %get3A_2591] {strides = array<i32>} : memref<104x32xf32, #tpu.memory_space<vmem>>, vector<1x16xf32>,
      %get3A_2593 = vector.shape_cast %get3A_2592 : vector<1x16xf32> to vector<16xf32>
      %add3A_2594 = arith.addf %add3A_2582, %get3A_2593 : vector<16xf32>
      %get3A_2595 = arith.constant 9 : i32
      %get3A_2596 = arith.index_cast %get3A_2595 : i32 to index
      %get3A_2597 = arith.constant 0 : index
      %get3A_2598 = tpu.vector_load %arg11[%get3A_2596, %get3A_2597] {strides = array<i32>} : memref<104x32xf32, #tpu.memory_space<vmem>>, vector<1x16xf32>,
      %get3A_2599 = vector.shape_cast %get3A_2598 : vector<1x16xf32> to vector<16xf32>
      %add3A_2600 = arith.addf %add3A_2588, %get3A_2599 : vector<16xf32>
      %get3A_2601 = arith.constant 9 : i32
      %get3A_2602 = arith.index_cast %get3A_2601 : i32 to index
      %get3A_2603 = arith.constant 16 : index
      %get3A_2604 = tpu.vector_load %arg11[%get3A_2602, %get3A_2603] {strides = array<i32>} : memref<104x32xf32, #tpu.memory_space<vmem>>, vector<1x16xf32>,
      %get3A_2605 = vector.shape_cast %get3A_2604 : vector<1x16xf32> to vector<16xf32>
      %add3A_2606 = arith.addf %add3A_2594, %get3A_2605 : vector<16xf32>
      %get3A_2607 = arith.constant 10 : i32
      %get3A_2608 = arith.index_cast %get3A_2607 : i32 to index
      %get3A_2609 = arith.constant 0 : index
      %get3A_2610 = tpu.vector_load %arg11[%get3A_2608, %get3A_2609] {strides = array<i32>} : memref<104x32xf32, #tpu.memory_space<vmem>>, vector<1x16xf32>,
      %get3A_2611 = vector.shape_cast %get3A_2610 : vector<1x16xf32> to vector<16xf32>
      %add3A_2612 = arith.addf %add3A_2600, %get3A_2611 : vector<16xf32>
      %get3A_2613 = arith.constant 10 : i32
      %get3A_2614 = arith.index_cast %get3A_2613 : i32 to index
      %get3A_2615 = arith.constant 16 : index
      %get3A_2616 = tpu.vector_load %arg11[%get3A_2614, %get3A_2615] {strides = array<i32>} : memref<104x32xf32, #tpu.memory_space<vmem>>, vector<1x16xf32>,
      %get3A_2617 = vector.shape_cast %get3A_2616 : vector<1x16xf32> to vector<16xf32>
      %add3A_2618 = arith.addf %add3A_2606, %get3A_2617 : vector<16xf32>
      %get3A_2619 = arith.constant 11 : i32
      %get3A_2620 = arith.index_cast %get3A_2619 : i32 to index
      %get3A_2621 = arith.constant 0 : index
      %get3A_2622 = tpu.vector_load %arg11[%get3A_2620, %get3A_2621] {strides = array<i32>} : memref<104x32xf32, #tpu.memory_space<vmem>>, vector<1x16xf32>,
      %get3A_2623 = vector.shape_cast %get3A_2622 : vector<1x16xf32> to vector<16xf32>
      %add3A_2624 = arith.addf %add3A_2612, %get3A_2623 : vector<16xf32>
      %get3A_2625 = arith.constant 11 : i32
      %get3A_2626 = arith.index_cast %get3A_2625 : i32 to index
      %get3A_2627 = arith.constant 16 : index
      %get3A_2628 = tpu.vector_load %arg11[%get3A_2626, %get3A_2627] {strides = array<i32>} : memref<104x32xf32, #tpu.memory_space<vmem>>, vector<1x16xf32>,
      %get3A_2629 = vector.shape_cast %get3A_2628 : vector<1x16xf32> to vector<16xf32>
      %add3A_2630 = arith.addf %add3A_2618, %get3A_2629 : vector<16xf32>
      %get3A_2631 = arith.constant 12 : i32
      %get3A_2632 = arith.index_cast %get3A_2631 : i32 to index
      %get3A_2633 = arith.constant 0 : index
      %get3A_2634 = tpu.vector_load %arg11[%get3A_2632, %get3A_2633] {strides = array<i32>} : memref<104x32xf32, #tpu.memory_space<vmem>>, vector<1x16xf32>,
      %get3A_2635 = vector.shape_cast %get3A_2634 : vector<1x16xf32> to vector<16xf32>
      %add3A_2636 = arith.addf %add3A_2624, %get3A_2635 : vector<16xf32>
      %get3A_2637 = arith.constant 12 : i32
      %get3A_2638 = arith.index_cast %get3A_2637 : i32 to index
      %get3A_2639 = arith.constant 16 : index
      %get3A_2640 = tpu.vector_load %arg11[%get3A_2638, %get3A_2639] {strides = array<i32>} : memref<104x32xf32, #tpu.memory_space<vmem>>, vector<1x16xf32>,
      %get3A_2641 = vector.shape_cast %get3A_2640 : vector<1x16xf32> to vector<16xf32>
      %add3A_2642 = arith.addf %add3A_2630, %get3A_2641 : vector<16xf32>
      %get3A_2643 = arith.constant 13 : i32
      %get3A_2644 = arith.index_cast %get3A_2643 : i32 to index
      %get3A_2645 = arith.constant 0 : index
      %get3A_2646 = tpu.vector_load %arg11[%get3A_2644, %get3A_2645] {strides = array<i32>} : memref<104x32xf32, #tpu.memory_space<vmem>>, vector<1x16xf32>,
      %get3A_2647 = vector.shape_cast %get3A_2646 : vector<1x16xf32> to vector<16xf32>
      %add3A_2648 = arith.addf %add3A_2636, %get3A_2647 : vector<16xf32>
      %get3A_2649 = arith.constant 13 : i32
      %get3A_2650 = arith.index_cast %get3A_2649 : i32 to index
      %get3A_2651 = arith.constant 16 : index
      %get3A_2652 = tpu.vector_load %arg11[%get3A_2650, %get3A_2651] {strides = array<i32>} : memref<104x32xf32, #tpu.memory_space<vmem>>, vector<1x16xf32>,
      %get3A_2653 = vector.shape_cast %get3A_2652 : vector<1x16xf32> to vector<16xf32>
      %add3A_2654 = arith.addf %add3A_2642, %get3A_2653 : vector<16xf32>
      %get3A_2655 = arith.constant 14 : i32
      %get3A_2656 = arith.index_cast %get3A_2655 : i32 to index
      %get3A_2657 = arith.constant 0 : index
      %get3A_2658 = tpu.vector_load %arg11[%get3A_2656, %get3A_2657] {strides = array<i32>} : memref<104x32xf32, #tpu.memory_space<vmem>>, vector<1x16xf32>,
      %get3A_2659 = vector.shape_cast %get3A_2658 : vector<1x16xf32> to vector<16xf32>
      %add3A_2660 = arith.addf %add3A_2648, %get3A_2659 : vector<16xf32>
      %get3A_2661 = arith.constant 14 : i32
      %get3A_2662 = arith.index_cast %get3A_2661 : i32 to index
      %get3A_2663 = arith.constant 16 : index
      %get3A_2664 = tpu.vector_load %arg11[%get3A_2662, %get3A_2663] {strides = array<i32>} : memref<104x32xf32, #tpu.memory_space<vmem>>, vector<1x16xf32>,
      %get3A_2665 = vector.shape_cast %get3A_2664 : vector<1x16xf32> to vector<16xf32>
      %add3A_2666 = arith.addf %add3A_2654, %get3A_2665 : vector<16xf32>
      %get3A_2667 = arith.constant 15 : i32
      %get3A_2668 = arith.index_cast %get3A_2667 : i32 to index
      %get3A_2669 = arith.constant 0 : index
      %get3A_2670 = tpu.vector_load %arg11[%get3A_2668, %get3A_2669] {strides = array<i32>} : memref<104x32xf32, #tpu.memory_space<vmem>>, vector<1x16xf32>,
      %get3A_2671 = vector.shape_cast %get3A_2670 : vector<1x16xf32> to vector<16xf32>
      %add3A_2672 = arith.addf %add3A_2660, %get3A_2671 : vector<16xf32>
      %get3A_2673 = arith.constant 15 : i32
      %get3A_2674 = arith.index_cast %get3A_2673 : i32 to index
      %get3A_2675 = arith.constant 16 : index
      %get3A_2676 = tpu.vector_load %arg11[%get3A_2674, %get3A_2675] {strides = array<i32>} : memref<104x32xf32, #tpu.memory_space<vmem>>, vector<1x16xf32>,
      %get3A_2677 = vector.shape_cast %get3A_2676 : vector<1x16xf32> to vector<16xf32>
      %add3A_2678 = arith.addf %add3A_2666, %get3A_2677 : vector<16xf32>
      %get3A_2679 = arith.constant 16 : i32
      %get3A_2680 = arith.index_cast %get3A_2679 : i32 to index
      %get3A_2681 = arith.constant 0 : index
      %get3A_2682 = tpu.vector_load %arg11[%get3A_2680, %get3A_2681] {strides = array<i32>} : memref<104x32xf32, #tpu.memory_space<vmem>>, vector<1x16xf32>,
      %get3A_2683 = vector.shape_cast %get3A_2682 : vector<1x16xf32> to vector<16xf32>
      %add3A_2684 = arith.addf %add3A_2672, %get3A_2683 : vector<16xf32>
      %get3A_2685 = arith.constant 16 : i32
      %get3A_2686 = arith.index_cast %get3A_2685 : i32 to index
      %get3A_2687 = arith.constant 16 : index
      %get3A_2688 = tpu.vector_load %arg11[%get3A_2686, %get3A_2687] {strides = array<i32>} : memref<104x32xf32, #tpu.memory_space<vmem>>, vector<1x16xf32>,
      %get3A_2689 = vector.shape_cast %get3A_2688 : vector<1x16xf32> to vector<16xf32>
      %add3A_2690 = arith.addf %add3A_2678, %get3A_2689 : vector<16xf32>
      %get3A_2691 = arith.constant 17 : i32
      %get3A_2692 = arith.index_cast %get3A_2691 : i32 to index
      %get3A_2693 = arith.constant 0 : index
      %get3A_2694 = tpu.vector_load %arg11[%get3A_2692, %get3A_2693] {strides = array<i32>} : memref<104x32xf32, #tpu.memory_space<vmem>>, vector<1x16xf32>,
      %get3A_2695 = vector.shape_cast %get3A_2694 : vector<1x16xf32> to vector<16xf32>
      %add3A_2696 = arith.addf %add3A_2684, %get3A_2695 : vector<16xf32>
      %get3A_2697 = arith.constant 17 : i32
      %get3A_2698 = arith.index_cast %get3A_2697 : i32 to index
      %get3A_2699 = arith.constant 16 : index
      %get3A_2700 = tpu.vector_load %arg11[%get3A_2698, %get3A_2699] {strides = array<i32>} : memref<104x32xf32, #tpu.memory_space<vmem>>, vector<1x16xf32>,
      %get3A_2701 = vector.shape_cast %get3A_2700 : vector<1x16xf32> to vector<16xf32>
      %add3A_2702 = arith.addf %add3A_2690, %get3A_2701 : vector<16xf32>
      %get3A_2703 = arith.constant 18 : i32
      %get3A_2704 = arith.index_cast %get3A_2703 : i32 to index
      %get3A_2705 = arith.constant 0 : index
      %get3A_2706 = tpu.vector_load %arg11[%get3A_2704, %get3A_2705] {strides = array<i32>} : memref<104x32xf32, #tpu.memory_space<vmem>>, vector<1x16xf32>,
      %get3A_2707 = vector.shape_cast %get3A_2706 : vector<1x16xf32> to vector<16xf32>
      %add3A_2708 = arith.addf %add3A_2696, %get3A_2707 : vector<16xf32>
      %get3A_2709 = arith.constant 18 : i32
      %get3A_2710 = arith.index_cast %get3A_2709 : i32 to index
      %get3A_2711 = arith.constant 16 : index
      %get3A_2712 = tpu.vector_load %arg11[%get3A_2710, %get3A_2711] {strides = array<i32>} : memref<104x32xf32, #tpu.memory_space<vmem>>, vector<1x16xf32>,
      %get3A_2713 = vector.shape_cast %get3A_2712 : vector<1x16xf32> to vector<16xf32>
      %add3A_2714 = arith.addf %add3A_2702, %get3A_2713 : vector<16xf32>
      %get3A_2715 = arith.constant 19 : i32
      %get3A_2716 = arith.index_cast %get3A_2715 : i32 to index
      %get3A_2717 = arith.constant 0 : index
      %get3A_2718 = tpu.vector_load %arg11[%get3A_2716, %get3A_2717] {strides = array<i32>} : memref<104x32xf32, #tpu.memory_space<vmem>>, vector<1x16xf32>,
      %get3A_2719 = vector.shape_cast %get3A_2718 : vector<1x16xf32> to vector<16xf32>
      %add3A_2720 = arith.addf %add3A_2708, %get3A_2719 : vector<16xf32>
      %get3A_2721 = arith.constant 19 : i32
      %get3A_2722 = arith.index_cast %get3A_2721 : i32 to index
      %get3A_2723 = arith.constant 16 : index
      %get3A_2724 = tpu.vector_load %arg11[%get3A_2722, %get3A_2723] {strides = array<i32>} : memref<104x32xf32, #tpu.memory_space<vmem>>, vector<1x16xf32>,
      %get3A_2725 = vector.shape_cast %get3A_2724 : vector<1x16xf32> to vector<16xf32>
      %add3A_2726 = arith.addf %add3A_2714, %get3A_2725 : vector<16xf32>
      %get3A_2727 = arith.constant 20 : i32
      %get3A_2728 = arith.index_cast %get3A_2727 : i32 to index
      %get3A_2729 = arith.constant 0 : index
      %get3A_2730 = tpu.vector_load %arg11[%get3A_2728, %get3A_2729] {strides = array<i32>} : memref<104x32xf32, #tpu.memory_space<vmem>>, vector<1x16xf32>,
      %get3A_2731 = vector.shape_cast %get3A_2730 : vector<1x16xf32> to vector<16xf32>
      %add3A_2732 = arith.addf %add3A_2720, %get3A_2731 : vector<16xf32>
      %get3A_2733 = arith.constant 20 : i32
      %get3A_2734 = arith.index_cast %get3A_2733 : i32 to index
      %get3A_2735 = arith.constant 16 : index
      %get3A_2736 = tpu.vector_load %arg11[%get3A_2734, %get3A_2735] {strides = array<i32>} : memref<104x32xf32, #tpu.memory_space<vmem>>, vector<1x16xf32>,
      %get3A_2737 = vector.shape_cast %get3A_2736 : vector<1x16xf32> to vector<16xf32>
      %add3A_2738 = arith.addf %add3A_2726, %get3A_2737 : vector<16xf32>
      %get3A_2739 = arith.constant 21 : i32
      %get3A_2740 = arith.index_cast %get3A_2739 : i32 to index
      %get3A_2741 = arith.constant 0 : index
      %get3A_2742 = tpu.vector_load %arg11[%get3A_2740, %get3A_2741] {strides = array<i32>} : memref<104x32xf32, #tpu.memory_space<vmem>>, vector<1x16xf32>,
      %get3A_2743 = vector.shape_cast %get3A_2742 : vector<1x16xf32> to vector<16xf32>
      %add3A_2744 = arith.addf %add3A_2732, %get3A_2743 : vector<16xf32>
      %get3A_2745 = arith.constant 21 : i32
      %get3A_2746 = arith.index_cast %get3A_2745 : i32 to index
      %get3A_2747 = arith.constant 16 : index
      %get3A_2748 = tpu.vector_load %arg11[%get3A_2746, %get3A_2747] {strides = array<i32>} : memref<104x32xf32, #tpu.memory_space<vmem>>, vector<1x16xf32>,
      %get3A_2749 = vector.shape_cast %get3A_2748 : vector<1x16xf32> to vector<16xf32>
      %add3A_2750 = arith.addf %add3A_2738, %get3A_2749 : vector<16xf32>
      %get3A_2751 = arith.constant 22 : i32
      %get3A_2752 = arith.index_cast %get3A_2751 : i32 to index
      %get3A_2753 = arith.constant 0 : index
      %get3A_2754 = tpu.vector_load %arg11[%get3A_2752, %get3A_2753] {strides = array<i32>} : memref<104x32xf32, #tpu.memory_space<vmem>>, vector<1x16xf32>,
      %get3A_2755 = vector.shape_cast %get3A_2754 : vector<1x16xf32> to vector<16xf32>
      %add3A_2756 = arith.addf %add3A_2744, %get3A_2755 : vector<16xf32>
      %get3A_2757 = arith.constant 22 : i32
      %get3A_2758 = arith.index_cast %get3A_2757 : i32 to index
      %get3A_2759 = arith.constant 16 : index
      %get3A_2760 = tpu.vector_load %arg11[%get3A_2758, %get3A_2759] {strides = array<i32>} : memref<104x32xf32, #tpu.memory_space<vmem>>, vector<1x16xf32>,
      %get3A_2761 = vector.shape_cast %get3A_2760 : vector<1x16xf32> to vector<16xf32>
      %add3A_2762 = arith.addf %add3A_2750, %get3A_2761 : vector<16xf32>
      %get3A_2763 = arith.constant 23 : i32
      %get3A_2764 = arith.index_cast %get3A_2763 : i32 to index
      %get3A_2765 = arith.constant 0 : index
      %get3A_2766 = tpu.vector_load %arg11[%get3A_2764, %get3A_2765] {strides = array<i32>} : memref<104x32xf32, #tpu.memory_space<vmem>>, vector<1x16xf32>,
      %get3A_2767 = vector.shape_cast %get3A_2766 : vector<1x16xf32> to vector<16xf32>
      %add3A_2768 = arith.addf %add3A_2756, %get3A_2767 : vector<16xf32>
      %get3A_2769 = arith.constant 23 : i32
      %get3A_2770 = arith.index_cast %get3A_2769 : i32 to index
      %get3A_2771 = arith.constant 16 : index
      %get3A_2772 = tpu.vector_load %arg11[%get3A_2770, %get3A_2771] {strides = array<i32>} : memref<104x32xf32, #tpu.memory_space<vmem>>, vector<1x16xf32>,
      %get3A_2773 = vector.shape_cast %get3A_2772 : vector<1x16xf32> to vector<16xf32>
      %add3A_2774 = arith.addf %add3A_2762, %get3A_2773 : vector<16xf32>
      %get3A_2775 = arith.constant 24 : i32
      %get3A_2776 = arith.index_cast %get3A_2775 : i32 to index
      %get3A_2777 = arith.constant 0 : index
      %get3A_2778 = tpu.vector_load %arg11[%get3A_2776, %get3A_2777] {strides = array<i32>} : memref<104x32xf32, #tpu.memory_space<vmem>>, vector<1x16xf32>,
      %get3A_2779 = vector.shape_cast %get3A_2778 : vector<1x16xf32> to vector<16xf32>
      %add3A_2780 = arith.addf %add3A_2768, %get3A_2779 : vector<16xf32>
      %get3A_2781 = arith.constant 24 : i32
      %get3A_2782 = arith.index_cast %get3A_2781 : i32 to index
      %get3A_2783 = arith.constant 16 : index
      %get3A_2784 = tpu.vector_load %arg11[%get3A_2782, %get3A_2783] {strides = array<i32>} : memref<104x32xf32, #tpu.memory_space<vmem>>, vector<1x16xf32>,
      %get3A_2785 = vector.shape_cast %get3A_2784 : vector<1x16xf32> to vector<16xf32>
      %add3A_2786 = arith.addf %add3A_2774, %get3A_2785 : vector<16xf32>
      %get3A_2787 = arith.constant 25 : i32
      %get3A_2788 = arith.index_cast %get3A_2787 : i32 to index
      %get3A_2789 = arith.constant 0 : index
      %get3A_2790 = tpu.vector_load %arg11[%get3A_2788, %get3A_2789] {strides = array<i32>} : memref<104x32xf32, #tpu.memory_space<vmem>>, vector<1x16xf32>,
      %get3A_2791 = vector.shape_cast %get3A_2790 : vector<1x16xf32> to vector<16xf32>
      %add3A_2792 = arith.addf %add3A_2780, %get3A_2791 : vector<16xf32>
      %get3A_2793 = arith.constant 25 : i32
      %get3A_2794 = arith.index_cast %get3A_2793 : i32 to index
      %get3A_2795 = arith.constant 16 : index
      %get3A_2796 = tpu.vector_load %arg11[%get3A_2794, %get3A_2795] {strides = array<i32>} : memref<104x32xf32, #tpu.memory_space<vmem>>, vector<1x16xf32>,
      %get3A_2797 = vector.shape_cast %get3A_2796 : vector<1x16xf32> to vector<16xf32>
      %add3A_2798 = arith.addf %add3A_2786, %get3A_2797 : vector<16xf32>
      %get3A_2799 = arith.constant 26 : i32
      %get3A_2800 = arith.index_cast %get3A_2799 : i32 to index
      %get3A_2801 = arith.constant 0 : index
      %get3A_2802 = tpu.vector_load %arg11[%get3A_2800, %get3A_2801] {strides = array<i32>} : memref<104x32xf32, #tpu.memory_space<vmem>>, vector<1x16xf32>,
      %get3A_2803 = vector.shape_cast %get3A_2802 : vector<1x16xf32> to vector<16xf32>
      %add3A_2804 = arith.addf %add3A_2792, %get3A_2803 : vector<16xf32>
      %get3A_2805 = arith.constant 26 : i32
      %get3A_2806 = arith.index_cast %get3A_2805 : i32 to index
      %get3A_2807 = arith.constant 16 : index
      %get3A_2808 = tpu.vector_load %arg11[%get3A_2806, %get3A_2807] {strides = array<i32>} : memref<104x32xf32, #tpu.memory_space<vmem>>, vector<1x16xf32>,
      %get3A_2809 = vector.shape_cast %get3A_2808 : vector<1x16xf32> to vector<16xf32>
      %add3A_2810 = arith.addf %add3A_2798, %get3A_2809 : vector<16xf32>
      %get3A_2811 = arith.constant 27 : i32
      %get3A_2812 = arith.index_cast %get3A_2811 : i32 to index
      %get3A_2813 = arith.constant 0 : index
      %get3A_2814 = tpu.vector_load %arg11[%get3A_2812, %get3A_2813] {strides = array<i32>} : memref<104x32xf32, #tpu.memory_space<vmem>>, vector<1x16xf32>,
      %get3A_2815 = vector.shape_cast %get3A_2814 : vector<1x16xf32> to vector<16xf32>
      %add3A_2816 = arith.addf %add3A_2804, %get3A_2815 : vector<16xf32>
      %get3A_2817 = arith.constant 27 : i32
      %get3A_2818 = arith.index_cast %get3A_2817 : i32 to index
      %get3A_2819 = arith.constant 16 : index
      %get3A_2820 = tpu.vector_load %arg11[%get3A_2818, %get3A_2819] {strides = array<i32>} : memref<104x32xf32, #tpu.memory_space<vmem>>, vector<1x16xf32>,
      %get3A_2821 = vector.shape_cast %get3A_2820 : vector<1x16xf32> to vector<16xf32>
      %add3A_2822 = arith.addf %add3A_2810, %get3A_2821 : vector<16xf32>
      %get3A_2823 = arith.constant 28 : i32
      %get3A_2824 = arith.index_cast %get3A_2823 : i32 to index
      %get3A_2825 = arith.constant 0 : index
      %get3A_2826 = tpu.vector_load %arg11[%get3A_2824, %get3A_2825] {strides = array<i32>} : memref<104x32xf32, #tpu.memory_space<vmem>>, vector<1x16xf32>,
      %get3A_2827 = vector.shape_cast %get3A_2826 : vector<1x16xf32> to vector<16xf32>
      %add3A_2828 = arith.addf %add3A_2816, %get3A_2827 : vector<16xf32>
      %get3A_2829 = arith.constant 28 : i32
      %get3A_2830 = arith.index_cast %get3A_2829 : i32 to index
      %get3A_2831 = arith.constant 16 : index
      %get3A_2832 = tpu.vector_load %arg11[%get3A_2830, %get3A_2831] {strides = array<i32>} : memref<104x32xf32, #tpu.memory_space<vmem>>, vector<1x16xf32>,
      %get3A_2833 = vector.shape_cast %get3A_2832 : vector<1x16xf32> to vector<16xf32>
      %add3A_2834 = arith.addf %add3A_2822, %get3A_2833 : vector<16xf32>
      %get3A_2835 = arith.constant 29 : i32
      %get3A_2836 = arith.index_cast %get3A_2835 : i32 to index
      %get3A_2837 = arith.constant 0 : index
      %get3A_2838 = tpu.vector_load %arg11[%get3A_2836, %get3A_2837] {strides = array<i32>} : memref<104x32xf32, #tpu.memory_space<vmem>>, vector<1x16xf32>,
      %get3A_2839 = vector.shape_cast %get3A_2838 : vector<1x16xf32> to vector<16xf32>
      %add3A_2840 = arith.addf %add3A_2828, %get3A_2839 : vector<16xf32>
      %get3A_2841 = arith.constant 29 : i32
      %get3A_2842 = arith.index_cast %get3A_2841 : i32 to index
      %get3A_2843 = arith.constant 16 : index
      %get3A_2844 = tpu.vector_load %arg11[%get3A_2842, %get3A_2843] {strides = array<i32>} : memref<104x32xf32, #tpu.memory_space<vmem>>, vector<1x16xf32>,
      %get3A_2845 = vector.shape_cast %get3A_2844 : vector<1x16xf32> to vector<16xf32>
      %add3A_2846 = arith.addf %add3A_2834, %get3A_2845 : vector<16xf32>
      %get3A_2847 = arith.constant 30 : i32
      %get3A_2848 = arith.index_cast %get3A_2847 : i32 to index
      %get3A_2849 = arith.constant 0 : index
      %get3A_2850 = tpu.vector_load %arg11[%get3A_2848, %get3A_2849] {strides = array<i32>} : memref<104x32xf32, #tpu.memory_space<vmem>>, vector<1x16xf32>,
      %get3A_2851 = vector.shape_cast %get3A_2850 : vector<1x16xf32> to vector<16xf32>
      %add3A_2852 = arith.addf %add3A_2840, %get3A_2851 : vector<16xf32>
      %get3A_2853 = arith.constant 30 : i32
      %get3A_2854 = arith.index_cast %get3A_2853 : i32 to index
      %get3A_2855 = arith.constant 16 : index
      %get3A_2856 = tpu.vector_load %arg11[%get3A_2854, %get3A_2855] {strides = array<i32>} : memref<104x32xf32, #tpu.memory_space<vmem>>, vector<1x16xf32>,
      %get3A_2857 = vector.shape_cast %get3A_2856 : vector<1x16xf32> to vector<16xf32>
      %add3A_2858 = arith.addf %add3A_2846, %get3A_2857 : vector<16xf32>
      %get3A_2859 = arith.constant 31 : i32
      %get3A_2860 = arith.index_cast %get3A_2859 : i32 to index
      %get3A_2861 = arith.constant 0 : index
      %get3A_2862 = tpu.vector_load %arg11[%get3A_2860, %get3A_2861] {strides = array<i32>} : memref<104x32xf32, #tpu.memory_space<vmem>>, vector<1x16xf32>,
      %get3A_2863 = vector.shape_cast %get3A_2862 : vector<1x16xf32> to vector<16xf32>
      %add3A_2864 = arith.addf %add3A_2852, %get3A_2863 : vector<16xf32>
      %get3A_2865 = arith.constant 31 : i32
      %get3A_2866 = arith.index_cast %get3A_2865 : i32 to index
      %get3A_2867 = arith.constant 16 : index
      %get3A_2868 = tpu.vector_load %arg11[%get3A_2866, %get3A_2867] {strides = array<i32>} : memref<104x32xf32, #tpu.memory_space<vmem>>, vector<1x16xf32>,
      %get3A_2869 = vector.shape_cast %get3A_2868 : vector<1x16xf32> to vector<16xf32>
      %add3A_2870 = arith.addf %add3A_2858, %get3A_2869 : vector<16xf32>
      %get3A_2871 = arith.constant 32 : i32
      %get3A_2872 = arith.index_cast %get3A_2871 : i32 to index
      %get3A_2873 = arith.constant 0 : index
      %get3A_2874 = tpu.vector_load %arg11[%get3A_2872, %get3A_2873] {strides = array<i32>} : memref<104x32xf32, #tpu.memory_space<vmem>>, vector<1x16xf32>,
      %get3A_2875 = vector.shape_cast %get3A_2874 : vector<1x16xf32> to vector<16xf32>
      %add3A_2876 = arith.addf %add3A_2864, %get3A_2875 : vector<16xf32>
      %get3A_2877 = arith.constant 32 : i32
      %get3A_2878 = arith.index_cast %get3A_2877 : i32 to index
      %get3A_2879 = arith.constant 16 : index
      %get3A_2880 = tpu.vector_load %arg11[%get3A_2878, %get3A_2879] {strides = array<i32>} : memref<104x32xf32, #tpu.memory_space<vmem>>, vector<1x16xf32>,
      %get3A_2881 = vector.shape_cast %get3A_2880 : vector<1x16xf32> to vector<16xf32>
      %add3A_2882 = arith.addf %add3A_2870, %get3A_2881 : vector<16xf32>
      %get3A_2883 = arith.constant 33 : i32
      %get3A_2884 = arith.index_cast %get3A_2883 : i32 to index
      %get3A_2885 = arith.constant 0 : index
      %get3A_2886 = tpu.vector_load %arg11[%get3A_2884, %get3A_2885] {strides = array<i32>} : memref<104x32xf32, #tpu.memory_space<vmem>>, vector<1x16xf32>,
      %get3A_2887 = vector.shape_cast %get3A_2886 : vector<1x16xf32> to vector<16xf32>
      %add3A_2888 = arith.addf %add3A_2876, %get3A_2887 : vector<16xf32>
      %get3A_2889 = arith.constant 33 : i32
      %get3A_2890 = arith.index_cast %get3A_2889 : i32 to index
      %get3A_2891 = arith.constant 16 : index
      %get3A_2892 = tpu.vector_load %arg11[%get3A_2890, %get3A_2891] {strides = array<i32>} : memref<104x32xf32, #tpu.memory_space<vmem>>, vector<1x16xf32>,
      %get3A_2893 = vector.shape_cast %get3A_2892 : vector<1x16xf32> to vector<16xf32>
      %add3A_2894 = arith.addf %add3A_2882, %get3A_2893 : vector<16xf32>
      %get3A_2895 = arith.constant 34 : i32
      %get3A_2896 = arith.index_cast %get3A_2895 : i32 to index
      %get3A_2897 = arith.constant 0 : index
      %get3A_2898 = tpu.vector_load %arg11[%get3A_2896, %get3A_2897] {strides = array<i32>} : memref<104x32xf32, #tpu.memory_space<vmem>>, vector<1x16xf32>,
      %get3A_2899 = vector.shape_cast %get3A_2898 : vector<1x16xf32> to vector<16xf32>
      %add3A_2900 = arith.addf %add3A_2888, %get3A_2899 : vector<16xf32>
      %get3A_2901 = arith.constant 34 : i32
      %get3A_2902 = arith.index_cast %get3A_2901 : i32 to index
      %get3A_2903 = arith.constant 16 : index
      %get3A_2904 = tpu.vector_load %arg11[%get3A_2902, %get3A_2903] {strides = array<i32>} : memref<104x32xf32, #tpu.memory_space<vmem>>, vector<1x16xf32>,
      %get3A_2905 = vector.shape_cast %get3A_2904 : vector<1x16xf32> to vector<16xf32>
      %add3A_2906 = arith.addf %add3A_2894, %get3A_2905 : vector<16xf32>
      %get3A_2907 = arith.constant 35 : i32
      %get3A_2908 = arith.index_cast %get3A_2907 : i32 to index
      %get3A_2909 = arith.constant 0 : index
      %get3A_2910 = tpu.vector_load %arg11[%get3A_2908, %get3A_2909] {strides = array<i32>} : memref<104x32xf32, #tpu.memory_space<vmem>>, vector<1x16xf32>,
      %get3A_2911 = vector.shape_cast %get3A_2910 : vector<1x16xf32> to vector<16xf32>
      %add3A_2912 = arith.addf %add3A_2900, %get3A_2911 : vector<16xf32>
      %get3A_2913 = arith.constant 35 : i32
      %get3A_2914 = arith.index_cast %get3A_2913 : i32 to index
      %get3A_2915 = arith.constant 16 : index
      %get3A_2916 = tpu.vector_load %arg11[%get3A_2914, %get3A_2915] {strides = array<i32>} : memref<104x32xf32, #tpu.memory_space<vmem>>, vector<1x16xf32>,
      %get3A_2917 = vector.shape_cast %get3A_2916 : vector<1x16xf32> to vector<16xf32>
      %add3A_2918 = arith.addf %add3A_2906, %get3A_2917 : vector<16xf32>
      %get3A_2919 = arith.constant 36 : i32
      %get3A_2920 = arith.index_cast %get3A_2919 : i32 to index
      %get3A_2921 = arith.constant 0 : index
      %get3A_2922 = tpu.vector_load %arg11[%get3A_2920, %get3A_2921] {strides = array<i32>} : memref<104x32xf32, #tpu.memory_space<vmem>>, vector<1x16xf32>,
      %get3A_2923 = vector.shape_cast %get3A_2922 : vector<1x16xf32> to vector<16xf32>
      %add3A_2924 = arith.addf %add3A_2912, %get3A_2923 : vector<16xf32>
      %get3A_2925 = arith.constant 36 : i32
      %get3A_2926 = arith.index_cast %get3A_2925 : i32 to index
      %get3A_2927 = arith.constant 16 : index
      %get3A_2928 = tpu.vector_load %arg11[%get3A_2926, %get3A_2927] {strides = array<i32>} : memref<104x32xf32, #tpu.memory_space<vmem>>, vector<1x16xf32>,
      %get3A_2929 = vector.shape_cast %get3A_2928 : vector<1x16xf32> to vector<16xf32>
      %add3A_2930 = arith.addf %add3A_2918, %get3A_2929 : vector<16xf32>
      %get3A_2931 = arith.constant 37 : i32
      %get3A_2932 = arith.index_cast %get3A_2931 : i32 to index
      %get3A_2933 = arith.constant 0 : index
      %get3A_2934 = tpu.vector_load %arg11[%get3A_2932, %get3A_2933] {strides = array<i32>} : memref<104x32xf32, #tpu.memory_space<vmem>>, vector<1x16xf32>,
      %get3A_2935 = vector.shape_cast %get3A_2934 : vector<1x16xf32> to vector<16xf32>
      %add3A_2936 = arith.addf %add3A_2924, %get3A_2935 : vector<16xf32>
      %get3A_2937 = arith.constant 37 : i32
      %get3A_2938 = arith.index_cast %get3A_2937 : i32 to index
      %get3A_2939 = arith.constant 16 : index
      %get3A_2940 = tpu.vector_load %arg11[%get3A_2938, %get3A_2939] {strides = array<i32>} : memref<104x32xf32, #tpu.memory_space<vmem>>, vector<1x16xf32>,
      %get3A_2941 = vector.shape_cast %get3A_2940 : vector<1x16xf32> to vector<16xf32>
      %add3A_2942 = arith.addf %add3A_2930, %get3A_2941 : vector<16xf32>
      %get3A_2943 = arith.constant 38 : i32
      %get3A_2944 = arith.index_cast %get3A_2943 : i32 to index
      %get3A_2945 = arith.constant 0 : index
      %get3A_2946 = tpu.vector_load %arg11[%get3A_2944, %get3A_2945] {strides = array<i32>} : memref<104x32xf32, #tpu.memory_space<vmem>>, vector<1x16xf32>,
      %get3A_2947 = vector.shape_cast %get3A_2946 : vector<1x16xf32> to vector<16xf32>
      %add3A_2948 = arith.addf %add3A_2936, %get3A_2947 : vector<16xf32>
      %get3A_2949 = arith.constant 38 : i32
      %get3A_2950 = arith.index_cast %get3A_2949 : i32 to index
      %get3A_2951 = arith.constant 16 : index
      %get3A_2952 = tpu.vector_load %arg11[%get3A_2950, %get3A_2951] {strides = array<i32>} : memref<104x32xf32, #tpu.memory_space<vmem>>, vector<1x16xf32>,
      %get3A_2953 = vector.shape_cast %get3A_2952 : vector<1x16xf32> to vector<16xf32>
      %add3A_2954 = arith.addf %add3A_2942, %get3A_2953 : vector<16xf32>
      %get3A_2955 = arith.constant 39 : i32
      %get3A_2956 = arith.index_cast %get3A_2955 : i32 to index
      %get3A_2957 = arith.constant 0 : index
      %get3A_2958 = tpu.vector_load %arg11[%get3A_2956, %get3A_2957] {strides = array<i32>} : memref<104x32xf32, #tpu.memory_space<vmem>>, vector<1x16xf32>,
      %get3A_2959 = vector.shape_cast %get3A_2958 : vector<1x16xf32> to vector<16xf32>
      %add3A_2960 = arith.addf %add3A_2948, %get3A_2959 : vector<16xf32>
      %get3A_2961 = arith.constant 39 : i32
      %get3A_2962 = arith.index_cast %get3A_2961 : i32 to index
      %get3A_2963 = arith.constant 16 : index
      %get3A_2964 = tpu.vector_load %arg11[%get3A_2962, %get3A_2963] {strides = array<i32>} : memref<104x32xf32, #tpu.memory_space<vmem>>, vector<1x16xf32>,
      %get3A_2965 = vector.shape_cast %get3A_2964 : vector<1x16xf32> to vector<16xf32>
      %add3A_2966 = arith.addf %add3A_2954, %get3A_2965 : vector<16xf32>
      %get3A_2967 = arith.constant 40 : i32
      %get3A_2968 = arith.index_cast %get3A_2967 : i32 to index
      %get3A_2969 = arith.constant 0 : index
      %get3A_2970 = tpu.vector_load %arg11[%get3A_2968, %get3A_2969] {strides = array<i32>} : memref<104x32xf32, #tpu.memory_space<vmem>>, vector<1x16xf32>,
      %get3A_2971 = vector.shape_cast %get3A_2970 : vector<1x16xf32> to vector<16xf32>
      %add3A_2972 = arith.addf %add3A_2960, %get3A_2971 : vector<16xf32>
      %get3A_2973 = arith.constant 40 : i32
      %get3A_2974 = arith.index_cast %get3A_2973 : i32 to index
      %get3A_2975 = arith.constant 16 : index
      %get3A_2976 = tpu.vector_load %arg11[%get3A_2974, %get3A_2975] {strides = array<i32>} : memref<104x32xf32, #tpu.memory_space<vmem>>, vector<1x16xf32>,
      %get3A_2977 = vector.shape_cast %get3A_2976 : vector<1x16xf32> to vector<16xf32>
      %add3A_2978 = arith.addf %add3A_2966, %get3A_2977 : vector<16xf32>
      %get3A_2979 = arith.constant 41 : i32
      %get3A_2980 = arith.index_cast %get3A_2979 : i32 to index
      %get3A_2981 = arith.constant 0 : index
      %get3A_2982 = tpu.vector_load %arg11[%get3A_2980, %get3A_2981] {strides = array<i32>} : memref<104x32xf32, #tpu.memory_space<vmem>>, vector<1x16xf32>,
      %get3A_2983 = vector.shape_cast %get3A_2982 : vector<1x16xf32> to vector<16xf32>
      %add3A_2984 = arith.addf %add3A_2972, %get3A_2983 : vector<16xf32>
      %get3A_2985 = arith.constant 41 : i32
      %get3A_2986 = arith.index_cast %get3A_2985 : i32 to index
      %get3A_2987 = arith.constant 16 : index
      %get3A_2988 = tpu.vector_load %arg11[%get3A_2986, %get3A_2987] {strides = array<i32>} : memref<104x32xf32, #tpu.memory_space<vmem>>, vector<1x16xf32>,
      %get3A_2989 = vector.shape_cast %get3A_2988 : vector<1x16xf32> to vector<16xf32>
      %add3A_2990 = arith.addf %add3A_2978, %get3A_2989 : vector<16xf32>
      %get3A_2991 = arith.constant 42 : i32
      %get3A_2992 = arith.index_cast %get3A_2991 : i32 to index
      %get3A_2993 = arith.constant 0 : index
      %get3A_2994 = tpu.vector_load %arg11[%get3A_2992, %get3A_2993] {strides = array<i32>} : memref<104x32xf32, #tpu.memory_space<vmem>>, vector<1x16xf32>,
      %get3A_2995 = vector.shape_cast %get3A_2994 : vector<1x16xf32> to vector<16xf32>
      %add3A_2996 = arith.addf %add3A_2984, %get3A_2995 : vector<16xf32>
      %get3A_2997 = arith.constant 42 : i32
      %get3A_2998 = arith.index_cast %get3A_2997 : i32 to index
      %get3A_2999 = arith.constant 16 : index
      %get3A_3000 = tpu.vector_load %arg11[%get3A_2998, %get3A_2999] {strides = array<i32>} : memref<104x32xf32, #tpu.memory_space<vmem>>, vector<1x16xf32>,
      %get3A_3001 = vector.shape_cast %get3A_3000 : vector<1x16xf32> to vector<16xf32>
      %add3A_3002 = arith.addf %add3A_2990, %get3A_3001 : vector<16xf32>
      %get3A_3003 = arith.constant 43 : i32
      %get3A_3004 = arith.index_cast %get3A_3003 : i32 to index
      %get3A_3005 = arith.constant 0 : index
      %get3A_3006 = tpu.vector_load %arg11[%get3A_3004, %get3A_3005] {strides = array<i32>} : memref<104x32xf32, #tpu.memory_space<vmem>>, vector<1x16xf32>,
      %get3A_3007 = vector.shape_cast %get3A_3006 : vector<1x16xf32> to vector<16xf32>
      %add3A_3008 = arith.addf %add3A_2996, %get3A_3007 : vector<16xf32>
      %get3A_3009 = arith.constant 43 : i32
      %get3A_3010 = arith.index_cast %get3A_3009 : i32 to index
      %get3A_3011 = arith.constant 16 : index
      %get3A_3012 = tpu.vector_load %arg11[%get3A_3010, %get3A_3011] {strides = array<i32>} : memref<104x32xf32, #tpu.memory_space<vmem>>, vector<1x16xf32>,
      %get3A_3013 = vector.shape_cast %get3A_3012 : vector<1x16xf32> to vector<16xf32>
      %add3A_3014 = arith.addf %add3A_3002, %get3A_3013 : vector<16xf32>
      %get3A_3015 = arith.constant 44 : i32
      %get3A_3016 = arith.index_cast %get3A_3015 : i32 to index
      %get3A_3017 = arith.constant 0 : index
      %get3A_3018 = tpu.vector_load %arg11[%get3A_3016, %get3A_3017] {strides = array<i32>} : memref<104x32xf32, #tpu.memory_space<vmem>>, vector<1x16xf32>,
      %get3A_3019 = vector.shape_cast %get3A_3018 : vector<1x16xf32> to vector<16xf32>
      %add3A_3020 = arith.addf %add3A_3008, %get3A_3019 : vector<16xf32>
      %get3A_3021 = arith.constant 44 : i32
      %get3A_3022 = arith.index_cast %get3A_3021 : i32 to index
      %get3A_3023 = arith.constant 16 : index
      %get3A_3024 = tpu.vector_load %arg11[%get3A_3022, %get3A_3023] {strides = array<i32>} : memref<104x32xf32, #tpu.memory_space<vmem>>, vector<1x16xf32>,
      %get3A_3025 = vector.shape_cast %get3A_3024 : vector<1x16xf32> to vector<16xf32>
      %add3A_3026 = arith.addf %add3A_3014, %get3A_3025 : vector<16xf32>
      %get3A_3027 = arith.constant 45 : i32
      %get3A_3028 = arith.index_cast %get3A_3027 : i32 to index
      %get3A_3029 = arith.constant 0 : index
      %get3A_3030 = tpu.vector_load %arg11[%get3A_3028, %get3A_3029] {strides = array<i32>} : memref<104x32xf32, #tpu.memory_space<vmem>>, vector<1x16xf32>,
      %get3A_3031 = vector.shape_cast %get3A_3030 : vector<1x16xf32> to vector<16xf32>
      %add3A_3032 = arith.addf %add3A_3020, %get3A_3031 : vector<16xf32>
      %get3A_3033 = arith.constant 45 : i32
      %get3A_3034 = arith.index_cast %get3A_3033 : i32 to index
      %get3A_3035 = arith.constant 16 : index
      %get3A_3036 = tpu.vector_load %arg11[%get3A_3034, %get3A_3035] {strides = array<i32>} : memref<104x32xf32, #tpu.memory_space<vmem>>, vector<1x16xf32>,
      %get3A_3037 = vector.shape_cast %get3A_3036 : vector<1x16xf32> to vector<16xf32>
      %add3A_3038 = arith.addf %add3A_3026, %get3A_3037 : vector<16xf32>
      %get3A_3039 = arith.constant 46 : i32
      %get3A_3040 = arith.index_cast %get3A_3039 : i32 to index
      %get3A_3041 = arith.constant 0 : index
      %get3A_3042 = tpu.vector_load %arg11[%get3A_3040, %get3A_3041] {strides = array<i32>} : memref<104x32xf32, #tpu.memory_space<vmem>>, vector<1x16xf32>,
      %get3A_3043 = vector.shape_cast %get3A_3042 : vector<1x16xf32> to vector<16xf32>
      %add3A_3044 = arith.addf %add3A_3032, %get3A_3043 : vector<16xf32>
      %get3A_3045 = arith.constant 46 : i32
      %get3A_3046 = arith.index_cast %get3A_3045 : i32 to index
      %get3A_3047 = arith.constant 16 : index
      %get3A_3048 = tpu.vector_load %arg11[%get3A_3046, %get3A_3047] {strides = array<i32>} : memref<104x32xf32, #tpu.memory_space<vmem>>, vector<1x16xf32>,
      %get3A_3049 = vector.shape_cast %get3A_3048 : vector<1x16xf32> to vector<16xf32>
      %add3A_3050 = arith.addf %add3A_3038, %get3A_3049 : vector<16xf32>
      %get3A_3051 = arith.constant 47 : i32
      %get3A_3052 = arith.index_cast %get3A_3051 : i32 to index
      %get3A_3053 = arith.constant 0 : index
      %get3A_3054 = tpu.vector_load %arg11[%get3A_3052, %get3A_3053] {strides = array<i32>} : memref<104x32xf32, #tpu.memory_space<vmem>>, vector<1x16xf32>,
      %get3A_3055 = vector.shape_cast %get3A_3054 : vector<1x16xf32> to vector<16xf32>
      %add3A_3056 = arith.addf %add3A_3044, %get3A_3055 : vector<16xf32>
      %get3A_3057 = arith.constant 47 : i32
      %get3A_3058 = arith.index_cast %get3A_3057 : i32 to index
      %get3A_3059 = arith.constant 16 : index
      %get3A_3060 = tpu.vector_load %arg11[%get3A_3058, %get3A_3059] {strides = array<i32>} : memref<104x32xf32, #tpu.memory_space<vmem>>, vector<1x16xf32>,
      %get3A_3061 = vector.shape_cast %get3A_3060 : vector<1x16xf32> to vector<16xf32>
      %add3A_3062 = arith.addf %add3A_3050, %get3A_3061 : vector<16xf32>
      %get3A_3063 = arith.constant 48 : i32
      %get3A_3064 = arith.index_cast %get3A_3063 : i32 to index
      %get3A_3065 = arith.constant 0 : index
      %get3A_3066 = tpu.vector_load %arg11[%get3A_3064, %get3A_3065] {strides = array<i32>} : memref<104x32xf32, #tpu.memory_space<vmem>>, vector<1x16xf32>,
      %get3A_3067 = vector.shape_cast %get3A_3066 : vector<1x16xf32> to vector<16xf32>
      %add3A_3068 = arith.addf %add3A_3056, %get3A_3067 : vector<16xf32>
      %get3A_3069 = arith.constant 48 : i32
      %get3A_3070 = arith.index_cast %get3A_3069 : i32 to index
      %get3A_3071 = arith.constant 16 : index
      %get3A_3072 = tpu.vector_load %arg11[%get3A_3070, %get3A_3071] {strides = array<i32>} : memref<104x32xf32, #tpu.memory_space<vmem>>, vector<1x16xf32>,
      %get3A_3073 = vector.shape_cast %get3A_3072 : vector<1x16xf32> to vector<16xf32>
      %add3A_3074 = arith.addf %add3A_3062, %get3A_3073 : vector<16xf32>
      %get3A_3075 = arith.constant 49 : i32
      %get3A_3076 = arith.index_cast %get3A_3075 : i32 to index
      %get3A_3077 = arith.constant 0 : index
      %get3A_3078 = tpu.vector_load %arg11[%get3A_3076, %get3A_3077] {strides = array<i32>} : memref<104x32xf32, #tpu.memory_space<vmem>>, vector<1x16xf32>,
      %get3A_3079 = vector.shape_cast %get3A_3078 : vector<1x16xf32> to vector<16xf32>
      %add3A_3080 = arith.addf %add3A_3068, %get3A_3079 : vector<16xf32>
      %get3A_3081 = arith.constant 49 : i32
      %get3A_3082 = arith.index_cast %get3A_3081 : i32 to index
      %get3A_3083 = arith.constant 16 : index
      %get3A_3084 = tpu.vector_load %arg11[%get3A_3082, %get3A_3083] {strides = array<i32>} : memref<104x32xf32, #tpu.memory_space<vmem>>, vector<1x16xf32>,
      %get3A_3085 = vector.shape_cast %get3A_3084 : vector<1x16xf32> to vector<16xf32>
      %add3A_3086 = arith.addf %add3A_3074, %get3A_3085 : vector<16xf32>
      %get3A_3087 = arith.constant 50 : i32
      %get3A_3088 = arith.index_cast %get3A_3087 : i32 to index
      %get3A_3089 = arith.constant 0 : index
      %get3A_3090 = tpu.vector_load %arg11[%get3A_3088, %get3A_3089] {strides = array<i32>} : memref<104x32xf32, #tpu.memory_space<vmem>>, vector<1x16xf32>,
      %get3A_3091 = vector.shape_cast %get3A_3090 : vector<1x16xf32> to vector<16xf32>
      %add3A_3092 = arith.addf %add3A_3080, %get3A_3091 : vector<16xf32>
      %get3A_3093 = arith.constant 50 : i32
      %get3A_3094 = arith.index_cast %get3A_3093 : i32 to index
      %get3A_3095 = arith.constant 16 : index
      %get3A_3096 = tpu.vector_load %arg11[%get3A_3094, %get3A_3095] {strides = array<i32>} : memref<104x32xf32, #tpu.memory_space<vmem>>, vector<1x16xf32>,
      %get3A_3097 = vector.shape_cast %get3A_3096 : vector<1x16xf32> to vector<16xf32>
      %add3A_3098 = arith.addf %add3A_3086, %get3A_3097 : vector<16xf32>
      %get3A_3099 = arith.constant 51 : i32
      %get3A_3100 = arith.index_cast %get3A_3099 : i32 to index
      %get3A_3101 = arith.constant 0 : index
      %get3A_3102 = tpu.vector_load %arg11[%get3A_3100, %get3A_3101] {strides = array<i32>} : memref<104x32xf32, #tpu.memory_space<vmem>>, vector<1x16xf32>,
      %get3A_3103 = vector.shape_cast %get3A_3102 : vector<1x16xf32> to vector<16xf32>
      %add3A_3104 = arith.addf %add3A_3092, %get3A_3103 : vector<16xf32>
      %get3A_3105 = arith.constant 51 : i32
      %get3A_3106 = arith.index_cast %get3A_3105 : i32 to index
      %get3A_3107 = arith.constant 16 : index
      %get3A_3108 = tpu.vector_load %arg11[%get3A_3106, %get3A_3107] {strides = array<i32>} : memref<104x32xf32, #tpu.memory_space<vmem>>, vector<1x16xf32>,
      %get3A_3109 = vector.shape_cast %get3A_3108 : vector<1x16xf32> to vector<16xf32>
      %add3A_3110 = arith.addf %add3A_3098, %get3A_3109 : vector<16xf32>
      %get3A_3111 = arith.constant 52 : i32
      %get3A_3112 = arith.index_cast %get3A_3111 : i32 to index
      %get3A_3113 = arith.constant 0 : index
      %get3A_3114 = tpu.vector_load %arg11[%get3A_3112, %get3A_3113] {strides = array<i32>} : memref<104x32xf32, #tpu.memory_space<vmem>>, vector<1x16xf32>,
      %get3A_3115 = vector.shape_cast %get3A_3114 : vector<1x16xf32> to vector<16xf32>
      %add3A_3116 = arith.addf %add3A_3104, %get3A_3115 : vector<16xf32>
      %get3A_3117 = arith.constant 52 : i32
      %get3A_3118 = arith.index_cast %get3A_3117 : i32 to index
      %get3A_3119 = arith.constant 16 : index
      %get3A_3120 = tpu.vector_load %arg11[%get3A_3118, %get3A_3119] {strides = array<i32>} : memref<104x32xf32, #tpu.memory_space<vmem>>, vector<1x16xf32>,
      %get3A_3121 = vector.shape_cast %get3A_3120 : vector<1x16xf32> to vector<16xf32>
      %add3A_3122 = arith.addf %add3A_3110, %get3A_3121 : vector<16xf32>
      %get3A_3123 = arith.constant 53 : i32
      %get3A_3124 = arith.index_cast %get3A_3123 : i32 to index
      %get3A_3125 = arith.constant 0 : index
      %get3A_3126 = tpu.vector_load %arg11[%get3A_3124, %get3A_3125] {strides = array<i32>} : memref<104x32xf32, #tpu.memory_space<vmem>>, vector<1x16xf32>,
      %get3A_3127 = vector.shape_cast %get3A_3126 : vector<1x16xf32> to vector<16xf32>
      %add3A_3128 = arith.addf %add3A_3116, %get3A_3127 : vector<16xf32>
      %get3A_3129 = arith.constant 53 : i32
      %get3A_3130 = arith.index_cast %get3A_3129 : i32 to index
      %get3A_3131 = arith.constant 16 : index
      %get3A_3132 = tpu.vector_load %arg11[%get3A_3130, %get3A_3131] {strides = array<i32>} : memref<104x32xf32, #tpu.memory_space<vmem>>, vector<1x16xf32>,
      %get3A_3133 = vector.shape_cast %get3A_3132 : vector<1x16xf32> to vector<16xf32>
      %add3A_3134 = arith.addf %add3A_3122, %get3A_3133 : vector<16xf32>
      %get3A_3135 = arith.constant 54 : i32
      %get3A_3136 = arith.index_cast %get3A_3135 : i32 to index
      %get3A_3137 = arith.constant 0 : index
      %get3A_3138 = tpu.vector_load %arg11[%get3A_3136, %get3A_3137] {strides = array<i32>} : memref<104x32xf32, #tpu.memory_space<vmem>>, vector<1x16xf32>,
      %get3A_3139 = vector.shape_cast %get3A_3138 : vector<1x16xf32> to vector<16xf32>
      %add3A_3140 = arith.addf %add3A_3128, %get3A_3139 : vector<16xf32>
      %get3A_3141 = arith.constant 54 : i32
      %get3A_3142 = arith.index_cast %get3A_3141 : i32 to index
      %get3A_3143 = arith.constant 16 : index
      %get3A_3144 = tpu.vector_load %arg11[%get3A_3142, %get3A_3143] {strides = array<i32>} : memref<104x32xf32, #tpu.memory_space<vmem>>, vector<1x16xf32>,
      %get3A_3145 = vector.shape_cast %get3A_3144 : vector<1x16xf32> to vector<16xf32>
      %add3A_3146 = arith.addf %add3A_3134, %get3A_3145 : vector<16xf32>
      %get3A_3147 = arith.constant 55 : i32
      %get3A_3148 = arith.index_cast %get3A_3147 : i32 to index
      %get3A_3149 = arith.constant 0 : index
      %get3A_3150 = tpu.vector_load %arg11[%get3A_3148, %get3A_3149] {strides = array<i32>} : memref<104x32xf32, #tpu.memory_space<vmem>>, vector<1x16xf32>,
      %get3A_3151 = vector.shape_cast %get3A_3150 : vector<1x16xf32> to vector<16xf32>
      %add3A_3152 = arith.addf %add3A_3140, %get3A_3151 : vector<16xf32>
      %get3A_3153 = arith.constant 55 : i32
      %get3A_3154 = arith.index_cast %get3A_3153 : i32 to index
      %get3A_3155 = arith.constant 16 : index
      %get3A_3156 = tpu.vector_load %arg11[%get3A_3154, %get3A_3155] {strides = array<i32>} : memref<104x32xf32, #tpu.memory_space<vmem>>, vector<1x16xf32>,
      %get3A_3157 = vector.shape_cast %get3A_3156 : vector<1x16xf32> to vector<16xf32>
      %add3A_3158 = arith.addf %add3A_3146, %get3A_3157 : vector<16xf32>
      %get3A_3159 = arith.constant 56 : i32
      %get3A_3160 = arith.index_cast %get3A_3159 : i32 to index
      %get3A_3161 = arith.constant 0 : index
      %get3A_3162 = tpu.vector_load %arg11[%get3A_3160, %get3A_3161] {strides = array<i32>} : memref<104x32xf32, #tpu.memory_space<vmem>>, vector<1x16xf32>,
      %get3A_3163 = vector.shape_cast %get3A_3162 : vector<1x16xf32> to vector<16xf32>
      %add3A_3164 = arith.addf %add3A_3152, %get3A_3163 : vector<16xf32>
      %get3A_3165 = arith.constant 56 : i32
      %get3A_3166 = arith.index_cast %get3A_3165 : i32 to index
      %get3A_3167 = arith.constant 16 : index
      %get3A_3168 = tpu.vector_load %arg11[%get3A_3166, %get3A_3167] {strides = array<i32>} : memref<104x32xf32, #tpu.memory_space<vmem>>, vector<1x16xf32>,
      %get3A_3169 = vector.shape_cast %get3A_3168 : vector<1x16xf32> to vector<16xf32>
      %add3A_3170 = arith.addf %add3A_3158, %get3A_3169 : vector<16xf32>
      %get3A_3171 = arith.constant 57 : i32
      %get3A_3172 = arith.index_cast %get3A_3171 : i32 to index
      %get3A_3173 = arith.constant 0 : index
      %get3A_3174 = tpu.vector_load %arg11[%get3A_3172, %get3A_3173] {strides = array<i32>} : memref<104x32xf32, #tpu.memory_space<vmem>>, vector<1x16xf32>,
      %get3A_3175 = vector.shape_cast %get3A_3174 : vector<1x16xf32> to vector<16xf32>
      %add3A_3176 = arith.addf %add3A_3164, %get3A_3175 : vector<16xf32>
      %get3A_3177 = arith.constant 57 : i32
      %get3A_3178 = arith.index_cast %get3A_3177 : i32 to index
      %get3A_3179 = arith.constant 16 : index
      %get3A_3180 = tpu.vector_load %arg11[%get3A_3178, %get3A_3179] {strides = array<i32>} : memref<104x32xf32, #tpu.memory_space<vmem>>, vector<1x16xf32>,
      %get3A_3181 = vector.shape_cast %get3A_3180 : vector<1x16xf32> to vector<16xf32>
      %add3A_3182 = arith.addf %add3A_3170, %get3A_3181 : vector<16xf32>
      %get3A_3183 = arith.constant 58 : i32
      %get3A_3184 = arith.index_cast %get3A_3183 : i32 to index
      %get3A_3185 = arith.constant 0 : index
      %get3A_3186 = tpu.vector_load %arg11[%get3A_3184, %get3A_3185] {strides = array<i32>} : memref<104x32xf32, #tpu.memory_space<vmem>>, vector<1x16xf32>,
      %get3A_3187 = vector.shape_cast %get3A_3186 : vector<1x16xf32> to vector<16xf32>
      %add3A_3188 = arith.addf %add3A_3176, %get3A_3187 : vector<16xf32>
      %get3A_3189 = arith.constant 58 : i32
      %get3A_3190 = arith.index_cast %get3A_3189 : i32 to index
      %get3A_3191 = arith.constant 16 : index
      %get3A_3192 = tpu.vector_load %arg11[%get3A_3190, %get3A_3191] {strides = array<i32>} : memref<104x32xf32, #tpu.memory_space<vmem>>, vector<1x16xf32>,
      %get3A_3193 = vector.shape_cast %get3A_3192 : vector<1x16xf32> to vector<16xf32>
      %add3A_3194 = arith.addf %add3A_3182, %get3A_3193 : vector<16xf32>
      %get3A_3195 = arith.constant 59 : i32
      %get3A_3196 = arith.index_cast %get3A_3195 : i32 to index
      %get3A_3197 = arith.constant 0 : index
      %get3A_3198 = tpu.vector_load %arg11[%get3A_3196, %get3A_3197] {strides = array<i32>} : memref<104x32xf32, #tpu.memory_space<vmem>>, vector<1x16xf32>,
      %get3A_3199 = vector.shape_cast %get3A_3198 : vector<1x16xf32> to vector<16xf32>
      %add3A_3200 = arith.addf %add3A_3188, %get3A_3199 : vector<16xf32>
      %get3A_3201 = arith.constant 59 : i32
      %get3A_3202 = arith.index_cast %get3A_3201 : i32 to index
      %get3A_3203 = arith.constant 16 : index
      %get3A_3204 = tpu.vector_load %arg11[%get3A_3202, %get3A_3203] {strides = array<i32>} : memref<104x32xf32, #tpu.memory_space<vmem>>, vector<1x16xf32>,
      %get3A_3205 = vector.shape_cast %get3A_3204 : vector<1x16xf32> to vector<16xf32>
      %add3A_3206 = arith.addf %add3A_3194, %get3A_3205 : vector<16xf32>
      %get3A_3207 = arith.constant 60 : i32
      %get3A_3208 = arith.index_cast %get3A_3207 : i32 to index
      %get3A_3209 = arith.constant 0 : index
      %get3A_3210 = tpu.vector_load %arg11[%get3A_3208, %get3A_3209] {strides = array<i32>} : memref<104x32xf32, #tpu.memory_space<vmem>>, vector<1x16xf32>,
      %get3A_3211 = vector.shape_cast %get3A_3210 : vector<1x16xf32> to vector<16xf32>
      %add3A_3212 = arith.addf %add3A_3200, %get3A_3211 : vector<16xf32>
      %get3A_3213 = arith.constant 60 : i32
      %get3A_3214 = arith.index_cast %get3A_3213 : i32 to index
      %get3A_3215 = arith.constant 16 : index
      %get3A_3216 = tpu.vector_load %arg11[%get3A_3214, %get3A_3215] {strides = array<i32>} : memref<104x32xf32, #tpu.memory_space<vmem>>, vector<1x16xf32>,
      %get3A_3217 = vector.shape_cast %get3A_3216 : vector<1x16xf32> to vector<16xf32>
      %add3A_3218 = arith.addf %add3A_3206, %get3A_3217 : vector<16xf32>
      %get3A_3219 = arith.constant 61 : i32
      %get3A_3220 = arith.index_cast %get3A_3219 : i32 to index
      %get3A_3221 = arith.constant 0 : index
      %get3A_3222 = tpu.vector_load %arg11[%get3A_3220, %get3A_3221] {strides = array<i32>} : memref<104x32xf32, #tpu.memory_space<vmem>>, vector<1x16xf32>,
      %get3A_3223 = vector.shape_cast %get3A_3222 : vector<1x16xf32> to vector<16xf32>
      %add3A_3224 = arith.addf %add3A_3212, %get3A_3223 : vector<16xf32>
      %get3A_3225 = arith.constant 61 : i32
      %get3A_3226 = arith.index_cast %get3A_3225 : i32 to index
      %get3A_3227 = arith.constant 16 : index
      %get3A_3228 = tpu.vector_load %arg11[%get3A_3226, %get3A_3227] {strides = array<i32>} : memref<104x32xf32, #tpu.memory_space<vmem>>, vector<1x16xf32>,
      %get3A_3229 = vector.shape_cast %get3A_3228 : vector<1x16xf32> to vector<16xf32>
      %add3A_3230 = arith.addf %add3A_3218, %get3A_3229 : vector<16xf32>
      %get3A_3231 = arith.constant 62 : i32
      %get3A_3232 = arith.index_cast %get3A_3231 : i32 to index
      %get3A_3233 = arith.constant 0 : index
      %get3A_3234 = tpu.vector_load %arg11[%get3A_3232, %get3A_3233] {strides = array<i32>} : memref<104x32xf32, #tpu.memory_space<vmem>>, vector<1x16xf32>,
      %get3A_3235 = vector.shape_cast %get3A_3234 : vector<1x16xf32> to vector<16xf32>
      %add3A_3236 = arith.addf %add3A_3224, %get3A_3235 : vector<16xf32>
      %get3A_3237 = arith.constant 62 : i32
      %get3A_3238 = arith.index_cast %get3A_3237 : i32 to index
      %get3A_3239 = arith.constant 16 : index
      %get3A_3240 = tpu.vector_load %arg11[%get3A_3238, %get3A_3239] {strides = array<i32>} : memref<104x32xf32, #tpu.memory_space<vmem>>, vector<1x16xf32>,
      %get3A_3241 = vector.shape_cast %get3A_3240 : vector<1x16xf32> to vector<16xf32>
      %add3A_3242 = arith.addf %add3A_3230, %get3A_3241 : vector<16xf32>
      %get3A_3243 = arith.constant 63 : i32
      %get3A_3244 = arith.index_cast %get3A_3243 : i32 to index
      %get3A_3245 = arith.constant 0 : index
      %get3A_3246 = tpu.vector_load %arg11[%get3A_3244, %get3A_3245] {strides = array<i32>} : memref<104x32xf32, #tpu.memory_space<vmem>>, vector<1x16xf32>,
      %get3A_3247 = vector.shape_cast %get3A_3246 : vector<1x16xf32> to vector<16xf32>
      %add3A_3248 = arith.addf %add3A_3236, %get3A_3247 : vector<16xf32>
      %get3A_3249 = arith.constant 63 : i32
      %get3A_3250 = arith.index_cast %get3A_3249 : i32 to index
      %get3A_3251 = arith.constant 16 : index
      %get3A_3252 = tpu.vector_load %arg11[%get3A_3250, %get3A_3251] {strides = array<i32>} : memref<104x32xf32, #tpu.memory_space<vmem>>, vector<1x16xf32>,
      %get3A_3253 = vector.shape_cast %get3A_3252 : vector<1x16xf32> to vector<16xf32>
      %add3A_3254 = arith.addf %add3A_3242, %get3A_3253 : vector<16xf32>
      %get3A_3255 = arith.constant 64 : i32
      %get3A_3256 = arith.index_cast %get3A_3255 : i32 to index
      %get3A_3257 = arith.constant 0 : index
      %get3A_3258 = tpu.vector_load %arg11[%get3A_3256, %get3A_3257] {strides = array<i32>} : memref<104x32xf32, #tpu.memory_space<vmem>>, vector<1x16xf32>,
      %get3A_3259 = vector.shape_cast %get3A_3258 : vector<1x16xf32> to vector<16xf32>
      %add3A_3260 = arith.addf %add3A_3248, %get3A_3259 : vector<16xf32>
      %get3A_3261 = arith.constant 64 : i32
      %get3A_3262 = arith.index_cast %get3A_3261 : i32 to index
      %get3A_3263 = arith.constant 16 : index
      %get3A_3264 = tpu.vector_load %arg11[%get3A_3262, %get3A_3263] {strides = array<i32>} : memref<104x32xf32, #tpu.memory_space<vmem>>, vector<1x16xf32>,
      %get3A_3265 = vector.shape_cast %get3A_3264 : vector<1x16xf32> to vector<16xf32>
      %add3A_3266 = arith.addf %add3A_3254, %get3A_3265 : vector<16xf32>
      %get3A_3267 = arith.constant 65 : i32
      %get3A_3268 = arith.index_cast %get3A_3267 : i32 to index
      %get3A_3269 = arith.constant 0 : index
      %get3A_3270 = tpu.vector_load %arg11[%get3A_3268, %get3A_3269] {strides = array<i32>} : memref<104x32xf32, #tpu.memory_space<vmem>>, vector<1x16xf32>,
      %get3A_3271 = vector.shape_cast %get3A_3270 : vector<1x16xf32> to vector<16xf32>
      %add3A_3272 = arith.addf %add3A_3260, %get3A_3271 : vector<16xf32>
      %get3A_3273 = arith.constant 65 : i32
      %get3A_3274 = arith.index_cast %get3A_3273 : i32 to index
      %get3A_3275 = arith.constant 16 : index
      %get3A_3276 = tpu.vector_load %arg11[%get3A_3274, %get3A_3275] {strides = array<i32>} : memref<104x32xf32, #tpu.memory_space<vmem>>, vector<1x16xf32>,
      %get3A_3277 = vector.shape_cast %get3A_3276 : vector<1x16xf32> to vector<16xf32>
      %add3A_3278 = arith.addf %add3A_3266, %get3A_3277 : vector<16xf32>
      %get3A_3279 = arith.constant 66 : i32
      %get3A_3280 = arith.index_cast %get3A_3279 : i32 to index
      %get3A_3281 = arith.constant 0 : index
      %get3A_3282 = tpu.vector_load %arg11[%get3A_3280, %get3A_3281] {strides = array<i32>} : memref<104x32xf32, #tpu.memory_space<vmem>>, vector<1x16xf32>,
      %get3A_3283 = vector.shape_cast %get3A_3282 : vector<1x16xf32> to vector<16xf32>
      %add3A_3284 = arith.addf %add3A_3272, %get3A_3283 : vector<16xf32>
      %get3A_3285 = arith.constant 66 : i32
      %get3A_3286 = arith.index_cast %get3A_3285 : i32 to index
      %get3A_3287 = arith.constant 16 : index
      %get3A_3288 = tpu.vector_load %arg11[%get3A_3286, %get3A_3287] {strides = array<i32>} : memref<104x32xf32, #tpu.memory_space<vmem>>, vector<1x16xf32>,
      %get3A_3289 = vector.shape_cast %get3A_3288 : vector<1x16xf32> to vector<16xf32>
      %add3A_3290 = arith.addf %add3A_3278, %get3A_3289 : vector<16xf32>
      %get3A_3291 = arith.constant 67 : i32
      %get3A_3292 = arith.index_cast %get3A_3291 : i32 to index
      %get3A_3293 = arith.constant 0 : index
      %get3A_3294 = tpu.vector_load %arg11[%get3A_3292, %get3A_3293] {strides = array<i32>} : memref<104x32xf32, #tpu.memory_space<vmem>>, vector<1x16xf32>,
      %get3A_3295 = vector.shape_cast %get3A_3294 : vector<1x16xf32> to vector<16xf32>
      %add3A_3296 = arith.addf %add3A_3284, %get3A_3295 : vector<16xf32>
      %get3A_3297 = arith.constant 67 : i32
      %get3A_3298 = arith.index_cast %get3A_3297 : i32 to index
      %get3A_3299 = arith.constant 16 : index
      %get3A_3300 = tpu.vector_load %arg11[%get3A_3298, %get3A_3299] {strides = array<i32>} : memref<104x32xf32, #tpu.memory_space<vmem>>, vector<1x16xf32>,
      %get3A_3301 = vector.shape_cast %get3A_3300 : vector<1x16xf32> to vector<16xf32>
      %add3A_3302 = arith.addf %add3A_3290, %get3A_3301 : vector<16xf32>
      %get3A_3303 = arith.constant 68 : i32
      %get3A_3304 = arith.index_cast %get3A_3303 : i32 to index
      %get3A_3305 = arith.constant 0 : index
      %get3A_3306 = tpu.vector_load %arg11[%get3A_3304, %get3A_3305] {strides = array<i32>} : memref<104x32xf32, #tpu.memory_space<vmem>>, vector<1x16xf32>,
      %get3A_3307 = vector.shape_cast %get3A_3306 : vector<1x16xf32> to vector<16xf32>
      %add3A_3308 = arith.addf %add3A_3296, %get3A_3307 : vector<16xf32>
      %get3A_3309 = arith.constant 68 : i32
      %get3A_3310 = arith.index_cast %get3A_3309 : i32 to index
      %get3A_3311 = arith.constant 16 : index
      %get3A_3312 = tpu.vector_load %arg11[%get3A_3310, %get3A_3311] {strides = array<i32>} : memref<104x32xf32, #tpu.memory_space<vmem>>, vector<1x16xf32>,
      %get3A_3313 = vector.shape_cast %get3A_3312 : vector<1x16xf32> to vector<16xf32>
      %add3A_3314 = arith.addf %add3A_3302, %get3A_3313 : vector<16xf32>
      %get3A_3315 = arith.constant 69 : i32
      %get3A_3316 = arith.index_cast %get3A_3315 : i32 to index
      %get3A_3317 = arith.constant 0 : index
      %get3A_3318 = tpu.vector_load %arg11[%get3A_3316, %get3A_3317] {strides = array<i32>} : memref<104x32xf32, #tpu.memory_space<vmem>>, vector<1x16xf32>,
      %get3A_3319 = vector.shape_cast %get3A_3318 : vector<1x16xf32> to vector<16xf32>
      %add3A_3320 = arith.addf %add3A_3308, %get3A_3319 : vector<16xf32>
      %get3A_3321 = arith.constant 69 : i32
      %get3A_3322 = arith.index_cast %get3A_3321 : i32 to index
      %get3A_3323 = arith.constant 16 : index
      %get3A_3324 = tpu.vector_load %arg11[%get3A_3322, %get3A_3323] {strides = array<i32>} : memref<104x32xf32, #tpu.memory_space<vmem>>, vector<1x16xf32>,
      %get3A_3325 = vector.shape_cast %get3A_3324 : vector<1x16xf32> to vector<16xf32>
      %add3A_3326 = arith.addf %add3A_3314, %get3A_3325 : vector<16xf32>
      %get3A_3327 = arith.constant 70 : i32
      %get3A_3328 = arith.index_cast %get3A_3327 : i32 to index
      %get3A_3329 = arith.constant 0 : index
      %get3A_3330 = tpu.vector_load %arg11[%get3A_3328, %get3A_3329] {strides = array<i32>} : memref<104x32xf32, #tpu.memory_space<vmem>>, vector<1x16xf32>,
      %get3A_3331 = vector.shape_cast %get3A_3330 : vector<1x16xf32> to vector<16xf32>
      %add3A_3332 = arith.addf %add3A_3320, %get3A_3331 : vector<16xf32>
      %get3A_3333 = arith.constant 70 : i32
      %get3A_3334 = arith.index_cast %get3A_3333 : i32 to index
      %get3A_3335 = arith.constant 16 : index
      %get3A_3336 = tpu.vector_load %arg11[%get3A_3334, %get3A_3335] {strides = array<i32>} : memref<104x32xf32, #tpu.memory_space<vmem>>, vector<1x16xf32>,
      %get3A_3337 = vector.shape_cast %get3A_3336 : vector<1x16xf32> to vector<16xf32>
      %add3A_3338 = arith.addf %add3A_3326, %get3A_3337 : vector<16xf32>
      %get3A_3339 = arith.constant 71 : i32
      %get3A_3340 = arith.index_cast %get3A_3339 : i32 to index
      %get3A_3341 = arith.constant 0 : index
      %get3A_3342 = tpu.vector_load %arg11[%get3A_3340, %get3A_3341] {strides = array<i32>} : memref<104x32xf32, #tpu.memory_space<vmem>>, vector<1x16xf32>,
      %get3A_3343 = vector.shape_cast %get3A_3342 : vector<1x16xf32> to vector<16xf32>
      %add3A_3344 = arith.addf %add3A_3332, %get3A_3343 : vector<16xf32>
      %get3A_3345 = arith.constant 71 : i32
      %get3A_3346 = arith.index_cast %get3A_3345 : i32 to index
      %get3A_3347 = arith.constant 16 : index
      %get3A_3348 = tpu.vector_load %arg11[%get3A_3346, %get3A_3347] {strides = array<i32>} : memref<104x32xf32, #tpu.memory_space<vmem>>, vector<1x16xf32>,
      %get3A_3349 = vector.shape_cast %get3A_3348 : vector<1x16xf32> to vector<16xf32>
      %add3A_3350 = arith.addf %add3A_3338, %get3A_3349 : vector<16xf32>
      %get3A_3351 = arith.constant 72 : i32
      %get3A_3352 = arith.index_cast %get3A_3351 : i32 to index
      %get3A_3353 = arith.constant 0 : index
      %get3A_3354 = tpu.vector_load %arg11[%get3A_3352, %get3A_3353] {strides = array<i32>} : memref<104x32xf32, #tpu.memory_space<vmem>>, vector<1x16xf32>,
      %get3A_3355 = vector.shape_cast %get3A_3354 : vector<1x16xf32> to vector<16xf32>
      %add3A_3356 = arith.addf %add3A_3344, %get3A_3355 : vector<16xf32>
      %get3A_3357 = arith.constant 72 : i32
      %get3A_3358 = arith.index_cast %get3A_3357 : i32 to index
      %get3A_3359 = arith.constant 16 : index
      %get3A_3360 = tpu.vector_load %arg11[%get3A_3358, %get3A_3359] {strides = array<i32>} : memref<104x32xf32, #tpu.memory_space<vmem>>, vector<1x16xf32>,
      %get3A_3361 = vector.shape_cast %get3A_3360 : vector<1x16xf32> to vector<16xf32>
      %add3A_3362 = arith.addf %add3A_3350, %get3A_3361 : vector<16xf32>
      %get3A_3363 = arith.constant 73 : i32
      %get3A_3364 = arith.index_cast %get3A_3363 : i32 to index
      %get3A_3365 = arith.constant 0 : index
      %get3A_3366 = tpu.vector_load %arg11[%get3A_3364, %get3A_3365] {strides = array<i32>} : memref<104x32xf32, #tpu.memory_space<vmem>>, vector<1x16xf32>,
      %get3A_3367 = vector.shape_cast %get3A_3366 : vector<1x16xf32> to vector<16xf32>
      %add3A_3368 = arith.addf %add3A_3356, %get3A_3367 : vector<16xf32>
      %get3A_3369 = arith.constant 73 : i32
      %get3A_3370 = arith.index_cast %get3A_3369 : i32 to index
      %get3A_3371 = arith.constant 16 : index
      %get3A_3372 = tpu.vector_load %arg11[%get3A_3370, %get3A_3371] {strides = array<i32>} : memref<104x32xf32, #tpu.memory_space<vmem>>, vector<1x16xf32>,
      %get3A_3373 = vector.shape_cast %get3A_3372 : vector<1x16xf32> to vector<16xf32>
      %add3A_3374 = arith.addf %add3A_3362, %get3A_3373 : vector<16xf32>
      %get3A_3375 = arith.constant 74 : i32
      %get3A_3376 = arith.index_cast %get3A_3375 : i32 to index
      %get3A_3377 = arith.constant 0 : index
      %get3A_3378 = tpu.vector_load %arg11[%get3A_3376, %get3A_3377] {strides = array<i32>} : memref<104x32xf32, #tpu.memory_space<vmem>>, vector<1x16xf32>,
      %get3A_3379 = vector.shape_cast %get3A_3378 : vector<1x16xf32> to vector<16xf32>
      %add3A_3380 = arith.addf %add3A_3368, %get3A_3379 : vector<16xf32>
      %get3A_3381 = arith.constant 74 : i32
      %get3A_3382 = arith.index_cast %get3A_3381 : i32 to index
      %get3A_3383 = arith.constant 16 : index
      %get3A_3384 = tpu.vector_load %arg11[%get3A_3382, %get3A_3383] {strides = array<i32>} : memref<104x32xf32, #tpu.memory_space<vmem>>, vector<1x16xf32>,
      %get3A_3385 = vector.shape_cast %get3A_3384 : vector<1x16xf32> to vector<16xf32>
      %add3A_3386 = arith.addf %add3A_3374, %get3A_3385 : vector<16xf32>
      %get3A_3387 = arith.constant 75 : i32
      %get3A_3388 = arith.index_cast %get3A_3387 : i32 to index
      %get3A_3389 = arith.constant 0 : index
      %get3A_3390 = tpu.vector_load %arg11[%get3A_3388, %get3A_3389] {strides = array<i32>} : memref<104x32xf32, #tpu.memory_space<vmem>>, vector<1x16xf32>,
      %get3A_3391 = vector.shape_cast %get3A_3390 : vector<1x16xf32> to vector<16xf32>
      %add3A_3392 = arith.addf %add3A_3380, %get3A_3391 : vector<16xf32>
      %get3A_3393 = arith.constant 75 : i32
      %get3A_3394 = arith.index_cast %get3A_3393 : i32 to index
      %get3A_3395 = arith.constant 16 : index
      %get3A_3396 = tpu.vector_load %arg11[%get3A_3394, %get3A_3395] {strides = array<i32>} : memref<104x32xf32, #tpu.memory_space<vmem>>, vector<1x16xf32>,
      %get3A_3397 = vector.shape_cast %get3A_3396 : vector<1x16xf32> to vector<16xf32>
      %add3A_3398 = arith.addf %add3A_3386, %get3A_3397 : vector<16xf32>
      %get3A_3399 = arith.constant 76 : i32
      %get3A_3400 = arith.index_cast %get3A_3399 : i32 to index
      %get3A_3401 = arith.constant 0 : index
      %get3A_3402 = tpu.vector_load %arg11[%get3A_3400, %get3A_3401] {strides = array<i32>} : memref<104x32xf32, #tpu.memory_space<vmem>>, vector<1x16xf32>,
      %get3A_3403 = vector.shape_cast %get3A_3402 : vector<1x16xf32> to vector<16xf32>
      %add3A_3404 = arith.addf %add3A_3392, %get3A_3403 : vector<16xf32>
      %get3A_3405 = arith.constant 76 : i32
      %get3A_3406 = arith.index_cast %get3A_3405 : i32 to index
      %get3A_3407 = arith.constant 16 : index
      %get3A_3408 = tpu.vector_load %arg11[%get3A_3406, %get3A_3407] {strides = array<i32>} : memref<104x32xf32, #tpu.memory_space<vmem>>, vector<1x16xf32>,
      %get3A_3409 = vector.shape_cast %get3A_3408 : vector<1x16xf32> to vector<16xf32>
      %add3A_3410 = arith.addf %add3A_3398, %get3A_3409 : vector<16xf32>
      %get3A_3411 = arith.constant 77 : i32
      %get3A_3412 = arith.index_cast %get3A_3411 : i32 to index
      %get3A_3413 = arith.constant 0 : index
      %get3A_3414 = tpu.vector_load %arg11[%get3A_3412, %get3A_3413] {strides = array<i32>} : memref<104x32xf32, #tpu.memory_space<vmem>>, vector<1x16xf32>,
      %get3A_3415 = vector.shape_cast %get3A_3414 : vector<1x16xf32> to vector<16xf32>
      %add3A_3416 = arith.addf %add3A_3404, %get3A_3415 : vector<16xf32>
      %get3A_3417 = arith.constant 77 : i32
      %get3A_3418 = arith.index_cast %get3A_3417 : i32 to index
      %get3A_3419 = arith.constant 16 : index
      %get3A_3420 = tpu.vector_load %arg11[%get3A_3418, %get3A_3419] {strides = array<i32>} : memref<104x32xf32, #tpu.memory_space<vmem>>, vector<1x16xf32>,
      %get3A_3421 = vector.shape_cast %get3A_3420 : vector<1x16xf32> to vector<16xf32>
      %add3A_3422 = arith.addf %add3A_3410, %get3A_3421 : vector<16xf32>
      %get3A_3423 = arith.constant 78 : i32
      %get3A_3424 = arith.index_cast %get3A_3423 : i32 to index
      %get3A_3425 = arith.constant 0 : index
      %get3A_3426 = tpu.vector_load %arg11[%get3A_3424, %get3A_3425] {strides = array<i32>} : memref<104x32xf32, #tpu.memory_space<vmem>>, vector<1x16xf32>,
      %get3A_3427 = vector.shape_cast %get3A_3426 : vector<1x16xf32> to vector<16xf32>
      %add3A_3428 = arith.addf %add3A_3416, %get3A_3427 : vector<16xf32>
      %get3A_3429 = arith.constant 78 : i32
      %get3A_3430 = arith.index_cast %get3A_3429 : i32 to index
      %get3A_3431 = arith.constant 16 : index
      %get3A_3432 = tpu.vector_load %arg11[%get3A_3430, %get3A_3431] {strides = array<i32>} : memref<104x32xf32, #tpu.memory_space<vmem>>, vector<1x16xf32>,
      %get3A_3433 = vector.shape_cast %get3A_3432 : vector<1x16xf32> to vector<16xf32>
      %add3A_3434 = arith.addf %add3A_3422, %get3A_3433 : vector<16xf32>
      %get3A_3435 = arith.constant 79 : i32
      %get3A_3436 = arith.index_cast %get3A_3435 : i32 to index
      %get3A_3437 = arith.constant 0 : index
      %get3A_3438 = tpu.vector_load %arg11[%get3A_3436, %get3A_3437] {strides = array<i32>} : memref<104x32xf32, #tpu.memory_space<vmem>>, vector<1x16xf32>,
      %get3A_3439 = vector.shape_cast %get3A_3438 : vector<1x16xf32> to vector<16xf32>
      %add3A_3440 = arith.addf %add3A_3428, %get3A_3439 : vector<16xf32>
      %get3A_3441 = arith.constant 79 : i32
      %get3A_3442 = arith.index_cast %get3A_3441 : i32 to index
      %get3A_3443 = arith.constant 16 : index
      %get3A_3444 = tpu.vector_load %arg11[%get3A_3442, %get3A_3443] {strides = array<i32>} : memref<104x32xf32, #tpu.memory_space<vmem>>, vector<1x16xf32>,
      %get3A_3445 = vector.shape_cast %get3A_3444 : vector<1x16xf32> to vector<16xf32>
      %add3A_3446 = arith.addf %add3A_3434, %get3A_3445 : vector<16xf32>
      %get3A_3447 = arith.constant 80 : i32
      %get3A_3448 = arith.index_cast %get3A_3447 : i32 to index
      %get3A_3449 = arith.constant 0 : index
      %get3A_3450 = tpu.vector_load %arg11[%get3A_3448, %get3A_3449] {strides = array<i32>} : memref<104x32xf32, #tpu.memory_space<vmem>>, vector<1x16xf32>,
      %get3A_3451 = vector.shape_cast %get3A_3450 : vector<1x16xf32> to vector<16xf32>
      %add3A_3452 = arith.addf %add3A_3440, %get3A_3451 : vector<16xf32>
      %get3A_3453 = arith.constant 80 : i32
      %get3A_3454 = arith.index_cast %get3A_3453 : i32 to index
      %get3A_3455 = arith.constant 16 : index
      %get3A_3456 = tpu.vector_load %arg11[%get3A_3454, %get3A_3455] {strides = array<i32>} : memref<104x32xf32, #tpu.memory_space<vmem>>, vector<1x16xf32>,
      %get3A_3457 = vector.shape_cast %get3A_3456 : vector<1x16xf32> to vector<16xf32>
      %add3A_3458 = arith.addf %add3A_3446, %get3A_3457 : vector<16xf32>
      %get3A_3459 = arith.constant 81 : i32
      %get3A_3460 = arith.index_cast %get3A_3459 : i32 to index
      %get3A_3461 = arith.constant 0 : index
      %get3A_3462 = tpu.vector_load %arg11[%get3A_3460, %get3A_3461] {strides = array<i32>} : memref<104x32xf32, #tpu.memory_space<vmem>>, vector<1x16xf32>,
      %get3A_3463 = vector.shape_cast %get3A_3462 : vector<1x16xf32> to vector<16xf32>
      %add3A_3464 = arith.addf %add3A_3452, %get3A_3463 : vector<16xf32>
      %get3A_3465 = arith.constant 81 : i32
      %get3A_3466 = arith.index_cast %get3A_3465 : i32 to index
      %get3A_3467 = arith.constant 16 : index
      %get3A_3468 = tpu.vector_load %arg11[%get3A_3466, %get3A_3467] {strides = array<i32>} : memref<104x32xf32, #tpu.memory_space<vmem>>, vector<1x16xf32>,
      %get3A_3469 = vector.shape_cast %get3A_3468 : vector<1x16xf32> to vector<16xf32>
      %add3A_3470 = arith.addf %add3A_3458, %get3A_3469 : vector<16xf32>
      %get3A_3471 = arith.constant 82 : i32
      %get3A_3472 = arith.index_cast %get3A_3471 : i32 to index
      %get3A_3473 = arith.constant 0 : index
      %get3A_3474 = tpu.vector_load %arg11[%get3A_3472, %get3A_3473] {strides = array<i32>} : memref<104x32xf32, #tpu.memory_space<vmem>>, vector<1x16xf32>,
      %get3A_3475 = vector.shape_cast %get3A_3474 : vector<1x16xf32> to vector<16xf32>
      %add3A_3476 = arith.addf %add3A_3464, %get3A_3475 : vector<16xf32>
      %get3A_3477 = arith.constant 82 : i32
      %get3A_3478 = arith.index_cast %get3A_3477 : i32 to index
      %get3A_3479 = arith.constant 16 : index
      %get3A_3480 = tpu.vector_load %arg11[%get3A_3478, %get3A_3479] {strides = array<i32>} : memref<104x32xf32, #tpu.memory_space<vmem>>, vector<1x16xf32>,
      %get3A_3481 = vector.shape_cast %get3A_3480 : vector<1x16xf32> to vector<16xf32>
      %add3A_3482 = arith.addf %add3A_3470, %get3A_3481 : vector<16xf32>
      %get3A_3483 = arith.constant 83 : i32
      %get3A_3484 = arith.index_cast %get3A_3483 : i32 to index
      %get3A_3485 = arith.constant 0 : index
      %get3A_3486 = tpu.vector_load %arg11[%get3A_3484, %get3A_3485] {strides = array<i32>} : memref<104x32xf32, #tpu.memory_space<vmem>>, vector<1x16xf32>,
      %get3A_3487 = vector.shape_cast %get3A_3486 : vector<1x16xf32> to vector<16xf32>
      %add3A_3488 = arith.addf %add3A_3476, %get3A_3487 : vector<16xf32>
      %get3A_3489 = arith.constant 83 : i32
      %get3A_3490 = arith.index_cast %get3A_3489 : i32 to index
      %get3A_3491 = arith.constant 16 : index
      %get3A_3492 = tpu.vector_load %arg11[%get3A_3490, %get3A_3491] {strides = array<i32>} : memref<104x32xf32, #tpu.memory_space<vmem>>, vector<1x16xf32>,
      %get3A_3493 = vector.shape_cast %get3A_3492 : vector<1x16xf32> to vector<16xf32>
      %add3A_3494 = arith.addf %add3A_3482, %get3A_3493 : vector<16xf32>
      %get3A_3495 = arith.constant 84 : i32
      %get3A_3496 = arith.index_cast %get3A_3495 : i32 to index
      %get3A_3497 = arith.constant 0 : index
      %get3A_3498 = tpu.vector_load %arg11[%get3A_3496, %get3A_3497] {strides = array<i32>} : memref<104x32xf32, #tpu.memory_space<vmem>>, vector<1x16xf32>,
      %get3A_3499 = vector.shape_cast %get3A_3498 : vector<1x16xf32> to vector<16xf32>
      %add3A_3500 = arith.addf %add3A_3488, %get3A_3499 : vector<16xf32>
      %get3A_3501 = arith.constant 84 : i32
      %get3A_3502 = arith.index_cast %get3A_3501 : i32 to index
      %get3A_3503 = arith.constant 16 : index
      %get3A_3504 = tpu.vector_load %arg11[%get3A_3502, %get3A_3503] {strides = array<i32>} : memref<104x32xf32, #tpu.memory_space<vmem>>, vector<1x16xf32>,
      %get3A_3505 = vector.shape_cast %get3A_3504 : vector<1x16xf32> to vector<16xf32>
      %add3A_3506 = arith.addf %add3A_3494, %get3A_3505 : vector<16xf32>
      %get3A_3507 = arith.constant 85 : i32
      %get3A_3508 = arith.index_cast %get3A_3507 : i32 to index
      %get3A_3509 = arith.constant 0 : index
      %get3A_3510 = tpu.vector_load %arg11[%get3A_3508, %get3A_3509] {strides = array<i32>} : memref<104x32xf32, #tpu.memory_space<vmem>>, vector<1x16xf32>,
      %get3A_3511 = vector.shape_cast %get3A_3510 : vector<1x16xf32> to vector<16xf32>
      %add3A_3512 = arith.addf %add3A_3500, %get3A_3511 : vector<16xf32>
      %get3A_3513 = arith.constant 85 : i32
      %get3A_3514 = arith.index_cast %get3A_3513 : i32 to index
      %get3A_3515 = arith.constant 16 : index
      %get3A_3516 = tpu.vector_load %arg11[%get3A_3514, %get3A_3515] {strides = array<i32>} : memref<104x32xf32, #tpu.memory_space<vmem>>, vector<1x16xf32>,
      %get3A_3517 = vector.shape_cast %get3A_3516 : vector<1x16xf32> to vector<16xf32>
      %add3A_3518 = arith.addf %add3A_3506, %get3A_3517 : vector<16xf32>
      %get3A_3519 = arith.constant 86 : i32
      %get3A_3520 = arith.index_cast %get3A_3519 : i32 to index
      %get3A_3521 = arith.constant 0 : index
      %get3A_3522 = tpu.vector_load %arg11[%get3A_3520, %get3A_3521] {strides = array<i32>} : memref<104x32xf32, #tpu.memory_space<vmem>>, vector<1x16xf32>,
      %get3A_3523 = vector.shape_cast %get3A_3522 : vector<1x16xf32> to vector<16xf32>
      %add3A_3524 = arith.addf %add3A_3512, %get3A_3523 : vector<16xf32>
      %get3A_3525 = arith.constant 86 : i32
      %get3A_3526 = arith.index_cast %get3A_3525 : i32 to index
      %get3A_3527 = arith.constant 16 : index
      %get3A_3528 = tpu.vector_load %arg11[%get3A_3526, %get3A_3527] {strides = array<i32>} : memref<104x32xf32, #tpu.memory_space<vmem>>, vector<1x16xf32>,
      %get3A_3529 = vector.shape_cast %get3A_3528 : vector<1x16xf32> to vector<16xf32>
      %add3A_3530 = arith.addf %add3A_3518, %get3A_3529 : vector<16xf32>
      %get3A_3531 = arith.constant 87 : i32
      %get3A_3532 = arith.index_cast %get3A_3531 : i32 to index
      %get3A_3533 = arith.constant 0 : index
      %get3A_3534 = tpu.vector_load %arg11[%get3A_3532, %get3A_3533] {strides = array<i32>} : memref<104x32xf32, #tpu.memory_space<vmem>>, vector<1x16xf32>,
      %get3A_3535 = vector.shape_cast %get3A_3534 : vector<1x16xf32> to vector<16xf32>
      %add3A_3536 = arith.addf %add3A_3524, %get3A_3535 : vector<16xf32>
      %get3A_3537 = arith.constant 87 : i32
      %get3A_3538 = arith.index_cast %get3A_3537 : i32 to index
      %get3A_3539 = arith.constant 16 : index
      %get3A_3540 = tpu.vector_load %arg11[%get3A_3538, %get3A_3539] {strides = array<i32>} : memref<104x32xf32, #tpu.memory_space<vmem>>, vector<1x16xf32>,
      %get3A_3541 = vector.shape_cast %get3A_3540 : vector<1x16xf32> to vector<16xf32>
      %add3A_3542 = arith.addf %add3A_3530, %get3A_3541 : vector<16xf32>
      %get3A_3543 = arith.constant 88 : i32
      %get3A_3544 = arith.index_cast %get3A_3543 : i32 to index
      %get3A_3545 = arith.constant 0 : index
      %get3A_3546 = tpu.vector_load %arg11[%get3A_3544, %get3A_3545] {strides = array<i32>} : memref<104x32xf32, #tpu.memory_space<vmem>>, vector<1x16xf32>,
      %get3A_3547 = vector.shape_cast %get3A_3546 : vector<1x16xf32> to vector<16xf32>
      %add3A_3548 = arith.addf %add3A_3536, %get3A_3547 : vector<16xf32>
      %get3A_3549 = arith.constant 88 : i32
      %get3A_3550 = arith.index_cast %get3A_3549 : i32 to index
      %get3A_3551 = arith.constant 16 : index
      %get3A_3552 = tpu.vector_load %arg11[%get3A_3550, %get3A_3551] {strides = array<i32>} : memref<104x32xf32, #tpu.memory_space<vmem>>, vector<1x16xf32>,
      %get3A_3553 = vector.shape_cast %get3A_3552 : vector<1x16xf32> to vector<16xf32>
      %add3A_3554 = arith.addf %add3A_3542, %get3A_3553 : vector<16xf32>
      %get3A_3555 = arith.constant 89 : i32
      %get3A_3556 = arith.index_cast %get3A_3555 : i32 to index
      %get3A_3557 = arith.constant 0 : index
      %get3A_3558 = tpu.vector_load %arg11[%get3A_3556, %get3A_3557] {strides = array<i32>} : memref<104x32xf32, #tpu.memory_space<vmem>>, vector<1x16xf32>,
      %get3A_3559 = vector.shape_cast %get3A_3558 : vector<1x16xf32> to vector<16xf32>
      %add3A_3560 = arith.addf %add3A_3548, %get3A_3559 : vector<16xf32>
      %get3A_3561 = arith.constant 89 : i32
      %get3A_3562 = arith.index_cast %get3A_3561 : i32 to index
      %get3A_3563 = arith.constant 16 : index
      %get3A_3564 = tpu.vector_load %arg11[%get3A_3562, %get3A_3563] {strides = array<i32>} : memref<104x32xf32, #tpu.memory_space<vmem>>, vector<1x16xf32>,
      %get3A_3565 = vector.shape_cast %get3A_3564 : vector<1x16xf32> to vector<16xf32>
      %add3A_3566 = arith.addf %add3A_3554, %get3A_3565 : vector<16xf32>
      %get3A_3567 = arith.constant 90 : i32
      %get3A_3568 = arith.index_cast %get3A_3567 : i32 to index
      %get3A_3569 = arith.constant 0 : index
      %get3A_3570 = tpu.vector_load %arg11[%get3A_3568, %get3A_3569] {strides = array<i32>} : memref<104x32xf32, #tpu.memory_space<vmem>>, vector<1x16xf32>,
      %get3A_3571 = vector.shape_cast %get3A_3570 : vector<1x16xf32> to vector<16xf32>
      %add3A_3572 = arith.addf %add3A_3560, %get3A_3571 : vector<16xf32>
      %get3A_3573 = arith.constant 90 : i32
      %get3A_3574 = arith.index_cast %get3A_3573 : i32 to index
      %get3A_3575 = arith.constant 16 : index
      %get3A_3576 = tpu.vector_load %arg11[%get3A_3574, %get3A_3575] {strides = array<i32>} : memref<104x32xf32, #tpu.memory_space<vmem>>, vector<1x16xf32>,
      %get3A_3577 = vector.shape_cast %get3A_3576 : vector<1x16xf32> to vector<16xf32>
      %add3A_3578 = arith.addf %add3A_3566, %get3A_3577 : vector<16xf32>
      %get3A_3579 = arith.constant 91 : i32
      %get3A_3580 = arith.index_cast %get3A_3579 : i32 to index
      %get3A_3581 = arith.constant 0 : index
      %get3A_3582 = tpu.vector_load %arg11[%get3A_3580, %get3A_3581] {strides = array<i32>} : memref<104x32xf32, #tpu.memory_space<vmem>>, vector<1x16xf32>,
      %get3A_3583 = vector.shape_cast %get3A_3582 : vector<1x16xf32> to vector<16xf32>
      %add3A_3584 = arith.addf %add3A_3572, %get3A_3583 : vector<16xf32>
      %get3A_3585 = arith.constant 91 : i32
      %get3A_3586 = arith.index_cast %get3A_3585 : i32 to index
      %get3A_3587 = arith.constant 16 : index
      %get3A_3588 = tpu.vector_load %arg11[%get3A_3586, %get3A_3587] {strides = array<i32>} : memref<104x32xf32, #tpu.memory_space<vmem>>, vector<1x16xf32>,
      %get3A_3589 = vector.shape_cast %get3A_3588 : vector<1x16xf32> to vector<16xf32>
      %add3A_3590 = arith.addf %add3A_3578, %get3A_3589 : vector<16xf32>
      %get3A_3591 = arith.constant 92 : i32
      %get3A_3592 = arith.index_cast %get3A_3591 : i32 to index
      %get3A_3593 = arith.constant 0 : index
      %get3A_3594 = tpu.vector_load %arg11[%get3A_3592, %get3A_3593] {strides = array<i32>} : memref<104x32xf32, #tpu.memory_space<vmem>>, vector<1x16xf32>,
      %get3A_3595 = vector.shape_cast %get3A_3594 : vector<1x16xf32> to vector<16xf32>
      %add3A_3596 = arith.addf %add3A_3584, %get3A_3595 : vector<16xf32>
      %get3A_3597 = arith.constant 92 : i32
      %get3A_3598 = arith.index_cast %get3A_3597 : i32 to index
      %get3A_3599 = arith.constant 16 : index
      %get3A_3600 = tpu.vector_load %arg11[%get3A_3598, %get3A_3599] {strides = array<i32>} : memref<104x32xf32, #tpu.memory_space<vmem>>, vector<1x16xf32>,
      %get3A_3601 = vector.shape_cast %get3A_3600 : vector<1x16xf32> to vector<16xf32>
      %add3A_3602 = arith.addf %add3A_3590, %get3A_3601 : vector<16xf32>
      %get3A_3603 = arith.constant 93 : i32
      %get3A_3604 = arith.index_cast %get3A_3603 : i32 to index
      %get3A_3605 = arith.constant 0 : index
      %get3A_3606 = tpu.vector_load %arg11[%get3A_3604, %get3A_3605] {strides = array<i32>} : memref<104x32xf32, #tpu.memory_space<vmem>>, vector<1x16xf32>,
      %get3A_3607 = vector.shape_cast %get3A_3606 : vector<1x16xf32> to vector<16xf32>
      %add3A_3608 = arith.addf %add3A_3596, %get3A_3607 : vector<16xf32>
      %get3A_3609 = arith.constant 93 : i32
      %get3A_3610 = arith.index_cast %get3A_3609 : i32 to index
      %get3A_3611 = arith.constant 16 : index
      %get3A_3612 = tpu.vector_load %arg11[%get3A_3610, %get3A_3611] {strides = array<i32>} : memref<104x32xf32, #tpu.memory_space<vmem>>, vector<1x16xf32>,
      %get3A_3613 = vector.shape_cast %get3A_3612 : vector<1x16xf32> to vector<16xf32>
      %add3A_3614 = arith.addf %add3A_3602, %get3A_3613 : vector<16xf32>
      %get3A_3615 = arith.constant 94 : i32
      %get3A_3616 = arith.index_cast %get3A_3615 : i32 to index
      %get3A_3617 = arith.constant 0 : index
      %get3A_3618 = tpu.vector_load %arg11[%get3A_3616, %get3A_3617] {strides = array<i32>} : memref<104x32xf32, #tpu.memory_space<vmem>>, vector<1x16xf32>,
      %get3A_3619 = vector.shape_cast %get3A_3618 : vector<1x16xf32> to vector<16xf32>
      %add3A_3620 = arith.addf %add3A_3608, %get3A_3619 : vector<16xf32>
      %get3A_3621 = arith.constant 94 : i32
      %get3A_3622 = arith.index_cast %get3A_3621 : i32 to index
      %get3A_3623 = arith.constant 16 : index
      %get3A_3624 = tpu.vector_load %arg11[%get3A_3622, %get3A_3623] {strides = array<i32>} : memref<104x32xf32, #tpu.memory_space<vmem>>, vector<1x16xf32>,
      %get3A_3625 = vector.shape_cast %get3A_3624 : vector<1x16xf32> to vector<16xf32>
      %add3A_3626 = arith.addf %add3A_3614, %get3A_3625 : vector<16xf32>
      %get3A_3627 = arith.constant 95 : i32
      %get3A_3628 = arith.index_cast %get3A_3627 : i32 to index
      %get3A_3629 = arith.constant 0 : index
      %get3A_3630 = tpu.vector_load %arg11[%get3A_3628, %get3A_3629] {strides = array<i32>} : memref<104x32xf32, #tpu.memory_space<vmem>>, vector<1x16xf32>,
      %get3A_3631 = vector.shape_cast %get3A_3630 : vector<1x16xf32> to vector<16xf32>
      %add3A_3632 = arith.addf %add3A_3620, %get3A_3631 : vector<16xf32>
      %get3A_3633 = arith.constant 95 : i32
      %get3A_3634 = arith.index_cast %get3A_3633 : i32 to index
      %get3A_3635 = arith.constant 16 : index
      %get3A_3636 = tpu.vector_load %arg11[%get3A_3634, %get3A_3635] {strides = array<i32>} : memref<104x32xf32, #tpu.memory_space<vmem>>, vector<1x16xf32>,
      %get3A_3637 = vector.shape_cast %get3A_3636 : vector<1x16xf32> to vector<16xf32>
      %add3A_3638 = arith.addf %add3A_3626, %get3A_3637 : vector<16xf32>
      %get3A_3639 = arith.constant 96 : i32
      %get3A_3640 = arith.index_cast %get3A_3639 : i32 to index
      %get3A_3641 = arith.constant 0 : index
      %get3A_3642 = tpu.vector_load %arg11[%get3A_3640, %get3A_3641] {strides = array<i32>} : memref<104x32xf32, #tpu.memory_space<vmem>>, vector<1x16xf32>,
      %get3A_3643 = vector.shape_cast %get3A_3642 : vector<1x16xf32> to vector<16xf32>
      %add3A_3644 = arith.addf %add3A_3632, %get3A_3643 : vector<16xf32>
      %get3A_3645 = arith.constant 96 : i32
      %get3A_3646 = arith.index_cast %get3A_3645 : i32 to index
      %get3A_3647 = arith.constant 16 : index
      %get3A_3648 = tpu.vector_load %arg11[%get3A_3646, %get3A_3647] {strides = array<i32>} : memref<104x32xf32, #tpu.memory_space<vmem>>, vector<1x16xf32>,
      %get3A_3649 = vector.shape_cast %get3A_3648 : vector<1x16xf32> to vector<16xf32>
      %add3A_3650 = arith.addf %add3A_3638, %get3A_3649 : vector<16xf32>
      %get3A_3651 = arith.constant 97 : i32
      %get3A_3652 = arith.index_cast %get3A_3651 : i32 to index
      %get3A_3653 = arith.constant 0 : index
      %get3A_3654 = tpu.vector_load %arg11[%get3A_3652, %get3A_3653] {strides = array<i32>} : memref<104x32xf32, #tpu.memory_space<vmem>>, vector<1x16xf32>,
      %get3A_3655 = vector.shape_cast %get3A_3654 : vector<1x16xf32> to vector<16xf32>
      %add3A_3656 = arith.addf %add3A_3644, %get3A_3655 : vector<16xf32>
      %get3A_3657 = arith.constant 97 : i32
      %get3A_3658 = arith.index_cast %get3A_3657 : i32 to index
      %get3A_3659 = arith.constant 16 : index
      %get3A_3660 = tpu.vector_load %arg11[%get3A_3658, %get3A_3659] {strides = array<i32>} : memref<104x32xf32, #tpu.memory_space<vmem>>, vector<1x16xf32>,
      %get3A_3661 = vector.shape_cast %get3A_3660 : vector<1x16xf32> to vector<16xf32>
      %add3A_3662 = arith.addf %add3A_3650, %get3A_3661 : vector<16xf32>
      %get3A_3663 = arith.constant 98 : i32
      %get3A_3664 = arith.index_cast %get3A_3663 : i32 to index
      %get3A_3665 = arith.constant 0 : index
      %get3A_3666 = tpu.vector_load %arg11[%get3A_3664, %get3A_3665] {strides = array<i32>} : memref<104x32xf32, #tpu.memory_space<vmem>>, vector<1x16xf32>,
      %get3A_3667 = vector.shape_cast %get3A_3666 : vector<1x16xf32> to vector<16xf32>
      %add3A_3668 = arith.addf %add3A_3656, %get3A_3667 : vector<16xf32>
      %get3A_3669 = arith.constant 98 : i32
      %get3A_3670 = arith.index_cast %get3A_3669 : i32 to index
      %get3A_3671 = arith.constant 16 : index
      %get3A_3672 = tpu.vector_load %arg11[%get3A_3670, %get3A_3671] {strides = array<i32>} : memref<104x32xf32, #tpu.memory_space<vmem>>, vector<1x16xf32>,
      %get3A_3673 = vector.shape_cast %get3A_3672 : vector<1x16xf32> to vector<16xf32>
      %add3A_3674 = arith.addf %add3A_3662, %get3A_3673 : vector<16xf32>
      %get3A_3675 = arith.constant 99 : i32
      %get3A_3676 = arith.index_cast %get3A_3675 : i32 to index
      %get3A_3677 = arith.constant 0 : index
      %get3A_3678 = tpu.vector_load %arg11[%get3A_3676, %get3A_3677] {strides = array<i32>} : memref<104x32xf32, #tpu.memory_space<vmem>>, vector<1x16xf32>,
      %get3A_3679 = vector.shape_cast %get3A_3678 : vector<1x16xf32> to vector<16xf32>
      %add3A_3680 = arith.addf %add3A_3668, %get3A_3679 : vector<16xf32>
      %get3A_3681 = arith.constant 99 : i32
      %get3A_3682 = arith.index_cast %get3A_3681 : i32 to index
      %get3A_3683 = arith.constant 16 : index
      %get3A_3684 = tpu.vector_load %arg11[%get3A_3682, %get3A_3683] {strides = array<i32>} : memref<104x32xf32, #tpu.memory_space<vmem>>, vector<1x16xf32>,
      %get3A_3685 = vector.shape_cast %get3A_3684 : vector<1x16xf32> to vector<16xf32>
      %add3A_3686 = arith.addf %add3A_3674, %get3A_3685 : vector<16xf32>
      %get3A_3687 = arith.constant 100 : i32
      %get3A_3688 = arith.index_cast %get3A_3687 : i32 to index
      %get3A_3689 = arith.constant 0 : index
      %get3A_3690 = tpu.vector_load %arg11[%get3A_3688, %get3A_3689] {strides = array<i32>} : memref<104x32xf32, #tpu.memory_space<vmem>>, vector<1x16xf32>,
      %get3A_3691 = vector.shape_cast %get3A_3690 : vector<1x16xf32> to vector<16xf32>
      %add3A_3692 = arith.addf %add3A_3680, %get3A_3691 : vector<16xf32>
      %get3A_3693 = arith.constant 100 : i32
      %get3A_3694 = arith.index_cast %get3A_3693 : i32 to index
      %get3A_3695 = arith.constant 16 : index
      %get3A_3696 = tpu.vector_load %arg11[%get3A_3694, %get3A_3695] {strides = array<i32>} : memref<104x32xf32, #tpu.memory_space<vmem>>, vector<1x16xf32>,
      %get3A_3697 = vector.shape_cast %get3A_3696 : vector<1x16xf32> to vector<16xf32>
      %add3A_3698 = arith.addf %add3A_3686, %get3A_3697 : vector<16xf32>
      %get3A_3699 = arith.constant 101 : i32
      %get3A_3700 = arith.index_cast %get3A_3699 : i32 to index
      %get3A_3701 = arith.constant 0 : index
      %get3A_3702 = tpu.vector_load %arg11[%get3A_3700, %get3A_3701] {strides = array<i32>} : memref<104x32xf32, #tpu.memory_space<vmem>>, vector<1x16xf32>,
      %get3A_3703 = vector.shape_cast %get3A_3702 : vector<1x16xf32> to vector<16xf32>
      %add3A_3704 = arith.addf %add3A_3692, %get3A_3703 : vector<16xf32>
      %get3A_3705 = arith.constant 101 : i32
      %get3A_3706 = arith.index_cast %get3A_3705 : i32 to index
      %get3A_3707 = arith.constant 16 : index
      %get3A_3708 = tpu.vector_load %arg11[%get3A_3706, %get3A_3707] {strides = array<i32>} : memref<104x32xf32, #tpu.memory_space<vmem>>, vector<1x16xf32>,
      %get3A_3709 = vector.shape_cast %get3A_3708 : vector<1x16xf32> to vector<16xf32>
      %add3A_3710 = arith.addf %add3A_3698, %get3A_3709 : vector<16xf32>
      %get3A_3711 = arith.constant 102 : i32
      %get3A_3712 = arith.index_cast %get3A_3711 : i32 to index
      %get3A_3713 = arith.constant 0 : index
      %get3A_3714 = tpu.vector_load %arg11[%get3A_3712, %get3A_3713] {strides = array<i32>} : memref<104x32xf32, #tpu.memory_space<vmem>>, vector<1x16xf32>,
      %get3A_3715 = vector.shape_cast %get3A_3714 : vector<1x16xf32> to vector<16xf32>
      %add3A_3716 = arith.addf %add3A_3704, %get3A_3715 : vector<16xf32>
      %get3A_3717 = arith.constant 102 : i32
      %get3A_3718 = arith.index_cast %get3A_3717 : i32 to index
      %get3A_3719 = arith.constant 16 : index
      %get3A_3720 = tpu.vector_load %arg11[%get3A_3718, %get3A_3719] {strides = array<i32>} : memref<104x32xf32, #tpu.memory_space<vmem>>, vector<1x16xf32>,
      %get3A_3721 = vector.shape_cast %get3A_3720 : vector<1x16xf32> to vector<16xf32>
      %add3A_3722 = arith.addf %add3A_3710, %get3A_3721 : vector<16xf32>
      %get3A_3723 = arith.constant 103 : i32
      %get3A_3724 = arith.index_cast %get3A_3723 : i32 to index
      %get3A_3725 = arith.constant 0 : index
      %get3A_3726 = tpu.vector_load %arg11[%get3A_3724, %get3A_3725] {strides = array<i32>} : memref<104x32xf32, #tpu.memory_space<vmem>>, vector<1x16xf32>,
      %get3A_3727 = vector.shape_cast %get3A_3726 : vector<1x16xf32> to vector<16xf32>
      %add3A_3728 = arith.addf %add3A_3716, %get3A_3727 : vector<16xf32>
      %get3A_3729 = arith.constant 103 : i32
      %get3A_3730 = arith.index_cast %get3A_3729 : i32 to index
      %get3A_3731 = arith.constant 16 : index
      %get3A_3732 = tpu.vector_load %arg11[%get3A_3730, %get3A_3731] {strides = array<i32>} : memref<104x32xf32, #tpu.memory_space<vmem>>, vector<1x16xf32>,
      %get3A_3733 = vector.shape_cast %get3A_3732 : vector<1x16xf32> to vector<16xf32>
      %add3A_3734 = arith.addf %add3A_3722, %get3A_3733 : vector<16xf32>
      %add3A_3735 = arith.constant 2 : i32
      %add3A_3736 = arith.addi %add3A_2478, %add3A_3735 : i32
      %lt3A_3737 = arith.constant 128 : i32
      %lt3A_3738 = arith.cmpi slt, %add3A_3736, %lt3A_3737 : i32
      %convert_element_type3A_3739 = arith.extui %lt3A_3738 : i1 to i32
      %cond3A_3740 = arith.constant 0 : i32
      %cond3A_3741 = arith.cmpi ne, %convert_element_type3A_3739, %cond3A_3740 : i32
      scf.if %cond3A_3741 {
        %add3A_4917 = arith.constant 2 : i32
        %add3A_4918 = arith.addi %add3A_2478, %add3A_4917 : i32
        %dma_start3A_4919 = arith.constant 0 : i32
        %dma_start3A_4920 = tpu.memref_slice %arg6[%add3A_4918, %dma_start3A_4919] : memref<128x104xi32, #tpu.memory_space<vmem>> -> memref<1x104xi32, #tpu.memory_space<vmem>>
        %dma_start3A_4921 = tpu.memref_squeeze %dma_start3A_4920 : memref<1x104xi32, #tpu.memory_space<vmem>> -> memref<104xi32, #tpu.memory_space<vmem>>
        %dma_start3A_4922 = arith.constant 0 : i32
        %dma_start3A_4923 = arith.constant 0 : i32
        %dma_start3A_4924 = tpu.memref_slice %arg4[%dma_start3A_4922, %dma_start3A_4923] : memref<1000000x32xf32, #tpu.memory_space<hbm>> -> memref<1000000x32xf32, #tpu.memory_space<hbm>>
        tpu.enqueue_indirect_dma source(%dma_start3A_4924 : memref<1000000x32xf32, #tpu.memory_space<hbm>>) target(%arg11 : memref<104x32xf32, #tpu.memory_space<vmem>>) offsets(%dma_start3A_4921 : memref<104xi32, #tpu.memory_space<vmem>>) semaphore(%arg15 : memref<!tpu.dma_semaphore, #tpu.memory_space<semaphore_mem>>)
      } else {
      }
      %dma_wait3A_3742 = arith.constant 0 : i32
      %dma_wait3A_3743 = tpu.memref_slice %arg7[%add3A_2478, %dma_wait3A_3742] : memref<128x96xi32, #tpu.memory_space<vmem>> -> memref<1x96xi32, #tpu.memory_space<vmem>>
      %dma_wait3A_3744 = tpu.memref_squeeze %dma_wait3A_3743 : memref<1x96xi32, #tpu.memory_space<vmem>> -> memref<96xi32, #tpu.memory_space<vmem>>
      %dma_wait3A_3745 = arith.constant 0 : i32
      %dma_wait3A_3746 = arith.constant 0 : i32
      %dma_wait3A_3747 = tpu.memref_slice %arg4[%dma_wait3A_3745, %dma_wait3A_3746] : memref<1000000x32xf32, #tpu.memory_space<hbm>> -> memref<1000000x32xf32, #tpu.memory_space<hbm>>
      tpu.wait_indirect_dma semaphore(%arg16 : memref<!tpu.dma_semaphore, #tpu.memory_space<semaphore_mem>>) src(%dma_wait3A_3747 : memref<1000000x32xf32, #tpu.memory_space<hbm>>) dst(%arg12 : memref<96x32xf32, #tpu.memory_space<vmem>>)
      %get3A_3748 = arith.constant 0 : i32
      %get3A_3749 = arith.index_cast %get3A_3748 : i32 to index
      %get3A_3750 = arith.constant 0 : index
      %get3A_3751 = tpu.vector_load %arg12[%get3A_3749, %get3A_3750] {strides = array<i32>} : memref<96x32xf32, #tpu.memory_space<vmem>>, vector<1x16xf32>,
      %get3A_3752 = vector.shape_cast %get3A_3751 : vector<1x16xf32> to vector<16xf32>
      %add3A_3753 = arith.addf %add3A_3728, %get3A_3752 : vector<16xf32>
      %get3A_3754 = arith.constant 0 : i32
      %get3A_3755 = arith.index_cast %get3A_3754 : i32 to index
      %get3A_3756 = arith.constant 16 : index
      %get3A_3757 = tpu.vector_load %arg12[%get3A_3755, %get3A_3756] {strides = array<i32>} : memref<96x32xf32, #tpu.memory_space<vmem>>, vector<1x16xf32>,
      %get3A_3758 = vector.shape_cast %get3A_3757 : vector<1x16xf32> to vector<16xf32>
      %add3A_3759 = arith.addf %add3A_3734, %get3A_3758 : vector<16xf32>
      %get3A_3760 = arith.constant 1 : i32
      %get3A_3761 = arith.index_cast %get3A_3760 : i32 to index
      %get3A_3762 = arith.constant 0 : index
      %get3A_3763 = tpu.vector_load %arg12[%get3A_3761, %get3A_3762] {strides = array<i32>} : memref<96x32xf32, #tpu.memory_space<vmem>>, vector<1x16xf32>,
      %get3A_3764 = vector.shape_cast %get3A_3763 : vector<1x16xf32> to vector<16xf32>
      %add3A_3765 = arith.addf %add3A_3753, %get3A_3764 : vector<16xf32>
      %get3A_3766 = arith.constant 1 : i32
      %get3A_3767 = arith.index_cast %get3A_3766 : i32 to index
      %get3A_3768 = arith.constant 16 : index
      %get3A_3769 = tpu.vector_load %arg12[%get3A_3767, %get3A_3768] {strides = array<i32>} : memref<96x32xf32, #tpu.memory_space<vmem>>, vector<1x16xf32>,
      %get3A_3770 = vector.shape_cast %get3A_3769 : vector<1x16xf32> to vector<16xf32>
      %add3A_3771 = arith.addf %add3A_3759, %get3A_3770 : vector<16xf32>
      %get3A_3772 = arith.constant 2 : i32
      %get3A_3773 = arith.index_cast %get3A_3772 : i32 to index
      %get3A_3774 = arith.constant 0 : index
      %get3A_3775 = tpu.vector_load %arg12[%get3A_3773, %get3A_3774] {strides = array<i32>} : memref<96x32xf32, #tpu.memory_space<vmem>>, vector<1x16xf32>,
      %get3A_3776 = vector.shape_cast %get3A_3775 : vector<1x16xf32> to vector<16xf32>
      %add3A_3777 = arith.addf %add3A_3765, %get3A_3776 : vector<16xf32>
      %get3A_3778 = arith.constant 2 : i32
      %get3A_3779 = arith.index_cast %get3A_3778 : i32 to index
      %get3A_3780 = arith.constant 16 : index
      %get3A_3781 = tpu.vector_load %arg12[%get3A_3779, %get3A_3780] {strides = array<i32>} : memref<96x32xf32, #tpu.memory_space<vmem>>, vector<1x16xf32>,
      %get3A_3782 = vector.shape_cast %get3A_3781 : vector<1x16xf32> to vector<16xf32>
      %add3A_3783 = arith.addf %add3A_3771, %get3A_3782 : vector<16xf32>
      %get3A_3784 = arith.constant 3 : i32
      %get3A_3785 = arith.index_cast %get3A_3784 : i32 to index
      %get3A_3786 = arith.constant 0 : index
      %get3A_3787 = tpu.vector_load %arg12[%get3A_3785, %get3A_3786] {strides = array<i32>} : memref<96x32xf32, #tpu.memory_space<vmem>>, vector<1x16xf32>,
      %get3A_3788 = vector.shape_cast %get3A_3787 : vector<1x16xf32> to vector<16xf32>
      %add3A_3789 = arith.addf %add3A_3777, %get3A_3788 : vector<16xf32>
      %get3A_3790 = arith.constant 3 : i32
      %get3A_3791 = arith.index_cast %get3A_3790 : i32 to index
      %get3A_3792 = arith.constant 16 : index
      %get3A_3793 = tpu.vector_load %arg12[%get3A_3791, %get3A_3792] {strides = array<i32>} : memref<96x32xf32, #tpu.memory_space<vmem>>, vector<1x16xf32>,
      %get3A_3794 = vector.shape_cast %get3A_3793 : vector<1x16xf32> to vector<16xf32>
      %add3A_3795 = arith.addf %add3A_3783, %get3A_3794 : vector<16xf32>
      %get3A_3796 = arith.constant 4 : i32
      %get3A_3797 = arith.index_cast %get3A_3796 : i32 to index
      %get3A_3798 = arith.constant 0 : index
      %get3A_3799 = tpu.vector_load %arg12[%get3A_3797, %get3A_3798] {strides = array<i32>} : memref<96x32xf32, #tpu.memory_space<vmem>>, vector<1x16xf32>,
      %get3A_3800 = vector.shape_cast %get3A_3799 : vector<1x16xf32> to vector<16xf32>
      %add3A_3801 = arith.addf %add3A_3789, %get3A_3800 : vector<16xf32>
      %get3A_3802 = arith.constant 4 : i32
      %get3A_3803 = arith.index_cast %get3A_3802 : i32 to index
      %get3A_3804 = arith.constant 16 : index
      %get3A_3805 = tpu.vector_load %arg12[%get3A_3803, %get3A_3804] {strides = array<i32>} : memref<96x32xf32, #tpu.memory_space<vmem>>, vector<1x16xf32>,
      %get3A_3806 = vector.shape_cast %get3A_3805 : vector<1x16xf32> to vector<16xf32>
      %add3A_3807 = arith.addf %add3A_3795, %get3A_3806 : vector<16xf32>
      %get3A_3808 = arith.constant 5 : i32
      %get3A_3809 = arith.index_cast %get3A_3808 : i32 to index
      %get3A_3810 = arith.constant 0 : index
      %get3A_3811 = tpu.vector_load %arg12[%get3A_3809, %get3A_3810] {strides = array<i32>} : memref<96x32xf32, #tpu.memory_space<vmem>>, vector<1x16xf32>,
      %get3A_3812 = vector.shape_cast %get3A_3811 : vector<1x16xf32> to vector<16xf32>
      %add3A_3813 = arith.addf %add3A_3801, %get3A_3812 : vector<16xf32>
      %get3A_3814 = arith.constant 5 : i32
      %get3A_3815 = arith.index_cast %get3A_3814 : i32 to index
      %get3A_3816 = arith.constant 16 : index
      %get3A_3817 = tpu.vector_load %arg12[%get3A_3815, %get3A_3816] {strides = array<i32>} : memref<96x32xf32, #tpu.memory_space<vmem>>, vector<1x16xf32>,
      %get3A_3818 = vector.shape_cast %get3A_3817 : vector<1x16xf32> to vector<16xf32>
      %add3A_3819 = arith.addf %add3A_3807, %get3A_3818 : vector<16xf32>
      %get3A_3820 = arith.constant 6 : i32
      %get3A_3821 = arith.index_cast %get3A_3820 : i32 to index
      %get3A_3822 = arith.constant 0 : index
      %get3A_3823 = tpu.vector_load %arg12[%get3A_3821, %get3A_3822] {strides = array<i32>} : memref<96x32xf32, #tpu.memory_space<vmem>>, vector<1x16xf32>,
      %get3A_3824 = vector.shape_cast %get3A_3823 : vector<1x16xf32> to vector<16xf32>
      %add3A_3825 = arith.addf %add3A_3813, %get3A_3824 : vector<16xf32>
      %get3A_3826 = arith.constant 6 : i32
      %get3A_3827 = arith.index_cast %get3A_3826 : i32 to index
      %get3A_3828 = arith.constant 16 : index
      %get3A_3829 = tpu.vector_load %arg12[%get3A_3827, %get3A_3828] {strides = array<i32>} : memref<96x32xf32, #tpu.memory_space<vmem>>, vector<1x16xf32>,
      %get3A_3830 = vector.shape_cast %get3A_3829 : vector<1x16xf32> to vector<16xf32>
      %add3A_3831 = arith.addf %add3A_3819, %get3A_3830 : vector<16xf32>
      %get3A_3832 = arith.constant 7 : i32
      %get3A_3833 = arith.index_cast %get3A_3832 : i32 to index
      %get3A_3834 = arith.constant 0 : index
      %get3A_3835 = tpu.vector_load %arg12[%get3A_3833, %get3A_3834] {strides = array<i32>} : memref<96x32xf32, #tpu.memory_space<vmem>>, vector<1x16xf32>,
      %get3A_3836 = vector.shape_cast %get3A_3835 : vector<1x16xf32> to vector<16xf32>
      %add3A_3837 = arith.addf %add3A_3825, %get3A_3836 : vector<16xf32>
      %get3A_3838 = arith.constant 7 : i32
      %get3A_3839 = arith.index_cast %get3A_3838 : i32 to index
      %get3A_3840 = arith.constant 16 : index
      %get3A_3841 = tpu.vector_load %arg12[%get3A_3839, %get3A_3840] {strides = array<i32>} : memref<96x32xf32, #tpu.memory_space<vmem>>, vector<1x16xf32>,
      %get3A_3842 = vector.shape_cast %get3A_3841 : vector<1x16xf32> to vector<16xf32>
      %add3A_3843 = arith.addf %add3A_3831, %get3A_3842 : vector<16xf32>
      %get3A_3844 = arith.constant 8 : i32
      %get3A_3845 = arith.index_cast %get3A_3844 : i32 to index
      %get3A_3846 = arith.constant 0 : index
      %get3A_3847 = tpu.vector_load %arg12[%get3A_3845, %get3A_3846] {strides = array<i32>} : memref<96x32xf32, #tpu.memory_space<vmem>>, vector<1x16xf32>,
      %get3A_3848 = vector.shape_cast %get3A_3847 : vector<1x16xf32> to vector<16xf32>
      %add3A_3849 = arith.addf %add3A_3837, %get3A_3848 : vector<16xf32>
      %get3A_3850 = arith.constant 8 : i32
      %get3A_3851 = arith.index_cast %get3A_3850 : i32 to index
      %get3A_3852 = arith.constant 16 : index
      %get3A_3853 = tpu.vector_load %arg12[%get3A_3851, %get3A_3852] {strides = array<i32>} : memref<96x32xf32, #tpu.memory_space<vmem>>, vector<1x16xf32>,
      %get3A_3854 = vector.shape_cast %get3A_3853 : vector<1x16xf32> to vector<16xf32>
      %add3A_3855 = arith.addf %add3A_3843, %get3A_3854 : vector<16xf32>
      %get3A_3856 = arith.constant 9 : i32
      %get3A_3857 = arith.index_cast %get3A_3856 : i32 to index
      %get3A_3858 = arith.constant 0 : index
      %get3A_3859 = tpu.vector_load %arg12[%get3A_3857, %get3A_3858] {strides = array<i32>} : memref<96x32xf32, #tpu.memory_space<vmem>>, vector<1x16xf32>,
      %get3A_3860 = vector.shape_cast %get3A_3859 : vector<1x16xf32> to vector<16xf32>
      %add3A_3861 = arith.addf %add3A_3849, %get3A_3860 : vector<16xf32>
      %get3A_3862 = arith.constant 9 : i32
      %get3A_3863 = arith.index_cast %get3A_3862 : i32 to index
      %get3A_3864 = arith.constant 16 : index
      %get3A_3865 = tpu.vector_load %arg12[%get3A_3863, %get3A_3864] {strides = array<i32>} : memref<96x32xf32, #tpu.memory_space<vmem>>, vector<1x16xf32>,
      %get3A_3866 = vector.shape_cast %get3A_3865 : vector<1x16xf32> to vector<16xf32>
      %add3A_3867 = arith.addf %add3A_3855, %get3A_3866 : vector<16xf32>
      %get3A_3868 = arith.constant 10 : i32
      %get3A_3869 = arith.index_cast %get3A_3868 : i32 to index
      %get3A_3870 = arith.constant 0 : index
      %get3A_3871 = tpu.vector_load %arg12[%get3A_3869, %get3A_3870] {strides = array<i32>} : memref<96x32xf32, #tpu.memory_space<vmem>>, vector<1x16xf32>,
      %get3A_3872 = vector.shape_cast %get3A_3871 : vector<1x16xf32> to vector<16xf32>
      %add3A_3873 = arith.addf %add3A_3861, %get3A_3872 : vector<16xf32>
      %get3A_3874 = arith.constant 10 : i32
      %get3A_3875 = arith.index_cast %get3A_3874 : i32 to index
      %get3A_3876 = arith.constant 16 : index
      %get3A_3877 = tpu.vector_load %arg12[%get3A_3875, %get3A_3876] {strides = array<i32>} : memref<96x32xf32, #tpu.memory_space<vmem>>, vector<1x16xf32>,
      %get3A_3878 = vector.shape_cast %get3A_3877 : vector<1x16xf32> to vector<16xf32>
      %add3A_3879 = arith.addf %add3A_3867, %get3A_3878 : vector<16xf32>
      %get3A_3880 = arith.constant 11 : i32
      %get3A_3881 = arith.index_cast %get3A_3880 : i32 to index
      %get3A_3882 = arith.constant 0 : index
      %get3A_3883 = tpu.vector_load %arg12[%get3A_3881, %get3A_3882] {strides = array<i32>} : memref<96x32xf32, #tpu.memory_space<vmem>>, vector<1x16xf32>,
      %get3A_3884 = vector.shape_cast %get3A_3883 : vector<1x16xf32> to vector<16xf32>
      %add3A_3885 = arith.addf %add3A_3873, %get3A_3884 : vector<16xf32>
      %get3A_3886 = arith.constant 11 : i32
      %get3A_3887 = arith.index_cast %get3A_3886 : i32 to index
      %get3A_3888 = arith.constant 16 : index
      %get3A_3889 = tpu.vector_load %arg12[%get3A_3887, %get3A_3888] {strides = array<i32>} : memref<96x32xf32, #tpu.memory_space<vmem>>, vector<1x16xf32>,
      %get3A_3890 = vector.shape_cast %get3A_3889 : vector<1x16xf32> to vector<16xf32>
      %add3A_3891 = arith.addf %add3A_3879, %get3A_3890 : vector<16xf32>
      %get3A_3892 = arith.constant 12 : i32
      %get3A_3893 = arith.index_cast %get3A_3892 : i32 to index
      %get3A_3894 = arith.constant 0 : index
      %get3A_3895 = tpu.vector_load %arg12[%get3A_3893, %get3A_3894] {strides = array<i32>} : memref<96x32xf32, #tpu.memory_space<vmem>>, vector<1x16xf32>,
      %get3A_3896 = vector.shape_cast %get3A_3895 : vector<1x16xf32> to vector<16xf32>
      %add3A_3897 = arith.addf %add3A_3885, %get3A_3896 : vector<16xf32>
      %get3A_3898 = arith.constant 12 : i32
      %get3A_3899 = arith.index_cast %get3A_3898 : i32 to index
      %get3A_3900 = arith.constant 16 : index
      %get3A_3901 = tpu.vector_load %arg12[%get3A_3899, %get3A_3900] {strides = array<i32>} : memref<96x32xf32, #tpu.memory_space<vmem>>, vector<1x16xf32>,
      %get3A_3902 = vector.shape_cast %get3A_3901 : vector<1x16xf32> to vector<16xf32>
      %add3A_3903 = arith.addf %add3A_3891, %get3A_3902 : vector<16xf32>
      %get3A_3904 = arith.constant 13 : i32
      %get3A_3905 = arith.index_cast %get3A_3904 : i32 to index
      %get3A_3906 = arith.constant 0 : index
      %get3A_3907 = tpu.vector_load %arg12[%get3A_3905, %get3A_3906] {strides = array<i32>} : memref<96x32xf32, #tpu.memory_space<vmem>>, vector<1x16xf32>,
      %get3A_3908 = vector.shape_cast %get3A_3907 : vector<1x16xf32> to vector<16xf32>
      %add3A_3909 = arith.addf %add3A_3897, %get3A_3908 : vector<16xf32>
      %get3A_3910 = arith.constant 13 : i32
      %get3A_3911 = arith.index_cast %get3A_3910 : i32 to index
      %get3A_3912 = arith.constant 16 : index
      %get3A_3913 = tpu.vector_load %arg12[%get3A_3911, %get3A_3912] {strides = array<i32>} : memref<96x32xf32, #tpu.memory_space<vmem>>, vector<1x16xf32>,
      %get3A_3914 = vector.shape_cast %get3A_3913 : vector<1x16xf32> to vector<16xf32>
      %add3A_3915 = arith.addf %add3A_3903, %get3A_3914 : vector<16xf32>
      %get3A_3916 = arith.constant 14 : i32
      %get3A_3917 = arith.index_cast %get3A_3916 : i32 to index
      %get3A_3918 = arith.constant 0 : index
      %get3A_3919 = tpu.vector_load %arg12[%get3A_3917, %get3A_3918] {strides = array<i32>} : memref<96x32xf32, #tpu.memory_space<vmem>>, vector<1x16xf32>,
      %get3A_3920 = vector.shape_cast %get3A_3919 : vector<1x16xf32> to vector<16xf32>
      %add3A_3921 = arith.addf %add3A_3909, %get3A_3920 : vector<16xf32>
      %get3A_3922 = arith.constant 14 : i32
      %get3A_3923 = arith.index_cast %get3A_3922 : i32 to index
      %get3A_3924 = arith.constant 16 : index
      %get3A_3925 = tpu.vector_load %arg12[%get3A_3923, %get3A_3924] {strides = array<i32>} : memref<96x32xf32, #tpu.memory_space<vmem>>, vector<1x16xf32>,
      %get3A_3926 = vector.shape_cast %get3A_3925 : vector<1x16xf32> to vector<16xf32>
      %add3A_3927 = arith.addf %add3A_3915, %get3A_3926 : vector<16xf32>
      %get3A_3928 = arith.constant 15 : i32
      %get3A_3929 = arith.index_cast %get3A_3928 : i32 to index
      %get3A_3930 = arith.constant 0 : index
      %get3A_3931 = tpu.vector_load %arg12[%get3A_3929, %get3A_3930] {strides = array<i32>} : memref<96x32xf32, #tpu.memory_space<vmem>>, vector<1x16xf32>,
      %get3A_3932 = vector.shape_cast %get3A_3931 : vector<1x16xf32> to vector<16xf32>
      %add3A_3933 = arith.addf %add3A_3921, %get3A_3932 : vector<16xf32>
      %get3A_3934 = arith.constant 15 : i32
      %get3A_3935 = arith.index_cast %get3A_3934 : i32 to index
      %get3A_3936 = arith.constant 16 : index
      %get3A_3937 = tpu.vector_load %arg12[%get3A_3935, %get3A_3936] {strides = array<i32>} : memref<96x32xf32, #tpu.memory_space<vmem>>, vector<1x16xf32>,
      %get3A_3938 = vector.shape_cast %get3A_3937 : vector<1x16xf32> to vector<16xf32>
      %add3A_3939 = arith.addf %add3A_3927, %get3A_3938 : vector<16xf32>
      %get3A_3940 = arith.constant 16 : i32
      %get3A_3941 = arith.index_cast %get3A_3940 : i32 to index
      %get3A_3942 = arith.constant 0 : index
      %get3A_3943 = tpu.vector_load %arg12[%get3A_3941, %get3A_3942] {strides = array<i32>} : memref<96x32xf32, #tpu.memory_space<vmem>>, vector<1x16xf32>,
      %get3A_3944 = vector.shape_cast %get3A_3943 : vector<1x16xf32> to vector<16xf32>
      %add3A_3945 = arith.addf %add3A_3933, %get3A_3944 : vector<16xf32>
      %get3A_3946 = arith.constant 16 : i32
      %get3A_3947 = arith.index_cast %get3A_3946 : i32 to index
      %get3A_3948 = arith.constant 16 : index
      %get3A_3949 = tpu.vector_load %arg12[%get3A_3947, %get3A_3948] {strides = array<i32>} : memref<96x32xf32, #tpu.memory_space<vmem>>, vector<1x16xf32>,
      %get3A_3950 = vector.shape_cast %get3A_3949 : vector<1x16xf32> to vector<16xf32>
      %add3A_3951 = arith.addf %add3A_3939, %get3A_3950 : vector<16xf32>
      %get3A_3952 = arith.constant 17 : i32
      %get3A_3953 = arith.index_cast %get3A_3952 : i32 to index
      %get3A_3954 = arith.constant 0 : index
      %get3A_3955 = tpu.vector_load %arg12[%get3A_3953, %get3A_3954] {strides = array<i32>} : memref<96x32xf32, #tpu.memory_space<vmem>>, vector<1x16xf32>,
      %get3A_3956 = vector.shape_cast %get3A_3955 : vector<1x16xf32> to vector<16xf32>
      %add3A_3957 = arith.addf %add3A_3945, %get3A_3956 : vector<16xf32>
      %get3A_3958 = arith.constant 17 : i32
      %get3A_3959 = arith.index_cast %get3A_3958 : i32 to index
      %get3A_3960 = arith.constant 16 : index
      %get3A_3961 = tpu.vector_load %arg12[%get3A_3959, %get3A_3960] {strides = array<i32>} : memref<96x32xf32, #tpu.memory_space<vmem>>, vector<1x16xf32>,
      %get3A_3962 = vector.shape_cast %get3A_3961 : vector<1x16xf32> to vector<16xf32>
      %add3A_3963 = arith.addf %add3A_3951, %get3A_3962 : vector<16xf32>
      %get3A_3964 = arith.constant 18 : i32
      %get3A_3965 = arith.index_cast %get3A_3964 : i32 to index
      %get3A_3966 = arith.constant 0 : index
      %get3A_3967 = tpu.vector_load %arg12[%get3A_3965, %get3A_3966] {strides = array<i32>} : memref<96x32xf32, #tpu.memory_space<vmem>>, vector<1x16xf32>,
      %get3A_3968 = vector.shape_cast %get3A_3967 : vector<1x16xf32> to vector<16xf32>
      %add3A_3969 = arith.addf %add3A_3957, %get3A_3968 : vector<16xf32>
      %get3A_3970 = arith.constant 18 : i32
      %get3A_3971 = arith.index_cast %get3A_3970 : i32 to index
      %get3A_3972 = arith.constant 16 : index
      %get3A_3973 = tpu.vector_load %arg12[%get3A_3971, %get3A_3972] {strides = array<i32>} : memref<96x32xf32, #tpu.memory_space<vmem>>, vector<1x16xf32>,
      %get3A_3974 = vector.shape_cast %get3A_3973 : vector<1x16xf32> to vector<16xf32>
      %add3A_3975 = arith.addf %add3A_3963, %get3A_3974 : vector<16xf32>
      %get3A_3976 = arith.constant 19 : i32
      %get3A_3977 = arith.index_cast %get3A_3976 : i32 to index
      %get3A_3978 = arith.constant 0 : index
      %get3A_3979 = tpu.vector_load %arg12[%get3A_3977, %get3A_3978] {strides = array<i32>} : memref<96x32xf32, #tpu.memory_space<vmem>>, vector<1x16xf32>,
      %get3A_3980 = vector.shape_cast %get3A_3979 : vector<1x16xf32> to vector<16xf32>
      %add3A_3981 = arith.addf %add3A_3969, %get3A_3980 : vector<16xf32>
      %get3A_3982 = arith.constant 19 : i32
      %get3A_3983 = arith.index_cast %get3A_3982 : i32 to index
      %get3A_3984 = arith.constant 16 : index
      %get3A_3985 = tpu.vector_load %arg12[%get3A_3983, %get3A_3984] {strides = array<i32>} : memref<96x32xf32, #tpu.memory_space<vmem>>, vector<1x16xf32>,
      %get3A_3986 = vector.shape_cast %get3A_3985 : vector<1x16xf32> to vector<16xf32>
      %add3A_3987 = arith.addf %add3A_3975, %get3A_3986 : vector<16xf32>
      %get3A_3988 = arith.constant 20 : i32
      %get3A_3989 = arith.index_cast %get3A_3988 : i32 to index
      %get3A_3990 = arith.constant 0 : index
      %get3A_3991 = tpu.vector_load %arg12[%get3A_3989, %get3A_3990] {strides = array<i32>} : memref<96x32xf32, #tpu.memory_space<vmem>>, vector<1x16xf32>,
      %get3A_3992 = vector.shape_cast %get3A_3991 : vector<1x16xf32> to vector<16xf32>
      %add3A_3993 = arith.addf %add3A_3981, %get3A_3992 : vector<16xf32>
      %get3A_3994 = arith.constant 20 : i32
      %get3A_3995 = arith.index_cast %get3A_3994 : i32 to index
      %get3A_3996 = arith.constant 16 : index
      %get3A_3997 = tpu.vector_load %arg12[%get3A_3995, %get3A_3996] {strides = array<i32>} : memref<96x32xf32, #tpu.memory_space<vmem>>, vector<1x16xf32>,
      %get3A_3998 = vector.shape_cast %get3A_3997 : vector<1x16xf32> to vector<16xf32>
      %add3A_3999 = arith.addf %add3A_3987, %get3A_3998 : vector<16xf32>
      %get3A_4000 = arith.constant 21 : i32
      %get3A_4001 = arith.index_cast %get3A_4000 : i32 to index
      %get3A_4002 = arith.constant 0 : index
      %get3A_4003 = tpu.vector_load %arg12[%get3A_4001, %get3A_4002] {strides = array<i32>} : memref<96x32xf32, #tpu.memory_space<vmem>>, vector<1x16xf32>,
      %get3A_4004 = vector.shape_cast %get3A_4003 : vector<1x16xf32> to vector<16xf32>
      %add3A_4005 = arith.addf %add3A_3993, %get3A_4004 : vector<16xf32>
      %get3A_4006 = arith.constant 21 : i32
      %get3A_4007 = arith.index_cast %get3A_4006 : i32 to index
      %get3A_4008 = arith.constant 16 : index
      %get3A_4009 = tpu.vector_load %arg12[%get3A_4007, %get3A_4008] {strides = array<i32>} : memref<96x32xf32, #tpu.memory_space<vmem>>, vector<1x16xf32>,
      %get3A_4010 = vector.shape_cast %get3A_4009 : vector<1x16xf32> to vector<16xf32>
      %add3A_4011 = arith.addf %add3A_3999, %get3A_4010 : vector<16xf32>
      %get3A_4012 = arith.constant 22 : i32
      %get3A_4013 = arith.index_cast %get3A_4012 : i32 to index
      %get3A_4014 = arith.constant 0 : index
      %get3A_4015 = tpu.vector_load %arg12[%get3A_4013, %get3A_4014] {strides = array<i32>} : memref<96x32xf32, #tpu.memory_space<vmem>>, vector<1x16xf32>,
      %get3A_4016 = vector.shape_cast %get3A_4015 : vector<1x16xf32> to vector<16xf32>
      %add3A_4017 = arith.addf %add3A_4005, %get3A_4016 : vector<16xf32>
      %get3A_4018 = arith.constant 22 : i32
      %get3A_4019 = arith.index_cast %get3A_4018 : i32 to index
      %get3A_4020 = arith.constant 16 : index
      %get3A_4021 = tpu.vector_load %arg12[%get3A_4019, %get3A_4020] {strides = array<i32>} : memref<96x32xf32, #tpu.memory_space<vmem>>, vector<1x16xf32>,
      %get3A_4022 = vector.shape_cast %get3A_4021 : vector<1x16xf32> to vector<16xf32>
      %add3A_4023 = arith.addf %add3A_4011, %get3A_4022 : vector<16xf32>
      %get3A_4024 = arith.constant 23 : i32
      %get3A_4025 = arith.index_cast %get3A_4024 : i32 to index
      %get3A_4026 = arith.constant 0 : index
      %get3A_4027 = tpu.vector_load %arg12[%get3A_4025, %get3A_4026] {strides = array<i32>} : memref<96x32xf32, #tpu.memory_space<vmem>>, vector<1x16xf32>,
      %get3A_4028 = vector.shape_cast %get3A_4027 : vector<1x16xf32> to vector<16xf32>
      %add3A_4029 = arith.addf %add3A_4017, %get3A_4028 : vector<16xf32>
      %get3A_4030 = arith.constant 23 : i32
      %get3A_4031 = arith.index_cast %get3A_4030 : i32 to index
      %get3A_4032 = arith.constant 16 : index
      %get3A_4033 = tpu.vector_load %arg12[%get3A_4031, %get3A_4032] {strides = array<i32>} : memref<96x32xf32, #tpu.memory_space<vmem>>, vector<1x16xf32>,
      %get3A_4034 = vector.shape_cast %get3A_4033 : vector<1x16xf32> to vector<16xf32>
      %add3A_4035 = arith.addf %add3A_4023, %get3A_4034 : vector<16xf32>
      %get3A_4036 = arith.constant 24 : i32
      %get3A_4037 = arith.index_cast %get3A_4036 : i32 to index
      %get3A_4038 = arith.constant 0 : index
      %get3A_4039 = tpu.vector_load %arg12[%get3A_4037, %get3A_4038] {strides = array<i32>} : memref<96x32xf32, #tpu.memory_space<vmem>>, vector<1x16xf32>,
      %get3A_4040 = vector.shape_cast %get3A_4039 : vector<1x16xf32> to vector<16xf32>
      %add3A_4041 = arith.addf %add3A_4029, %get3A_4040 : vector<16xf32>
      %get3A_4042 = arith.constant 24 : i32
      %get3A_4043 = arith.index_cast %get3A_4042 : i32 to index
      %get3A_4044 = arith.constant 16 : index
      %get3A_4045 = tpu.vector_load %arg12[%get3A_4043, %get3A_4044] {strides = array<i32>} : memref<96x32xf32, #tpu.memory_space<vmem>>, vector<1x16xf32>,
      %get3A_4046 = vector.shape_cast %get3A_4045 : vector<1x16xf32> to vector<16xf32>
      %add3A_4047 = arith.addf %add3A_4035, %get3A_4046 : vector<16xf32>
      %get3A_4048 = arith.constant 25 : i32
      %get3A_4049 = arith.index_cast %get3A_4048 : i32 to index
      %get3A_4050 = arith.constant 0 : index
      %get3A_4051 = tpu.vector_load %arg12[%get3A_4049, %get3A_4050] {strides = array<i32>} : memref<96x32xf32, #tpu.memory_space<vmem>>, vector<1x16xf32>,
      %get3A_4052 = vector.shape_cast %get3A_4051 : vector<1x16xf32> to vector<16xf32>
      %add3A_4053 = arith.addf %add3A_4041, %get3A_4052 : vector<16xf32>
      %get3A_4054 = arith.constant 25 : i32
      %get3A_4055 = arith.index_cast %get3A_4054 : i32 to index
      %get3A_4056 = arith.constant 16 : index
      %get3A_4057 = tpu.vector_load %arg12[%get3A_4055, %get3A_4056] {strides = array<i32>} : memref<96x32xf32, #tpu.memory_space<vmem>>, vector<1x16xf32>,
      %get3A_4058 = vector.shape_cast %get3A_4057 : vector<1x16xf32> to vector<16xf32>
      %add3A_4059 = arith.addf %add3A_4047, %get3A_4058 : vector<16xf32>
      %get3A_4060 = arith.constant 26 : i32
      %get3A_4061 = arith.index_cast %get3A_4060 : i32 to index
      %get3A_4062 = arith.constant 0 : index
      %get3A_4063 = tpu.vector_load %arg12[%get3A_4061, %get3A_4062] {strides = array<i32>} : memref<96x32xf32, #tpu.memory_space<vmem>>, vector<1x16xf32>,
      %get3A_4064 = vector.shape_cast %get3A_4063 : vector<1x16xf32> to vector<16xf32>
      %add3A_4065 = arith.addf %add3A_4053, %get3A_4064 : vector<16xf32>
      %get3A_4066 = arith.constant 26 : i32
      %get3A_4067 = arith.index_cast %get3A_4066 : i32 to index
      %get3A_4068 = arith.constant 16 : index
      %get3A_4069 = tpu.vector_load %arg12[%get3A_4067, %get3A_4068] {strides = array<i32>} : memref<96x32xf32, #tpu.memory_space<vmem>>, vector<1x16xf32>,
      %get3A_4070 = vector.shape_cast %get3A_4069 : vector<1x16xf32> to vector<16xf32>
      %add3A_4071 = arith.addf %add3A_4059, %get3A_4070 : vector<16xf32>
      %get3A_4072 = arith.constant 27 : i32
      %get3A_4073 = arith.index_cast %get3A_4072 : i32 to index
      %get3A_4074 = arith.constant 0 : index
      %get3A_4075 = tpu.vector_load %arg12[%get3A_4073, %get3A_4074] {strides = array<i32>} : memref<96x32xf32, #tpu.memory_space<vmem>>, vector<1x16xf32>,
      %get3A_4076 = vector.shape_cast %get3A_4075 : vector<1x16xf32> to vector<16xf32>
      %add3A_4077 = arith.addf %add3A_4065, %get3A_4076 : vector<16xf32>
      %get3A_4078 = arith.constant 27 : i32
      %get3A_4079 = arith.index_cast %get3A_4078 : i32 to index
      %get3A_4080 = arith.constant 16 : index
      %get3A_4081 = tpu.vector_load %arg12[%get3A_4079, %get3A_4080] {strides = array<i32>} : memref<96x32xf32, #tpu.memory_space<vmem>>, vector<1x16xf32>,
      %get3A_4082 = vector.shape_cast %get3A_4081 : vector<1x16xf32> to vector<16xf32>
      %add3A_4083 = arith.addf %add3A_4071, %get3A_4082 : vector<16xf32>
      %get3A_4084 = arith.constant 28 : i32
      %get3A_4085 = arith.index_cast %get3A_4084 : i32 to index
      %get3A_4086 = arith.constant 0 : index
      %get3A_4087 = tpu.vector_load %arg12[%get3A_4085, %get3A_4086] {strides = array<i32>} : memref<96x32xf32, #tpu.memory_space<vmem>>, vector<1x16xf32>,
      %get3A_4088 = vector.shape_cast %get3A_4087 : vector<1x16xf32> to vector<16xf32>
      %add3A_4089 = arith.addf %add3A_4077, %get3A_4088 : vector<16xf32>
      %get3A_4090 = arith.constant 28 : i32
      %get3A_4091 = arith.index_cast %get3A_4090 : i32 to index
      %get3A_4092 = arith.constant 16 : index
      %get3A_4093 = tpu.vector_load %arg12[%get3A_4091, %get3A_4092] {strides = array<i32>} : memref<96x32xf32, #tpu.memory_space<vmem>>, vector<1x16xf32>,
      %get3A_4094 = vector.shape_cast %get3A_4093 : vector<1x16xf32> to vector<16xf32>
      %add3A_4095 = arith.addf %add3A_4083, %get3A_4094 : vector<16xf32>
      %get3A_4096 = arith.constant 29 : i32
      %get3A_4097 = arith.index_cast %get3A_4096 : i32 to index
      %get3A_4098 = arith.constant 0 : index
      %get3A_4099 = tpu.vector_load %arg12[%get3A_4097, %get3A_4098] {strides = array<i32>} : memref<96x32xf32, #tpu.memory_space<vmem>>, vector<1x16xf32>,
      %get3A_4100 = vector.shape_cast %get3A_4099 : vector<1x16xf32> to vector<16xf32>
      %add3A_4101 = arith.addf %add3A_4089, %get3A_4100 : vector<16xf32>
      %get3A_4102 = arith.constant 29 : i32
      %get3A_4103 = arith.index_cast %get3A_4102 : i32 to index
      %get3A_4104 = arith.constant 16 : index
      %get3A_4105 = tpu.vector_load %arg12[%get3A_4103, %get3A_4104] {strides = array<i32>} : memref<96x32xf32, #tpu.memory_space<vmem>>, vector<1x16xf32>,
      %get3A_4106 = vector.shape_cast %get3A_4105 : vector<1x16xf32> to vector<16xf32>
      %add3A_4107 = arith.addf %add3A_4095, %get3A_4106 : vector<16xf32>
      %get3A_4108 = arith.constant 30 : i32
      %get3A_4109 = arith.index_cast %get3A_4108 : i32 to index
      %get3A_4110 = arith.constant 0 : index
      %get3A_4111 = tpu.vector_load %arg12[%get3A_4109, %get3A_4110] {strides = array<i32>} : memref<96x32xf32, #tpu.memory_space<vmem>>, vector<1x16xf32>,
      %get3A_4112 = vector.shape_cast %get3A_4111 : vector<1x16xf32> to vector<16xf32>
      %add3A_4113 = arith.addf %add3A_4101, %get3A_4112 : vector<16xf32>
      %get3A_4114 = arith.constant 30 : i32
      %get3A_4115 = arith.index_cast %get3A_4114 : i32 to index
      %get3A_4116 = arith.constant 16 : index
      %get3A_4117 = tpu.vector_load %arg12[%get3A_4115, %get3A_4116] {strides = array<i32>} : memref<96x32xf32, #tpu.memory_space<vmem>>, vector<1x16xf32>,
      %get3A_4118 = vector.shape_cast %get3A_4117 : vector<1x16xf32> to vector<16xf32>
      %add3A_4119 = arith.addf %add3A_4107, %get3A_4118 : vector<16xf32>
      %get3A_4120 = arith.constant 31 : i32
      %get3A_4121 = arith.index_cast %get3A_4120 : i32 to index
      %get3A_4122 = arith.constant 0 : index
      %get3A_4123 = tpu.vector_load %arg12[%get3A_4121, %get3A_4122] {strides = array<i32>} : memref<96x32xf32, #tpu.memory_space<vmem>>, vector<1x16xf32>,
      %get3A_4124 = vector.shape_cast %get3A_4123 : vector<1x16xf32> to vector<16xf32>
      %add3A_4125 = arith.addf %add3A_4113, %get3A_4124 : vector<16xf32>
      %get3A_4126 = arith.constant 31 : i32
      %get3A_4127 = arith.index_cast %get3A_4126 : i32 to index
      %get3A_4128 = arith.constant 16 : index
      %get3A_4129 = tpu.vector_load %arg12[%get3A_4127, %get3A_4128] {strides = array<i32>} : memref<96x32xf32, #tpu.memory_space<vmem>>, vector<1x16xf32>,
      %get3A_4130 = vector.shape_cast %get3A_4129 : vector<1x16xf32> to vector<16xf32>
      %add3A_4131 = arith.addf %add3A_4119, %get3A_4130 : vector<16xf32>
      %get3A_4132 = arith.constant 32 : i32
      %get3A_4133 = arith.index_cast %get3A_4132 : i32 to index
      %get3A_4134 = arith.constant 0 : index
      %get3A_4135 = tpu.vector_load %arg12[%get3A_4133, %get3A_4134] {strides = array<i32>} : memref<96x32xf32, #tpu.memory_space<vmem>>, vector<1x16xf32>,
      %get3A_4136 = vector.shape_cast %get3A_4135 : vector<1x16xf32> to vector<16xf32>
      %add3A_4137 = arith.addf %add3A_4125, %get3A_4136 : vector<16xf32>
      %get3A_4138 = arith.constant 32 : i32
      %get3A_4139 = arith.index_cast %get3A_4138 : i32 to index
      %get3A_4140 = arith.constant 16 : index
      %get3A_4141 = tpu.vector_load %arg12[%get3A_4139, %get3A_4140] {strides = array<i32>} : memref<96x32xf32, #tpu.memory_space<vmem>>, vector<1x16xf32>,
      %get3A_4142 = vector.shape_cast %get3A_4141 : vector<1x16xf32> to vector<16xf32>
      %add3A_4143 = arith.addf %add3A_4131, %get3A_4142 : vector<16xf32>
      %get3A_4144 = arith.constant 33 : i32
      %get3A_4145 = arith.index_cast %get3A_4144 : i32 to index
      %get3A_4146 = arith.constant 0 : index
      %get3A_4147 = tpu.vector_load %arg12[%get3A_4145, %get3A_4146] {strides = array<i32>} : memref<96x32xf32, #tpu.memory_space<vmem>>, vector<1x16xf32>,
      %get3A_4148 = vector.shape_cast %get3A_4147 : vector<1x16xf32> to vector<16xf32>
      %add3A_4149 = arith.addf %add3A_4137, %get3A_4148 : vector<16xf32>
      %get3A_4150 = arith.constant 33 : i32
      %get3A_4151 = arith.index_cast %get3A_4150 : i32 to index
      %get3A_4152 = arith.constant 16 : index
      %get3A_4153 = tpu.vector_load %arg12[%get3A_4151, %get3A_4152] {strides = array<i32>} : memref<96x32xf32, #tpu.memory_space<vmem>>, vector<1x16xf32>,
      %get3A_4154 = vector.shape_cast %get3A_4153 : vector<1x16xf32> to vector<16xf32>
      %add3A_4155 = arith.addf %add3A_4143, %get3A_4154 : vector<16xf32>
      %get3A_4156 = arith.constant 34 : i32
      %get3A_4157 = arith.index_cast %get3A_4156 : i32 to index
      %get3A_4158 = arith.constant 0 : index
      %get3A_4159 = tpu.vector_load %arg12[%get3A_4157, %get3A_4158] {strides = array<i32>} : memref<96x32xf32, #tpu.memory_space<vmem>>, vector<1x16xf32>,
      %get3A_4160 = vector.shape_cast %get3A_4159 : vector<1x16xf32> to vector<16xf32>
      %add3A_4161 = arith.addf %add3A_4149, %get3A_4160 : vector<16xf32>
      %get3A_4162 = arith.constant 34 : i32
      %get3A_4163 = arith.index_cast %get3A_4162 : i32 to index
      %get3A_4164 = arith.constant 16 : index
      %get3A_4165 = tpu.vector_load %arg12[%get3A_4163, %get3A_4164] {strides = array<i32>} : memref<96x32xf32, #tpu.memory_space<vmem>>, vector<1x16xf32>,
      %get3A_4166 = vector.shape_cast %get3A_4165 : vector<1x16xf32> to vector<16xf32>
      %add3A_4167 = arith.addf %add3A_4155, %get3A_4166 : vector<16xf32>
      %get3A_4168 = arith.constant 35 : i32
      %get3A_4169 = arith.index_cast %get3A_4168 : i32 to index
      %get3A_4170 = arith.constant 0 : index
      %get3A_4171 = tpu.vector_load %arg12[%get3A_4169, %get3A_4170] {strides = array<i32>} : memref<96x32xf32, #tpu.memory_space<vmem>>, vector<1x16xf32>,
      %get3A_4172 = vector.shape_cast %get3A_4171 : vector<1x16xf32> to vector<16xf32>
      %add3A_4173 = arith.addf %add3A_4161, %get3A_4172 : vector<16xf32>
      %get3A_4174 = arith.constant 35 : i32
      %get3A_4175 = arith.index_cast %get3A_4174 : i32 to index
      %get3A_4176 = arith.constant 16 : index
      %get3A_4177 = tpu.vector_load %arg12[%get3A_4175, %get3A_4176] {strides = array<i32>} : memref<96x32xf32, #tpu.memory_space<vmem>>, vector<1x16xf32>,
      %get3A_4178 = vector.shape_cast %get3A_4177 : vector<1x16xf32> to vector<16xf32>
      %add3A_4179 = arith.addf %add3A_4167, %get3A_4178 : vector<16xf32>
      %get3A_4180 = arith.constant 36 : i32
      %get3A_4181 = arith.index_cast %get3A_4180 : i32 to index
      %get3A_4182 = arith.constant 0 : index
      %get3A_4183 = tpu.vector_load %arg12[%get3A_4181, %get3A_4182] {strides = array<i32>} : memref<96x32xf32, #tpu.memory_space<vmem>>, vector<1x16xf32>,
      %get3A_4184 = vector.shape_cast %get3A_4183 : vector<1x16xf32> to vector<16xf32>
      %add3A_4185 = arith.addf %add3A_4173, %get3A_4184 : vector<16xf32>
      %get3A_4186 = arith.constant 36 : i32
      %get3A_4187 = arith.index_cast %get3A_4186 : i32 to index
      %get3A_4188 = arith.constant 16 : index
      %get3A_4189 = tpu.vector_load %arg12[%get3A_4187, %get3A_4188] {strides = array<i32>} : memref<96x32xf32, #tpu.memory_space<vmem>>, vector<1x16xf32>,
      %get3A_4190 = vector.shape_cast %get3A_4189 : vector<1x16xf32> to vector<16xf32>
      %add3A_4191 = arith.addf %add3A_4179, %get3A_4190 : vector<16xf32>
      %get3A_4192 = arith.constant 37 : i32
      %get3A_4193 = arith.index_cast %get3A_4192 : i32 to index
      %get3A_4194 = arith.constant 0 : index
      %get3A_4195 = tpu.vector_load %arg12[%get3A_4193, %get3A_4194] {strides = array<i32>} : memref<96x32xf32, #tpu.memory_space<vmem>>, vector<1x16xf32>,
      %get3A_4196 = vector.shape_cast %get3A_4195 : vector<1x16xf32> to vector<16xf32>
      %add3A_4197 = arith.addf %add3A_4185, %get3A_4196 : vector<16xf32>
      %get3A_4198 = arith.constant 37 : i32
      %get3A_4199 = arith.index_cast %get3A_4198 : i32 to index
      %get3A_4200 = arith.constant 16 : index
      %get3A_4201 = tpu.vector_load %arg12[%get3A_4199, %get3A_4200] {strides = array<i32>} : memref<96x32xf32, #tpu.memory_space<vmem>>, vector<1x16xf32>,
      %get3A_4202 = vector.shape_cast %get3A_4201 : vector<1x16xf32> to vector<16xf32>
      %add3A_4203 = arith.addf %add3A_4191, %get3A_4202 : vector<16xf32>
      %get3A_4204 = arith.constant 38 : i32
      %get3A_4205 = arith.index_cast %get3A_4204 : i32 to index
      %get3A_4206 = arith.constant 0 : index
      %get3A_4207 = tpu.vector_load %arg12[%get3A_4205, %get3A_4206] {strides = array<i32>} : memref<96x32xf32, #tpu.memory_space<vmem>>, vector<1x16xf32>,
      %get3A_4208 = vector.shape_cast %get3A_4207 : vector<1x16xf32> to vector<16xf32>
      %add3A_4209 = arith.addf %add3A_4197, %get3A_4208 : vector<16xf32>
      %get3A_4210 = arith.constant 38 : i32
      %get3A_4211 = arith.index_cast %get3A_4210 : i32 to index
      %get3A_4212 = arith.constant 16 : index
      %get3A_4213 = tpu.vector_load %arg12[%get3A_4211, %get3A_4212] {strides = array<i32>} : memref<96x32xf32, #tpu.memory_space<vmem>>, vector<1x16xf32>,
      %get3A_4214 = vector.shape_cast %get3A_4213 : vector<1x16xf32> to vector<16xf32>
      %add3A_4215 = arith.addf %add3A_4203, %get3A_4214 : vector<16xf32>
      %get3A_4216 = arith.constant 39 : i32
      %get3A_4217 = arith.index_cast %get3A_4216 : i32 to index
      %get3A_4218 = arith.constant 0 : index
      %get3A_4219 = tpu.vector_load %arg12[%get3A_4217, %get3A_4218] {strides = array<i32>} : memref<96x32xf32, #tpu.memory_space<vmem>>, vector<1x16xf32>,
      %get3A_4220 = vector.shape_cast %get3A_4219 : vector<1x16xf32> to vector<16xf32>
      %add3A_4221 = arith.addf %add3A_4209, %get3A_4220 : vector<16xf32>
      %get3A_4222 = arith.constant 39 : i32
      %get3A_4223 = arith.index_cast %get3A_4222 : i32 to index
      %get3A_4224 = arith.constant 16 : index
      %get3A_4225 = tpu.vector_load %arg12[%get3A_4223, %get3A_4224] {strides = array<i32>} : memref<96x32xf32, #tpu.memory_space<vmem>>, vector<1x16xf32>,
      %get3A_4226 = vector.shape_cast %get3A_4225 : vector<1x16xf32> to vector<16xf32>
      %add3A_4227 = arith.addf %add3A_4215, %get3A_4226 : vector<16xf32>
      %get3A_4228 = arith.constant 40 : i32
      %get3A_4229 = arith.index_cast %get3A_4228 : i32 to index
      %get3A_4230 = arith.constant 0 : index
      %get3A_4231 = tpu.vector_load %arg12[%get3A_4229, %get3A_4230] {strides = array<i32>} : memref<96x32xf32, #tpu.memory_space<vmem>>, vector<1x16xf32>,
      %get3A_4232 = vector.shape_cast %get3A_4231 : vector<1x16xf32> to vector<16xf32>
      %add3A_4233 = arith.addf %add3A_4221, %get3A_4232 : vector<16xf32>
      %get3A_4234 = arith.constant 40 : i32
      %get3A_4235 = arith.index_cast %get3A_4234 : i32 to index
      %get3A_4236 = arith.constant 16 : index
      %get3A_4237 = tpu.vector_load %arg12[%get3A_4235, %get3A_4236] {strides = array<i32>} : memref<96x32xf32, #tpu.memory_space<vmem>>, vector<1x16xf32>,
      %get3A_4238 = vector.shape_cast %get3A_4237 : vector<1x16xf32> to vector<16xf32>
      %add3A_4239 = arith.addf %add3A_4227, %get3A_4238 : vector<16xf32>
      %get3A_4240 = arith.constant 41 : i32
      %get3A_4241 = arith.index_cast %get3A_4240 : i32 to index
      %get3A_4242 = arith.constant 0 : index
      %get3A_4243 = tpu.vector_load %arg12[%get3A_4241, %get3A_4242] {strides = array<i32>} : memref<96x32xf32, #tpu.memory_space<vmem>>, vector<1x16xf32>,
      %get3A_4244 = vector.shape_cast %get3A_4243 : vector<1x16xf32> to vector<16xf32>
      %add3A_4245 = arith.addf %add3A_4233, %get3A_4244 : vector<16xf32>
      %get3A_4246 = arith.constant 41 : i32
      %get3A_4247 = arith.index_cast %get3A_4246 : i32 to index
      %get3A_4248 = arith.constant 16 : index
      %get3A_4249 = tpu.vector_load %arg12[%get3A_4247, %get3A_4248] {strides = array<i32>} : memref<96x32xf32, #tpu.memory_space<vmem>>, vector<1x16xf32>,
      %get3A_4250 = vector.shape_cast %get3A_4249 : vector<1x16xf32> to vector<16xf32>
      %add3A_4251 = arith.addf %add3A_4239, %get3A_4250 : vector<16xf32>
      %get3A_4252 = arith.constant 42 : i32
      %get3A_4253 = arith.index_cast %get3A_4252 : i32 to index
      %get3A_4254 = arith.constant 0 : index
      %get3A_4255 = tpu.vector_load %arg12[%get3A_4253, %get3A_4254] {strides = array<i32>} : memref<96x32xf32, #tpu.memory_space<vmem>>, vector<1x16xf32>,
      %get3A_4256 = vector.shape_cast %get3A_4255 : vector<1x16xf32> to vector<16xf32>
      %add3A_4257 = arith.addf %add3A_4245, %get3A_4256 : vector<16xf32>
      %get3A_4258 = arith.constant 42 : i32
      %get3A_4259 = arith.index_cast %get3A_4258 : i32 to index
      %get3A_4260 = arith.constant 16 : index
      %get3A_4261 = tpu.vector_load %arg12[%get3A_4259, %get3A_4260] {strides = array<i32>} : memref<96x32xf32, #tpu.memory_space<vmem>>, vector<1x16xf32>,
      %get3A_4262 = vector.shape_cast %get3A_4261 : vector<1x16xf32> to vector<16xf32>
      %add3A_4263 = arith.addf %add3A_4251, %get3A_4262 : vector<16xf32>
      %get3A_4264 = arith.constant 43 : i32
      %get3A_4265 = arith.index_cast %get3A_4264 : i32 to index
      %get3A_4266 = arith.constant 0 : index
      %get3A_4267 = tpu.vector_load %arg12[%get3A_4265, %get3A_4266] {strides = array<i32>} : memref<96x32xf32, #tpu.memory_space<vmem>>, vector<1x16xf32>,
      %get3A_4268 = vector.shape_cast %get3A_4267 : vector<1x16xf32> to vector<16xf32>
      %add3A_4269 = arith.addf %add3A_4257, %get3A_4268 : vector<16xf32>
      %get3A_4270 = arith.constant 43 : i32
      %get3A_4271 = arith.index_cast %get3A_4270 : i32 to index
      %get3A_4272 = arith.constant 16 : index
      %get3A_4273 = tpu.vector_load %arg12[%get3A_4271, %get3A_4272] {strides = array<i32>} : memref<96x32xf32, #tpu.memory_space<vmem>>, vector<1x16xf32>,
      %get3A_4274 = vector.shape_cast %get3A_4273 : vector<1x16xf32> to vector<16xf32>
      %add3A_4275 = arith.addf %add3A_4263, %get3A_4274 : vector<16xf32>
      %get3A_4276 = arith.constant 44 : i32
      %get3A_4277 = arith.index_cast %get3A_4276 : i32 to index
      %get3A_4278 = arith.constant 0 : index
      %get3A_4279 = tpu.vector_load %arg12[%get3A_4277, %get3A_4278] {strides = array<i32>} : memref<96x32xf32, #tpu.memory_space<vmem>>, vector<1x16xf32>,
      %get3A_4280 = vector.shape_cast %get3A_4279 : vector<1x16xf32> to vector<16xf32>
      %add3A_4281 = arith.addf %add3A_4269, %get3A_4280 : vector<16xf32>
      %get3A_4282 = arith.constant 44 : i32
      %get3A_4283 = arith.index_cast %get3A_4282 : i32 to index
      %get3A_4284 = arith.constant 16 : index
      %get3A_4285 = tpu.vector_load %arg12[%get3A_4283, %get3A_4284] {strides = array<i32>} : memref<96x32xf32, #tpu.memory_space<vmem>>, vector<1x16xf32>,
      %get3A_4286 = vector.shape_cast %get3A_4285 : vector<1x16xf32> to vector<16xf32>
      %add3A_4287 = arith.addf %add3A_4275, %get3A_4286 : vector<16xf32>
      %get3A_4288 = arith.constant 45 : i32
      %get3A_4289 = arith.index_cast %get3A_4288 : i32 to index
      %get3A_4290 = arith.constant 0 : index
      %get3A_4291 = tpu.vector_load %arg12[%get3A_4289, %get3A_4290] {strides = array<i32>} : memref<96x32xf32, #tpu.memory_space<vmem>>, vector<1x16xf32>,
      %get3A_4292 = vector.shape_cast %get3A_4291 : vector<1x16xf32> to vector<16xf32>
      %add3A_4293 = arith.addf %add3A_4281, %get3A_4292 : vector<16xf32>
      %get3A_4294 = arith.constant 45 : i32
      %get3A_4295 = arith.index_cast %get3A_4294 : i32 to index
      %get3A_4296 = arith.constant 16 : index
      %get3A_4297 = tpu.vector_load %arg12[%get3A_4295, %get3A_4296] {strides = array<i32>} : memref<96x32xf32, #tpu.memory_space<vmem>>, vector<1x16xf32>,
      %get3A_4298 = vector.shape_cast %get3A_4297 : vector<1x16xf32> to vector<16xf32>
      %add3A_4299 = arith.addf %add3A_4287, %get3A_4298 : vector<16xf32>
      %get3A_4300 = arith.constant 46 : i32
      %get3A_4301 = arith.index_cast %get3A_4300 : i32 to index
      %get3A_4302 = arith.constant 0 : index
      %get3A_4303 = tpu.vector_load %arg12[%get3A_4301, %get3A_4302] {strides = array<i32>} : memref<96x32xf32, #tpu.memory_space<vmem>>, vector<1x16xf32>,
      %get3A_4304 = vector.shape_cast %get3A_4303 : vector<1x16xf32> to vector<16xf32>
      %add3A_4305 = arith.addf %add3A_4293, %get3A_4304 : vector<16xf32>
      %get3A_4306 = arith.constant 46 : i32
      %get3A_4307 = arith.index_cast %get3A_4306 : i32 to index
      %get3A_4308 = arith.constant 16 : index
      %get3A_4309 = tpu.vector_load %arg12[%get3A_4307, %get3A_4308] {strides = array<i32>} : memref<96x32xf32, #tpu.memory_space<vmem>>, vector<1x16xf32>,
      %get3A_4310 = vector.shape_cast %get3A_4309 : vector<1x16xf32> to vector<16xf32>
      %add3A_4311 = arith.addf %add3A_4299, %get3A_4310 : vector<16xf32>
      %get3A_4312 = arith.constant 47 : i32
      %get3A_4313 = arith.index_cast %get3A_4312 : i32 to index
      %get3A_4314 = arith.constant 0 : index
      %get3A_4315 = tpu.vector_load %arg12[%get3A_4313, %get3A_4314] {strides = array<i32>} : memref<96x32xf32, #tpu.memory_space<vmem>>, vector<1x16xf32>,
      %get3A_4316 = vector.shape_cast %get3A_4315 : vector<1x16xf32> to vector<16xf32>
      %add3A_4317 = arith.addf %add3A_4305, %get3A_4316 : vector<16xf32>
      %get3A_4318 = arith.constant 47 : i32
      %get3A_4319 = arith.index_cast %get3A_4318 : i32 to index
      %get3A_4320 = arith.constant 16 : index
      %get3A_4321 = tpu.vector_load %arg12[%get3A_4319, %get3A_4320] {strides = array<i32>} : memref<96x32xf32, #tpu.memory_space<vmem>>, vector<1x16xf32>,
      %get3A_4322 = vector.shape_cast %get3A_4321 : vector<1x16xf32> to vector<16xf32>
      %add3A_4323 = arith.addf %add3A_4311, %get3A_4322 : vector<16xf32>
      %get3A_4324 = arith.constant 48 : i32
      %get3A_4325 = arith.index_cast %get3A_4324 : i32 to index
      %get3A_4326 = arith.constant 0 : index
      %get3A_4327 = tpu.vector_load %arg12[%get3A_4325, %get3A_4326] {strides = array<i32>} : memref<96x32xf32, #tpu.memory_space<vmem>>, vector<1x16xf32>,
      %get3A_4328 = vector.shape_cast %get3A_4327 : vector<1x16xf32> to vector<16xf32>
      %add3A_4329 = arith.addf %add3A_4317, %get3A_4328 : vector<16xf32>
      %get3A_4330 = arith.constant 48 : i32
      %get3A_4331 = arith.index_cast %get3A_4330 : i32 to index
      %get3A_4332 = arith.constant 16 : index
      %get3A_4333 = tpu.vector_load %arg12[%get3A_4331, %get3A_4332] {strides = array<i32>} : memref<96x32xf32, #tpu.memory_space<vmem>>, vector<1x16xf32>,
      %get3A_4334 = vector.shape_cast %get3A_4333 : vector<1x16xf32> to vector<16xf32>
      %add3A_4335 = arith.addf %add3A_4323, %get3A_4334 : vector<16xf32>
      %get3A_4336 = arith.constant 49 : i32
      %get3A_4337 = arith.index_cast %get3A_4336 : i32 to index
      %get3A_4338 = arith.constant 0 : index
      %get3A_4339 = tpu.vector_load %arg12[%get3A_4337, %get3A_4338] {strides = array<i32>} : memref<96x32xf32, #tpu.memory_space<vmem>>, vector<1x16xf32>,
      %get3A_4340 = vector.shape_cast %get3A_4339 : vector<1x16xf32> to vector<16xf32>
      %add3A_4341 = arith.addf %add3A_4329, %get3A_4340 : vector<16xf32>
      %get3A_4342 = arith.constant 49 : i32
      %get3A_4343 = arith.index_cast %get3A_4342 : i32 to index
      %get3A_4344 = arith.constant 16 : index
      %get3A_4345 = tpu.vector_load %arg12[%get3A_4343, %get3A_4344] {strides = array<i32>} : memref<96x32xf32, #tpu.memory_space<vmem>>, vector<1x16xf32>,
      %get3A_4346 = vector.shape_cast %get3A_4345 : vector<1x16xf32> to vector<16xf32>
      %add3A_4347 = arith.addf %add3A_4335, %get3A_4346 : vector<16xf32>
      %get3A_4348 = arith.constant 50 : i32
      %get3A_4349 = arith.index_cast %get3A_4348 : i32 to index
      %get3A_4350 = arith.constant 0 : index
      %get3A_4351 = tpu.vector_load %arg12[%get3A_4349, %get3A_4350] {strides = array<i32>} : memref<96x32xf32, #tpu.memory_space<vmem>>, vector<1x16xf32>,
      %get3A_4352 = vector.shape_cast %get3A_4351 : vector<1x16xf32> to vector<16xf32>
      %add3A_4353 = arith.addf %add3A_4341, %get3A_4352 : vector<16xf32>
      %get3A_4354 = arith.constant 50 : i32
      %get3A_4355 = arith.index_cast %get3A_4354 : i32 to index
      %get3A_4356 = arith.constant 16 : index
      %get3A_4357 = tpu.vector_load %arg12[%get3A_4355, %get3A_4356] {strides = array<i32>} : memref<96x32xf32, #tpu.memory_space<vmem>>, vector<1x16xf32>,
      %get3A_4358 = vector.shape_cast %get3A_4357 : vector<1x16xf32> to vector<16xf32>
      %add3A_4359 = arith.addf %add3A_4347, %get3A_4358 : vector<16xf32>
      %get3A_4360 = arith.constant 51 : i32
      %get3A_4361 = arith.index_cast %get3A_4360 : i32 to index
      %get3A_4362 = arith.constant 0 : index
      %get3A_4363 = tpu.vector_load %arg12[%get3A_4361, %get3A_4362] {strides = array<i32>} : memref<96x32xf32, #tpu.memory_space<vmem>>, vector<1x16xf32>,
      %get3A_4364 = vector.shape_cast %get3A_4363 : vector<1x16xf32> to vector<16xf32>
      %add3A_4365 = arith.addf %add3A_4353, %get3A_4364 : vector<16xf32>
      %get3A_4366 = arith.constant 51 : i32
      %get3A_4367 = arith.index_cast %get3A_4366 : i32 to index
      %get3A_4368 = arith.constant 16 : index
      %get3A_4369 = tpu.vector_load %arg12[%get3A_4367, %get3A_4368] {strides = array<i32>} : memref<96x32xf32, #tpu.memory_space<vmem>>, vector<1x16xf32>,
      %get3A_4370 = vector.shape_cast %get3A_4369 : vector<1x16xf32> to vector<16xf32>
      %add3A_4371 = arith.addf %add3A_4359, %get3A_4370 : vector<16xf32>
      %get3A_4372 = arith.constant 52 : i32
      %get3A_4373 = arith.index_cast %get3A_4372 : i32 to index
      %get3A_4374 = arith.constant 0 : index
      %get3A_4375 = tpu.vector_load %arg12[%get3A_4373, %get3A_4374] {strides = array<i32>} : memref<96x32xf32, #tpu.memory_space<vmem>>, vector<1x16xf32>,
      %get3A_4376 = vector.shape_cast %get3A_4375 : vector<1x16xf32> to vector<16xf32>
      %add3A_4377 = arith.addf %add3A_4365, %get3A_4376 : vector<16xf32>
      %get3A_4378 = arith.constant 52 : i32
      %get3A_4379 = arith.index_cast %get3A_4378 : i32 to index
      %get3A_4380 = arith.constant 16 : index
      %get3A_4381 = tpu.vector_load %arg12[%get3A_4379, %get3A_4380] {strides = array<i32>} : memref<96x32xf32, #tpu.memory_space<vmem>>, vector<1x16xf32>,
      %get3A_4382 = vector.shape_cast %get3A_4381 : vector<1x16xf32> to vector<16xf32>
      %add3A_4383 = arith.addf %add3A_4371, %get3A_4382 : vector<16xf32>
      %get3A_4384 = arith.constant 53 : i32
      %get3A_4385 = arith.index_cast %get3A_4384 : i32 to index
      %get3A_4386 = arith.constant 0 : index
      %get3A_4387 = tpu.vector_load %arg12[%get3A_4385, %get3A_4386] {strides = array<i32>} : memref<96x32xf32, #tpu.memory_space<vmem>>, vector<1x16xf32>,
      %get3A_4388 = vector.shape_cast %get3A_4387 : vector<1x16xf32> to vector<16xf32>
      %add3A_4389 = arith.addf %add3A_4377, %get3A_4388 : vector<16xf32>
      %get3A_4390 = arith.constant 53 : i32
      %get3A_4391 = arith.index_cast %get3A_4390 : i32 to index
      %get3A_4392 = arith.constant 16 : index
      %get3A_4393 = tpu.vector_load %arg12[%get3A_4391, %get3A_4392] {strides = array<i32>} : memref<96x32xf32, #tpu.memory_space<vmem>>, vector<1x16xf32>,
      %get3A_4394 = vector.shape_cast %get3A_4393 : vector<1x16xf32> to vector<16xf32>
      %add3A_4395 = arith.addf %add3A_4383, %get3A_4394 : vector<16xf32>
      %get3A_4396 = arith.constant 54 : i32
      %get3A_4397 = arith.index_cast %get3A_4396 : i32 to index
      %get3A_4398 = arith.constant 0 : index
      %get3A_4399 = tpu.vector_load %arg12[%get3A_4397, %get3A_4398] {strides = array<i32>} : memref<96x32xf32, #tpu.memory_space<vmem>>, vector<1x16xf32>,
      %get3A_4400 = vector.shape_cast %get3A_4399 : vector<1x16xf32> to vector<16xf32>
      %add3A_4401 = arith.addf %add3A_4389, %get3A_4400 : vector<16xf32>
      %get3A_4402 = arith.constant 54 : i32
      %get3A_4403 = arith.index_cast %get3A_4402 : i32 to index
      %get3A_4404 = arith.constant 16 : index
      %get3A_4405 = tpu.vector_load %arg12[%get3A_4403, %get3A_4404] {strides = array<i32>} : memref<96x32xf32, #tpu.memory_space<vmem>>, vector<1x16xf32>,
      %get3A_4406 = vector.shape_cast %get3A_4405 : vector<1x16xf32> to vector<16xf32>
      %add3A_4407 = arith.addf %add3A_4395, %get3A_4406 : vector<16xf32>
      %get3A_4408 = arith.constant 55 : i32
      %get3A_4409 = arith.index_cast %get3A_4408 : i32 to index
      %get3A_4410 = arith.constant 0 : index
      %get3A_4411 = tpu.vector_load %arg12[%get3A_4409, %get3A_4410] {strides = array<i32>} : memref<96x32xf32, #tpu.memory_space<vmem>>, vector<1x16xf32>,
      %get3A_4412 = vector.shape_cast %get3A_4411 : vector<1x16xf32> to vector<16xf32>
      %add3A_4413 = arith.addf %add3A_4401, %get3A_4412 : vector<16xf32>
      %get3A_4414 = arith.constant 55 : i32
      %get3A_4415 = arith.index_cast %get3A_4414 : i32 to index
      %get3A_4416 = arith.constant 16 : index
      %get3A_4417 = tpu.vector_load %arg12[%get3A_4415, %get3A_4416] {strides = array<i32>} : memref<96x32xf32, #tpu.memory_space<vmem>>, vector<1x16xf32>,
      %get3A_4418 = vector.shape_cast %get3A_4417 : vector<1x16xf32> to vector<16xf32>
      %add3A_4419 = arith.addf %add3A_4407, %get3A_4418 : vector<16xf32>
      %get3A_4420 = arith.constant 56 : i32
      %get3A_4421 = arith.index_cast %get3A_4420 : i32 to index
      %get3A_4422 = arith.constant 0 : index
      %get3A_4423 = tpu.vector_load %arg12[%get3A_4421, %get3A_4422] {strides = array<i32>} : memref<96x32xf32, #tpu.memory_space<vmem>>, vector<1x16xf32>,
      %get3A_4424 = vector.shape_cast %get3A_4423 : vector<1x16xf32> to vector<16xf32>
      %add3A_4425 = arith.addf %add3A_4413, %get3A_4424 : vector<16xf32>
      %get3A_4426 = arith.constant 56 : i32
      %get3A_4427 = arith.index_cast %get3A_4426 : i32 to index
      %get3A_4428 = arith.constant 16 : index
      %get3A_4429 = tpu.vector_load %arg12[%get3A_4427, %get3A_4428] {strides = array<i32>} : memref<96x32xf32, #tpu.memory_space<vmem>>, vector<1x16xf32>,
      %get3A_4430 = vector.shape_cast %get3A_4429 : vector<1x16xf32> to vector<16xf32>
      %add3A_4431 = arith.addf %add3A_4419, %get3A_4430 : vector<16xf32>
      %get3A_4432 = arith.constant 57 : i32
      %get3A_4433 = arith.index_cast %get3A_4432 : i32 to index
      %get3A_4434 = arith.constant 0 : index
      %get3A_4435 = tpu.vector_load %arg12[%get3A_4433, %get3A_4434] {strides = array<i32>} : memref<96x32xf32, #tpu.memory_space<vmem>>, vector<1x16xf32>,
      %get3A_4436 = vector.shape_cast %get3A_4435 : vector<1x16xf32> to vector<16xf32>
      %add3A_4437 = arith.addf %add3A_4425, %get3A_4436 : vector<16xf32>
      %get3A_4438 = arith.constant 57 : i32
      %get3A_4439 = arith.index_cast %get3A_4438 : i32 to index
      %get3A_4440 = arith.constant 16 : index
      %get3A_4441 = tpu.vector_load %arg12[%get3A_4439, %get3A_4440] {strides = array<i32>} : memref<96x32xf32, #tpu.memory_space<vmem>>, vector<1x16xf32>,
      %get3A_4442 = vector.shape_cast %get3A_4441 : vector<1x16xf32> to vector<16xf32>
      %add3A_4443 = arith.addf %add3A_4431, %get3A_4442 : vector<16xf32>
      %get3A_4444 = arith.constant 58 : i32
      %get3A_4445 = arith.index_cast %get3A_4444 : i32 to index
      %get3A_4446 = arith.constant 0 : index
      %get3A_4447 = tpu.vector_load %arg12[%get3A_4445, %get3A_4446] {strides = array<i32>} : memref<96x32xf32, #tpu.memory_space<vmem>>, vector<1x16xf32>,
      %get3A_4448 = vector.shape_cast %get3A_4447 : vector<1x16xf32> to vector<16xf32>
      %add3A_4449 = arith.addf %add3A_4437, %get3A_4448 : vector<16xf32>
      %get3A_4450 = arith.constant 58 : i32
      %get3A_4451 = arith.index_cast %get3A_4450 : i32 to index
      %get3A_4452 = arith.constant 16 : index
      %get3A_4453 = tpu.vector_load %arg12[%get3A_4451, %get3A_4452] {strides = array<i32>} : memref<96x32xf32, #tpu.memory_space<vmem>>, vector<1x16xf32>,
      %get3A_4454 = vector.shape_cast %get3A_4453 : vector<1x16xf32> to vector<16xf32>
      %add3A_4455 = arith.addf %add3A_4443, %get3A_4454 : vector<16xf32>
      %get3A_4456 = arith.constant 59 : i32
      %get3A_4457 = arith.index_cast %get3A_4456 : i32 to index
      %get3A_4458 = arith.constant 0 : index
      %get3A_4459 = tpu.vector_load %arg12[%get3A_4457, %get3A_4458] {strides = array<i32>} : memref<96x32xf32, #tpu.memory_space<vmem>>, vector<1x16xf32>,
      %get3A_4460 = vector.shape_cast %get3A_4459 : vector<1x16xf32> to vector<16xf32>
      %add3A_4461 = arith.addf %add3A_4449, %get3A_4460 : vector<16xf32>
      %get3A_4462 = arith.constant 59 : i32
      %get3A_4463 = arith.index_cast %get3A_4462 : i32 to index
      %get3A_4464 = arith.constant 16 : index
      %get3A_4465 = tpu.vector_load %arg12[%get3A_4463, %get3A_4464] {strides = array<i32>} : memref<96x32xf32, #tpu.memory_space<vmem>>, vector<1x16xf32>,
      %get3A_4466 = vector.shape_cast %get3A_4465 : vector<1x16xf32> to vector<16xf32>
      %add3A_4467 = arith.addf %add3A_4455, %get3A_4466 : vector<16xf32>
      %get3A_4468 = arith.constant 60 : i32
      %get3A_4469 = arith.index_cast %get3A_4468 : i32 to index
      %get3A_4470 = arith.constant 0 : index
      %get3A_4471 = tpu.vector_load %arg12[%get3A_4469, %get3A_4470] {strides = array<i32>} : memref<96x32xf32, #tpu.memory_space<vmem>>, vector<1x16xf32>,
      %get3A_4472 = vector.shape_cast %get3A_4471 : vector<1x16xf32> to vector<16xf32>
      %add3A_4473 = arith.addf %add3A_4461, %get3A_4472 : vector<16xf32>
      %get3A_4474 = arith.constant 60 : i32
      %get3A_4475 = arith.index_cast %get3A_4474 : i32 to index
      %get3A_4476 = arith.constant 16 : index
      %get3A_4477 = tpu.vector_load %arg12[%get3A_4475, %get3A_4476] {strides = array<i32>} : memref<96x32xf32, #tpu.memory_space<vmem>>, vector<1x16xf32>,
      %get3A_4478 = vector.shape_cast %get3A_4477 : vector<1x16xf32> to vector<16xf32>
      %add3A_4479 = arith.addf %add3A_4467, %get3A_4478 : vector<16xf32>
      %get3A_4480 = arith.constant 61 : i32
      %get3A_4481 = arith.index_cast %get3A_4480 : i32 to index
      %get3A_4482 = arith.constant 0 : index
      %get3A_4483 = tpu.vector_load %arg12[%get3A_4481, %get3A_4482] {strides = array<i32>} : memref<96x32xf32, #tpu.memory_space<vmem>>, vector<1x16xf32>,
      %get3A_4484 = vector.shape_cast %get3A_4483 : vector<1x16xf32> to vector<16xf32>
      %add3A_4485 = arith.addf %add3A_4473, %get3A_4484 : vector<16xf32>
      %get3A_4486 = arith.constant 61 : i32
      %get3A_4487 = arith.index_cast %get3A_4486 : i32 to index
      %get3A_4488 = arith.constant 16 : index
      %get3A_4489 = tpu.vector_load %arg12[%get3A_4487, %get3A_4488] {strides = array<i32>} : memref<96x32xf32, #tpu.memory_space<vmem>>, vector<1x16xf32>,
      %get3A_4490 = vector.shape_cast %get3A_4489 : vector<1x16xf32> to vector<16xf32>
      %add3A_4491 = arith.addf %add3A_4479, %get3A_4490 : vector<16xf32>
      %get3A_4492 = arith.constant 62 : i32
      %get3A_4493 = arith.index_cast %get3A_4492 : i32 to index
      %get3A_4494 = arith.constant 0 : index
      %get3A_4495 = tpu.vector_load %arg12[%get3A_4493, %get3A_4494] {strides = array<i32>} : memref<96x32xf32, #tpu.memory_space<vmem>>, vector<1x16xf32>,
      %get3A_4496 = vector.shape_cast %get3A_4495 : vector<1x16xf32> to vector<16xf32>
      %add3A_4497 = arith.addf %add3A_4485, %get3A_4496 : vector<16xf32>
      %get3A_4498 = arith.constant 62 : i32
      %get3A_4499 = arith.index_cast %get3A_4498 : i32 to index
      %get3A_4500 = arith.constant 16 : index
      %get3A_4501 = tpu.vector_load %arg12[%get3A_4499, %get3A_4500] {strides = array<i32>} : memref<96x32xf32, #tpu.memory_space<vmem>>, vector<1x16xf32>,
      %get3A_4502 = vector.shape_cast %get3A_4501 : vector<1x16xf32> to vector<16xf32>
      %add3A_4503 = arith.addf %add3A_4491, %get3A_4502 : vector<16xf32>
      %get3A_4504 = arith.constant 63 : i32
      %get3A_4505 = arith.index_cast %get3A_4504 : i32 to index
      %get3A_4506 = arith.constant 0 : index
      %get3A_4507 = tpu.vector_load %arg12[%get3A_4505, %get3A_4506] {strides = array<i32>} : memref<96x32xf32, #tpu.memory_space<vmem>>, vector<1x16xf32>,
      %get3A_4508 = vector.shape_cast %get3A_4507 : vector<1x16xf32> to vector<16xf32>
      %add3A_4509 = arith.addf %add3A_4497, %get3A_4508 : vector<16xf32>
      %get3A_4510 = arith.constant 63 : i32
      %get3A_4511 = arith.index_cast %get3A_4510 : i32 to index
      %get3A_4512 = arith.constant 16 : index
      %get3A_4513 = tpu.vector_load %arg12[%get3A_4511, %get3A_4512] {strides = array<i32>} : memref<96x32xf32, #tpu.memory_space<vmem>>, vector<1x16xf32>,
      %get3A_4514 = vector.shape_cast %get3A_4513 : vector<1x16xf32> to vector<16xf32>
      %add3A_4515 = arith.addf %add3A_4503, %get3A_4514 : vector<16xf32>
      %get3A_4516 = arith.constant 64 : i32
      %get3A_4517 = arith.index_cast %get3A_4516 : i32 to index
      %get3A_4518 = arith.constant 0 : index
      %get3A_4519 = tpu.vector_load %arg12[%get3A_4517, %get3A_4518] {strides = array<i32>} : memref<96x32xf32, #tpu.memory_space<vmem>>, vector<1x16xf32>,
      %get3A_4520 = vector.shape_cast %get3A_4519 : vector<1x16xf32> to vector<16xf32>
      %add3A_4521 = arith.addf %add3A_4509, %get3A_4520 : vector<16xf32>
      %get3A_4522 = arith.constant 64 : i32
      %get3A_4523 = arith.index_cast %get3A_4522 : i32 to index
      %get3A_4524 = arith.constant 16 : index
      %get3A_4525 = tpu.vector_load %arg12[%get3A_4523, %get3A_4524] {strides = array<i32>} : memref<96x32xf32, #tpu.memory_space<vmem>>, vector<1x16xf32>,
      %get3A_4526 = vector.shape_cast %get3A_4525 : vector<1x16xf32> to vector<16xf32>
      %add3A_4527 = arith.addf %add3A_4515, %get3A_4526 : vector<16xf32>
      %get3A_4528 = arith.constant 65 : i32
      %get3A_4529 = arith.index_cast %get3A_4528 : i32 to index
      %get3A_4530 = arith.constant 0 : index
      %get3A_4531 = tpu.vector_load %arg12[%get3A_4529, %get3A_4530] {strides = array<i32>} : memref<96x32xf32, #tpu.memory_space<vmem>>, vector<1x16xf32>,
      %get3A_4532 = vector.shape_cast %get3A_4531 : vector<1x16xf32> to vector<16xf32>
      %add3A_4533 = arith.addf %add3A_4521, %get3A_4532 : vector<16xf32>
      %get3A_4534 = arith.constant 65 : i32
      %get3A_4535 = arith.index_cast %get3A_4534 : i32 to index
      %get3A_4536 = arith.constant 16 : index
      %get3A_4537 = tpu.vector_load %arg12[%get3A_4535, %get3A_4536] {strides = array<i32>} : memref<96x32xf32, #tpu.memory_space<vmem>>, vector<1x16xf32>,
      %get3A_4538 = vector.shape_cast %get3A_4537 : vector<1x16xf32> to vector<16xf32>
      %add3A_4539 = arith.addf %add3A_4527, %get3A_4538 : vector<16xf32>
      %get3A_4540 = arith.constant 66 : i32
      %get3A_4541 = arith.index_cast %get3A_4540 : i32 to index
      %get3A_4542 = arith.constant 0 : index
      %get3A_4543 = tpu.vector_load %arg12[%get3A_4541, %get3A_4542] {strides = array<i32>} : memref<96x32xf32, #tpu.memory_space<vmem>>, vector<1x16xf32>,
      %get3A_4544 = vector.shape_cast %get3A_4543 : vector<1x16xf32> to vector<16xf32>
      %add3A_4545 = arith.addf %add3A_4533, %get3A_4544 : vector<16xf32>
      %get3A_4546 = arith.constant 66 : i32
      %get3A_4547 = arith.index_cast %get3A_4546 : i32 to index
      %get3A_4548 = arith.constant 16 : index
      %get3A_4549 = tpu.vector_load %arg12[%get3A_4547, %get3A_4548] {strides = array<i32>} : memref<96x32xf32, #tpu.memory_space<vmem>>, vector<1x16xf32>,
      %get3A_4550 = vector.shape_cast %get3A_4549 : vector<1x16xf32> to vector<16xf32>
      %add3A_4551 = arith.addf %add3A_4539, %get3A_4550 : vector<16xf32>
      %get3A_4552 = arith.constant 67 : i32
      %get3A_4553 = arith.index_cast %get3A_4552 : i32 to index
      %get3A_4554 = arith.constant 0 : index
      %get3A_4555 = tpu.vector_load %arg12[%get3A_4553, %get3A_4554] {strides = array<i32>} : memref<96x32xf32, #tpu.memory_space<vmem>>, vector<1x16xf32>,
      %get3A_4556 = vector.shape_cast %get3A_4555 : vector<1x16xf32> to vector<16xf32>
      %add3A_4557 = arith.addf %add3A_4545, %get3A_4556 : vector<16xf32>
      %get3A_4558 = arith.constant 67 : i32
      %get3A_4559 = arith.index_cast %get3A_4558 : i32 to index
      %get3A_4560 = arith.constant 16 : index
      %get3A_4561 = tpu.vector_load %arg12[%get3A_4559, %get3A_4560] {strides = array<i32>} : memref<96x32xf32, #tpu.memory_space<vmem>>, vector<1x16xf32>,
      %get3A_4562 = vector.shape_cast %get3A_4561 : vector<1x16xf32> to vector<16xf32>
      %add3A_4563 = arith.addf %add3A_4551, %get3A_4562 : vector<16xf32>
      %get3A_4564 = arith.constant 68 : i32
      %get3A_4565 = arith.index_cast %get3A_4564 : i32 to index
      %get3A_4566 = arith.constant 0 : index
      %get3A_4567 = tpu.vector_load %arg12[%get3A_4565, %get3A_4566] {strides = array<i32>} : memref<96x32xf32, #tpu.memory_space<vmem>>, vector<1x16xf32>,
      %get3A_4568 = vector.shape_cast %get3A_4567 : vector<1x16xf32> to vector<16xf32>
      %add3A_4569 = arith.addf %add3A_4557, %get3A_4568 : vector<16xf32>
      %get3A_4570 = arith.constant 68 : i32
      %get3A_4571 = arith.index_cast %get3A_4570 : i32 to index
      %get3A_4572 = arith.constant 16 : index
      %get3A_4573 = tpu.vector_load %arg12[%get3A_4571, %get3A_4572] {strides = array<i32>} : memref<96x32xf32, #tpu.memory_space<vmem>>, vector<1x16xf32>,
      %get3A_4574 = vector.shape_cast %get3A_4573 : vector<1x16xf32> to vector<16xf32>
      %add3A_4575 = arith.addf %add3A_4563, %get3A_4574 : vector<16xf32>
      %get3A_4576 = arith.constant 69 : i32
      %get3A_4577 = arith.index_cast %get3A_4576 : i32 to index
      %get3A_4578 = arith.constant 0 : index
      %get3A_4579 = tpu.vector_load %arg12[%get3A_4577, %get3A_4578] {strides = array<i32>} : memref<96x32xf32, #tpu.memory_space<vmem>>, vector<1x16xf32>,
      %get3A_4580 = vector.shape_cast %get3A_4579 : vector<1x16xf32> to vector<16xf32>
      %add3A_4581 = arith.addf %add3A_4569, %get3A_4580 : vector<16xf32>
      %get3A_4582 = arith.constant 69 : i32
      %get3A_4583 = arith.index_cast %get3A_4582 : i32 to index
      %get3A_4584 = arith.constant 16 : index
      %get3A_4585 = tpu.vector_load %arg12[%get3A_4583, %get3A_4584] {strides = array<i32>} : memref<96x32xf32, #tpu.memory_space<vmem>>, vector<1x16xf32>,
      %get3A_4586 = vector.shape_cast %get3A_4585 : vector<1x16xf32> to vector<16xf32>
      %add3A_4587 = arith.addf %add3A_4575, %get3A_4586 : vector<16xf32>
      %get3A_4588 = arith.constant 70 : i32
      %get3A_4589 = arith.index_cast %get3A_4588 : i32 to index
      %get3A_4590 = arith.constant 0 : index
      %get3A_4591 = tpu.vector_load %arg12[%get3A_4589, %get3A_4590] {strides = array<i32>} : memref<96x32xf32, #tpu.memory_space<vmem>>, vector<1x16xf32>,
      %get3A_4592 = vector.shape_cast %get3A_4591 : vector<1x16xf32> to vector<16xf32>
      %add3A_4593 = arith.addf %add3A_4581, %get3A_4592 : vector<16xf32>
      %get3A_4594 = arith.constant 70 : i32
      %get3A_4595 = arith.index_cast %get3A_4594 : i32 to index
      %get3A_4596 = arith.constant 16 : index
      %get3A_4597 = tpu.vector_load %arg12[%get3A_4595, %get3A_4596] {strides = array<i32>} : memref<96x32xf32, #tpu.memory_space<vmem>>, vector<1x16xf32>,
      %get3A_4598 = vector.shape_cast %get3A_4597 : vector<1x16xf32> to vector<16xf32>
      %add3A_4599 = arith.addf %add3A_4587, %get3A_4598 : vector<16xf32>
      %get3A_4600 = arith.constant 71 : i32
      %get3A_4601 = arith.index_cast %get3A_4600 : i32 to index
      %get3A_4602 = arith.constant 0 : index
      %get3A_4603 = tpu.vector_load %arg12[%get3A_4601, %get3A_4602] {strides = array<i32>} : memref<96x32xf32, #tpu.memory_space<vmem>>, vector<1x16xf32>,
      %get3A_4604 = vector.shape_cast %get3A_4603 : vector<1x16xf32> to vector<16xf32>
      %add3A_4605 = arith.addf %add3A_4593, %get3A_4604 : vector<16xf32>
      %get3A_4606 = arith.constant 71 : i32
      %get3A_4607 = arith.index_cast %get3A_4606 : i32 to index
      %get3A_4608 = arith.constant 16 : index
      %get3A_4609 = tpu.vector_load %arg12[%get3A_4607, %get3A_4608] {strides = array<i32>} : memref<96x32xf32, #tpu.memory_space<vmem>>, vector<1x16xf32>,
      %get3A_4610 = vector.shape_cast %get3A_4609 : vector<1x16xf32> to vector<16xf32>
      %add3A_4611 = arith.addf %add3A_4599, %get3A_4610 : vector<16xf32>
      %get3A_4612 = arith.constant 72 : i32
      %get3A_4613 = arith.index_cast %get3A_4612 : i32 to index
      %get3A_4614 = arith.constant 0 : index
      %get3A_4615 = tpu.vector_load %arg12[%get3A_4613, %get3A_4614] {strides = array<i32>} : memref<96x32xf32, #tpu.memory_space<vmem>>, vector<1x16xf32>,
      %get3A_4616 = vector.shape_cast %get3A_4615 : vector<1x16xf32> to vector<16xf32>
      %add3A_4617 = arith.addf %add3A_4605, %get3A_4616 : vector<16xf32>
      %get3A_4618 = arith.constant 72 : i32
      %get3A_4619 = arith.index_cast %get3A_4618 : i32 to index
      %get3A_4620 = arith.constant 16 : index
      %get3A_4621 = tpu.vector_load %arg12[%get3A_4619, %get3A_4620] {strides = array<i32>} : memref<96x32xf32, #tpu.memory_space<vmem>>, vector<1x16xf32>,
      %get3A_4622 = vector.shape_cast %get3A_4621 : vector<1x16xf32> to vector<16xf32>
      %add3A_4623 = arith.addf %add3A_4611, %get3A_4622 : vector<16xf32>
      %get3A_4624 = arith.constant 73 : i32
      %get3A_4625 = arith.index_cast %get3A_4624 : i32 to index
      %get3A_4626 = arith.constant 0 : index
      %get3A_4627 = tpu.vector_load %arg12[%get3A_4625, %get3A_4626] {strides = array<i32>} : memref<96x32xf32, #tpu.memory_space<vmem>>, vector<1x16xf32>,
      %get3A_4628 = vector.shape_cast %get3A_4627 : vector<1x16xf32> to vector<16xf32>
      %add3A_4629 = arith.addf %add3A_4617, %get3A_4628 : vector<16xf32>
      %get3A_4630 = arith.constant 73 : i32
      %get3A_4631 = arith.index_cast %get3A_4630 : i32 to index
      %get3A_4632 = arith.constant 16 : index
      %get3A_4633 = tpu.vector_load %arg12[%get3A_4631, %get3A_4632] {strides = array<i32>} : memref<96x32xf32, #tpu.memory_space<vmem>>, vector<1x16xf32>,
      %get3A_4634 = vector.shape_cast %get3A_4633 : vector<1x16xf32> to vector<16xf32>
      %add3A_4635 = arith.addf %add3A_4623, %get3A_4634 : vector<16xf32>
      %get3A_4636 = arith.constant 74 : i32
      %get3A_4637 = arith.index_cast %get3A_4636 : i32 to index
      %get3A_4638 = arith.constant 0 : index
      %get3A_4639 = tpu.vector_load %arg12[%get3A_4637, %get3A_4638] {strides = array<i32>} : memref<96x32xf32, #tpu.memory_space<vmem>>, vector<1x16xf32>,
      %get3A_4640 = vector.shape_cast %get3A_4639 : vector<1x16xf32> to vector<16xf32>
      %add3A_4641 = arith.addf %add3A_4629, %get3A_4640 : vector<16xf32>
      %get3A_4642 = arith.constant 74 : i32
      %get3A_4643 = arith.index_cast %get3A_4642 : i32 to index
      %get3A_4644 = arith.constant 16 : index
      %get3A_4645 = tpu.vector_load %arg12[%get3A_4643, %get3A_4644] {strides = array<i32>} : memref<96x32xf32, #tpu.memory_space<vmem>>, vector<1x16xf32>,
      %get3A_4646 = vector.shape_cast %get3A_4645 : vector<1x16xf32> to vector<16xf32>
      %add3A_4647 = arith.addf %add3A_4635, %get3A_4646 : vector<16xf32>
      %get3A_4648 = arith.constant 75 : i32
      %get3A_4649 = arith.index_cast %get3A_4648 : i32 to index
      %get3A_4650 = arith.constant 0 : index
      %get3A_4651 = tpu.vector_load %arg12[%get3A_4649, %get3A_4650] {strides = array<i32>} : memref<96x32xf32, #tpu.memory_space<vmem>>, vector<1x16xf32>,
      %get3A_4652 = vector.shape_cast %get3A_4651 : vector<1x16xf32> to vector<16xf32>
      %add3A_4653 = arith.addf %add3A_4641, %get3A_4652 : vector<16xf32>
      %get3A_4654 = arith.constant 75 : i32
      %get3A_4655 = arith.index_cast %get3A_4654 : i32 to index
      %get3A_4656 = arith.constant 16 : index
      %get3A_4657 = tpu.vector_load %arg12[%get3A_4655, %get3A_4656] {strides = array<i32>} : memref<96x32xf32, #tpu.memory_space<vmem>>, vector<1x16xf32>,
      %get3A_4658 = vector.shape_cast %get3A_4657 : vector<1x16xf32> to vector<16xf32>
      %add3A_4659 = arith.addf %add3A_4647, %get3A_4658 : vector<16xf32>
      %get3A_4660 = arith.constant 76 : i32
      %get3A_4661 = arith.index_cast %get3A_4660 : i32 to index
      %get3A_4662 = arith.constant 0 : index
      %get3A_4663 = tpu.vector_load %arg12[%get3A_4661, %get3A_4662] {strides = array<i32>} : memref<96x32xf32, #tpu.memory_space<vmem>>, vector<1x16xf32>,
      %get3A_4664 = vector.shape_cast %get3A_4663 : vector<1x16xf32> to vector<16xf32>
      %add3A_4665 = arith.addf %add3A_4653, %get3A_4664 : vector<16xf32>
      %get3A_4666 = arith.constant 76 : i32
      %get3A_4667 = arith.index_cast %get3A_4666 : i32 to index
      %get3A_4668 = arith.constant 16 : index
      %get3A_4669 = tpu.vector_load %arg12[%get3A_4667, %get3A_4668] {strides = array<i32>} : memref<96x32xf32, #tpu.memory_space<vmem>>, vector<1x16xf32>,
      %get3A_4670 = vector.shape_cast %get3A_4669 : vector<1x16xf32> to vector<16xf32>
      %add3A_4671 = arith.addf %add3A_4659, %get3A_4670 : vector<16xf32>
      %get3A_4672 = arith.constant 77 : i32
      %get3A_4673 = arith.index_cast %get3A_4672 : i32 to index
      %get3A_4674 = arith.constant 0 : index
      %get3A_4675 = tpu.vector_load %arg12[%get3A_4673, %get3A_4674] {strides = array<i32>} : memref<96x32xf32, #tpu.memory_space<vmem>>, vector<1x16xf32>,
      %get3A_4676 = vector.shape_cast %get3A_4675 : vector<1x16xf32> to vector<16xf32>
      %add3A_4677 = arith.addf %add3A_4665, %get3A_4676 : vector<16xf32>
      %get3A_4678 = arith.constant 77 : i32
      %get3A_4679 = arith.index_cast %get3A_4678 : i32 to index
      %get3A_4680 = arith.constant 16 : index
      %get3A_4681 = tpu.vector_load %arg12[%get3A_4679, %get3A_4680] {strides = array<i32>} : memref<96x32xf32, #tpu.memory_space<vmem>>, vector<1x16xf32>,
      %get3A_4682 = vector.shape_cast %get3A_4681 : vector<1x16xf32> to vector<16xf32>
      %add3A_4683 = arith.addf %add3A_4671, %get3A_4682 : vector<16xf32>
      %get3A_4684 = arith.constant 78 : i32
      %get3A_4685 = arith.index_cast %get3A_4684 : i32 to index
      %get3A_4686 = arith.constant 0 : index
      %get3A_4687 = tpu.vector_load %arg12[%get3A_4685, %get3A_4686] {strides = array<i32>} : memref<96x32xf32, #tpu.memory_space<vmem>>, vector<1x16xf32>,
      %get3A_4688 = vector.shape_cast %get3A_4687 : vector<1x16xf32> to vector<16xf32>
      %add3A_4689 = arith.addf %add3A_4677, %get3A_4688 : vector<16xf32>
      %get3A_4690 = arith.constant 78 : i32
      %get3A_4691 = arith.index_cast %get3A_4690 : i32 to index
      %get3A_4692 = arith.constant 16 : index
      %get3A_4693 = tpu.vector_load %arg12[%get3A_4691, %get3A_4692] {strides = array<i32>} : memref<96x32xf32, #tpu.memory_space<vmem>>, vector<1x16xf32>,
      %get3A_4694 = vector.shape_cast %get3A_4693 : vector<1x16xf32> to vector<16xf32>
      %add3A_4695 = arith.addf %add3A_4683, %get3A_4694 : vector<16xf32>
      %get3A_4696 = arith.constant 79 : i32
      %get3A_4697 = arith.index_cast %get3A_4696 : i32 to index
      %get3A_4698 = arith.constant 0 : index
      %get3A_4699 = tpu.vector_load %arg12[%get3A_4697, %get3A_4698] {strides = array<i32>} : memref<96x32xf32, #tpu.memory_space<vmem>>, vector<1x16xf32>,
      %get3A_4700 = vector.shape_cast %get3A_4699 : vector<1x16xf32> to vector<16xf32>
      %add3A_4701 = arith.addf %add3A_4689, %get3A_4700 : vector<16xf32>
      %get3A_4702 = arith.constant 79 : i32
      %get3A_4703 = arith.index_cast %get3A_4702 : i32 to index
      %get3A_4704 = arith.constant 16 : index
      %get3A_4705 = tpu.vector_load %arg12[%get3A_4703, %get3A_4704] {strides = array<i32>} : memref<96x32xf32, #tpu.memory_space<vmem>>, vector<1x16xf32>,
      %get3A_4706 = vector.shape_cast %get3A_4705 : vector<1x16xf32> to vector<16xf32>
      %add3A_4707 = arith.addf %add3A_4695, %get3A_4706 : vector<16xf32>
      %get3A_4708 = arith.constant 80 : i32
      %get3A_4709 = arith.index_cast %get3A_4708 : i32 to index
      %get3A_4710 = arith.constant 0 : index
      %get3A_4711 = tpu.vector_load %arg12[%get3A_4709, %get3A_4710] {strides = array<i32>} : memref<96x32xf32, #tpu.memory_space<vmem>>, vector<1x16xf32>,
      %get3A_4712 = vector.shape_cast %get3A_4711 : vector<1x16xf32> to vector<16xf32>
      %add3A_4713 = arith.addf %add3A_4701, %get3A_4712 : vector<16xf32>
      %get3A_4714 = arith.constant 80 : i32
      %get3A_4715 = arith.index_cast %get3A_4714 : i32 to index
      %get3A_4716 = arith.constant 16 : index
      %get3A_4717 = tpu.vector_load %arg12[%get3A_4715, %get3A_4716] {strides = array<i32>} : memref<96x32xf32, #tpu.memory_space<vmem>>, vector<1x16xf32>,
      %get3A_4718 = vector.shape_cast %get3A_4717 : vector<1x16xf32> to vector<16xf32>
      %add3A_4719 = arith.addf %add3A_4707, %get3A_4718 : vector<16xf32>
      %get3A_4720 = arith.constant 81 : i32
      %get3A_4721 = arith.index_cast %get3A_4720 : i32 to index
      %get3A_4722 = arith.constant 0 : index
      %get3A_4723 = tpu.vector_load %arg12[%get3A_4721, %get3A_4722] {strides = array<i32>} : memref<96x32xf32, #tpu.memory_space<vmem>>, vector<1x16xf32>,
      %get3A_4724 = vector.shape_cast %get3A_4723 : vector<1x16xf32> to vector<16xf32>
      %add3A_4725 = arith.addf %add3A_4713, %get3A_4724 : vector<16xf32>
      %get3A_4726 = arith.constant 81 : i32
      %get3A_4727 = arith.index_cast %get3A_4726 : i32 to index
      %get3A_4728 = arith.constant 16 : index
      %get3A_4729 = tpu.vector_load %arg12[%get3A_4727, %get3A_4728] {strides = array<i32>} : memref<96x32xf32, #tpu.memory_space<vmem>>, vector<1x16xf32>,
      %get3A_4730 = vector.shape_cast %get3A_4729 : vector<1x16xf32> to vector<16xf32>
      %add3A_4731 = arith.addf %add3A_4719, %get3A_4730 : vector<16xf32>
      %get3A_4732 = arith.constant 82 : i32
      %get3A_4733 = arith.index_cast %get3A_4732 : i32 to index
      %get3A_4734 = arith.constant 0 : index
      %get3A_4735 = tpu.vector_load %arg12[%get3A_4733, %get3A_4734] {strides = array<i32>} : memref<96x32xf32, #tpu.memory_space<vmem>>, vector<1x16xf32>,
      %get3A_4736 = vector.shape_cast %get3A_4735 : vector<1x16xf32> to vector<16xf32>
      %add3A_4737 = arith.addf %add3A_4725, %get3A_4736 : vector<16xf32>
      %get3A_4738 = arith.constant 82 : i32
      %get3A_4739 = arith.index_cast %get3A_4738 : i32 to index
      %get3A_4740 = arith.constant 16 : index
      %get3A_4741 = tpu.vector_load %arg12[%get3A_4739, %get3A_4740] {strides = array<i32>} : memref<96x32xf32, #tpu.memory_space<vmem>>, vector<1x16xf32>,
      %get3A_4742 = vector.shape_cast %get3A_4741 : vector<1x16xf32> to vector<16xf32>
      %add3A_4743 = arith.addf %add3A_4731, %get3A_4742 : vector<16xf32>
      %get3A_4744 = arith.constant 83 : i32
      %get3A_4745 = arith.index_cast %get3A_4744 : i32 to index
      %get3A_4746 = arith.constant 0 : index
      %get3A_4747 = tpu.vector_load %arg12[%get3A_4745, %get3A_4746] {strides = array<i32>} : memref<96x32xf32, #tpu.memory_space<vmem>>, vector<1x16xf32>,
      %get3A_4748 = vector.shape_cast %get3A_4747 : vector<1x16xf32> to vector<16xf32>
      %add3A_4749 = arith.addf %add3A_4737, %get3A_4748 : vector<16xf32>
      %get3A_4750 = arith.constant 83 : i32
      %get3A_4751 = arith.index_cast %get3A_4750 : i32 to index
      %get3A_4752 = arith.constant 16 : index
      %get3A_4753 = tpu.vector_load %arg12[%get3A_4751, %get3A_4752] {strides = array<i32>} : memref<96x32xf32, #tpu.memory_space<vmem>>, vector<1x16xf32>,
      %get3A_4754 = vector.shape_cast %get3A_4753 : vector<1x16xf32> to vector<16xf32>
      %add3A_4755 = arith.addf %add3A_4743, %get3A_4754 : vector<16xf32>
      %get3A_4756 = arith.constant 84 : i32
      %get3A_4757 = arith.index_cast %get3A_4756 : i32 to index
      %get3A_4758 = arith.constant 0 : index
      %get3A_4759 = tpu.vector_load %arg12[%get3A_4757, %get3A_4758] {strides = array<i32>} : memref<96x32xf32, #tpu.memory_space<vmem>>, vector<1x16xf32>,
      %get3A_4760 = vector.shape_cast %get3A_4759 : vector<1x16xf32> to vector<16xf32>
      %add3A_4761 = arith.addf %add3A_4749, %get3A_4760 : vector<16xf32>
      %get3A_4762 = arith.constant 84 : i32
      %get3A_4763 = arith.index_cast %get3A_4762 : i32 to index
      %get3A_4764 = arith.constant 16 : index
      %get3A_4765 = tpu.vector_load %arg12[%get3A_4763, %get3A_4764] {strides = array<i32>} : memref<96x32xf32, #tpu.memory_space<vmem>>, vector<1x16xf32>,
      %get3A_4766 = vector.shape_cast %get3A_4765 : vector<1x16xf32> to vector<16xf32>
      %add3A_4767 = arith.addf %add3A_4755, %get3A_4766 : vector<16xf32>
      %get3A_4768 = arith.constant 85 : i32
      %get3A_4769 = arith.index_cast %get3A_4768 : i32 to index
      %get3A_4770 = arith.constant 0 : index
      %get3A_4771 = tpu.vector_load %arg12[%get3A_4769, %get3A_4770] {strides = array<i32>} : memref<96x32xf32, #tpu.memory_space<vmem>>, vector<1x16xf32>,
      %get3A_4772 = vector.shape_cast %get3A_4771 : vector<1x16xf32> to vector<16xf32>
      %add3A_4773 = arith.addf %add3A_4761, %get3A_4772 : vector<16xf32>
      %get3A_4774 = arith.constant 85 : i32
      %get3A_4775 = arith.index_cast %get3A_4774 : i32 to index
      %get3A_4776 = arith.constant 16 : index
      %get3A_4777 = tpu.vector_load %arg12[%get3A_4775, %get3A_4776] {strides = array<i32>} : memref<96x32xf32, #tpu.memory_space<vmem>>, vector<1x16xf32>,
      %get3A_4778 = vector.shape_cast %get3A_4777 : vector<1x16xf32> to vector<16xf32>
      %add3A_4779 = arith.addf %add3A_4767, %get3A_4778 : vector<16xf32>
      %get3A_4780 = arith.constant 86 : i32
      %get3A_4781 = arith.index_cast %get3A_4780 : i32 to index
      %get3A_4782 = arith.constant 0 : index
      %get3A_4783 = tpu.vector_load %arg12[%get3A_4781, %get3A_4782] {strides = array<i32>} : memref<96x32xf32, #tpu.memory_space<vmem>>, vector<1x16xf32>,
      %get3A_4784 = vector.shape_cast %get3A_4783 : vector<1x16xf32> to vector<16xf32>
      %add3A_4785 = arith.addf %add3A_4773, %get3A_4784 : vector<16xf32>
      %get3A_4786 = arith.constant 86 : i32
      %get3A_4787 = arith.index_cast %get3A_4786 : i32 to index
      %get3A_4788 = arith.constant 16 : index
      %get3A_4789 = tpu.vector_load %arg12[%get3A_4787, %get3A_4788] {strides = array<i32>} : memref<96x32xf32, #tpu.memory_space<vmem>>, vector<1x16xf32>,
      %get3A_4790 = vector.shape_cast %get3A_4789 : vector<1x16xf32> to vector<16xf32>
      %add3A_4791 = arith.addf %add3A_4779, %get3A_4790 : vector<16xf32>
      %get3A_4792 = arith.constant 87 : i32
      %get3A_4793 = arith.index_cast %get3A_4792 : i32 to index
      %get3A_4794 = arith.constant 0 : index
      %get3A_4795 = tpu.vector_load %arg12[%get3A_4793, %get3A_4794] {strides = array<i32>} : memref<96x32xf32, #tpu.memory_space<vmem>>, vector<1x16xf32>,
      %get3A_4796 = vector.shape_cast %get3A_4795 : vector<1x16xf32> to vector<16xf32>
      %add3A_4797 = arith.addf %add3A_4785, %get3A_4796 : vector<16xf32>
      %get3A_4798 = arith.constant 87 : i32
      %get3A_4799 = arith.index_cast %get3A_4798 : i32 to index
      %get3A_4800 = arith.constant 16 : index
      %get3A_4801 = tpu.vector_load %arg12[%get3A_4799, %get3A_4800] {strides = array<i32>} : memref<96x32xf32, #tpu.memory_space<vmem>>, vector<1x16xf32>,
      %get3A_4802 = vector.shape_cast %get3A_4801 : vector<1x16xf32> to vector<16xf32>
      %add3A_4803 = arith.addf %add3A_4791, %get3A_4802 : vector<16xf32>
      %get3A_4804 = arith.constant 88 : i32
      %get3A_4805 = arith.index_cast %get3A_4804 : i32 to index
      %get3A_4806 = arith.constant 0 : index
      %get3A_4807 = tpu.vector_load %arg12[%get3A_4805, %get3A_4806] {strides = array<i32>} : memref<96x32xf32, #tpu.memory_space<vmem>>, vector<1x16xf32>,
      %get3A_4808 = vector.shape_cast %get3A_4807 : vector<1x16xf32> to vector<16xf32>
      %add3A_4809 = arith.addf %add3A_4797, %get3A_4808 : vector<16xf32>
      %get3A_4810 = arith.constant 88 : i32
      %get3A_4811 = arith.index_cast %get3A_4810 : i32 to index
      %get3A_4812 = arith.constant 16 : index
      %get3A_4813 = tpu.vector_load %arg12[%get3A_4811, %get3A_4812] {strides = array<i32>} : memref<96x32xf32, #tpu.memory_space<vmem>>, vector<1x16xf32>,
      %get3A_4814 = vector.shape_cast %get3A_4813 : vector<1x16xf32> to vector<16xf32>
      %add3A_4815 = arith.addf %add3A_4803, %get3A_4814 : vector<16xf32>
      %get3A_4816 = arith.constant 89 : i32
      %get3A_4817 = arith.index_cast %get3A_4816 : i32 to index
      %get3A_4818 = arith.constant 0 : index
      %get3A_4819 = tpu.vector_load %arg12[%get3A_4817, %get3A_4818] {strides = array<i32>} : memref<96x32xf32, #tpu.memory_space<vmem>>, vector<1x16xf32>,
      %get3A_4820 = vector.shape_cast %get3A_4819 : vector<1x16xf32> to vector<16xf32>
      %add3A_4821 = arith.addf %add3A_4809, %get3A_4820 : vector<16xf32>
      %get3A_4822 = arith.constant 89 : i32
      %get3A_4823 = arith.index_cast %get3A_4822 : i32 to index
      %get3A_4824 = arith.constant 16 : index
      %get3A_4825 = tpu.vector_load %arg12[%get3A_4823, %get3A_4824] {strides = array<i32>} : memref<96x32xf32, #tpu.memory_space<vmem>>, vector<1x16xf32>,
      %get3A_4826 = vector.shape_cast %get3A_4825 : vector<1x16xf32> to vector<16xf32>
      %add3A_4827 = arith.addf %add3A_4815, %get3A_4826 : vector<16xf32>
      %get3A_4828 = arith.constant 90 : i32
      %get3A_4829 = arith.index_cast %get3A_4828 : i32 to index
      %get3A_4830 = arith.constant 0 : index
      %get3A_4831 = tpu.vector_load %arg12[%get3A_4829, %get3A_4830] {strides = array<i32>} : memref<96x32xf32, #tpu.memory_space<vmem>>, vector<1x16xf32>,
      %get3A_4832 = vector.shape_cast %get3A_4831 : vector<1x16xf32> to vector<16xf32>
      %add3A_4833 = arith.addf %add3A_4821, %get3A_4832 : vector<16xf32>
      %get3A_4834 = arith.constant 90 : i32
      %get3A_4835 = arith.index_cast %get3A_4834 : i32 to index
      %get3A_4836 = arith.constant 16 : index
      %get3A_4837 = tpu.vector_load %arg12[%get3A_4835, %get3A_4836] {strides = array<i32>} : memref<96x32xf32, #tpu.memory_space<vmem>>, vector<1x16xf32>,
      %get3A_4838 = vector.shape_cast %get3A_4837 : vector<1x16xf32> to vector<16xf32>
      %add3A_4839 = arith.addf %add3A_4827, %get3A_4838 : vector<16xf32>
      %get3A_4840 = arith.constant 91 : i32
      %get3A_4841 = arith.index_cast %get3A_4840 : i32 to index
      %get3A_4842 = arith.constant 0 : index
      %get3A_4843 = tpu.vector_load %arg12[%get3A_4841, %get3A_4842] {strides = array<i32>} : memref<96x32xf32, #tpu.memory_space<vmem>>, vector<1x16xf32>,
      %get3A_4844 = vector.shape_cast %get3A_4843 : vector<1x16xf32> to vector<16xf32>
      %add3A_4845 = arith.addf %add3A_4833, %get3A_4844 : vector<16xf32>
      %get3A_4846 = arith.constant 91 : i32
      %get3A_4847 = arith.index_cast %get3A_4846 : i32 to index
      %get3A_4848 = arith.constant 16 : index
      %get3A_4849 = tpu.vector_load %arg12[%get3A_4847, %get3A_4848] {strides = array<i32>} : memref<96x32xf32, #tpu.memory_space<vmem>>, vector<1x16xf32>,
      %get3A_4850 = vector.shape_cast %get3A_4849 : vector<1x16xf32> to vector<16xf32>
      %add3A_4851 = arith.addf %add3A_4839, %get3A_4850 : vector<16xf32>
      %get3A_4852 = arith.constant 92 : i32
      %get3A_4853 = arith.index_cast %get3A_4852 : i32 to index
      %get3A_4854 = arith.constant 0 : index
      %get3A_4855 = tpu.vector_load %arg12[%get3A_4853, %get3A_4854] {strides = array<i32>} : memref<96x32xf32, #tpu.memory_space<vmem>>, vector<1x16xf32>,
      %get3A_4856 = vector.shape_cast %get3A_4855 : vector<1x16xf32> to vector<16xf32>
      %add3A_4857 = arith.addf %add3A_4845, %get3A_4856 : vector<16xf32>
      %get3A_4858 = arith.constant 92 : i32
      %get3A_4859 = arith.index_cast %get3A_4858 : i32 to index
      %get3A_4860 = arith.constant 16 : index
      %get3A_4861 = tpu.vector_load %arg12[%get3A_4859, %get3A_4860] {strides = array<i32>} : memref<96x32xf32, #tpu.memory_space<vmem>>, vector<1x16xf32>,
      %get3A_4862 = vector.shape_cast %get3A_4861 : vector<1x16xf32> to vector<16xf32>
      %add3A_4863 = arith.addf %add3A_4851, %get3A_4862 : vector<16xf32>
      %get3A_4864 = arith.constant 93 : i32
      %get3A_4865 = arith.index_cast %get3A_4864 : i32 to index
      %get3A_4866 = arith.constant 0 : index
      %get3A_4867 = tpu.vector_load %arg12[%get3A_4865, %get3A_4866] {strides = array<i32>} : memref<96x32xf32, #tpu.memory_space<vmem>>, vector<1x16xf32>,
      %get3A_4868 = vector.shape_cast %get3A_4867 : vector<1x16xf32> to vector<16xf32>
      %add3A_4869 = arith.addf %add3A_4857, %get3A_4868 : vector<16xf32>
      %get3A_4870 = arith.constant 93 : i32
      %get3A_4871 = arith.index_cast %get3A_4870 : i32 to index
      %get3A_4872 = arith.constant 16 : index
      %get3A_4873 = tpu.vector_load %arg12[%get3A_4871, %get3A_4872] {strides = array<i32>} : memref<96x32xf32, #tpu.memory_space<vmem>>, vector<1x16xf32>,
      %get3A_4874 = vector.shape_cast %get3A_4873 : vector<1x16xf32> to vector<16xf32>
      %add3A_4875 = arith.addf %add3A_4863, %get3A_4874 : vector<16xf32>
      %get3A_4876 = arith.constant 94 : i32
      %get3A_4877 = arith.index_cast %get3A_4876 : i32 to index
      %get3A_4878 = arith.constant 0 : index
      %get3A_4879 = tpu.vector_load %arg12[%get3A_4877, %get3A_4878] {strides = array<i32>} : memref<96x32xf32, #tpu.memory_space<vmem>>, vector<1x16xf32>,
      %get3A_4880 = vector.shape_cast %get3A_4879 : vector<1x16xf32> to vector<16xf32>
      %add3A_4881 = arith.addf %add3A_4869, %get3A_4880 : vector<16xf32>
      %get3A_4882 = arith.constant 94 : i32
      %get3A_4883 = arith.index_cast %get3A_4882 : i32 to index
      %get3A_4884 = arith.constant 16 : index
      %get3A_4885 = tpu.vector_load %arg12[%get3A_4883, %get3A_4884] {strides = array<i32>} : memref<96x32xf32, #tpu.memory_space<vmem>>, vector<1x16xf32>,
      %get3A_4886 = vector.shape_cast %get3A_4885 : vector<1x16xf32> to vector<16xf32>
      %add3A_4887 = arith.addf %add3A_4875, %get3A_4886 : vector<16xf32>
      %get3A_4888 = arith.constant 95 : i32
      %get3A_4889 = arith.index_cast %get3A_4888 : i32 to index
      %get3A_4890 = arith.constant 0 : index
      %get3A_4891 = tpu.vector_load %arg12[%get3A_4889, %get3A_4890] {strides = array<i32>} : memref<96x32xf32, #tpu.memory_space<vmem>>, vector<1x16xf32>,
      %get3A_4892 = vector.shape_cast %get3A_4891 : vector<1x16xf32> to vector<16xf32>
      %add3A_4893 = arith.addf %add3A_4881, %get3A_4892 : vector<16xf32>
      %get3A_4894 = arith.constant 95 : i32
      %get3A_4895 = arith.index_cast %get3A_4894 : i32 to index
      %get3A_4896 = arith.constant 16 : index
      %get3A_4897 = tpu.vector_load %arg12[%get3A_4895, %get3A_4896] {strides = array<i32>} : memref<96x32xf32, #tpu.memory_space<vmem>>, vector<1x16xf32>,
      %get3A_4898 = vector.shape_cast %get3A_4897 : vector<1x16xf32> to vector<16xf32>
      %add3A_4899 = arith.addf %add3A_4887, %get3A_4898 : vector<16xf32>
      %add3A_4900 = arith.constant 2 : i32
      %add3A_4901 = arith.addi %add3A_2478, %add3A_4900 : i32
      %lt3A_4902 = arith.constant 128 : i32
      %lt3A_4903 = arith.cmpi slt, %add3A_4901, %lt3A_4902 : i32
      %convert_element_type3A_4904 = arith.extui %lt3A_4903 : i1 to i32
      %cond3A_4905 = arith.constant 0 : i32
      %cond3A_4906 = arith.cmpi ne, %convert_element_type3A_4904, %cond3A_4905 : i32
      scf.if %cond3A_4906 {
        %add3A_4917 = arith.constant 2 : i32
        %add3A_4918 = arith.addi %add3A_2478, %add3A_4917 : i32
        %dma_start3A_4919 = arith.constant 0 : i32
        %dma_start3A_4920 = tpu.memref_slice %arg7[%add3A_4918, %dma_start3A_4919] : memref<128x96xi32, #tpu.memory_space<vmem>> -> memref<1x96xi32, #tpu.memory_space<vmem>>
        %dma_start3A_4921 = tpu.memref_squeeze %dma_start3A_4920 : memref<1x96xi32, #tpu.memory_space<vmem>> -> memref<96xi32, #tpu.memory_space<vmem>>
        %dma_start3A_4922 = arith.constant 0 : i32
        %dma_start3A_4923 = arith.constant 0 : i32
        %dma_start3A_4924 = tpu.memref_slice %arg4[%dma_start3A_4922, %dma_start3A_4923] : memref<1000000x32xf32, #tpu.memory_space<hbm>> -> memref<1000000x32xf32, #tpu.memory_space<hbm>>
        tpu.enqueue_indirect_dma source(%dma_start3A_4924 : memref<1000000x32xf32, #tpu.memory_space<hbm>>) target(%arg12 : memref<96x32xf32, #tpu.memory_space<vmem>>) offsets(%dma_start3A_4921 : memref<96xi32, #tpu.memory_space<vmem>>) semaphore(%arg16 : memref<!tpu.dma_semaphore, #tpu.memory_space<semaphore_mem>>)
      } else {
      }
      %swap3A_4907 = arith.index_cast %add3A_2478 : i32 to index
      %swap3A_4908 = arith.constant 0 : index
      %swap3A_4909 = tpu.vector_load %arg8[%swap3A_4907, %swap3A_4908] {strides = array<i32>} : memref<128x32xf32, #tpu.memory_space<vmem>>, vector<1x16xf32>,
      %swap3A_4910 = vector.shape_cast %swap3A_4909 : vector<1x16xf32> to vector<16xf32>
      %swap3A_4911 = vector.shape_cast %add3A_4893 : vector<16xf32> to vector<1x16xf32>
      tpu.vector_store %arg8[%swap3A_4907, %swap3A_4908], %swap3A_4911 {strides = array<i32>} : memref<128x32xf32, #tpu.memory_space<vmem>>, vector<1x16xf32>,
      %swap3A_4912 = arith.index_cast %add3A_2478 : i32 to index
      %swap3A_4913 = arith.constant 16 : index
      %swap3A_4914 = tpu.vector_load %arg8[%swap3A_4912, %swap3A_4913] {strides = array<i32>} : memref<128x32xf32, #tpu.memory_space<vmem>>, vector<1x16xf32>,
      %swap3A_4915 = vector.shape_cast %swap3A_4914 : vector<1x16xf32> to vector<16xf32>
      %swap3A_4916 = vector.shape_cast %add3A_4899 : vector<16xf32> to vector<1x16xf32>
      tpu.vector_store %arg8[%swap3A_4912, %swap3A_4913], %swap3A_4916 {strides = array<i32>} : memref<128x32xf32, #tpu.memory_space<vmem>>, vector<1x16xf32>,
    }
    %scan3A_36 = arith.constant 64 : i32
    %mul3A_37 = arith.constant 128 : i32
    %mul3A_38 = arith.muli %add3A, %mul3A_37 : i32
    "tpu.region"() ({
      %run_scoped3A = tpu.sem_alloc : memref<!tpu.dma_semaphore, #tpu.memory_space<semaphore_mem>>
      %dma_start3A_39 = arith.constant 0 : i32
      %dma_start3A_40 = tpu.memref_slice %arg5[%mul3A_38, %dma_start3A_39] : memref<4096x32xf32, #tpu.memory_space<hbm>> -> memref<128x32xf32, #tpu.memory_space<hbm>>
      %dma_start3A_41 = arith.constant 0 : i32
      %dma_start3A_42 = tpu.memref_slice %arg5[%mul3A_38, %dma_start3A_41] : memref<4096x32xf32, #tpu.memory_space<hbm>> -> memref<128x32xf32, #tpu.memory_space<hbm>>
      tpu.enqueue_dma source(%arg8 : memref<128x32xf32, #tpu.memory_space<vmem>>) target(%dma_start3A_42 : memref<128x32xf32, #tpu.memory_space<hbm>>) target_semaphore(%run_scoped3A : memref<!tpu.dma_semaphore, #tpu.memory_space<semaphore_mem>>)
      %dma_wait3A = arith.constant 0 : i32
      %dma_wait3A_43 = tpu.memref_slice %arg5[%mul3A_38, %dma_wait3A] : memref<4096x32xf32, #tpu.memory_space<hbm>> -> memref<128x32xf32, #tpu.memory_space<hbm>>
      %dma_wait3A_44 = arith.constant 0 : i32
      %dma_wait3A_45 = tpu.memref_slice %arg5[%mul3A_38, %dma_wait3A_44] : memref<4096x32xf32, #tpu.memory_space<hbm>> -> memref<128x32xf32, #tpu.memory_space<hbm>>
      tpu.wait_dma2 semaphore(%run_scoped3A : memref<!tpu.dma_semaphore, #tpu.memory_space<semaphore_mem>>) src(%arg8 : memref<128x32xf32, #tpu.memory_space<vmem>>) dst(%dma_wait3A_45 : memref<128x32xf32, #tpu.memory_space<hbm>>)
      tpu.yield
    }) : () -> ()
    return
  }
}

module attributes {stable_mosaic.version = 14 : i64} {
  func.func @_tc_head(%arg0: i32, %arg1: memref<512x200xi32, #tpu.memory_space<vmem>>, %arg2: memref<512x32xf32, #tpu.memory_space<vmem>>, %arg3: memref<32x64xf32, #tpu.memory_space<vmem>>, %arg4: memref<1x64xf32, #tpu.memory_space<vmem>>, %arg5: memref<512x64xf32, #tpu.memory_space<vmem>>) attributes {dimension_semantics = [#tpu.dimension_semantics<arbitrary>], iteration_bounds = array<i64: 8>, scalar_prefetch = 0 : i64, scratch_operands = 0 : i64, tpu.core_type = #tpu.core_type<tc>, window_params = [{transform_indices = @transform_0, window_bounds = array<i64: 512, 200>}, {transform_indices = @transform_1, window_bounds = array<i64: 512, 32>}, {pipeline_mode = #tpu.pipeline_mode<synchronous>, transform_indices = @transform_2, window_bounds = array<i64: 32, 64>}, {pipeline_mode = #tpu.pipeline_mode<synchronous>, transform_indices = @transform_3, window_bounds = array<i64: 1, 64>}, {transform_indices = @transform_4, window_bounds = array<i64: 512, 64>}]} {
    %get3A = arith.constant 0 : index
    %get3A_0 = arith.constant 0 : index
    %get3A_1 = vector.load %arg1[%get3A, %get3A_0] : memref<512x200xi32, #tpu.memory_space<vmem>>, vector<512x200xi32>
    %ne3A = arith.constant 0 : i32
    %ne3A_2 = vector.broadcast %ne3A : i32 to vector<512x200xi32>
    %ne3A_3 = arith.cmpi ne, %get3A_1, %ne3A_2 : vector<512x200xi32>
    %convert_element_type3A = arith.extui %ne3A_3 : vector<512x200xi1> to vector<512x200xi32>
    %convert_element_type3A_4 = arith.sitofp %convert_element_type3A : vector<512x200xi32> to vector<512x200xf32>
    %reduce_sum3A = arith.constant dense<0.000000e+00> : vector<512xf32>
    %reduce_sum3A_5 = vector.multi_reduction <add>, %convert_element_type3A_4, %reduce_sum3A [1] : vector<512x200xf32> to vector<512xf32>
    %broadcast_in_dim3A = vector.shape_cast %reduce_sum3A_5 : vector<512xf32> to vector<512x1xf32>
    %get3A_6 = arith.constant 0 : index
    %get3A_7 = arith.constant 0 : index
    %get3A_8 = vector.load %arg2[%get3A_6, %get3A_7] : memref<512x32xf32, #tpu.memory_space<vmem>>, vector<512x32xf32>
    %max3A = arith.constant 1.000000e+00 : f32
    %max3A_9 = vector.broadcast %max3A : f32 to vector<512x1xf32>
    %max3A_10 = arith.maximumf %broadcast_in_dim3A, %max3A_9 : vector<512x1xf32>
    %div3A = vector.broadcast %max3A_10 : vector<512x1xf32> to vector<512x32xf32>
    %div3A_11 = arith.divf %get3A_8, %div3A : vector<512x32xf32>
    %get3A_12 = arith.constant 0 : index
    %get3A_13 = arith.constant 0 : index
    %get3A_14 = vector.load %arg3[%get3A_12, %get3A_13] : memref<32x64xf32, #tpu.memory_space<vmem>>, vector<32x64xf32>
    %dot_general3A = arith.constant dense<0.000000e+00> : vector<512x64xf32>
    %dot_general3A_15 = tpu.matmul %div3A_11, %get3A_14, %dot_general3A {dimension_numbers = #tpu.dot_dimension_numbers<[1], [0], [0], [1], [0, 0, 1, 1], [], []>, transpose_lhs_hint = false} : vector<512x32xf32>, vector<32x64xf32>, vector<512x64xf32> -> vector<512x64xf32>
    %get3A_16 = arith.constant 0 : index
    %get3A_17 = arith.constant 0 : index
    %get3A_18 = vector.load %arg4[%get3A_16, %get3A_17] : memref<1x64xf32, #tpu.memory_space<vmem>>, vector<1x64xf32>
    %add3A = vector.broadcast %get3A_18 : vector<1x64xf32> to vector<512x64xf32>
    %add3A_19 = arith.addf %dot_general3A_15, %add3A : vector<512x64xf32>
    %swap3A = arith.constant 0 : index
    %swap3A_20 = arith.constant 0 : index
    %swap3A_21 = vector.load %arg5[%swap3A, %swap3A_20] : memref<512x64xf32, #tpu.memory_space<vmem>>, vector<512x64xf32>
    tpu.vector_store %arg5[%swap3A, %swap3A_20], %add3A_19 {strides = array<i32>} : memref<512x64xf32, #tpu.memory_space<vmem>>, vector<512x64xf32>,
    return
  }
  func.func @transform_0(%arg0: i32) -> (i32, i32) {
    %c0_i32 = arith.constant 0 : i32
    %c0_i32_0 = arith.constant 0 : i32
    return %arg0, %c0_i32 : i32, i32
  }
  func.func @transform_1(%arg0: i32) -> (i32, i32) {
    %c0_i32 = arith.constant 0 : i32
    %c0_i32_0 = arith.constant 0 : i32
    return %arg0, %c0_i32 : i32, i32
  }
  func.func @transform_2(%arg0: i32) -> (i32, i32) {
    %c0_i32 = arith.constant 0 : i32
    %c0_i32_0 = arith.constant 0 : i32
    %c0_i32_1 = arith.constant 0 : i32
    return %c0_i32, %c0_i32_0 : i32, i32
  }
  func.func @transform_3(%arg0: i32) -> (i32, i32) {
    %c0_i32 = arith.constant 0 : i32
    %c0_i32_0 = arith.constant 0 : i32
    %c0_i32_1 = arith.constant 0 : i32
    return %c0_i32, %c0_i32_0 : i32, i32
  }
  func.func @transform_4(%arg0: i32) -> (i32, i32) {
    %c0_i32 = arith.constant 0 : i32
    %c0_i32_0 = arith.constant 0 : i32
    return %arg0, %c0_i32 : i32, i32
  }
}

</mosaic_0001>

<sc_bundles>
// kernel: kernel.4.cloned.1.call-start
scs
__scs_entry_jumppad:
0x0: {  	(pc) =	sbr.rel $0x88, $3  }
0x1: {  	(tag) =	ssettag $0x0;
	lr =	simm.s32 $0x1  }
0x2: {  	[smem:$0x3F9D] =	sst lr;
	_ =	strace $0xD0000000  }
0x3: {  	_ = 	snop  }
0x4: {  	_ = 	snop  }
0x5: {  	_ = 	snop  }
0x6: {  	_ = 	snop  }
0x7: {  	_ = 	snop  }
__scs_overlays_trampoline_lowered:
0x8: {  	[smem:$0x3FAC] =	sst s0  }
0x9: {  	[smem:$0x3FAD] =	sst s1  }
0xa: {  	[smem:$0x3FAE] =	sst s2  }
0xb: {  	[smem:$0x3FAF] =	sst s3  }
0xc: {  	[smem:$0x3FB0] =	sst s4  }
0xd: {  	[smem:$0x3FB1] =	sst s5  }
0xe: {  	[smem:$0x3FB2] =	sst s6  }
0xf: {  	[smem:$0x3FB3] =	sst s7  }
0x10: {  	[smem:$0x3FB4] =	sst s8  }
0x11: {  	[smem:$0x3FB5] =	sst s9;
	s0 =	simm.s32 @!p0 $0x0  }
0x12: {  	s1 =	sld [smem:$0x3F9B];
	s0 =	simm.s32 @p0 $0x1  }
0x13: {  	[smem:$0x3FB6] =	sst s0;
	s0 =	simm.s32 @!p1 $0x0  }
0x14: {  	s2 =	sld [smem:$0x3F9A];
	s0 =	simm.s32 @p1 $0x1  }
0x15: {  	[smem:$0x3FB7] =	sst s0;
	s0 =	simm.s32 @!p2 $0x0  }
0x16: {  	s3 =	sld [smem:$0x3FDB];
	s0 =	simm.s32 @p2 $0x1  }
0x17: {  	s4 =	simm.s32 $0x1BF5;
	[smem:$0x3FB9] =	sst s0  }
0x18: {  	s0 =	sld [smem:$0x3F9C];
	_ =	swait.ge [sflag:s4], $0x0  }
0x19: {  	s7 =	sld [smem:$0x3F9D]  }
0x1a: {  	s8 =	sadd.s32 $0xFFFFE003, lr  }
0x1b: {  	s9 =	sadd.s32 $0xFFFFFEF7, lr;
	s5 =	simm.s32 $0xFFFFFFFF;
	p2 =	slt.u32 s8, $0xFFFFF086  }
0x1c: {  	p1 =	slt.u32 s9, $0xF7A;
	s5 =	simm.s32 @!p2 $0x0  }
0x1d: {  	s5 =	simm.s32 @p1 $0x1;
	p0 =	seq.s32 s7, s2  }
0x1e: {  	s7 =	smul.u32 @!p0 $0xF7A, s2;
	p2 =	seq.s32 @!p0 s5, $0x0  }
0x1f: {  	s9 =	smul.u32 $0xF7A, s1;
	s8 =	simm.s32 @!p0 $0x1BF5;
	p2 =	por !p2, p0  }
0x20: {  	[sflag:s8] =	ssyncset.s32 @!p0 $0xFFFFF086;
	s6 =	sadd.s32 @!p0 s3, s7;
	s7 =	simm.s32 @!p0 $0x108  }
0x21: {  	s3 =	sadd.s32 s3, s9;
	s6 =	sadd.s32 @!p0 $0x88, s6;
	s7 =	simm.s32 @p2 $0x1082  }
0x22: {  	[simem:s7], [sflag:s8] =	dma.local @!p0 [hbm:s6], $0xF7A  }
0x23: {  	s9 =	sor.u32 $0xD0000000, s2;
	s6 =	simm.s32 $0x108;
	_ =	swait.ge @!p0 [sflag:s8], $0x0  }
0x24: {  	s3 =	sadd.s32 $0x88, s3;
	s6 =	simm.s32 @!p1 $0x1082;
	[sflag:s4] =	ssyncset.s32 $0xFFFFF086  }
0x25: {  	[simem:s6], [sflag:s4] =	dma.local [hbm:s3], $0xF7A  }
0x26: {  	[smem:$0x3F9D] =	sst s1;
	(tag) =	ssettag s2;
	_ =	strace s9  }
0x27: {  	s1 =	sld [smem:$0x3FAD]  }
0x28: {  	s2 =	sld [smem:$0x3FAE]  }
0x29: {  	s4 =	sld [smem:$0x3FB0]  }
0x2a: {  	p0 =	seq.s32 s5, $0x0;
	s5 =	sld [smem:$0x3FB1]  }
0x2b: {  	s6 =	sld [smem:$0x3FB2]  }
0x2c: {  	s7 =	sld [smem:$0x3FB3]  }
0x2d: {  	s3 =	simm.s32 $0x108;
	s8 =	sld [smem:$0x3FB4]  }
0x2e: {  	s3 =	simm.s32 @!p0 $0x1082;
	s9 =	sld [smem:$0x3FB5]  }
0x2f: {  	lr =	sadd.s32 s0, s3;
	s0 =	sld [smem:$0x3FAC]  }
0x30: {  	s3 =	sld [smem:$0x3FAF]  }
0x31: {  	[smem:$0x3FB8] =	sst s10  }
0x32: {  	s10 =	sld [smem:$0x3FB6];
	_ =	sdelay $0x3  }
0x33: {  	p0 =	seq.s32 s10, $0x1;
	s10 =	sld [smem:$0x3FB8];
	_ =	sdelay $0x3  }
0x34: {  	[smem:$0x3FB8] =	sst s10  }
0x35: {  	s10 =	sld [smem:$0x3FB7];
	_ =	sdelay $0x3  }
0x36: {  	p1 =	seq.s32 s10, $0x1;
	s10 =	sld [smem:$0x3FB8];
	_ =	sdelay $0x3  }
0x37: {  	[smem:$0x3FB8] =	sst s10  }
0x38: {  	s10 =	sld [smem:$0x3FB9]  }
0x39: {  	_ = 	snop;
	(pc) =	sbr.ind lr, $3  }
0x3a: {  	_ = 	snop  }
0x3b: {  	_ = 	snop  }
0x3c: {  	p2 =	seq.s32 s10, $0x1;
	s10 =	sld [smem:$0x3FB8]  }
0x3d: {  	_ =	shalt  }
0x3e: {  	_ =	shalt  }
0x3f: {  	_ =	shalt  }
0x40: {  	_ =	shalt  }
0x41: {  	_ =	shalt  }
0x42: {  	_ =	shalt  }
0x43: {  	_ =	shalt  }
0x44: {  	_ =	shalt  }
0x45: {  	_ =	shalt  }
0x46: {  	_ =	shalt  }
0x47: {  	_ =	shalt  }
0x48: {  	_ =	shalt  }
0x49: {  	_ =	shalt  }
0x4a: {  	_ =	shalt  }
0x4b: {  	_ =	shalt  }
0x4c: {  	_ =	shalt  }
0x4d: {  	_ =	shalt  }
0x4e: {  	_ =	shalt  }
0x4f: {  	_ =	shalt  }
0x50: {  	_ =	shalt  }
0x51: {  	_ =	shalt  }
0x52: {  	_ =	shalt  }
0x53: {  	_ =	shalt  }
0x54: {  	_ =	shalt  }
0x55: {  	_ =	shalt  }
0x56: {  	_ =	shalt  }
0x57: {  	_ =	shalt  }
0x58: {  	_ =	shalt  }
0x59: {  	_ =	shalt  }
0x5a: {  	_ =	shalt  }
0x5b: {  	_ =	shalt  }
0x5c: {  	_ =	shalt  }
0x5d: {  	_ =	shalt  }
0x5e: {  	_ =	shalt  }
0x5f: {  	_ =	shalt  }
0x60: {  	_ =	shalt  }
0x61: {  	_ =	shalt  }
0x62: {  	_ =	shalt  }
0x63: {  	_ =	shalt  }
0x64: {  	_ =	shalt  }
0x65: {  	_ =	shalt  }
0x66: {  	_ =	shalt  }
0x67: {  	_ =	shalt  }
0x68: {  	_ =	shalt  }
0x69: {  	_ =	shalt  }
0x6a: {  	_ =	shalt  }
0x6b: {  	_ =	shalt  }
0x6c: {  	_ =	shalt  }
0x6d: {  	_ =	shalt  }
0x6e: {  	_ =	shalt  }
0x6f: {  	_ =	shalt  }
0x70: {  	_ =	shalt  }
0x71: {  	_ =	shalt  }
0x72: {  	_ =	shalt  }
0x73: {  	_ =	shalt  }
0x74: {  	_ =	shalt  }
0x75: {  	_ =	shalt  }
0x76: {  	_ =	shalt  }
0x77: {  	_ =	shalt  }
0x78: {  	_ =	shalt  }
0x79: {  	_ =	shalt  }
0x7a: {  	_ =	shalt  }
0x7b: {  	_ =	shalt  }
0x7c: {  	_ =	shalt  }
0x7d: {  	_ =	shalt  }
0x7e: {  	_ =	shalt  }
0x7f: {  	_ =	shalt  }
0x80: {  	_ =	shalt  }
0x81: {  	_ =	shalt  }
0x82: {  	_ =	shalt  }
0x83: {  	_ =	shalt  }
0x84: {  	_ =	shalt  }
0x85: {  	_ =	shalt  }
0x86: {  	_ =	shalt  }
0x87: {  	_ =	shalt  }
.Lfunc_end0:
.L_simem_size_0:
called_computation_lowered:
.L_overlay_start_0:
0x88: {  	s2 =	sld [smem:$0x3FD9]  }
0x89: {  	s3 =	sld [smem:$0x3FFE];
	_ =	sdelay $0x1  }
0x8a: {  	s1 =	srdreg.scid  }
0x8b: {  	s0 =	sand.u32 $0x1, s1  }
0x8c: {  	s17 =	sshll.u32 s0, $0xA;
	s2 =	sadd.s32 s3, s2  }
0x8d: {  	s2 =	sadd.s32 s2, s17  }
0x8e: {  	[smem:$0x3FC4] =	sst s2  }
0x8f: {  	_ = 	snop  }
0x90: {  	s2 =	sld [smem:$0x3FD0];
	(tm) =	ssettm $0x1  }
0x91: {  	s18 =	sld [smem:$0x3FFB];
	_ =	sdelay $0x3  }
0x92: {  	_ =	strace s18  }
0x93: {  	s3 =	sld [smem:$0x3FFC];
	_ =	sdelay $0x3  }
0x94: {  	_ =	strace s3  }
0x95: {  	s3 =	sld [smem:$0x3FFD];
	_ =	sdelay $0x3  }
0x96: {  	_ =	strace s3  }
0x97: {  	_ =	strace $0x8FFFFFFF  }
0x98: {  	s19 =	sld [smem:$0x3FDB];
	_ =	sdelay $0x1  }
0x99: {  	s4 =	simm.s32 $_scs_section_size  }
0x9a: {  	s5 =	simm.s32 $_size__tile_overlayer_lowered;
	s6 =	simm.s32 $_tile_overlayer_lowered  }
0x9b: {  	s22 =	simm.s32 $0x1BFF;
	s21 =	sshll.u32 s6, $0x1;
	s3 =	sadd.s32 s4, s19  }
0x9c: {  	s7 =	simm.s32 $0x0;
	s20 =	sshll.u32 s5, $0x1;
	s5 =	sadd.s32 s21, s3  }
0x9d: {  	[timem:s7], [sflag:s22] =	dma.local [hbm:s5], s20  }
0x9e: {  	_ =	swait.ge [sflag:s22], s20  }
0x9f: {  	s4 =	ssub.s32 $0x0, s20;
	[sflag:s22] =	ssyncset.done $0x0  }
0xa0: {  	[sflag:s22] =	ssyncadd.s32 s4;
	_ =	sdelay $0x1  }
0xa1: {  	s23 =	simm.s32 $0x1B8B  }
0xa2: {  	_ =	swait.ge [sflag:s23], $0x1  }
0xa3: {  	[sflag:s23] =	ssyncset.done $0x0  }
0xa4: {  	s25 =	simm.s32 $0x1B8E;
	s24 =	sld [smem:$0x3FFE];
	[sflag:s23] =	ssyncadd.s32 $0xFFFFFFFF  }
0xa5: {  	s26 =	simm.s32 $execute0_lowered;
	[smem:$0x3FD2] =	sst s25  }
0xa6: {  	s5 =	sshll.u32 s26, $0x1;
	_ =	strace $0x80000046;
	[dreg:$0x1] =	wrdreg $0xFFFFFFFF  }
0xa7: {  	s28 =	simm.s32 $_size_execute0_lowered;
	s3 =	sadd.s32 s3, s5;
	[dreg:$0x0] =	wrdreg $0x0  }
0xa8: {  	s5 =	sshll.u32 s28, $0x1;
	[dreg:$0x2] =	wrdreg s3  }
0xa9: {  	[dreg:$0x3] =	wrdreg s5  }
0xaa: {  	[dreg:$0x4] =	wrdreg $0xC0  }
0xab: {  	_ =	task [dreg:s7], $0x5FFFF  }
0xac: {  	[dreg:$0x1] =	wrdreg $0xFFFFFFFF  }
0xad: {  	[dreg:$0x0] =	wrdreg $0x60  }
0xae: {  	[dreg:$0x2] =	wrdreg s24  }
0xaf: {  	[dreg:$0x3] =	wrdreg s2  }
0xb0: {  	[dreg:$0x4] =	wrdreg $0x9  }
0xb1: {  	_ =	task.clear_ibuf [dreg:s7], $0x5FFFF;
	_ =	strace $0x90000046  }
0xb2: {  	s29 =	simm.s32 $0x9;
	_ =	strace $0x80000048  }
0xb3: {  	_ =	swait.ge [sflag:s29], $0x1  }
0xb4: {  	[sflag:s29] =	ssyncadd.s32 $0xFFFFFFFF  }
0xb5: {  	_ =	strace $0x90000048  }
0xb6: {  	_ =	sfence  }
0xb7: {  	s30 =	sld [smem:$0x0];
	_ =	sdelay $0x2  }
0xb8: {  	s31 =	sshll.u32 s1, $0xD;
	s1 =	sshrl.u32 s1, $0x2  }
0xb9: {  	s3 =	sand.u32 $0x4000, s31;
	s1 =	sadd.s32 s1, s30  }
0xba: {  	s0 =	sor.u32 s3, s0;
	s1 =	sshll.u32 s1, $0x11  }
0xbb: {  	s0 =	sor.u32 s1, s0  }
0xbc: {  	s0 =	sadd.s32 $0x8F2B, s0  }
0xbd: {  	[sflag:s0] =	ssyncadd.remote.s32 $0x1  }
0xbe: {  	_ =	sfence.sel $0xFFFF  }
0xbf: {  	[dreg:$0x0] =	wrdreg $0xFFFFFFFF;
	(pc) =	sbr.abs _section_cstart, $3  }
0xc0: {  	[dreg:$0x1] =	wrdreg $0xFFFFFFFF  }
0xc1: {  	_ =	task.clear_ibuf [dreg:s7], $0x2FFFF;
	_ =	strace $0x9FFFFFFF  }
0xc2: {  	(tm) =	ssettm $0x7FFFFFFF  }
0xc3: {  	_ =	shalt  }
tec
execute0_lowered:
.L_overlay_start_1:
0x0: {  	(tag) =	ssettag $0x1  }
0x1: {  	s1 =	srdreg.scid;
	s4 =	rddreg [dreg:$0x0]  }
0x2: {  	s0 =	stileid.u32;
	s6 =	rddreg [dreg:$0x1];
	s10 =	simm.s32 $0x68  }
0x3: {  	s11 =	simm.s32 $0x7400;
	s12 =	simm.s32 $0x60;
	s13 =	simm.s32 $0x8100  }
0x4: {  	s14 =	simm.s32 $0x8D00;
	s15 =	simm.s32 $0x3460;
	s16 =	simm.s32 $0x9A00  }
0x5: {  	s17 =	simm.s32 $0x1;
	s18 =	simm.s32 $0x2;
	s3 =	sand.u32 $0x1, s1  }
0x6: {  	s19 =	simm.s32 $0x3;
	s29 =	sshll.u32 s0, $0x8;
	s2 =	sshll.u32 s3, $0x7  }
0x7: {  	s20 =	simm.s32 $0x4;
	s21 =	simm.s32 $0x6400;
	s5 =	sor.u32 s2, s29  }
0x8: {  	s22 =	simm.s32 $0x0;
	s1 =	rddreg [dreg:$0x2];
	s7 =	smul.u32 $0xD, s5  }
0x9: {  	s9 =	ssub.s32 $0x2, s3;
	s3 =	sadd.s32 $0xF7C400, s4;
	s8 =	smul.u32 $0xC, s5  }
.Ltmp0:
0xa: {  	s2 =	simm.s32 $0x0;
	s30 =	sshrl.u32 s9, $0x1;
	(pc) =	sbr.rel .LBB2_1-.Ltmp0, $4  }
0xb: {  	[smem:$0x7FF] =	sst s2;
	s9 =	ssub.s32 s9, s30;
	s31 =	sshll.u32 s5, $0x2  }
0xc: {  	_ =	strace $0x80000047;
	s7 =	sadd.s32 s7, s4;
	s8 =	sadd.s32 s8, s4  }
0xd: {  	s6 =	sadd.s32 s6, s31;
	s4 =	sadd.s32 $0x2D000, s7;
	s5 =	sadd.s32 $0x21000, s8  }
0xe: {  	s7 =	smax.u32 s9, $0x1;
	s8 =	simm.s32 $0x5;
	s9 =	simm.s32 $0x3400  }
.LBB2_4:
0xf: {  	s22 =	sadd.s32 $0x1, s22  }
0x10: {  	[tilespmem:s23+$0x0] =	vst v1;
	p0 =	sne.s32 s22, s7  }
.Ltmp1:
0x11: {  	[tilespmem:s23+$0x10] =	vst v0;
	(pc) =	sbr.rel @!p0 .LBB2_5-.Ltmp1, $4  }
0x12: {  	[hbm4b:s6+s2] =	stream.linear.scatter [tilespmem:s21], [sflag:$0x5], $0x1000, $0x38;
	[tilespmem:$0xA600] =	vst v63  }
0x13: {  	_ =	swait.ge [sflag:s8], $0x1000  }
0x14: {  	[sflag:s8] =	ssyncset.done $0x0  }
0x15: {  	[sflag:s8] =	ssyncadd.s32 $0xFFFFF000  }
.LBB2_1:
0x16: {  	[tilespmem:s2], [sflag:$0x5] =	stream.linear.gather [hbm4b:s4+s2], $0x3400, $0x38;
	[tilespmem:$0xA600] =	vst v63  }
0x17: {  	_ =	swait.ge [sflag:s8], $0x3400  }
0x18: {  	[sflag:s8] =	ssyncset.done $0x0  }
0x19: {  	[sflag:s8] =	ssyncadd.s32 $0xFFFFCC00  }
0x1a: {  	[tilespmem:s9], [sflag:$0x5] =	stream.linear.gather [hbm4b:s5+s2], $0x3000, $0x38;
	[tilespmem:$0xA600] =	vst v63  }
0x1b: {  	_ =	swait.ge [sflag:s8], $0x3000  }
0x1c: {  	[sflag:s8] =	ssyncset.done $0x0  }
0x1d: {  	[sflag:s8] =	ssyncadd.s32 $0xFFFFD000  }
0x1e: {  	[tilespmem:s11], [sflag:$0x1] =	stream.indirect.gather [hbm4b:s3+s10], $0x20, s2, s10, $0xb8;
	[tilespmem:$0xA600] =	vst v63  }
0x1f: {  	_ = 	snop  }
0x20: {  	[tilespmem:s13], [sflag:$0x2] =	stream.indirect.gather [hbm4b:s3+s12], $0x20, s9, s12, $0xb8;
	[tilespmem:$0xA600] =	vst v63  }
0x21: {  	_ = 	snop  }
0x22: {  	[tilespmem:s14], [sflag:$0x3] =	stream.indirect.gather [hbm4b:s3+s10], $0x20, s10, s10, $0xb8;
	[tilespmem:$0xA600] =	vst v63  }
0x23: {  	s24 =	simm.s32 $0x34C0;
	s25 =	simm.s32 $0xFFFF3340;
	s23 =	simm.s32 $0x6420  }
0x24: {  	[tilespmem:s16], [sflag:$0x4] =	stream.indirect.gather [hbm4b:s3+s12], $0x20, s15, s12, $0xb8;
	[tilespmem:$0xA600] =	vst v63  }
.LBB2_2:
0x25: {  	_ =	swait.ge [sflag:s17], $0xD00  }
0x26: {  	[sflag:s17] =	ssyncset.done $0x0  }
0x27: {  	[sflag:s17] =	ssyncadd.s32 $0xFFFFF300  }
0x28: {  	v0 =	vld [tilespmem:$0x7400]  }
0x29: {  	v1 =	vld [tilespmem:$0x7410]  }
0x2a: {  	v2 =	vld [tilespmem:$0x7420]  }
0x2b: {  	v3 =	vld [tilespmem:$0x7430]  }
0x2c: {  	v4 =	vld [tilespmem:$0x7440]  }
0x2d: {  	v5 =	vld [tilespmem:$0x7450]  }
0x2e: {  	v6 =	vld [tilespmem:$0x7460]  }
0x2f: {  	v7 =	vld [tilespmem:$0x7470]  }
0x30: {  	v8 =	vld [tilespmem:$0x7480];
	v0 =	vadd.f32 $0.0e+00, v0  }
0x31: {  	v9 =	vld [tilespmem:$0x7490];
	v1 =	vadd.f32 $0.0e+00, v1  }
0x32: {  	v10 =	vld [tilespmem:$0x74A0];
	v0 =	vadd.f32 v2, v0  }
0x33: {  	v38 =	vld [tilespmem:$0x74D0];
	v1 =	vadd.f32 v3, v1  }
0x34: {  	v39 =	vld [tilespmem:$0x74E0];
	v0 =	vadd.f32 v4, v0  }
0x35: {  	v40 =	vld [tilespmem:$0x74F0];
	v1 =	vadd.f32 v5, v1  }
0x36: {  	v2 =	vld [tilespmem:$0x74B0];
	v0 =	vadd.f32 v6, v0  }
0x37: {  	v3 =	vld [tilespmem:$0x74C0];
	v1 =	vadd.f32 v7, v1  }
0x38: {  	v41 =	vld [tilespmem:$0x7500];
	v0 =	vadd.f32 v8, v0  }
0x39: {  	v42 =	vld [tilespmem:$0x7510];
	v1 =	vadd.f32 v9, v1  }
0x3a: {  	v43 =	vld [tilespmem:$0x7520];
	v0 =	vadd.f32 v10, v0  }
0x3b: {  	v44 =	vld [tilespmem:$0x7530];
	v1 =	vadd.f32 v2, v1  }
0x3c: {  	v45 =	vld [tilespmem:$0x7560];
	v0 =	vadd.f32 v3, v0  }
0x3d: {  	v46 =	vld [tilespmem:$0x7570];
	v1 =	vadd.f32 v38, v1  }
0x3e: {  	v47 =	vld [tilespmem:$0x7580];
	v0 =	vadd.f32 v39, v0  }
0x3f: {  	v2 =	vld [tilespmem:$0x7540];
	v1 =	vadd.f32 v40, v1  }
0x40: {  	v3 =	vld [tilespmem:$0x7550];
	v0 =	vadd.f32 v41, v0  }
0x41: {  	v48 =	vld [tilespmem:$0x7590];
	v1 =	vadd.f32 v42, v1  }
0x42: {  	v49 =	vld [tilespmem:$0x75A0];
	v0 =	vadd.f32 v43, v0  }
0x43: {  	v50 =	vld [tilespmem:$0x75B0];
	v1 =	vadd.f32 v44, v1  }
0x44: {  	v51 =	vld [tilespmem:$0x75C0];
	v0 =	vadd.f32 v2, v0  }
0x45: {  	v52 =	vld [tilespmem:$0x75F0];
	v1 =	vadd.f32 v3, v1  }
0x46: {  	v53 =	vld [tilespmem:$0x7600];
	v0 =	vadd.f32 v45, v0  }
0x47: {  	v54 =	vld [tilespmem:$0x7610];
	v1 =	vadd.f32 v46, v1  }
0x48: {  	v2 =	vld [tilespmem:$0x75D0];
	v0 =	vadd.f32 v47, v0  }
0x49: {  	v3 =	vld [tilespmem:$0x75E0];
	v1 =	vadd.f32 v48, v1  }
0x4a: {  	v55 =	vld [tilespmem:$0x7620];
	v0 =	vadd.f32 v49, v0  }
0x4b: {  	v56 =	vld [tilespmem:$0x7630];
	v1 =	vadd.f32 v50, v1  }
0x4c: {  	v57 =	vld [tilespmem:$0x7640];
	v0 =	vadd.f32 v51, v0  }
0x4d: {  	v58 =	vld [tilespmem:$0x7650];
	v1 =	vadd.f32 v2, v1  }
0x4e: {  	v59 =	vld [tilespmem:$0x7680];
	v0 =	vadd.f32 v3, v0  }
0x4f: {  	v60 =	vld [tilespmem:$0x7690];
	v1 =	vadd.f32 v52, v1  }
0x50: {  	v61 =	vld [tilespmem:$0x76A0];
	v0 =	vadd.f32 v53, v0  }
0x51: {  	v2 =	vld [tilespmem:$0x7660];
	v1 =	vadd.f32 v54, v1  }
0x52: {  	v3 =	vld [tilespmem:$0x7670];
	v0 =	vadd.f32 v55, v0  }
0x53: {  	v62 =	vld [tilespmem:$0x76B0];
	v1 =	vadd.f32 v56, v1  }
0x54: {  	v63 =	vld [tilespmem:$0x76C0];
	v0 =	vadd.f32 v57, v0  }
0x55: {  	v12 =	vld [tilespmem:$0x76D0];
	v1 =	vadd.f32 v58, v1  }
0x56: {  	v13 =	vld [tilespmem:$0x76E0];
	v0 =	vadd.f32 v2, v0  }
0x57: {  	v14 =	vld [tilespmem:$0x7710];
	v1 =	vadd.f32 v3, v1  }
0x58: {  	v15 =	vld [tilespmem:$0x7720];
	v0 =	vadd.f32 v59, v0  }
0x59: {  	v16 =	vld [tilespmem:$0x7730];
	v1 =	vadd.f32 v60, v1  }
0x5a: {  	v2 =	vld [tilespmem:$0x76F0];
	v0 =	vadd.f32 v61, v0  }
0x5b: {  	v3 =	vld [tilespmem:$0x7700];
	v1 =	vadd.f32 v62, v1  }
0x5c: {  	v17 =	vld [tilespmem:$0x7740];
	v0 =	vadd.f32 v63, v0  }
0x5d: {  	v18 =	vld [tilespmem:$0x7750];
	v1 =	vadd.f32 v12, v1  }
0x5e: {  	v19 =	vld [tilespmem:$0x7760];
	v0 =	vadd.f32 v13, v0  }
0x5f: {  	v20 =	vld [tilespmem:$0x7770];
	v1 =	vadd.f32 v2, v1  }
0x60: {  	v21 =	vld [tilespmem:$0x77A0];
	v0 =	vadd.f32 v3, v0  }
0x61: {  	v22 =	vld [tilespmem:$0x77B0];
	v1 =	vadd.f32 v14, v1  }
0x62: {  	v23 =	vld [tilespmem:$0x77C0];
	v0 =	vadd.f32 v15, v0  }
0x63: {  	v2 =	vld [tilespmem:$0x7780];
	v1 =	vadd.f32 v16, v1  }
0x64: {  	v3 =	vld [tilespmem:$0x7790];
	v0 =	vadd.f32 v17, v0  }
0x65: {  	v24 =	vld [tilespmem:$0x77D0];
	v1 =	vadd.f32 v18, v1  }
0x66: {  	v25 =	vld [tilespmem:$0x77E0];
	v0 =	vadd.f32 v19, v0  }
0x67: {  	v26 =	vld [tilespmem:$0x77F0];
	v1 =	vadd.f32 v20, v1  }
0x68: {  	v27 =	vld [tilespmem:$0x7800];
	v0 =	vadd.f32 v2, v0  }
0x69: {  	v28 =	vld [tilespmem:$0x7830];
	v1 =	vadd.f32 v3, v1  }
0x6a: {  	v29 =	vld [tilespmem:$0x7840];
	v0 =	vadd.f32 v21, v0  }
0x6b: {  	v30 =	vld [tilespmem:$0x7850];
	v1 =	vadd.f32 v22, v1  }
0x6c: {  	v2 =	vld [tilespmem:$0x7810];
	v0 =	vadd.f32 v23, v0  }
0x6d: {  	v3 =	vld [tilespmem:$0x7820];
	v1 =	vadd.f32 v24, v1  }
0x6e: {  	v31 =	vld [tilespmem:$0x7860];
	v0 =	vadd.f32 v25, v0  }
0x6f: {  	v32 =	vld [tilespmem:$0x7870];
	v1 =	vadd.f32 v26, v1  }
0x70: {  	v33 =	vld [tilespmem:$0x7880];
	v0 =	vadd.f32 v27, v0  }
0x71: {  	v34 =	vld [tilespmem:$0x7890];
	v1 =	vadd.f32 v2, v1  }
0x72: {  	v35 =	vld [tilespmem:$0x78C0];
	v0 =	vadd.f32 v3, v0  }
0x73: {  	v36 =	vld [tilespmem:$0x78D0];
	v1 =	vadd.f32 v28, v1  }
0x74: {  	v37 =	vld [tilespmem:$0x78E0];
	v0 =	vadd.f32 v29, v0  }
0x75: {  	v2 =	vld [tilespmem:$0x78A0];
	v1 =	vadd.f32 v30, v1  }
0x76: {  	v3 =	vld [tilespmem:$0x78B0];
	v0 =	vadd.f32 v31, v0  }
0x77: {  	v38 =	vld [tilespmem:$0x78F0];
	v1 =	vadd.f32 v32, v1  }
0x78: {  	v39 =	vld [tilespmem:$0x7900];
	v0 =	vadd.f32 v33, v0  }
0x79: {  	v40 =	vld [tilespmem:$0x7910];
	v1 =	vadd.f32 v34, v1  }
0x7a: {  	v41 =	vld [tilespmem:$0x7920];
	v0 =	vadd.f32 v2, v0  }
0x7b: {  	v42 =	vld [tilespmem:$0x7950];
	v1 =	vadd.f32 v3, v1  }
0x7c: {  	v43 =	vld [tilespmem:$0x7960];
	v0 =	vadd.f32 v35, v0  }
0x7d: {  	v44 =	vld [tilespmem:$0x7970];
	v1 =	vadd.f32 v36, v1  }
0x7e: {  	v2 =	vld [tilespmem:$0x7930];
	v0 =	vadd.f32 v37, v0  }
0x7f: {  	v3 =	vld [tilespmem:$0x7940];
	v1 =	vadd.f32 v38, v1  }
0x80: {  	v45 =	vld [tilespmem:$0x7980];
	v0 =	vadd.f32 v39, v0  }
0x81: {  	v46 =	vld [tilespmem:$0x7990];
	v1 =	vadd.f32 v40, v1  }
0x82: {  	v47 =	vld [tilespmem:$0x79A0];
	v0 =	vadd.f32 v41, v0  }
0x83: {  	v48 =	vld [tilespmem:$0x79B0];
	v1 =	vadd.f32 v2, v1  }
0x84: {  	v49 =	vld [tilespmem:$0x79E0];
	v0 =	vadd.f32 v3, v0  }
0x85: {  	v50 =	vld [tilespmem:$0x79F0];
	v1 =	vadd.f32 v42, v1  }
0x86: {  	v51 =	vld [tilespmem:$0x7A00];
	v0 =	vadd.f32 v43, v0  }
0x87: {  	v2 =	vld [tilespmem:$0x79C0];
	v1 =	vadd.f32 v44, v1  }
0x88: {  	v3 =	vld [tilespmem:$0x79D0];
	v0 =	vadd.f32 v45, v0  }
0x89: {  	v52 =	vld [tilespmem:$0x7A10];
	v1 =	vadd.f32 v46, v1  }
0x8a: {  	v53 =	vld [tilespmem:$0x7A20];
	v0 =	vadd.f32 v47, v0  }
0x8b: {  	v54 =	vld [tilespmem:$0x7A30];
	v1 =	vadd.f32 v48, v1  }
0x8c: {  	v55 =	vld [tilespmem:$0x7A40];
	v0 =	vadd.f32 v2, v0  }
0x8d: {  	v56 =	vld [tilespmem:$0x7A70];
	v1 =	vadd.f32 v3, v1  }
0x8e: {  	v57 =	vld [tilespmem:$0x7A80];
	v0 =	vadd.f32 v49, v0  }
0x8f: {  	v58 =	vld [tilespmem:$0x7A90];
	v1 =	vadd.f32 v50, v1  }
0x90: {  	v2 =	vld [tilespmem:$0x7A50];
	v0 =	vadd.f32 v51, v0  }
0x91: {  	v3 =	vld [tilespmem:$0x7A60];
	v1 =	vadd.f32 v52, v1  }
0x92: {  	v59 =	vld [tilespmem:$0x7AA0];
	v0 =	vadd.f32 v53, v0  }
0x93: {  	v60 =	vld [tilespmem:$0x7AB0];
	v1 =	vadd.f32 v54, v1  }
0x94: {  	v61 =	vld [tilespmem:$0x7AC0];
	v0 =	vadd.f32 v55, v0  }
0x95: {  	v62 =	vld [tilespmem:$0x7AD0];
	v1 =	vadd.f32 v2, v1  }
0x96: {  	v63 =	vld [tilespmem:$0x7B00];
	v0 =	vadd.f32 v3, v0  }
0x97: {  	v12 =	vld [tilespmem:$0x7B10];
	v1 =	vadd.f32 v56, v1  }
0x98: {  	v13 =	vld [tilespmem:$0x7B20];
	v0 =	vadd.f32 v57, v0  }
0x99: {  	v2 =	vld [tilespmem:$0x7AE0];
	v1 =	vadd.f32 v58, v1  }
0x9a: {  	v3 =	vld [tilespmem:$0x7AF0];
	v0 =	vadd.f32 v59, v0  }
0x9b: {  	v14 =	vld [tilespmem:$0x7B30];
	v1 =	vadd.f32 v60, v1  }
0x9c: {  	v15 =	vld [tilespmem:$0x7B40];
	v0 =	vadd.f32 v61, v0  }
0x9d: {  	v16 =	vld [tilespmem:$0x7B50];
	v1 =	vadd.f32 v62, v1  }
0x9e: {  	v17 =	vld [tilespmem:$0x7B60];
	v0 =	vadd.f32 v2, v0  }
0x9f: {  	v18 =	vld [tilespmem:$0x7B90];
	v1 =	vadd.f32 v3, v1  }
0xa0: {  	v19 =	vld [tilespmem:$0x7BA0];
	v0 =	vadd.f32 v63, v0  }
0xa1: {  	v20 =	vld [tilespmem:$0x7BB0];
	v1 =	vadd.f32 v12, v1  }
0xa2: {  	v2 =	vld [tilespmem:$0x7B70];
	v0 =	vadd.f32 v13, v0  }
0xa3: {  	v3 =	vld [tilespmem:$0x7B80];
	v1 =	vadd.f32 v14, v1  }
0xa4: {  	v21 =	vld [tilespmem:$0x7BC0];
	v0 =	vadd.f32 v15, v0  }
0xa5: {  	v22 =	vld [tilespmem:$0x7BD0];
	v1 =	vadd.f32 v16, v1  }
0xa6: {  	v23 =	vld [tilespmem:$0x7BE0];
	v0 =	vadd.f32 v17, v0  }
0xa7: {  	v24 =	vld [tilespmem:$0x7BF0];
	v1 =	vadd.f32 v2, v1  }
0xa8: {  	v25 =	vld [tilespmem:$0x7C20];
	v0 =	vadd.f32 v3, v0  }
0xa9: {  	v26 =	vld [tilespmem:$0x7C30];
	v1 =	vadd.f32 v18, v1  }
0xaa: {  	v27 =	vld [tilespmem:$0x7C40];
	v0 =	vadd.f32 v19, v0  }
0xab: {  	v2 =	vld [tilespmem:$0x7C00];
	v1 =	vadd.f32 v20, v1  }
0xac: {  	v3 =	vld [tilespmem:$0x7C10];
	v0 =	vadd.f32 v21, v0  }
0xad: {  	v28 =	vld [tilespmem:$0x7C50];
	v1 =	vadd.f32 v22, v1  }
0xae: {  	v29 =	vld [tilespmem:$0x7C60];
	v0 =	vadd.f32 v23, v0  }
0xaf: {  	v30 =	vld [tilespmem:$0x7C70];
	v1 =	vadd.f32 v24, v1  }
0xb0: {  	v31 =	vld [tilespmem:$0x7C80];
	v0 =	vadd.f32 v2, v0  }
0xb1: {  	v32 =	vld [tilespmem:$0x7CB0];
	v1 =	vadd.f32 v3, v1  }
0xb2: {  	v33 =	vld [tilespmem:$0x7CC0];
	v0 =	vadd.f32 v25, v0  }
0xb3: {  	v34 =	vld [tilespmem:$0x7CD0];
	v1 =	vadd.f32 v26, v1  }
0xb4: {  	v2 =	vld [tilespmem:$0x7C90];
	v0 =	vadd.f32 v27, v0  }
0xb5: {  	v3 =	vld [tilespmem:$0x7CA0];
	v1 =	vadd.f32 v28, v1  }
0xb6: {  	v35 =	vld [tilespmem:$0x7CE0];
	v0 =	vadd.f32 v29, v0  }
0xb7: {  	v36 =	vld [tilespmem:$0x7CF0];
	v1 =	vadd.f32 v30, v1  }
0xb8: {  	v37 =	vld [tilespmem:$0x7D00];
	v0 =	vadd.f32 v31, v0  }
0xb9: {  	v38 =	vld [tilespmem:$0x7D10];
	v1 =	vadd.f32 v2, v1  }
0xba: {  	v39 =	vld [tilespmem:$0x7D40];
	v0 =	vadd.f32 v3, v0  }
0xbb: {  	v40 =	vld [tilespmem:$0x7D50];
	v1 =	vadd.f32 v32, v1  }
0xbc: {  	v41 =	vld [tilespmem:$0x7D60];
	v0 =	vadd.f32 v33, v0  }
0xbd: {  	v2 =	vld [tilespmem:$0x7D20];
	v1 =	vadd.f32 v34, v1  }
0xbe: {  	v3 =	vld [tilespmem:$0x7D30];
	v0 =	vadd.f32 v35, v0  }
0xbf: {  	v42 =	vld [tilespmem:$0x7D70];
	v1 =	vadd.f32 v36, v1  }
0xc0: {  	v43 =	vld [tilespmem:$0x7D80];
	v0 =	vadd.f32 v37, v0  }
0xc1: {  	v44 =	vld [tilespmem:$0x7D90];
	v1 =	vadd.f32 v38, v1  }
0xc2: {  	v45 =	vld [tilespmem:$0x7DA0];
	v0 =	vadd.f32 v2, v0  }
0xc3: {  	v46 =	vld [tilespmem:$0x7DD0];
	v1 =	vadd.f32 v3, v1  }
0xc4: {  	v47 =	vld [tilespmem:$0x7DE0];
	v0 =	vadd.f32 v39, v0  }
0xc5: {  	v48 =	vld [tilespmem:$0x7DF0];
	v1 =	vadd.f32 v40, v1  }
0xc6: {  	v2 =	vld [tilespmem:$0x7DB0];
	v0 =	vadd.f32 v41, v0  }
0xc7: {  	v3 =	vld [tilespmem:$0x7DC0];
	v1 =	vadd.f32 v42, v1  }
0xc8: {  	v49 =	vld [tilespmem:$0x7E00];
	v0 =	vadd.f32 v43, v0  }
0xc9: {  	v50 =	vld [tilespmem:$0x7E10];
	v1 =	vadd.f32 v44, v1  }
0xca: {  	v51 =	vld [tilespmem:$0x7E20];
	v0 =	vadd.f32 v45, v0  }
0xcb: {  	v52 =	vld [tilespmem:$0x7E30];
	v1 =	vadd.f32 v2, v1  }
0xcc: {  	v53 =	vld [tilespmem:$0x7E60];
	v0 =	vadd.f32 v3, v0  }
0xcd: {  	v54 =	vld [tilespmem:$0x7E70];
	v1 =	vadd.f32 v46, v1  }
0xce: {  	v55 =	vld [tilespmem:$0x7E80];
	v0 =	vadd.f32 v47, v0  }
0xcf: {  	v2 =	vld [tilespmem:$0x7E40];
	v1 =	vadd.f32 v48, v1  }
0xd0: {  	v3 =	vld [tilespmem:$0x7E50];
	v0 =	vadd.f32 v49, v0  }
0xd1: {  	v56 =	vld [tilespmem:$0x7E90];
	v1 =	vadd.f32 v50, v1  }
0xd2: {  	v57 =	vld [tilespmem:$0x7EA0];
	v0 =	vadd.f32 v51, v0  }
0xd3: {  	v58 =	vld [tilespmem:$0x7EB0];
	v1 =	vadd.f32 v52, v1  }
0xd4: {  	v59 =	vld [tilespmem:$0x7EC0];
	v0 =	vadd.f32 v2, v0  }
0xd5: {  	v60 =	vld [tilespmem:$0x7EF0];
	v1 =	vadd.f32 v3, v1  }
0xd6: {  	v61 =	vld [tilespmem:$0x7F00];
	v0 =	vadd.f32 v53, v0  }
0xd7: {  	v62 =	vld [tilespmem:$0x7F10];
	v1 =	vadd.f32 v54, v1  }
0xd8: {  	v2 =	vld [tilespmem:$0x7ED0];
	v0 =	vadd.f32 v55, v0  }
0xd9: {  	v3 =	vld [tilespmem:$0x7EE0];
	v1 =	vadd.f32 v56, v1  }
0xda: {  	v63 =	vld [tilespmem:$0x7F20];
	v0 =	vadd.f32 v57, v0  }
0xdb: {  	v12 =	vld [tilespmem:$0x7F30];
	v1 =	vadd.f32 v58, v1  }
0xdc: {  	v13 =	vld [tilespmem:$0x7F40];
	v0 =	vadd.f32 v59, v0  }
0xdd: {  	v14 =	vld [tilespmem:$0x7F50];
	v1 =	vadd.f32 v2, v1  }
0xde: {  	v15 =	vld [tilespmem:$0x7F80];
	v0 =	vadd.f32 v3, v0  }
0xdf: {  	v16 =	vld [tilespmem:$0x7F90];
	v1 =	vadd.f32 v60, v1  }
0xe0: {  	v17 =	vld [tilespmem:$0x7FA0];
	v0 =	vadd.f32 v61, v0  }
0xe1: {  	v2 =	vld [tilespmem:$0x7F60];
	v1 =	vadd.f32 v62, v1  }
0xe2: {  	v3 =	vld [tilespmem:$0x7F70];
	v0 =	vadd.f32 v63, v0  }
0xe3: {  	v18 =	vld [tilespmem:$0x7FB0];
	v1 =	vadd.f32 v12, v1  }
0xe4: {  	v19 =	vld [tilespmem:$0x7FC0];
	v0 =	vadd.f32 v13, v0  }
0xe5: {  	v20 =	vld [tilespmem:$0x7FD0];
	v1 =	vadd.f32 v14, v1  }
0xe6: {  	v21 =	vld [tilespmem:$0x7FE0];
	v0 =	vadd.f32 v2, v0  }
0xe7: {  	v22 =	vld [tilespmem:$0x8010];
	v1 =	vadd.f32 v3, v1  }
0xe8: {  	v23 =	vld [tilespmem:$0x8020];
	v0 =	vadd.f32 v15, v0  }
0xe9: {  	v24 =	vld [tilespmem:$0x8030];
	v1 =	vadd.f32 v16, v1  }
0xea: {  	v2 =	vld [tilespmem:$0x7FF0];
	v0 =	vadd.f32 v17, v0  }
0xeb: {  	v3 =	vld [tilespmem:$0x8000];
	v1 =	vadd.f32 v18, v1  }
0xec: {  	v25 =	vld [tilespmem:$0x8040];
	v0 =	vadd.f32 v19, v0  }
0xed: {  	v26 =	vld [tilespmem:$0x8050];
	v1 =	vadd.f32 v20, v1  }
0xee: {  	v27 =	vld [tilespmem:$0x8060];
	v0 =	vadd.f32 v21, v0  }
0xef: {  	v28 =	vld [tilespmem:$0x8070];
	v1 =	vadd.f32 v2, v1  }
0xf0: {  	v29 =	vld [tilespmem:$0x80A0];
	v0 =	vadd.f32 v3, v0  }
0xf1: {  	v30 =	vld [tilespmem:$0x80B0];
	v1 =	vadd.f32 v22, v1  }
0xf2: {  	v31 =	vld [tilespmem:$0x80C0];
	v0 =	vadd.f32 v23, v0  }
0xf3: {  	v2 =	vld [tilespmem:$0x8080];
	v1 =	vadd.f32 v24, v1  }
0xf4: {  	p0 =	seq.s32 s25, $0x0;
	v3 =	vld [tilespmem:$0x8090];
	v0 =	vadd.f32 v25, v0  }
0xf5: {  	s26 =	sshra.s32 @!p0 s25, $0x2;
	v32 =	vld [tilespmem:$0x80D0];
	v1 =	vadd.f32 v26, v1  }
0xf6: {  	s28 =	simm.s32 @!p0 $0x68;
	s30 =	simm.s32 @!p0 $0x7400;
	s29 =	sadd.s32 @!p0 $0x3400, s26;
	v33 =	vld [tilespmem:$0x80E0];
	v0 =	vadd.f32 v27, v0  }
0xf7: {  	v34 =	vld [tilespmem:$0x80F0];
	[tilespmem:s30], [sflag:$0x1] =	stream.indirect.gather @!p0 [hbm4b:s3+s28], $0x20, s29, s28, $0xb8;
	v1 =	vadd.f32 v28, v1  }
0xf8: {  	_ =	swait.ge [sflag:s18], $0xC00;
	v0 =	vadd.f32 v2, v0  }
0xf9: {  	[sflag:s18] =	ssyncset.done $0x0;
	v1 =	vadd.f32 v3, v1  }
0xfa: {  	[sflag:s18] =	ssyncadd.s32 $0xFFFFF400;
	v0 =	vadd.f32 v29, v0  }
0xfb: {  	v2 =	vld [tilespmem:$0x8100];
	v1 =	vadd.f32 v30, v1  }
0xfc: {  	v3 =	vld [tilespmem:$0x8110];
	v0 =	vadd.f32 v31, v0  }
0xfd: {  	v35 =	vld [tilespmem:$0x8120];
	v1 =	vadd.f32 v32, v1  }
0xfe: {  	v36 =	vld [tilespmem:$0x8130];
	v0 =	vadd.f32 v33, v0  }
0xff: {  	v37 =	vld [tilespmem:$0x8140];
	v1 =	vadd.f32 v34, v1  }
0x100: {  	v0 =	vadd.f32 v2, v0;
	v2 =	vld [tilespmem:$0x8150]  }
0x101: {  	v1 =	vadd.f32 v3, v1;
	v3 =	vld [tilespmem:$0x8160]  }
0x102: {  	v38 =	vld [tilespmem:$0x8170];
	v0 =	vadd.f32 v35, v0  }
0x103: {  	v39 =	vld [tilespmem:$0x8180];
	v1 =	vadd.f32 v36, v1  }
0x104: {  	v40 =	vld [tilespmem:$0x8190];
	v0 =	vadd.f32 v37, v0  }
0x105: {  	v1 =	vadd.f32 v2, v1;
	v2 =	vld [tilespmem:$0x81A0]  }
0x106: {  	v0 =	vadd.f32 v3, v0;
	v3 =	vld [tilespmem:$0x81B0]  }
0x107: {  	v41 =	vld [tilespmem:$0x81C0];
	v1 =	vadd.f32 v38, v1  }
0x108: {  	v42 =	vld [tilespmem:$0x81D0];
	v0 =	vadd.f32 v39, v0  }
0x109: {  	v43 =	vld [tilespmem:$0x81E0];
	v1 =	vadd.f32 v40, v1  }
0x10a: {  	v0 =	vadd.f32 v2, v0;
	v2 =	vld [tilespmem:$0x81F0]  }
0x10b: {  	v1 =	vadd.f32 v3, v1;
	v3 =	vld [tilespmem:$0x8200]  }
0x10c: {  	v44 =	vld [tilespmem:$0x8210];
	v0 =	vadd.f32 v41, v0  }
0x10d: {  	v45 =	vld [tilespmem:$0x8220];
	v1 =	vadd.f32 v42, v1  }
0x10e: {  	v46 =	vld [tilespmem:$0x8230];
	v0 =	vadd.f32 v43, v0  }
0x10f: {  	v1 =	vadd.f32 v2, v1;
	v2 =	vld [tilespmem:$0x8240]  }
0x110: {  	v0 =	vadd.f32 v3, v0;
	v3 =	vld [tilespmem:$0x8250]  }
0x111: {  	v47 =	vld [tilespmem:$0x8260];
	v1 =	vadd.f32 v44, v1  }
0x112: {  	v48 =	vld [tilespmem:$0x8270];
	v0 =	vadd.f32 v45, v0  }
0x113: {  	v49 =	vld [tilespmem:$0x8280];
	v1 =	vadd.f32 v46, v1  }
0x114: {  	v0 =	vadd.f32 v2, v0;
	v2 =	vld [tilespmem:$0x8290]  }
0x115: {  	v1 =	vadd.f32 v3, v1;
	v3 =	vld [tilespmem:$0x82A0]  }
0x116: {  	v50 =	vld [tilespmem:$0x82B0];
	v0 =	vadd.f32 v47, v0  }
0x117: {  	v51 =	vld [tilespmem:$0x82C0];
	v1 =	vadd.f32 v48, v1  }
0x118: {  	v52 =	vld [tilespmem:$0x82D0];
	v0 =	vadd.f32 v49, v0  }
0x119: {  	v1 =	vadd.f32 v2, v1;
	v2 =	vld [tilespmem:$0x82E0]  }
0x11a: {  	v0 =	vadd.f32 v3, v0;
	v3 =	vld [tilespmem:$0x82F0]  }
0x11b: {  	v53 =	vld [tilespmem:$0x8300];
	v1 =	vadd.f32 v50, v1  }
0x11c: {  	v54 =	vld [tilespmem:$0x8310];
	v0 =	vadd.f32 v51, v0  }
0x11d: {  	v55 =	vld [tilespmem:$0x8320];
	v1 =	vadd.f32 v52, v1  }
0x11e: {  	v0 =	vadd.f32 v2, v0;
	v2 =	vld [tilespmem:$0x8330]  }
0x11f: {  	v1 =	vadd.f32 v3, v1;
	v3 =	vld [tilespmem:$0x8340]  }
0x120: {  	v56 =	vld [tilespmem:$0x8350];
	v0 =	vadd.f32 v53, v0  }
0x121: {  	v57 =	vld [tilespmem:$0x8360];
	v1 =	vadd.f32 v54, v1  }
0x122: {  	v58 =	vld [tilespmem:$0x8370];
	v0 =	vadd.f32 v55, v0  }
0x123: {  	v1 =	vadd.f32 v2, v1;
	v2 =	vld [tilespmem:$0x8380]  }
0x124: {  	v0 =	vadd.f32 v3, v0;
	v3 =	vld [tilespmem:$0x8390]  }
0x125: {  	v59 =	vld [tilespmem:$0x83A0];
	v1 =	vadd.f32 v56, v1  }
0x126: {  	v60 =	vld [tilespmem:$0x83B0];
	v0 =	vadd.f32 v57, v0  }
0x127: {  	v61 =	vld [tilespmem:$0x83C0];
	v1 =	vadd.f32 v58, v1  }
0x128: {  	v0 =	vadd.f32 v2, v0;
	v2 =	vld [tilespmem:$0x83D0]  }
0x129: {  	v1 =	vadd.f32 v3, v1;
	v3 =	vld [tilespmem:$0x83E0]  }
0x12a: {  	v62 =	vld [tilespmem:$0x83F0];
	v0 =	vadd.f32 v59, v0  }
0x12b: {  	v63 =	vld [tilespmem:$0x8400];
	v1 =	vadd.f32 v60, v1  }
0x12c: {  	v9 =	vld [tilespmem:$0x8410];
	v0 =	vadd.f32 v61, v0  }
0x12d: {  	v1 =	vadd.f32 v2, v1;
	v2 =	vld [tilespmem:$0x8420]  }
0x12e: {  	v0 =	vadd.f32 v3, v0;
	v3 =	vld [tilespmem:$0x8430]  }
0x12f: {  	v10 =	vld [tilespmem:$0x8440];
	v1 =	vadd.f32 v62, v1  }
0x130: {  	v11 =	vld [tilespmem:$0x8450];
	v0 =	vadd.f32 v63, v0  }
0x131: {  	v12 =	vld [tilespmem:$0x8460];
	v1 =	vadd.f32 v9, v1  }
0x132: {  	v0 =	vadd.f32 v2, v0;
	v2 =	vld [tilespmem:$0x8470]  }
0x133: {  	v1 =	vadd.f32 v3, v1;
	v3 =	vld [tilespmem:$0x8480]  }
0x134: {  	v13 =	vld [tilespmem:$0x8490];
	v0 =	vadd.f32 v10, v0  }
0x135: {  	v14 =	vld [tilespmem:$0x84A0];
	v1 =	vadd.f32 v11, v1  }
0x136: {  	v15 =	vld [tilespmem:$0x84B0];
	v0 =	vadd.f32 v12, v0  }
0x137: {  	v1 =	vadd.f32 v2, v1;
	v2 =	vld [tilespmem:$0x84C0]  }
0x138: {  	v0 =	vadd.f32 v3, v0;
	v3 =	vld [tilespmem:$0x84D0]  }
0x139: {  	v16 =	vld [tilespmem:$0x84E0];
	v1 =	vadd.f32 v13, v1  }
0x13a: {  	v17 =	vld [tilespmem:$0x84F0];
	v0 =	vadd.f32 v14, v0  }
0x13b: {  	v18 =	vld [tilespmem:$0x8500];
	v1 =	vadd.f32 v15, v1  }
0x13c: {  	v0 =	vadd.f32 v2, v0;
	v2 =	vld [tilespmem:$0x8510]  }
0x13d: {  	v1 =	vadd.f32 v3, v1;
	v3 =	vld [tilespmem:$0x8520]  }
0x13e: {  	v19 =	vld [tilespmem:$0x8530];
	v0 =	vadd.f32 v16, v0  }
0x13f: {  	v20 =	vld [tilespmem:$0x8540];
	v1 =	vadd.f32 v17, v1  }
0x140: {  	v21 =	vld [tilespmem:$0x8550];
	v0 =	vadd.f32 v18, v0  }
0x141: {  	v1 =	vadd.f32 v2, v1;
	v2 =	vld [tilespmem:$0x8560]  }
0x142: {  	v0 =	vadd.f32 v3, v0;
	v3 =	vld [tilespmem:$0x8570]  }
0x143: {  	v22 =	vld [tilespmem:$0x8580];
	v1 =	vadd.f32 v19, v1  }
0x144: {  	v23 =	vld [tilespmem:$0x8590];
	v0 =	vadd.f32 v20, v0  }
0x145: {  	v24 =	vld [tilespmem:$0x85A0];
	v1 =	vadd.f32 v21, v1  }
0x146: {  	v0 =	vadd.f32 v2, v0;
	v2 =	vld [tilespmem:$0x85B0]  }
0x147: {  	v1 =	vadd.f32 v3, v1;
	v3 =	vld [tilespmem:$0x85C0]  }
0x148: {  	v25 =	vld [tilespmem:$0x85D0];
	v0 =	vadd.f32 v22, v0  }
0x149: {  	v26 =	vld [tilespmem:$0x85E0];
	v1 =	vadd.f32 v23, v1  }
0x14a: {  	v27 =	vld [tilespmem:$0x85F0];
	v0 =	vadd.f32 v24, v0  }
0x14b: {  	v1 =	vadd.f32 v2, v1;
	v2 =	vld [tilespmem:$0x8600]  }
0x14c: {  	v0 =	vadd.f32 v3, v0;
	v3 =	vld [tilespmem:$0x8610]  }
0x14d: {  	v28 =	vld [tilespmem:$0x8620];
	v1 =	vadd.f32 v25, v1  }
0x14e: {  	v29 =	vld [tilespmem:$0x8630];
	v0 =	vadd.f32 v26, v0  }
0x14f: {  	v30 =	vld [tilespmem:$0x8640];
	v1 =	vadd.f32 v27, v1  }
0x150: {  	v0 =	vadd.f32 v2, v0;
	v2 =	vld [tilespmem:$0x8650]  }
0x151: {  	v1 =	vadd.f32 v3, v1;
	v3 =	vld [tilespmem:$0x8660]  }
0x152: {  	v31 =	vld [tilespmem:$0x8670];
	v0 =	vadd.f32 v28, v0  }
0x153: {  	v32 =	vld [tilespmem:$0x8680];
	v1 =	vadd.f32 v29, v1  }
0x154: {  	v33 =	vld [tilespmem:$0x8690];
	v0 =	vadd.f32 v30, v0  }
0x155: {  	v1 =	vadd.f32 v2, v1;
	v2 =	vld [tilespmem:$0x86A0]  }
0x156: {  	v0 =	vadd.f32 v3, v0;
	v3 =	vld [tilespmem:$0x86B0]  }
0x157: {  	v34 =	vld [tilespmem:$0x86C0];
	v1 =	vadd.f32 v31, v1  }
0x158: {  	v35 =	vld [tilespmem:$0x86D0];
	v0 =	vadd.f32 v32, v0  }
0x159: {  	v36 =	vld [tilespmem:$0x86E0];
	v1 =	vadd.f32 v33, v1  }
0x15a: {  	v0 =	vadd.f32 v2, v0;
	v2 =	vld [tilespmem:$0x86F0]  }
0x15b: {  	v1 =	vadd.f32 v3, v1;
	v3 =	vld [tilespmem:$0x8700]  }
0x15c: {  	v37 =	vld [tilespmem:$0x8710];
	v0 =	vadd.f32 v34, v0  }
0x15d: {  	v38 =	vld [tilespmem:$0x8720];
	v1 =	vadd.f32 v35, v1  }
0x15e: {  	v39 =	vld [tilespmem:$0x8730];
	v0 =	vadd.f32 v36, v0  }
0x15f: {  	v1 =	vadd.f32 v2, v1;
	v2 =	vld [tilespmem:$0x8740]  }
0x160: {  	v0 =	vadd.f32 v3, v0;
	v3 =	vld [tilespmem:$0x8750]  }
0x161: {  	v40 =	vld [tilespmem:$0x8760];
	v1 =	vadd.f32 v37, v1  }
0x162: {  	v41 =	vld [tilespmem:$0x8770];
	v0 =	vadd.f32 v38, v0  }
0x163: {  	v42 =	vld [tilespmem:$0x8780];
	v1 =	vadd.f32 v39, v1  }
0x164: {  	v0 =	vadd.f32 v2, v0;
	v2 =	vld [tilespmem:$0x8790]  }
0x165: {  	v1 =	vadd.f32 v3, v1;
	v3 =	vld [tilespmem:$0x87A0]  }
0x166: {  	v43 =	vld [tilespmem:$0x87B0];
	v0 =	vadd.f32 v40, v0  }
0x167: {  	v44 =	vld [tilespmem:$0x87C0];
	v1 =	vadd.f32 v41, v1  }
0x168: {  	v45 =	vld [tilespmem:$0x87D0];
	v0 =	vadd.f32 v42, v0  }
0x169: {  	v1 =	vadd.f32 v2, v1;
	v2 =	vld [tilespmem:$0x87E0]  }
0x16a: {  	v0 =	vadd.f32 v3, v0;
	v3 =	vld [tilespmem:$0x87F0]  }
0x16b: {  	v46 =	vld [tilespmem:$0x8800];
	v1 =	vadd.f32 v43, v1  }
0x16c: {  	v47 =	vld [tilespmem:$0x8810];
	v0 =	vadd.f32 v44, v0  }
0x16d: {  	v48 =	vld [tilespmem:$0x8820];
	v1 =	vadd.f32 v45, v1  }
0x16e: {  	v0 =	vadd.f32 v2, v0;
	v2 =	vld [tilespmem:$0x8830]  }
0x16f: {  	v1 =	vadd.f32 v3, v1;
	v3 =	vld [tilespmem:$0x8840]  }
0x170: {  	v49 =	vld [tilespmem:$0x8850];
	v0 =	vadd.f32 v46, v0  }
0x171: {  	v50 =	vld [tilespmem:$0x8860];
	v1 =	vadd.f32 v47, v1  }
0x172: {  	v51 =	vld [tilespmem:$0x8870];
	v0 =	vadd.f32 v48, v0  }
0x173: {  	v1 =	vadd.f32 v2, v1;
	v2 =	vld [tilespmem:$0x8880]  }
0x174: {  	v0 =	vadd.f32 v3, v0;
	v3 =	vld [tilespmem:$0x8890]  }
0x175: {  	v52 =	vld [tilespmem:$0x88A0];
	v1 =	vadd.f32 v49, v1  }
0x176: {  	v53 =	vld [tilespmem:$0x88B0];
	v0 =	vadd.f32 v50, v0  }
0x177: {  	v54 =	vld [tilespmem:$0x88C0];
	v1 =	vadd.f32 v51, v1  }
0x178: {  	v0 =	vadd.f32 v2, v0;
	v2 =	vld [tilespmem:$0x88D0]  }
0x179: {  	v1 =	vadd.f32 v3, v1;
	v3 =	vld [tilespmem:$0x88E0]  }
0x17a: {  	v55 =	vld [tilespmem:$0x88F0];
	v0 =	vadd.f32 v52, v0  }
0x17b: {  	v56 =	vld [tilespmem:$0x8900];
	v1 =	vadd.f32 v53, v1  }
0x17c: {  	v57 =	vld [tilespmem:$0x8910];
	v0 =	vadd.f32 v54, v0  }
0x17d: {  	v1 =	vadd.f32 v2, v1;
	v2 =	vld [tilespmem:$0x8920]  }
0x17e: {  	v0 =	vadd.f32 v3, v0;
	v3 =	vld [tilespmem:$0x8930]  }
0x17f: {  	v58 =	vld [tilespmem:$0x8940];
	v1 =	vadd.f32 v55, v1  }
0x180: {  	v59 =	vld [tilespmem:$0x8950];
	v0 =	vadd.f32 v56, v0  }
0x181: {  	v60 =	vld [tilespmem:$0x8960];
	v1 =	vadd.f32 v57, v1  }
0x182: {  	v0 =	vadd.f32 v2, v0;
	v2 =	vld [tilespmem:$0x8970]  }
0x183: {  	v1 =	vadd.f32 v3, v1;
	v3 =	vld [tilespmem:$0x8980]  }
0x184: {  	v61 =	vld [tilespmem:$0x8990];
	v0 =	vadd.f32 v58, v0  }
0x185: {  	v62 =	vld [tilespmem:$0x89A0];
	v1 =	vadd.f32 v59, v1  }
0x186: {  	v63 =	vld [tilespmem:$0x89B0];
	v0 =	vadd.f32 v60, v0  }
0x187: {  	v1 =	vadd.f32 v2, v1;
	v2 =	vld [tilespmem:$0x89C0]  }
0x188: {  	v0 =	vadd.f32 v3, v0;
	v3 =	vld [tilespmem:$0x89D0]  }
0x189: {  	v9 =	vld [tilespmem:$0x89E0];
	v1 =	vadd.f32 v61, v1  }
0x18a: {  	v10 =	vld [tilespmem:$0x89F0];
	v0 =	vadd.f32 v62, v0  }
0x18b: {  	v11 =	vld [tilespmem:$0x8A00];
	v1 =	vadd.f32 v63, v1  }
0x18c: {  	v0 =	vadd.f32 v2, v0;
	v2 =	vld [tilespmem:$0x8A10]  }
0x18d: {  	v1 =	vadd.f32 v3, v1;
	v3 =	vld [tilespmem:$0x8A20]  }
0x18e: {  	v12 =	vld [tilespmem:$0x8A30];
	v0 =	vadd.f32 v9, v0  }
0x18f: {  	v13 =	vld [tilespmem:$0x8A40];
	v1 =	vadd.f32 v10, v1  }
0x190: {  	v14 =	vld [tilespmem:$0x8A50];
	v0 =	vadd.f32 v11, v0  }
0x191: {  	v1 =	vadd.f32 v2, v1;
	v2 =	vld [tilespmem:$0x8A60]  }
0x192: {  	v0 =	vadd.f32 v3, v0;
	v3 =	vld [tilespmem:$0x8A70]  }
0x193: {  	v15 =	vld [tilespmem:$0x8A80];
	v1 =	vadd.f32 v12, v1  }
0x194: {  	v16 =	vld [tilespmem:$0x8A90];
	v0 =	vadd.f32 v13, v0  }
0x195: {  	v17 =	vld [tilespmem:$0x8AA0];
	v1 =	vadd.f32 v14, v1  }
0x196: {  	v0 =	vadd.f32 v2, v0;
	v2 =	vld [tilespmem:$0x8AB0]  }
0x197: {  	v1 =	vadd.f32 v3, v1;
	v3 =	vld [tilespmem:$0x8AC0]  }
0x198: {  	v18 =	vld [tilespmem:$0x8AD0];
	v0 =	vadd.f32 v15, v0  }
0x199: {  	v19 =	vld [tilespmem:$0x8AE0];
	v1 =	vadd.f32 v16, v1  }
0x19a: {  	v20 =	vld [tilespmem:$0x8AF0];
	v0 =	vadd.f32 v17, v0  }
0x19b: {  	v1 =	vadd.f32 v2, v1;
	v2 =	vld [tilespmem:$0x8B00]  }
0x19c: {  	v0 =	vadd.f32 v3, v0;
	v3 =	vld [tilespmem:$0x8B10]  }
0x19d: {  	v21 =	vld [tilespmem:$0x8B20];
	v1 =	vadd.f32 v18, v1  }
0x19e: {  	v22 =	vld [tilespmem:$0x8B30];
	v0 =	vadd.f32 v19, v0  }
0x19f: {  	v23 =	vld [tilespmem:$0x8B40];
	v1 =	vadd.f32 v20, v1  }
0x1a0: {  	v0 =	vadd.f32 v2, v0;
	v2 =	vld [tilespmem:$0x8B50]  }
0x1a1: {  	v1 =	vadd.f32 v3, v1;
	v3 =	vld [tilespmem:$0x8B60]  }
0x1a2: {  	v24 =	vld [tilespmem:$0x8B70];
	v0 =	vadd.f32 v21, v0  }
0x1a3: {  	v25 =	vld [tilespmem:$0x8B80];
	v1 =	vadd.f32 v22, v1  }
0x1a4: {  	v26 =	vld [tilespmem:$0x8B90];
	v0 =	vadd.f32 v23, v0  }
0x1a5: {  	v1 =	vadd.f32 v2, v1;
	v2 =	vld [tilespmem:$0x8BA0]  }
0x1a6: {  	v0 =	vadd.f32 v3, v0;
	v3 =	vld [tilespmem:$0x8BB0]  }
0x1a7: {  	v27 =	vld [tilespmem:$0x8BC0];
	v1 =	vadd.f32 v24, v1  }
0x1a8: {  	v28 =	vld [tilespmem:$0x8BD0];
	v0 =	vadd.f32 v25, v0  }
0x1a9: {  	v29 =	vld [tilespmem:$0x8BE0];
	v1 =	vadd.f32 v26, v1  }
0x1aa: {  	v0 =	vadd.f32 v2, v0;
	v2 =	vld [tilespmem:$0x8BF0]  }
0x1ab: {  	v1 =	vadd.f32 v3, v1;
	v3 =	vld [tilespmem:$0x8C00]  }
0x1ac: {  	v30 =	vld [tilespmem:$0x8C10];
	v0 =	vadd.f32 v27, v0  }
0x1ad: {  	v31 =	vld [tilespmem:$0x8C20];
	v1 =	vadd.f32 v28, v1  }
0x1ae: {  	v32 =	vld [tilespmem:$0x8C30];
	v0 =	vadd.f32 v29, v0  }
0x1af: {  	v1 =	vadd.f32 v2, v1;
	v2 =	vld [tilespmem:$0x8C40]  }
0x1b0: {  	v0 =	vadd.f32 v3, v0;
	v3 =	vld [tilespmem:$0x8C50]  }
0x1b1: {  	v33 =	vld [tilespmem:$0x8C60];
	v1 =	vadd.f32 v30, v1  }
0x1b2: {  	v34 =	vld [tilespmem:$0x8C70];
	v0 =	vadd.f32 v31, v0  }
0x1b3: {  	v35 =	vld [tilespmem:$0x8C80];
	v1 =	vadd.f32 v32, v1  }
0x1b4: {  	v0 =	vadd.f32 v2, v0;
	v2 =	vld [tilespmem:$0x8C90]  }
0x1b5: {  	v1 =	vadd.f32 v3, v1;
	v3 =	vld [tilespmem:$0x8CA0]  }
0x1b6: {  	v36 =	vld [tilespmem:$0x8CB0];
	v0 =	vadd.f32 v33, v0  }
0x1b7: {  	v37 =	vld [tilespmem:$0x8CC0];
	v1 =	vadd.f32 v34, v1  }
0x1b8: {  	v38 =	vld [tilespmem:$0x8CD0];
	v0 =	vadd.f32 v35, v0  }
0x1b9: {  	v1 =	vadd.f32 v2, v1;
	v2 =	vld [tilespmem:$0x8CE0]  }
0x1ba: {  	v0 =	vadd.f32 v3, v0;
	v3 =	vld [tilespmem:$0x8CF0]  }
0x1bb: {  	v1 =	vadd.f32 v36, v1  }
0x1bc: {  	v0 =	vadd.f32 v37, v0  }
0x1bd: {  	v1 =	vadd.f32 v38, v1  }
0x1be: {  	s29 =	simm.s32 @!p0 $0x60;
	s30 =	simm.s32 @!p0 $0x8100;
	v0 =	vadd.f32 v2, v0  }
0x1bf: {  	[tilespmem:s30], [sflag:$0x2] =	stream.indirect.gather @!p0 [hbm4b:s3+s29], $0x20, s24, s29, $0xb8;
	v1 =	vadd.f32 v3, v1;
	[tilespmem:$0xA600] =	vst v63  }
0x1c0: {  	[tilespmem:s23+$0xFFFFFFE0] =	vst v0  }
0x1c1: {  	[tilespmem:s23+$0xFFFFFFF0] =	vst v1  }
0x1c2: {  	_ =	swait.ge [sflag:s19], $0xD00  }
0x1c3: {  	[sflag:s19] =	ssyncset.done $0x0  }
0x1c4: {  	[sflag:s19] =	ssyncadd.s32 $0xFFFFF300  }
0x1c5: {  	v0 =	vld [tilespmem:$0x8D00]  }
0x1c6: {  	v1 =	vld [tilespmem:$0x8D10]  }
0x1c7: {  	v2 =	vld [tilespmem:$0x8D20]  }
0x1c8: {  	v3 =	vld [tilespmem:$0x8D30]  }
0x1c9: {  	v39 =	vld [tilespmem:$0x8D40]  }
0x1ca: {  	v40 =	vld [tilespmem:$0x8D50]  }
0x1cb: {  	v41 =	vld [tilespmem:$0x8D60]  }
0x1cc: {  	v42 =	vld [tilespmem:$0x8D70]  }
0x1cd: {  	v43 =	vld [tilespmem:$0x8D80]  }
0x1ce: {  	v44 =	vld [tilespmem:$0x8D90];
	v0 =	vadd.f32 $0.0e+00, v0;
	v1 =	vadd.f32 $0.0e+00, v1  }
0x1cf: {  	v45 =	vld [tilespmem:$0x8DA0]  }
0x1d0: {  	v11 =	vld [tilespmem:$0x8DB0];
	v0 =	vadd.f32 v2, v0;
	v1 =	vadd.f32 v3, v1  }
0x1d1: {  	v46 =	vld [tilespmem:$0x8DE0]  }
0x1d2: {  	v47 =	vld [tilespmem:$0x8DF0];
	v0 =	vadd.f32 v39, v0;
	v1 =	vadd.f32 v40, v1  }
0x1d3: {  	v48 =	vld [tilespmem:$0x8E00]  }
0x1d4: {  	v2 =	vld [tilespmem:$0x8DC0];
	v0 =	vadd.f32 v41, v0;
	v1 =	vadd.f32 v42, v1  }
0x1d5: {  	v3 =	vld [tilespmem:$0x8DD0]  }
0x1d6: {  	v49 =	vld [tilespmem:$0x8E10];
	v0 =	vadd.f32 v43, v0;
	v1 =	vadd.f32 v44, v1  }
0x1d7: {  	v50 =	vld [tilespmem:$0x8E20]  }
0x1d8: {  	v51 =	vld [tilespmem:$0x8E30];
	v0 =	vadd.f32 v45, v0;
	v1 =	vadd.f32 v11, v1  }
0x1d9: {  	v52 =	vld [tilespmem:$0x8E40]  }
0x1da: {  	v53 =	vld [tilespmem:$0x8E50];
	v0 =	vadd.f32 v2, v0;
	v1 =	vadd.f32 v3, v1  }
0x1db: {  	v54 =	vld [tilespmem:$0x8E80]  }
0x1dc: {  	v55 =	vld [tilespmem:$0x8E90];
	v0 =	vadd.f32 v46, v0;
	v1 =	vadd.f32 v47, v1  }
0x1dd: {  	v56 =	vld [tilespmem:$0x8EA0]  }
0x1de: {  	v2 =	vld [tilespmem:$0x8E60];
	v0 =	vadd.f32 v48, v0;
	v1 =	vadd.f32 v49, v1  }
0x1df: {  	v3 =	vld [tilespmem:$0x8E70]  }
0x1e0: {  	v57 =	vld [tilespmem:$0x8EB0];
	v0 =	vadd.f32 v50, v0;
	v1 =	vadd.f32 v51, v1  }
0x1e1: {  	v58 =	vld [tilespmem:$0x8EC0]  }
0x1e2: {  	v59 =	vld [tilespmem:$0x8ED0];
	v0 =	vadd.f32 v52, v0;
	v1 =	vadd.f32 v53, v1  }
0x1e3: {  	v60 =	vld [tilespmem:$0x8EE0]  }
0x1e4: {  	v61 =	vld [tilespmem:$0x8EF0];
	v0 =	vadd.f32 v2, v0;
	v1 =	vadd.f32 v3, v1  }
0x1e5: {  	v62 =	vld [tilespmem:$0x8F20]  }
0x1e6: {  	v63 =	vld [tilespmem:$0x8F30];
	v0 =	vadd.f32 v54, v0;
	v1 =	vadd.f32 v55, v1  }
0x1e7: {  	v12 =	vld [tilespmem:$0x8F40]  }
0x1e8: {  	v2 =	vld [tilespmem:$0x8F00];
	v0 =	vadd.f32 v56, v0;
	v1 =	vadd.f32 v57, v1  }
0x1e9: {  	v3 =	vld [tilespmem:$0x8F10]  }
0x1ea: {  	v13 =	vld [tilespmem:$0x8F50];
	v0 =	vadd.f32 v58, v0;
	v1 =	vadd.f32 v59, v1  }
0x1eb: {  	v14 =	vld [tilespmem:$0x8F60]  }
0x1ec: {  	v15 =	vld [tilespmem:$0x8F70];
	v0 =	vadd.f32 v60, v0;
	v1 =	vadd.f32 v61, v1  }
0x1ed: {  	v16 =	vld [tilespmem:$0x8F80]  }
0x1ee: {  	v17 =	vld [tilespmem:$0x8F90];
	v0 =	vadd.f32 v2, v0;
	v1 =	vadd.f32 v3, v1  }
0x1ef: {  	v18 =	vld [tilespmem:$0x8FC0]  }
0x1f0: {  	v19 =	vld [tilespmem:$0x8FD0];
	v0 =	vadd.f32 v62, v0;
	v1 =	vadd.f32 v63, v1  }
0x1f1: {  	v20 =	vld [tilespmem:$0x8FE0]  }
0x1f2: {  	v2 =	vld [tilespmem:$0x8FA0];
	v0 =	vadd.f32 v12, v0;
	v1 =	vadd.f32 v13, v1  }
0x1f3: {  	v3 =	vld [tilespmem:$0x8FB0]  }
0x1f4: {  	v21 =	vld [tilespmem:$0x8FF0];
	v0 =	vadd.f32 v14, v0;
	v1 =	vadd.f32 v15, v1  }
0x1f5: {  	v22 =	vld [tilespmem:$0x9000]  }
0x1f6: {  	v23 =	vld [tilespmem:$0x9010];
	v0 =	vadd.f32 v16, v0;
	v1 =	vadd.f32 v17, v1  }
0x1f7: {  	v24 =	vld [tilespmem:$0x9020]  }
0x1f8: {  	v25 =	vld [tilespmem:$0x9030];
	v0 =	vadd.f32 v2, v0;
	v1 =	vadd.f32 v3, v1  }
0x1f9: {  	v26 =	vld [tilespmem:$0x9060]  }
0x1fa: {  	v27 =	vld [tilespmem:$0x9070];
	v0 =	vadd.f32 v18, v0;
	v1 =	vadd.f32 v19, v1  }
0x1fb: {  	v28 =	vld [tilespmem:$0x9080]  }
0x1fc: {  	v2 =	vld [tilespmem:$0x9040];
	v0 =	vadd.f32 v20, v0;
	v1 =	vadd.f32 v21, v1  }
0x1fd: {  	v3 =	vld [tilespmem:$0x9050]  }
0x1fe: {  	v29 =	vld [tilespmem:$0x9090];
	v0 =	vadd.f32 v22, v0;
	v1 =	vadd.f32 v23, v1  }
0x1ff: {  	v30 =	vld [tilespmem:$0x90A0]  }
0x200: {  	v31 =	vld [tilespmem:$0x90B0];
	v0 =	vadd.f32 v24, v0;
	v1 =	vadd.f32 v25, v1  }
0x201: {  	v32 =	vld [tilespmem:$0x90C0]  }
0x202: {  	v33 =	vld [tilespmem:$0x90D0];
	v0 =	vadd.f32 v2, v0;
	v1 =	vadd.f32 v3, v1  }
0x203: {  	v34 =	vld [tilespmem:$0x9100]  }
0x204: {  	v35 =	vld [tilespmem:$0x9110];
	v0 =	vadd.f32 v26, v0;
	v1 =	vadd.f32 v27, v1  }
0x205: {  	v36 =	vld [tilespmem:$0x9120]  }
0x206: {  	v2 =	vld [tilespmem:$0x90E0];
	v0 =	vadd.f32 v28, v0;
	v1 =	vadd.f32 v29, v1  }
0x207: {  	v3 =	vld [tilespmem:$0x90F0]  }
0x208: {  	v37 =	vld [tilespmem:$0x9130];
	v0 =	vadd.f32 v30, v0;
	v1 =	vadd.f32 v31, v1  }
0x209: {  	v38 =	vld [tilespmem:$0x9140]  }
0x20a: {  	v39 =	vld [tilespmem:$0x9150];
	v0 =	vadd.f32 v32, v0;
	v1 =	vadd.f32 v33, v1  }
0x20b: {  	v40 =	vld [tilespmem:$0x9160]  }
0x20c: {  	v41 =	vld [tilespmem:$0x9170];
	v0 =	vadd.f32 v2, v0;
	v1 =	vadd.f32 v3, v1  }
0x20d: {  	v42 =	vld [tilespmem:$0x91A0]  }
0x20e: {  	v43 =	vld [tilespmem:$0x91B0];
	v0 =	vadd.f32 v34, v0;
	v1 =	vadd.f32 v35, v1  }
0x20f: {  	v44 =	vld [tilespmem:$0x91C0]  }
0x210: {  	v2 =	vld [tilespmem:$0x9180];
	v0 =	vadd.f32 v36, v0;
	v1 =	vadd.f32 v37, v1  }
0x211: {  	v3 =	vld [tilespmem:$0x9190]  }
0x212: {  	v45 =	vld [tilespmem:$0x91D0];
	v0 =	vadd.f32 v38, v0;
	v1 =	vadd.f32 v39, v1  }
0x213: {  	v46 =	vld [tilespmem:$0x91E0]  }
0x214: {  	v47 =	vld [tilespmem:$0x91F0];
	v0 =	vadd.f32 v40, v0;
	v1 =	vadd.f32 v41, v1  }
0x215: {  	v48 =	vld [tilespmem:$0x9200]  }
0x216: {  	v49 =	vld [tilespmem:$0x9210];
	v0 =	vadd.f32 v2, v0;
	v1 =	vadd.f32 v3, v1  }
0x217: {  	v50 =	vld [tilespmem:$0x9240]  }
0x218: {  	v51 =	vld [tilespmem:$0x9250];
	v0 =	vadd.f32 v42, v0;
	v1 =	vadd.f32 v43, v1  }
0x219: {  	v52 =	vld [tilespmem:$0x9260]  }
0x21a: {  	v2 =	vld [tilespmem:$0x9220];
	v0 =	vadd.f32 v44, v0;
	v1 =	vadd.f32 v45, v1  }
0x21b: {  	v3 =	vld [tilespmem:$0x9230]  }
0x21c: {  	v53 =	vld [tilespmem:$0x9270];
	v0 =	vadd.f32 v46, v0;
	v1 =	vadd.f32 v47, v1  }
0x21d: {  	v54 =	vld [tilespmem:$0x9280]  }
0x21e: {  	v55 =	vld [tilespmem:$0x9290];
	v0 =	vadd.f32 v48, v0;
	v1 =	vadd.f32 v49, v1  }
0x21f: {  	v56 =	vld [tilespmem:$0x92A0]  }
0x220: {  	v57 =	vld [tilespmem:$0x92B0];
	v0 =	vadd.f32 v2, v0;
	v1 =	vadd.f32 v3, v1  }
0x221: {  	v58 =	vld [tilespmem:$0x92E0]  }
0x222: {  	v59 =	vld [tilespmem:$0x92F0];
	v0 =	vadd.f32 v50, v0;
	v1 =	vadd.f32 v51, v1  }
0x223: {  	v60 =	vld [tilespmem:$0x9300]  }
0x224: {  	v2 =	vld [tilespmem:$0x92C0];
	v0 =	vadd.f32 v52, v0;
	v1 =	vadd.f32 v53, v1  }
0x225: {  	v3 =	vld [tilespmem:$0x92D0]  }
0x226: {  	v61 =	vld [tilespmem:$0x9310];
	v0 =	vadd.f32 v54, v0;
	v1 =	vadd.f32 v55, v1  }
0x227: {  	v62 =	vld [tilespmem:$0x9320]  }
0x228: {  	v63 =	vld [tilespmem:$0x9330];
	v0 =	vadd.f32 v56, v0;
	v1 =	vadd.f32 v57, v1  }
0x229: {  	v12 =	vld [tilespmem:$0x9340]  }
0x22a: {  	v13 =	vld [tilespmem:$0x9350];
	v0 =	vadd.f32 v2, v0;
	v1 =	vadd.f32 v3, v1  }
0x22b: {  	v14 =	vld [tilespmem:$0x9380]  }
0x22c: {  	v15 =	vld [tilespmem:$0x9390];
	v0 =	vadd.f32 v58, v0;
	v1 =	vadd.f32 v59, v1  }
0x22d: {  	v16 =	vld [tilespmem:$0x93A0]  }
0x22e: {  	v2 =	vld [tilespmem:$0x9360];
	v0 =	vadd.f32 v60, v0;
	v1 =	vadd.f32 v61, v1  }
0x22f: {  	v3 =	vld [tilespmem:$0x9370]  }
0x230: {  	v17 =	vld [tilespmem:$0x93B0];
	v0 =	vadd.f32 v62, v0;
	v1 =	vadd.f32 v63, v1  }
0x231: {  	v18 =	vld [tilespmem:$0x93C0]  }
0x232: {  	v19 =	vld [tilespmem:$0x93D0];
	v0 =	vadd.f32 v12, v0;
	v1 =	vadd.f32 v13, v1  }
0x233: {  	v20 =	vld [tilespmem:$0x93E0]  }
0x234: {  	v21 =	vld [tilespmem:$0x93F0];
	v0 =	vadd.f32 v2, v0;
	v1 =	vadd.f32 v3, v1  }
0x235: {  	v22 =	vld [tilespmem:$0x9420]  }
0x236: {  	v23 =	vld [tilespmem:$0x9430];
	v0 =	vadd.f32 v14, v0;
	v1 =	vadd.f32 v15, v1  }
0x237: {  	v24 =	vld [tilespmem:$0x9440]  }
0x238: {  	v2 =	vld [tilespmem:$0x9400];
	v0 =	vadd.f32 v16, v0;
	v1 =	vadd.f32 v17, v1  }
0x239: {  	v3 =	vld [tilespmem:$0x9410]  }
0x23a: {  	v25 =	vld [tilespmem:$0x9450];
	v0 =	vadd.f32 v18, v0;
	v1 =	vadd.f32 v19, v1  }
0x23b: {  	v26 =	vld [tilespmem:$0x9460]  }
0x23c: {  	v27 =	vld [tilespmem:$0x9470];
	v0 =	vadd.f32 v20, v0;
	v1 =	vadd.f32 v21, v1  }
0x23d: {  	v28 =	vld [tilespmem:$0x9480]  }
0x23e: {  	v29 =	vld [tilespmem:$0x9490];
	v0 =	vadd.f32 v2, v0;
	v1 =	vadd.f32 v3, v1  }
0x23f: {  	v30 =	vld [tilespmem:$0x94C0]  }
0x240: {  	v31 =	vld [tilespmem:$0x94D0];
	v0 =	vadd.f32 v22, v0;
	v1 =	vadd.f32 v23, v1  }
0x241: {  	v32 =	vld [tilespmem:$0x94E0]  }
0x242: {  	v2 =	vld [tilespmem:$0x94A0];
	v0 =	vadd.f32 v24, v0;
	v1 =	vadd.f32 v25, v1  }
0x243: {  	v3 =	vld [tilespmem:$0x94B0]  }
0x244: {  	v33 =	vld [tilespmem:$0x94F0];
	v0 =	vadd.f32 v26, v0;
	v1 =	vadd.f32 v27, v1  }
0x245: {  	v34 =	vld [tilespmem:$0x9500]  }
0x246: {  	v35 =	vld [tilespmem:$0x9510];
	v0 =	vadd.f32 v28, v0;
	v1 =	vadd.f32 v29, v1  }
0x247: {  	v36 =	vld [tilespmem:$0x9520]  }
0x248: {  	v37 =	vld [tilespmem:$0x9530];
	v0 =	vadd.f32 v2, v0;
	v1 =	vadd.f32 v3, v1  }
0x249: {  	v38 =	vld [tilespmem:$0x9560]  }
0x24a: {  	v39 =	vld [tilespmem:$0x9570];
	v0 =	vadd.f32 v30, v0;
	v1 =	vadd.f32 v31, v1  }
0x24b: {  	v40 =	vld [tilespmem:$0x9580]  }
0x24c: {  	v2 =	vld [tilespmem:$0x9540];
	v0 =	vadd.f32 v32, v0;
	v1 =	vadd.f32 v33, v1  }
0x24d: {  	v3 =	vld [tilespmem:$0x9550]  }
0x24e: {  	v41 =	vld [tilespmem:$0x9590];
	v0 =	vadd.f32 v34, v0;
	v1 =	vadd.f32 v35, v1  }
0x24f: {  	v42 =	vld [tilespmem:$0x95A0]  }
0x250: {  	v43 =	vld [tilespmem:$0x95B0];
	v0 =	vadd.f32 v36, v0;
	v1 =	vadd.f32 v37, v1  }
0x251: {  	v44 =	vld [tilespmem:$0x95C0]  }
0x252: {  	v45 =	vld [tilespmem:$0x95D0];
	v0 =	vadd.f32 v2, v0;
	v1 =	vadd.f32 v3, v1  }
0x253: {  	v46 =	vld [tilespmem:$0x9600]  }
0x254: {  	v47 =	vld [tilespmem:$0x9610];
	v0 =	vadd.f32 v38, v0;
	v1 =	vadd.f32 v39, v1  }
0x255: {  	v48 =	vld [tilespmem:$0x9620]  }
0x256: {  	v2 =	vld [tilespmem:$0x95E0];
	v0 =	vadd.f32 v40, v0;
	v1 =	vadd.f32 v41, v1  }
0x257: {  	v3 =	vld [tilespmem:$0x95F0]  }
0x258: {  	v49 =	vld [tilespmem:$0x9630];
	v0 =	vadd.f32 v42, v0;
	v1 =	vadd.f32 v43, v1  }
0x259: {  	v50 =	vld [tilespmem:$0x9640]  }
0x25a: {  	v51 =	vld [tilespmem:$0x9650];
	v0 =	vadd.f32 v44, v0;
	v1 =	vadd.f32 v45, v1  }
0x25b: {  	v52 =	vld [tilespmem:$0x9660]  }
0x25c: {  	v53 =	vld [tilespmem:$0x9670];
	v0 =	vadd.f32 v2, v0;
	v1 =	vadd.f32 v3, v1  }
0x25d: {  	v54 =	vld [tilespmem:$0x96A0]  }
0x25e: {  	v55 =	vld [tilespmem:$0x96B0];
	v0 =	vadd.f32 v46, v0;
	v1 =	vadd.f32 v47, v1  }
0x25f: {  	v56 =	vld [tilespmem:$0x96C0]  }
0x260: {  	v2 =	vld [tilespmem:$0x9680];
	v0 =	vadd.f32 v48, v0;
	v1 =	vadd.f32 v49, v1  }
0x261: {  	v3 =	vld [tilespmem:$0x9690]  }
0x262: {  	v57 =	vld [tilespmem:$0x96D0];
	v0 =	vadd.f32 v50, v0;
	v1 =	vadd.f32 v51, v1  }
0x263: {  	v58 =	vld [tilespmem:$0x96E0]  }
0x264: {  	v59 =	vld [tilespmem:$0x96F0];
	v0 =	vadd.f32 v52, v0;
	v1 =	vadd.f32 v53, v1  }
0x265: {  	v60 =	vld [tilespmem:$0x9700]  }
0x266: {  	v61 =	vld [tilespmem:$0x9710];
	v0 =	vadd.f32 v2, v0;
	v1 =	vadd.f32 v3, v1  }
0x267: {  	v62 =	vld [tilespmem:$0x9740]  }
0x268: {  	v63 =	vld [tilespmem:$0x9750];
	v0 =	vadd.f32 v54, v0;
	v1 =	vadd.f32 v55, v1  }
0x269: {  	v12 =	vld [tilespmem:$0x9760]  }
0x26a: {  	v2 =	vld [tilespmem:$0x9720];
	v0 =	vadd.f32 v56, v0;
	v1 =	vadd.f32 v57, v1  }
0x26b: {  	v3 =	vld [tilespmem:$0x9730]  }
0x26c: {  	v13 =	vld [tilespmem:$0x9770];
	v0 =	vadd.f32 v58, v0;
	v1 =	vadd.f32 v59, v1  }
0x26d: {  	v14 =	vld [tilespmem:$0x9780]  }
0x26e: {  	v15 =	vld [tilespmem:$0x9790];
	v0 =	vadd.f32 v60, v0;
	v1 =	vadd.f32 v61, v1  }
0x26f: {  	v16 =	vld [tilespmem:$0x97A0]  }
0x270: {  	v17 =	vld [tilespmem:$0x97B0];
	v0 =	vadd.f32 v2, v0;
	v1 =	vadd.f32 v3, v1  }
0x271: {  	v18 =	vld [tilespmem:$0x97E0]  }
0x272: {  	v19 =	vld [tilespmem:$0x97F0];
	v0 =	vadd.f32 v62, v0;
	v1 =	vadd.f32 v63, v1  }
0x273: {  	v20 =	vld [tilespmem:$0x9800]  }
0x274: {  	v2 =	vld [tilespmem:$0x97C0];
	v0 =	vadd.f32 v12, v0;
	v1 =	vadd.f32 v13, v1  }
0x275: {  	v3 =	vld [tilespmem:$0x97D0]  }
0x276: {  	v21 =	vld [tilespmem:$0x9810];
	v0 =	vadd.f32 v14, v0;
	v1 =	vadd.f32 v15, v1  }
0x277: {  	v22 =	vld [tilespmem:$0x9820]  }
0x278: {  	v23 =	vld [tilespmem:$0x9830];
	v0 =	vadd.f32 v16, v0;
	v1 =	vadd.f32 v17, v1  }
0x279: {  	v24 =	vld [tilespmem:$0x9840]  }
0x27a: {  	v25 =	vld [tilespmem:$0x9850];
	v0 =	vadd.f32 v2, v0;
	v1 =	vadd.f32 v3, v1  }
0x27b: {  	v26 =	vld [tilespmem:$0x9880]  }
0x27c: {  	v27 =	vld [tilespmem:$0x9890];
	v0 =	vadd.f32 v18, v0;
	v1 =	vadd.f32 v19, v1  }
0x27d: {  	v28 =	vld [tilespmem:$0x98A0]  }
0x27e: {  	v2 =	vld [tilespmem:$0x9860];
	v0 =	vadd.f32 v20, v0;
	v1 =	vadd.f32 v21, v1  }
0x27f: {  	v3 =	vld [tilespmem:$0x9870]  }
0x280: {  	v29 =	vld [tilespmem:$0x98B0];
	v0 =	vadd.f32 v22, v0;
	v1 =	vadd.f32 v23, v1  }
0x281: {  	v30 =	vld [tilespmem:$0x98C0]  }
0x282: {  	v31 =	vld [tilespmem:$0x98D0];
	v0 =	vadd.f32 v24, v0;
	v1 =	vadd.f32 v25, v1  }
0x283: {  	v32 =	vld [tilespmem:$0x98E0]  }
0x284: {  	v33 =	vld [tilespmem:$0x98F0];
	v0 =	vadd.f32 v2, v0;
	v1 =	vadd.f32 v3, v1  }
0x285: {  	v34 =	vld [tilespmem:$0x9920]  }
0x286: {  	v35 =	vld [tilespmem:$0x9930];
	v0 =	vadd.f32 v26, v0;
	v1 =	vadd.f32 v27, v1  }
0x287: {  	v36 =	vld [tilespmem:$0x9940]  }
0x288: {  	v2 =	vld [tilespmem:$0x9900];
	v0 =	vadd.f32 v28, v0;
	v1 =	vadd.f32 v29, v1  }
0x289: {  	v3 =	vld [tilespmem:$0x9910]  }
0x28a: {  	v37 =	vld [tilespmem:$0x9950];
	v0 =	vadd.f32 v30, v0;
	v1 =	vadd.f32 v31, v1  }
0x28b: {  	v38 =	vld [tilespmem:$0x9960]  }
0x28c: {  	v39 =	vld [tilespmem:$0x9970];
	v0 =	vadd.f32 v32, v0;
	v1 =	vadd.f32 v33, v1  }
0x28d: {  	v40 =	vld [tilespmem:$0x9980]  }
0x28e: {  	v41 =	vld [tilespmem:$0x9990];
	v0 =	vadd.f32 v2, v0;
	v1 =	vadd.f32 v3, v1  }
0x28f: {  	v42 =	vld [tilespmem:$0x99C0]  }
0x290: {  	v43 =	vld [tilespmem:$0x99D0];
	v0 =	vadd.f32 v34, v0;
	v1 =	vadd.f32 v35, v1  }
0x291: {  	v44 =	vld [tilespmem:$0x99E0]  }
0x292: {  	v2 =	vld [tilespmem:$0x99A0];
	v0 =	vadd.f32 v36, v0;
	v1 =	vadd.f32 v37, v1  }
0x293: {  	s26 =	sadd.s32 @!p0 $0x3468, s26;
	s29 =	simm.s32 @!p0 $0x8D00;
	v3 =	vld [tilespmem:$0x99B0]  }
0x294: {  	v45 =	vld [tilespmem:$0x99F0];
	[tilespmem:s29], [sflag:$0x3] =	stream.indirect.gather @!p0 [hbm4b:s3+s28], $0x20, s26, s28, $0xb8;
	v0 =	vadd.f32 v38, v0;
	v1 =	vadd.f32 v39, v1  }
0x295: {  	_ =	swait.ge [sflag:s20], $0xC00  }
0x296: {  	[sflag:s20] =	ssyncset.done $0x0;
	v0 =	vadd.f32 v40, v0;
	v1 =	vadd.f32 v41, v1  }
0x297: {  	[sflag:s20] =	ssyncadd.s32 $0xFFFFF400  }
0x298: {  	v0 =	vadd.f32 v2, v0;
	v1 =	vadd.f32 v3, v1;
	v2 =	vld [tilespmem:$0x9A00]  }
0x299: {  	v3 =	vld [tilespmem:$0x9A10]  }
0x29a: {  	v46 =	vld [tilespmem:$0x9A20];
	v0 =	vadd.f32 v42, v0;
	v1 =	vadd.f32 v43, v1  }
0x29b: {  	v47 =	vld [tilespmem:$0x9A30]  }
0x29c: {  	v48 =	vld [tilespmem:$0x9A40];
	v0 =	vadd.f32 v44, v0;
	v1 =	vadd.f32 v45, v1  }
0x29d: {  	v49 =	vld [tilespmem:$0x9A50]  }
0x29e: {  	v0 =	vadd.f32 v2, v0;
	v1 =	vadd.f32 v3, v1;
	v2 =	vld [tilespmem:$0x9A60]  }
0x29f: {  	v3 =	vld [tilespmem:$0x9A70]  }
0x2a0: {  	v50 =	vld [tilespmem:$0x9A80];
	v0 =	vadd.f32 v46, v0;
	v1 =	vadd.f32 v47, v1  }
0x2a1: {  	v51 =	vld [tilespmem:$0x9A90]  }
0x2a2: {  	v52 =	vld [tilespmem:$0x9AA0];
	v0 =	vadd.f32 v48, v0;
	v1 =	vadd.f32 v49, v1  }
0x2a3: {  	v53 =	vld [tilespmem:$0x9AB0]  }
0x2a4: {  	v0 =	vadd.f32 v2, v0;
	v1 =	vadd.f32 v3, v1;
	v2 =	vld [tilespmem:$0x9AC0]  }
0x2a5: {  	v3 =	vld [tilespmem:$0x9AD0]  }
0x2a6: {  	v54 =	vld [tilespmem:$0x9AE0];
	v0 =	vadd.f32 v50, v0;
	v1 =	vadd.f32 v51, v1  }
0x2a7: {  	v55 =	vld [tilespmem:$0x9AF0]  }
0x2a8: {  	v56 =	vld [tilespmem:$0x9B00];
	v0 =	vadd.f32 v52, v0;
	v1 =	vadd.f32 v53, v1  }
0x2a9: {  	v57 =	vld [tilespmem:$0x9B10]  }
0x2aa: {  	v0 =	vadd.f32 v2, v0;
	v1 =	vadd.f32 v3, v1;
	v2 =	vld [tilespmem:$0x9B20]  }
0x2ab: {  	v3 =	vld [tilespmem:$0x9B30]  }
0x2ac: {  	v58 =	vld [tilespmem:$0x9B40];
	v0 =	vadd.f32 v54, v0;
	v1 =	vadd.f32 v55, v1  }
0x2ad: {  	v59 =	vld [tilespmem:$0x9B50]  }
0x2ae: {  	v60 =	vld [tilespmem:$0x9B60];
	v0 =	vadd.f32 v56, v0;
	v1 =	vadd.f32 v57, v1  }
0x2af: {  	v61 =	vld [tilespmem:$0x9B70]  }
0x2b0: {  	v0 =	vadd.f32 v2, v0;
	v1 =	vadd.f32 v3, v1;
	v2 =	vld [tilespmem:$0x9B80]  }
0x2b1: {  	v3 =	vld [tilespmem:$0x9B90]  }
0x2b2: {  	v62 =	vld [tilespmem:$0x9BA0];
	v0 =	vadd.f32 v58, v0;
	v1 =	vadd.f32 v59, v1  }
0x2b3: {  	v63 =	vld [tilespmem:$0x9BB0]  }
0x2b4: {  	v9 =	vld [tilespmem:$0x9BC0];
	v0 =	vadd.f32 v60, v0;
	v1 =	vadd.f32 v61, v1  }
0x2b5: {  	v10 =	vld [tilespmem:$0x9BD0]  }
0x2b6: {  	v0 =	vadd.f32 v2, v0;
	v1 =	vadd.f32 v3, v1;
	v2 =	vld [tilespmem:$0x9BE0]  }
0x2b7: {  	v3 =	vld [tilespmem:$0x9BF0]  }
0x2b8: {  	v11 =	vld [tilespmem:$0x9C00];
	v0 =	vadd.f32 v62, v0;
	v1 =	vadd.f32 v63, v1  }
0x2b9: {  	v12 =	vld [tilespmem:$0x9C10]  }
0x2ba: {  	v13 =	vld [tilespmem:$0x9C20];
	v0 =	vadd.f32 v9, v0;
	v1 =	vadd.f32 v10, v1  }
0x2bb: {  	v14 =	vld [tilespmem:$0x9C30]  }
0x2bc: {  	v0 =	vadd.f32 v2, v0;
	v1 =	vadd.f32 v3, v1;
	v2 =	vld [tilespmem:$0x9C40]  }
0x2bd: {  	v3 =	vld [tilespmem:$0x9C50]  }
0x2be: {  	v15 =	vld [tilespmem:$0x9C60];
	v0 =	vadd.f32 v11, v0;
	v1 =	vadd.f32 v12, v1  }
0x2bf: {  	v16 =	vld [tilespmem:$0x9C70]  }
0x2c0: {  	v17 =	vld [tilespmem:$0x9C80];
	v0 =	vadd.f32 v13, v0;
	v1 =	vadd.f32 v14, v1  }
0x2c1: {  	v18 =	vld [tilespmem:$0x9C90]  }
0x2c2: {  	v0 =	vadd.f32 v2, v0;
	v1 =	vadd.f32 v3, v1;
	v2 =	vld [tilespmem:$0x9CA0]  }
0x2c3: {  	v3 =	vld [tilespmem:$0x9CB0]  }
0x2c4: {  	v19 =	vld [tilespmem:$0x9CC0];
	v0 =	vadd.f32 v15, v0;
	v1 =	vadd.f32 v16, v1  }
0x2c5: {  	v20 =	vld [tilespmem:$0x9CD0]  }
0x2c6: {  	v21 =	vld [tilespmem:$0x9CE0];
	v0 =	vadd.f32 v17, v0;
	v1 =	vadd.f32 v18, v1  }
0x2c7: {  	v22 =	vld [tilespmem:$0x9CF0]  }
0x2c8: {  	v0 =	vadd.f32 v2, v0;
	v1 =	vadd.f32 v3, v1;
	v2 =	vld [tilespmem:$0x9D00]  }
0x2c9: {  	v3 =	vld [tilespmem:$0x9D10]  }
0x2ca: {  	v23 =	vld [tilespmem:$0x9D20];
	v0 =	vadd.f32 v19, v0;
	v1 =	vadd.f32 v20, v1  }
0x2cb: {  	v24 =	vld [tilespmem:$0x9D30]  }
0x2cc: {  	v25 =	vld [tilespmem:$0x9D40];
	v0 =	vadd.f32 v21, v0;
	v1 =	vadd.f32 v22, v1  }
0x2cd: {  	v26 =	vld [tilespmem:$0x9D50]  }
0x2ce: {  	v0 =	vadd.f32 v2, v0;
	v1 =	vadd.f32 v3, v1;
	v2 =	vld [tilespmem:$0x9D60]  }
0x2cf: {  	v3 =	vld [tilespmem:$0x9D70]  }
0x2d0: {  	v27 =	vld [tilespmem:$0x9D80];
	v0 =	vadd.f32 v23, v0;
	v1 =	vadd.f32 v24, v1  }
0x2d1: {  	v28 =	vld [tilespmem:$0x9D90]  }
0x2d2: {  	v29 =	vld [tilespmem:$0x9DA0];
	v0 =	vadd.f32 v25, v0;
	v1 =	vadd.f32 v26, v1  }
0x2d3: {  	v30 =	vld [tilespmem:$0x9DB0]  }
0x2d4: {  	v0 =	vadd.f32 v2, v0;
	v1 =	vadd.f32 v3, v1;
	v2 =	vld [tilespmem:$0x9DC0]  }
0x2d5: {  	v3 =	vld [tilespmem:$0x9DD0]  }
0x2d6: {  	v31 =	vld [tilespmem:$0x9DE0];
	v0 =	vadd.f32 v27, v0;
	v1 =	vadd.f32 v28, v1  }
0x2d7: {  	v32 =	vld [tilespmem:$0x9DF0]  }
0x2d8: {  	v33 =	vld [tilespmem:$0x9E00];
	v0 =	vadd.f32 v29, v0;
	v1 =	vadd.f32 v30, v1  }
0x2d9: {  	v34 =	vld [tilespmem:$0x9E10]  }
0x2da: {  	v0 =	vadd.f32 v2, v0;
	v1 =	vadd.f32 v3, v1;
	v2 =	vld [tilespmem:$0x9E20]  }
0x2db: {  	v3 =	vld [tilespmem:$0x9E30]  }
0x2dc: {  	v35 =	vld [tilespmem:$0x9E40];
	v0 =	vadd.f32 v31, v0;
	v1 =	vadd.f32 v32, v1  }
0x2dd: {  	v36 =	vld [tilespmem:$0x9E50]  }
0x2de: {  	v37 =	vld [tilespmem:$0x9E60];
	v0 =	vadd.f32 v33, v0;
	v1 =	vadd.f32 v34, v1  }
0x2df: {  	v38 =	vld [tilespmem:$0x9E70]  }
0x2e0: {  	v0 =	vadd.f32 v2, v0;
	v1 =	vadd.f32 v3, v1;
	v2 =	vld [tilespmem:$0x9E80]  }
0x2e1: {  	v3 =	vld [tilespmem:$0x9E90]  }
0x2e2: {  	v39 =	vld [tilespmem:$0x9EA0];
	v0 =	vadd.f32 v35, v0;
	v1 =	vadd.f32 v36, v1  }
0x2e3: {  	v40 =	vld [tilespmem:$0x9EB0]  }
0x2e4: {  	v41 =	vld [tilespmem:$0x9EC0];
	v0 =	vadd.f32 v37, v0;
	v1 =	vadd.f32 v38, v1  }
0x2e5: {  	v42 =	vld [tilespmem:$0x9ED0]  }
0x2e6: {  	v0 =	vadd.f32 v2, v0;
	v1 =	vadd.f32 v3, v1;
	v2 =	vld [tilespmem:$0x9EE0]  }
0x2e7: {  	v3 =	vld [tilespmem:$0x9EF0]  }
0x2e8: {  	v43 =	vld [tilespmem:$0x9F00];
	v0 =	vadd.f32 v39, v0;
	v1 =	vadd.f32 v40, v1  }
0x2e9: {  	v44 =	vld [tilespmem:$0x9F10]  }
0x2ea: {  	v45 =	vld [tilespmem:$0x9F20];
	v0 =	vadd.f32 v41, v0;
	v1 =	vadd.f32 v42, v1  }
0x2eb: {  	v46 =	vld [tilespmem:$0x9F30]  }
0x2ec: {  	v0 =	vadd.f32 v2, v0;
	v1 =	vadd.f32 v3, v1;
	v2 =	vld [tilespmem:$0x9F40]  }
0x2ed: {  	v3 =	vld [tilespmem:$0x9F50]  }
0x2ee: {  	v47 =	vld [tilespmem:$0x9F60];
	v0 =	vadd.f32 v43, v0;
	v1 =	vadd.f32 v44, v1  }
0x2ef: {  	v48 =	vld [tilespmem:$0x9F70]  }
0x2f0: {  	v49 =	vld [tilespmem:$0x9F80];
	v0 =	vadd.f32 v45, v0;
	v1 =	vadd.f32 v46, v1  }
0x2f1: {  	v50 =	vld [tilespmem:$0x9F90]  }
0x2f2: {  	v0 =	vadd.f32 v2, v0;
	v1 =	vadd.f32 v3, v1;
	v2 =	vld [tilespmem:$0x9FA0]  }
0x2f3: {  	v3 =	vld [tilespmem:$0x9FB0]  }
0x2f4: {  	v51 =	vld [tilespmem:$0x9FC0];
	v0 =	vadd.f32 v47, v0;
	v1 =	vadd.f32 v48, v1  }
0x2f5: {  	v52 =	vld [tilespmem:$0x9FD0]  }
0x2f6: {  	v53 =	vld [tilespmem:$0x9FE0];
	v0 =	vadd.f32 v49, v0;
	v1 =	vadd.f32 v50, v1  }
0x2f7: {  	v54 =	vld [tilespmem:$0x9FF0]  }
0x2f8: {  	v0 =	vadd.f32 v2, v0;
	v1 =	vadd.f32 v3, v1;
	v2 =	vld [tilespmem:$0xA000]  }
0x2f9: {  	v3 =	vld [tilespmem:$0xA010]  }
0x2fa: {  	v55 =	vld [tilespmem:$0xA020];
	v0 =	vadd.f32 v51, v0;
	v1 =	vadd.f32 v52, v1  }
0x2fb: {  	v56 =	vld [tilespmem:$0xA030]  }
0x2fc: {  	v57 =	vld [tilespmem:$0xA040];
	v0 =	vadd.f32 v53, v0;
	v1 =	vadd.f32 v54, v1  }
0x2fd: {  	v58 =	vld [tilespmem:$0xA050]  }
0x2fe: {  	v0 =	vadd.f32 v2, v0;
	v1 =	vadd.f32 v3, v1;
	v2 =	vld [tilespmem:$0xA060]  }
0x2ff: {  	v3 =	vld [tilespmem:$0xA070]  }
0x300: {  	v59 =	vld [tilespmem:$0xA080];
	v0 =	vadd.f32 v55, v0;
	v1 =	vadd.f32 v56, v1  }
0x301: {  	v60 =	vld [tilespmem:$0xA090]  }
0x302: {  	v61 =	vld [tilespmem:$0xA0A0];
	v0 =	vadd.f32 v57, v0;
	v1 =	vadd.f32 v58, v1  }
0x303: {  	v62 =	vld [tilespmem:$0xA0B0]  }
0x304: {  	v0 =	vadd.f32 v2, v0;
	v1 =	vadd.f32 v3, v1;
	v2 =	vld [tilespmem:$0xA0C0]  }
0x305: {  	v3 =	vld [tilespmem:$0xA0D0]  }
0x306: {  	v63 =	vld [tilespmem:$0xA0E0];
	v0 =	vadd.f32 v59, v0;
	v1 =	vadd.f32 v60, v1  }
0x307: {  	v9 =	vld [tilespmem:$0xA0F0]  }
0x308: {  	v10 =	vld [tilespmem:$0xA100];
	v0 =	vadd.f32 v61, v0;
	v1 =	vadd.f32 v62, v1  }
0x309: {  	v11 =	vld [tilespmem:$0xA110]  }
0x30a: {  	v0 =	vadd.f32 v2, v0;
	v1 =	vadd.f32 v3, v1;
	v2 =	vld [tilespmem:$0xA120]  }
0x30b: {  	v3 =	vld [tilespmem:$0xA130]  }
0x30c: {  	v12 =	vld [tilespmem:$0xA140];
	v0 =	vadd.f32 v63, v0;
	v1 =	vadd.f32 v9, v1  }
0x30d: {  	v13 =	vld [tilespmem:$0xA150]  }
0x30e: {  	v14 =	vld [tilespmem:$0xA160];
	v0 =	vadd.f32 v10, v0;
	v1 =	vadd.f32 v11, v1  }
0x30f: {  	v15 =	vld [tilespmem:$0xA170]  }
0x310: {  	v0 =	vadd.f32 v2, v0;
	v1 =	vadd.f32 v3, v1;
	v2 =	vld [tilespmem:$0xA180]  }
0x311: {  	v3 =	vld [tilespmem:$0xA190]  }
0x312: {  	v16 =	vld [tilespmem:$0xA1A0];
	v0 =	vadd.f32 v12, v0;
	v1 =	vadd.f32 v13, v1  }
0x313: {  	v17 =	vld [tilespmem:$0xA1B0]  }
0x314: {  	v18 =	vld [tilespmem:$0xA1C0];
	v0 =	vadd.f32 v14, v0;
	v1 =	vadd.f32 v15, v1  }
0x315: {  	v19 =	vld [tilespmem:$0xA1D0]  }
0x316: {  	v0 =	vadd.f32 v2, v0;
	v1 =	vadd.f32 v3, v1;
	v2 =	vld [tilespmem:$0xA1E0]  }
0x317: {  	v3 =	vld [tilespmem:$0xA1F0]  }
0x318: {  	v20 =	vld [tilespmem:$0xA200];
	v0 =	vadd.f32 v16, v0;
	v1 =	vadd.f32 v17, v1  }
0x319: {  	v21 =	vld [tilespmem:$0xA210]  }
0x31a: {  	v22 =	vld [tilespmem:$0xA220];
	v0 =	vadd.f32 v18, v0;
	v1 =	vadd.f32 v19, v1  }
0x31b: {  	v23 =	vld [tilespmem:$0xA230]  }
0x31c: {  	v0 =	vadd.f32 v2, v0;
	v1 =	vadd.f32 v3, v1;
	v2 =	vld [tilespmem:$0xA240]  }
0x31d: {  	v3 =	vld [tilespmem:$0xA250]  }
0x31e: {  	v24 =	vld [tilespmem:$0xA260];
	v0 =	vadd.f32 v20, v0;
	v1 =	vadd.f32 v21, v1  }
0x31f: {  	v25 =	vld [tilespmem:$0xA270]  }
0x320: {  	v26 =	vld [tilespmem:$0xA280];
	v0 =	vadd.f32 v22, v0;
	v1 =	vadd.f32 v23, v1  }
0x321: {  	v27 =	vld [tilespmem:$0xA290]  }
0x322: {  	v0 =	vadd.f32 v2, v0;
	v1 =	vadd.f32 v3, v1;
	v2 =	vld [tilespmem:$0xA2A0]  }
0x323: {  	v3 =	vld [tilespmem:$0xA2B0]  }
0x324: {  	v28 =	vld [tilespmem:$0xA2C0];
	v0 =	vadd.f32 v24, v0;
	v1 =	vadd.f32 v25, v1  }
0x325: {  	v29 =	vld [tilespmem:$0xA2D0]  }
0x326: {  	v30 =	vld [tilespmem:$0xA2E0];
	v0 =	vadd.f32 v26, v0;
	v1 =	vadd.f32 v27, v1  }
0x327: {  	v31 =	vld [tilespmem:$0xA2F0]  }
0x328: {  	v0 =	vadd.f32 v2, v0;
	v1 =	vadd.f32 v3, v1;
	v2 =	vld [tilespmem:$0xA300]  }
0x329: {  	v3 =	vld [tilespmem:$0xA310]  }
0x32a: {  	v32 =	vld [tilespmem:$0xA320];
	v0 =	vadd.f32 v28, v0;
	v1 =	vadd.f32 v29, v1  }
0x32b: {  	v33 =	vld [tilespmem:$0xA330]  }
0x32c: {  	v34 =	vld [tilespmem:$0xA340];
	v0 =	vadd.f32 v30, v0;
	v1 =	vadd.f32 v31, v1  }
0x32d: {  	v35 =	vld [tilespmem:$0xA350]  }
0x32e: {  	v0 =	vadd.f32 v2, v0;
	v1 =	vadd.f32 v3, v1;
	v2 =	vld [tilespmem:$0xA360]  }
0x32f: {  	v3 =	vld [tilespmem:$0xA370]  }
0x330: {  	v36 =	vld [tilespmem:$0xA380];
	v0 =	vadd.f32 v32, v0;
	v1 =	vadd.f32 v33, v1  }
0x331: {  	v37 =	vld [tilespmem:$0xA390]  }
0x332: {  	v38 =	vld [tilespmem:$0xA3A0];
	v0 =	vadd.f32 v34, v0;
	v1 =	vadd.f32 v35, v1  }
0x333: {  	v39 =	vld [tilespmem:$0xA3B0]  }
0x334: {  	v0 =	vadd.f32 v2, v0;
	v1 =	vadd.f32 v3, v1;
	v2 =	vld [tilespmem:$0xA3C0]  }
0x335: {  	v3 =	vld [tilespmem:$0xA3D0]  }
0x336: {  	v40 =	vld [tilespmem:$0xA3E0];
	v0 =	vadd.f32 v36, v0;
	v1 =	vadd.f32 v37, v1  }
0x337: {  	v41 =	vld [tilespmem:$0xA3F0]  }
0x338: {  	v42 =	vld [tilespmem:$0xA400];
	v0 =	vadd.f32 v38, v0;
	v1 =	vadd.f32 v39, v1  }
0x339: {  	v43 =	vld [tilespmem:$0xA410]  }
0x33a: {  	v0 =	vadd.f32 v2, v0;
	v1 =	vadd.f32 v3, v1;
	v2 =	vld [tilespmem:$0xA420]  }
0x33b: {  	v3 =	vld [tilespmem:$0xA430]  }
0x33c: {  	v44 =	vld [tilespmem:$0xA440];
	v0 =	vadd.f32 v40, v0;
	v1 =	vadd.f32 v41, v1  }
0x33d: {  	v45 =	vld [tilespmem:$0xA450]  }
0x33e: {  	v46 =	vld [tilespmem:$0xA460];
	v0 =	vadd.f32 v42, v0;
	v1 =	vadd.f32 v43, v1  }
0x33f: {  	v47 =	vld [tilespmem:$0xA470]  }
0x340: {  	v0 =	vadd.f32 v2, v0;
	v1 =	vadd.f32 v3, v1;
	v2 =	vld [tilespmem:$0xA480]  }
0x341: {  	v3 =	vld [tilespmem:$0xA490]  }
0x342: {  	v48 =	vld [tilespmem:$0xA4A0];
	v0 =	vadd.f32 v44, v0;
	v1 =	vadd.f32 v45, v1  }
0x343: {  	v49 =	vld [tilespmem:$0xA4B0]  }
0x344: {  	v50 =	vld [tilespmem:$0xA4C0];
	v0 =	vadd.f32 v46, v0;
	v1 =	vadd.f32 v47, v1  }
0x345: {  	v51 =	vld [tilespmem:$0xA4D0]  }
0x346: {  	v0 =	vadd.f32 v2, v0;
	v1 =	vadd.f32 v3, v1;
	v2 =	vld [tilespmem:$0xA4E0]  }
0x347: {  	v3 =	vld [tilespmem:$0xA4F0]  }
0x348: {  	v52 =	vld [tilespmem:$0xA500];
	v0 =	vadd.f32 v48, v0;
	v1 =	vadd.f32 v49, v1  }
0x349: {  	v53 =	vld [tilespmem:$0xA510]  }
0x34a: {  	v54 =	vld [tilespmem:$0xA520];
	v0 =	vadd.f32 v50, v0;
	v1 =	vadd.f32 v51, v1  }
0x34b: {  	v55 =	vld [tilespmem:$0xA530]  }
0x34c: {  	v0 =	vadd.f32 v2, v0;
	v1 =	vadd.f32 v3, v1;
	v2 =	vld [tilespmem:$0xA540]  }
0x34d: {  	v3 =	vld [tilespmem:$0xA550]  }
0x34e: {  	v56 =	vld [tilespmem:$0xA560];
	v0 =	vadd.f32 v52, v0;
	v1 =	vadd.f32 v53, v1  }
0x34f: {  	v57 =	vld [tilespmem:$0xA570]  }
0x350: {  	v58 =	vld [tilespmem:$0xA580];
	v0 =	vadd.f32 v54, v0;
	v1 =	vadd.f32 v55, v1  }
0x351: {  	v59 =	vld [tilespmem:$0xA590]  }
0x352: {  	v0 =	vadd.f32 v2, v0;
	v1 =	vadd.f32 v3, v1;
	v2 =	vld [tilespmem:$0xA5A0]  }
0x353: {  	v3 =	vld [tilespmem:$0xA5B0]  }
0x354: {  	v60 =	vld [tilespmem:$0xA5C0];
	v0 =	vadd.f32 v56, v0;
	v1 =	vadd.f32 v57, v1  }
0x355: {  	v61 =	vld [tilespmem:$0xA5D0]  }
0x356: {  	v62 =	vld [tilespmem:$0xA5E0];
	v0 =	vadd.f32 v58, v0;
	v1 =	vadd.f32 v59, v1  }
0x357: {  	v63 =	vld [tilespmem:$0xA5F0]  }
.Ltmp2:
0x358: {  	v0 =	vadd.f32 v2, v0;
	v1 =	vadd.f32 v3, v1;
	(pc) =	sbr.rel @p0 .LBB2_4-.Ltmp2, $3  }
0x359: {  	_ = 	snop  }
0x35a: {  	v0 =	vadd.f32 v60, v0;
	v2 =	vadd.f32 v61, v1;
	_ =	sdelay $0x1  }
0x35b: {  	v1 =	vadd.f32 v62, v0;
	v0 =	vadd.f32 v63, v2  }
.Ltmp3:
0x35c: {  	(pc) =	sbr.rel .LBB2_2-.Ltmp3, $4  }
0x35d: {  	s26 =	sadd.s32 $0x60, s24  }
0x35e: {  	[tilespmem:s16], [sflag:$0x4] =	stream.indirect.gather [hbm4b:s3+s12], $0x20, s26, s12, $0xb8;
	[tilespmem:$0xA600] =	vst v63  }
0x35f: {  	[tilespmem:s23+$0x0] =	vst v1  }
0x360: {  	s24 =	sadd.s32 $0xC0, s24;
	s25 =	sadd.s32 $0x340, s25;
	[tilespmem:s23+$0x10] =	vst v0;
	s23 =	sadd.s32 $0x40, s23  }
.LBB2_5:
0x361: {  	_ =	sfence.sel $0x180000  }
0x362: {  	[bflag:$0x0] =	sbarrier.arrive $0xFFFF  }
0x363: {  	p0 =	sne.s32 s0, $0x0;
	_ =	strace $0x90000047  }
0x364: {  	s0 =	sadd.s32 @!p0 $0x100000, s1;
	[bflag:$0x2] =	sbarrier.arrive $0xFFFF  }
0x365: {  	[sflag:s0] =	ssyncadd.tile.s32 @!p0 $0x1;
	_ =	shalt  }
.Lfunc_end2:
_tile_overlayer_lowered:
.L_overlay_start_2:
0x366: {  	(tag) =	ssettag $0x2  }
0x367: {  	s0 =	rddreg [dreg:$0x0];
	s2 =	stileid.u32  }
0x368: {  	s1 =	rddreg [dreg:$0x1];
	p0 =	sne.s32 s2, $0x0  }
0x369: {  	s3 =	rddreg [dreg:$0x2];
	[bflag:$0x3] =	sbarrier.arrive $0xFFFF;
	s2 =	simm.s32 @!p0 $0x1C05  }
0x36a: {  	[timem:s3], [sflag:s2] =	dma.local @!p0 [hbm:s0], s1  }
0x36b: {  	s0 =	simm.s32 @!p0 $0x5  }
0x36c: {  	_ =	swait.ge @!p0 [sflag:s0], s1  }
0x36d: {  	s1 =	ssub.s32 @!p0 $0x0, s1;
	[sflag:s0] =	ssyncset.done @!p0 $0x0  }
0x36e: {  	[sflag:s0] =	ssyncadd.s32 @!p0 s1  }
0x36f: {  	[bflag:$0x3] =	sbarrier.arrive $0xFFFF  }
0x370: {  	_ =	shalt  }

</sc_bundles>
